<compile_context>
chip_gen: v7x
topology: tpu7x:2x2x1
jax: 0.10.2.dev20260603
libtpu: 0.0.44.dev20260713+nightly
codegen_flags: <defaults>
</compile_context>

<pallas_src>
import functools

import jax
import jax.numpy as jnp
from jax import lax
from jax.experimental import pallas as pl
from jax.experimental.pallas import tpu as pltpu
from jax.experimental.pallas import tpu_sc as plsc

N_NODES = 10000
NPAD = 10240
STRIPE = NPAD // 16
E_PAD = 163840
CHUNKS = 80
K = 128
CCHUNKS = CHUNKS // 2
NC, NS = 2, 16



def _seg_sum_sc(table, gidx, ridx, z128):
    mesh = plsc.VectorSubcoreMesh(core_axis_name="c", subcore_axis_name="s")

    half = CHUNKS // 2

    @functools.partial(
        pl.kernel,
        out_type=jax.ShapeDtypeStruct((2 * NPAD, 128), jnp.float32),
        mesh=mesh,
        scratch_types=[
            pltpu.VMEM_SHARED((NPAD, 128), jnp.float32),
            pltpu.VMEM((half, K), jnp.int32),
            pltpu.VMEM((half, K), jnp.int32),
            pltpu.VMEM((K, 128), jnp.float32),
            pltpu.VMEM((K, 128), jnp.float32),
            pltpu.SemaphoreType.DMA,
            pltpu.SemaphoreType.DMA,
        ],
    )
    def seg_kernel(table_h, gidx_h, ridx_h, z128_h, out_sum,
                   acc, gi_v, ri_v, data0, data1, sem_g, sem_s):
        c = lax.axis_index("c")
        s = lax.axis_index("s")
        pltpu.sync_copy(z128_h, acc.at[pl.ds(s * STRIPE, STRIPE)])
        plsc.subcore_barrier()

        def g_start(j, d):
            pltpu.async_copy(table_h.at[gi_v.at[j]], d, sem_g)

        def g_wait(d):
            pltpu.make_async_copy(table_h.at[gi_v.at[0]], d, sem_g).wait()

        def s_wait(d):
            pltpu.make_async_copy(d, acc.at[gi_v.at[0]], sem_s).wait()

        for p in range(2):
            pltpu.sync_copy(
                gidx_h.at[pl.ds(((c * NS + s) * 2 + p) * half, half)], gi_v)
            pltpu.sync_copy(
                ridx_h.at[pl.ds((s * 2 + p) * half, half)], ri_v)
            g_start(0, data0)
            g_start(1, data1)

            def pair(i, carry):
                j = 2 * i
                g_wait(data0)
                pltpu.async_copy(data0, acc.at[ri_v.at[j]], sem_s, add=True)
                g_wait(data1)
                pltpu.async_copy(data1, acc.at[ri_v.at[j + 1]], sem_s,
                                 add=True)

                @pl.when(j + 2 < half)
                def _():
                    s_wait(data0)
                    g_start(j + 2, data0)

                @pl.when(j + 3 < half)
                def _():
                    s_wait(data1)
                    g_start(j + 3, data1)

                return carry

            lax.fori_loop(0, half // 2, pair, 0)
            s_wait(data0)
            s_wait(data1)
        plsc.subcore_barrier()

        pltpu.sync_copy(acc.at[pl.ds(s * STRIPE, STRIPE)],
                        out_sum.at[pl.ds(c * NPAD + s * STRIPE, STRIPE)])

    return seg_kernel(table, gidx, ridx, z128)


def _seg_cnt_sc(ridx, z128, ones_h):
    mesh = plsc.VectorSubcoreMesh(core_axis_name="c", subcore_axis_name="s")

    @functools.partial(
        pl.kernel,
        out_type=jax.ShapeDtypeStruct((2 * NPAD, 128), jnp.float32),
        mesh=mesh,
        scratch_types=[
            pltpu.VMEM_SHARED((NPAD, 128), jnp.float32),
            pltpu.VMEM((CCHUNKS, K), jnp.int32),
            pltpu.VMEM((K, 128), jnp.float32),
        ],
    )
    def cnt_kernel(ridx_h, z128_h, ones_hbm, out_cnt, cacc, ri_v, ones_v):
        c = lax.axis_index("c")
        s = lax.axis_index("s")
        pltpu.sync_copy(z128_h, cacc.at[pl.ds(s * STRIPE, STRIPE)])
        pltpu.sync_copy(ones_hbm, ones_v)
        pltpu.sync_copy(ridx_h.at[pl.ds((c * NS + s) * CCHUNKS, CCHUNKS)],
                        ri_v)
        plsc.subcore_barrier()

        def chunk(j, carry):
            pltpu.sync_copy(ones_v, cacc.at[ri_v.at[j]], add=True)
            return carry

        lax.fori_loop(0, CCHUNKS, chunk, 0)
        plsc.subcore_barrier()
        pltpu.sync_copy(cacc.at[pl.ds(s * STRIPE, STRIPE)],
                        out_cnt.at[pl.ds(c * NPAD + s * STRIPE, STRIPE)])

    return cnt_kernel(ridx, z128, ones_h)


def _prep_edges(edge_index, n):
    e = edge_index.shape[1]
    row = edge_index[0]
    col = edge_index[1]
    pad = E_PAD - e
    row_p = jnp.concatenate([row, jnp.full((pad,), n, jnp.int32)])
    col_p = jnp.concatenate([col, jnp.zeros((pad,), jnp.int32)])
    gidx = jnp.stack([2 * col_p, 2 * col_p + 1]).reshape(2 * NS * CHUNKS, K)
    ridx = row_p.reshape(NS * CHUNKS, K)
    return gidx, ridx



ROWS = 512
GRID = (N_NODES + ROWS - 1) // ROWS


def _stage_a_body(x_ref, s0_ref, s1_ref, c0_ref, c1_ref,
                  ws_ref, wn0_ref, wn1_ref, b_ref, wn2_ref,
                  h1_ref, t_ref, cnt_ref):
    cnt = c0_ref[0, :, :16] + c1_ref[0, :, :16]
    cnt_ref[...] = cnt
    r = 1.0 / (cnt[:, :1] + 1e-12)
    n0 = s0_ref[0] * r
    n1 = s1_ref[0] * r
    h = (jnp.dot(x_ref[...], ws_ref[...], preferred_element_type=jnp.float32)
         + jnp.dot(n0, wn0_ref[...], preferred_element_type=jnp.float32)
         + jnp.dot(n1, wn1_ref[...], preferred_element_type=jnp.float32)
         + b_ref[...])
    h = jnp.maximum(h, 0.0)
    h1_ref[...] = h
    t_ref[...] = jnp.dot(h, wn2_ref[...], preferred_element_type=jnp.float32)


def _stage_a(x, s01, cnt01, ws1, wn1, b1, wn2):
    s01r = s01.reshape(2, NPAD, 128)
    c01r = cnt01.reshape(2, NPAD, 128)
    return pl.pallas_call(
        _stage_a_body,
        grid=(GRID,),
        in_specs=[
            pl.BlockSpec((ROWS, 256), lambda i: (i, 0)),
            pl.BlockSpec((1, ROWS, 128), lambda i: (0, i, 0)),
            pl.BlockSpec((1, ROWS, 128), lambda i: (1, i, 0)),
            pl.BlockSpec((1, ROWS, 128), lambda i: (0, i, 0)),
            pl.BlockSpec((1, ROWS, 128), lambda i: (1, i, 0)),
            pl.BlockSpec((256, 512), lambda i: (0, 0)),
            pl.BlockSpec((128, 512), lambda i: (0, 0)),
            pl.BlockSpec((128, 512), lambda i: (0, 0)),
            pl.BlockSpec((1, 512), lambda i: (0, 0)),
            pl.BlockSpec((512, 256), lambda i: (0, 0)),
        ],
        out_specs=[
            pl.BlockSpec((ROWS, 512), lambda i: (i, 0)),
            pl.BlockSpec((ROWS, 256), lambda i: (i, 0)),
            pl.BlockSpec((ROWS, 16), lambda i: (i, 0)),
        ],
        out_shape=[
            jax.ShapeDtypeStruct((N_NODES, 512), jnp.float32),
            jax.ShapeDtypeStruct((N_NODES, 256), jnp.float32),
            jax.ShapeDtypeStruct((NPAD, 16), jnp.float32),
        ],
    )(x, s01r, s01r, c01r, c01r, ws1, wn1[:128], wn1[128:], b1, wn2)


def _stage_b_body(h1s_ref, ss0_ref, ss1_ref, cs_ref,
                  h1a_ref, sa0_ref, sa1_ref, ca_ref,
                  ws2s_ref, b2s_ref, ws2a_ref, b2a_ref,
                  g1t_ref, g1b_ref, g1bias_ref, g2w_ref, g2b_ref,
                  out_ref):
    rs = 1.0 / (cs_ref[:, :1] + 1e-12)
    ra = 1.0 / (ca_ref[:, :1] + 1e-12)
    nei_s = jnp.concatenate([ss0_ref[0], ss1_ref[0]], axis=1) * rs
    nei_a = jnp.concatenate([sa0_ref[0], sa1_ref[0]], axis=1) * ra
    hs = jnp.maximum(
        jnp.dot(h1s_ref[...], ws2s_ref[...],
                preferred_element_type=jnp.float32) + nei_s + b2s_ref[...],
        0.0)
    ha = jnp.maximum(
        jnp.dot(h1a_ref[...], ws2a_ref[...],
                preferred_element_type=jnp.float32) + nei_a + b2a_ref[...],
        0.0)
    q = jnp.maximum(
        jnp.dot(hs, g1t_ref[...], preferred_element_type=jnp.float32)
        + jnp.dot(ha, g1b_ref[...], preferred_element_type=jnp.float32)
        + g1bias_ref[...],
        0.0)
    g = jnp.sum(q * g2w_ref[...], axis=1, keepdims=True) + g2b_ref[...]
    w = jax.nn.sigmoid(g)
    out_ref[...] = w * hs + (1.0 - w) * ha


def _stage_b(h1s, ss01, cnt_s, h1a, sa01, cnt_a,
             ws2s, b2s, ws2a, b2a, g1w, g1b, g2w, g2b):
    ss = ss01.reshape(2, NPAD, 128)
    sa = sa01.reshape(2, NPAD, 128)
    return pl.pallas_call(
        _stage_b_body,
        grid=(GRID,),
        in_specs=[
            pl.BlockSpec((ROWS, 512), lambda i: (i, 0)),
            pl.BlockSpec((1, ROWS, 128), lambda i: (0, i, 0)),
            pl.BlockSpec((1, ROWS, 128), lambda i: (1, i, 0)),
            pl.BlockSpec((ROWS, 16), lambda i: (i, 0)),
            pl.BlockSpec((ROWS, 512), lambda i: (i, 0)),
            pl.BlockSpec((1, ROWS, 128), lambda i: (0, i, 0)),
            pl.BlockSpec((1, ROWS, 128), lambda i: (1, i, 0)),
            pl.BlockSpec((ROWS, 16), lambda i: (i, 0)),
            pl.BlockSpec((512, 256), lambda i: (0, 0)),
            pl.BlockSpec((1, 256), lambda i: (0, 0)),
            pl.BlockSpec((512, 256), lambda i: (0, 0)),
            pl.BlockSpec((1, 256), lambda i: (0, 0)),
            pl.BlockSpec((256, 256), lambda i: (0, 0)),
            pl.BlockSpec((256, 256), lambda i: (0, 0)),
            pl.BlockSpec((1, 256), lambda i: (0, 0)),
            pl.BlockSpec((1, 256), lambda i: (0, 0)),
            pl.BlockSpec((1, 1), lambda i: (0, 0)),
        ],
        out_specs=pl.BlockSpec((ROWS, 256), lambda i: (i, 0)),
        out_shape=jax.ShapeDtypeStruct((N_NODES, 256), jnp.float32),
    )(h1s, ss, ss, cnt_s, h1a, sa, sa, cnt_a,
      ws2s, b2s, ws2a, b2a, g1w[:256], g1w[256:], g1b, g2w, g2b)



def kernel(x, edge_spatial, edge_attr, params):
    n = x.shape[0]

    gidx_s, ridx_s = _prep_edges(edge_spatial, n)
    gidx_a, ridx_a = _prep_edges(edge_attr, n)

    x_table = x.reshape(2 * n, 128)

    z128 = jnp.zeros((STRIPE, 128), jnp.float32)
    ones_h = jnp.ones((K, 128), jnp.float32)

    ps1, ps2 = params["s"]
    pa1, pa2 = params["a"]
    b_s1 = (ps1["bs"] + ps1["bn"]).reshape(1, 512)
    b_a1 = (pa1["bs"] + pa1["bn"]).reshape(1, 512)
    b_s2 = (ps2["bs"] + ps2["bn"]).reshape(1, 256)
    b_a2 = (pa2["bs"] + pa2["bn"]).reshape(1, 256)

    cnt01_s = _seg_cnt_sc(ridx_s, z128, ones_h)
    cnt01_a = _seg_cnt_sc(ridx_a, z128, ones_h)

    sum_s1 = _seg_sum_sc(x_table, gidx_s, ridx_s, z128)
    h1s, t_s, cnt_s = _stage_a(x, sum_s1, cnt01_s, ps1["Ws"], ps1["Wn"],
                               b_s1, ps2["Wn"])

    sum_a1 = _seg_sum_sc(x_table, gidx_a, ridx_a, z128)
    h1a, t_a, cnt_a = _stage_a(x, sum_a1, cnt01_a, pa1["Ws"], pa1["Wn"],
                               b_a1, pa2["Wn"])

    sum_s2 = _seg_sum_sc(t_s.reshape(2 * n, 128), gidx_s, ridx_s, z128)
    sum_a2 = _seg_sum_sc(t_a.reshape(2 * n, 128), gidx_a, ridx_a, z128)

    return _stage_b(h1s, sum_s2, cnt_s, h1a, sum_a2, cnt_a,
                    ps2["Ws"], b_s2, pa2["Ws"], b_a2,
                    params["g1W"], params["g1b"].reshape(1, 256),
                    params["g2W"].reshape(1, 256),
                    params["g2b"].reshape(1, 1))

# --- scband reference (transcript-rebuilt; emitter-appended) ---
"""Pipeline reference for scband-dual-graph-encoder-78683800862898 (READ-ONLY COPY).

The authoritative reference and input builder live on the scoring server;
editing this copy changes nothing except your own understanding.
"""

import jax, jax.numpy as jnp
import numpy as np

N = 10000
E = 160000
D_IN = 256
D_HID = 512
D_OUT = 256

def _linear_params(key, d_in, d_out):
    k1, k2 = jax.random.split(key)
    lim = 1.0 / np.sqrt(d_in)
    W = jax.random.uniform(k1, (d_in, d_out), minval=-lim, maxval=lim, dtype=jnp.float32)
    b = jax.random.uniform(k2, (d_out,), minval=-lim, maxval=lim, dtype=jnp.float32)
    return W, b

def _sage_params(key, d_in, d_out):
    k1, k2 = jax.random.split(key)
    Ws, bs = _linear_params(k1, d_in, d_out)
    Wn, bn = _linear_params(k2, d_in, d_out)
    return {"Ws": Ws, "bs": bs, "Wn": Wn, "bn": bn}

def setup_inputs(seed: int = 0) -> dict:
    key = jax.random.key(seed)
    ks = jax.random.split(key, 10)
    x = jax.random.normal(ks[0], (N, D_IN), dtype=jnp.float32)
    edge_spatial = jax.random.randint(ks[1], (2, E), 0, N, dtype=jnp.int32)
    edge_attr = jax.random.randint(ks[2], (2, E), 0, N, dtype=jnp.int32)
    d_gate = max(16, D_HID // 2)
    g1W, g1b = _linear_params(ks[7], 2 * D_OUT, d_gate)
    g2W, g2b = _linear_params(ks[8], d_gate, 1)
    params = {
        "s": [_sage_params(ks[3], D_IN, D_HID), _sage_params(ks[4], D_HID, D_OUT)],
        "a": [_sage_params(ks[5], D_IN, D_HID), _sage_params(ks[6], D_HID, D_OUT)],
        "g1W": g1W, "g1b": g1b, "g2W": g2W, "g2b": g2b,
    }
    return {"x": x, "edge_spatial": edge_spatial, "edge_attr": edge_attr, "params": params}

def _sage(x, edge_index, p):
    row = edge_index[0]
    col = edge_index[1]
    m = x[col]
    s = jax.ops.segment_sum(m, row, num_segments=N)
    cnt = jax.ops.segment_sum(jnp.ones((edge_index.shape[1], 1), dtype=x.dtype), row, num_segments=N)
    nei = s / (cnt + 1e-12)
    h = x @ p["Ws"] + p["bs"] + nei @ p["Wn"] + p["bn"]
    return jax.nn.relu(h)

def reference(x, edge_spatial, edge_attr, params):
    hs = x
    for p in params["s"]:
        hs = _sage(hs, edge_spatial, p)
    ha = x
    for p in params["a"]:
        ha = _sage(ha, edge_attr, p)
    cat = jnp.concatenate([hs, ha], axis=-1)
    g = jax.nn.relu(cat @ params["g1W"] + params["g1b"]) @ params["g2W"] + params["g2b"]
    w = jax.nn.sigmoid(g)
    return w * hs + (1.0 - w) * ha

if __name__ == "__main__":
    import jax
    _d = setup_inputs()
    print(jax.jit(kernel)(*tuple(_d.values())))

</pallas_src>

<mosaic_0001>
#map = affine_map<(d0, d1) -> (0, 0)>
module attributes {stable_mosaic.version = 14 : i64} {
  func.func @seg_kernel(%arg0: i32, %arg1: i32, %arg2: memref<20000x128xf32, #tpu.memory_space<hbm>>, %arg3: memref<2560x128xi32, #tpu.memory_space<hbm>>, %arg4: memref<1280x128xi32, #tpu.memory_space<hbm>>, %arg5: memref<640x128xf32, #tpu.memory_space<hbm>>, %arg6: memref<20480x128xf32, #tpu.memory_space<hbm>>, %arg7: memref<10240x128xf32, #tpu.memory_space<vmem_shared>>, %arg8: memref<40x128xi32, #tpu.memory_space<vmem>>, %arg9: memref<40x128xi32, #tpu.memory_space<vmem>>, %arg10: memref<128x128xf32, #tpu.memory_space<vmem>>, %arg11: memref<128x128xf32, #tpu.memory_space<vmem>>, %arg12: memref<!tpu.dma_semaphore, #tpu.memory_space<semaphore_mem>>, %arg13: memref<!tpu.dma_semaphore, #tpu.memory_space<semaphore_mem>>) attributes {dimension_semantics = [#tpu.dimension_semantics<core_parallel>, #tpu.dimension_semantics<subcore_parallel>], iteration_bounds = array<i64: 2, 16>, scalar_prefetch = 0 : i64, scratch_operands = 7 : i64, tpu.core_type = #tpu.core_type<sc_vector_subcore>, window_params = [{transform_indices = #map}, {transform_indices = #map}, {transform_indices = #map}, {transform_indices = #map}, {transform_indices = #map}]} {
    %mul3A = arith.constant 640 : i32
    %mul3A_0 = arith.muli %arg1, %mul3A : i32
    "tpu.region"() ({
      %run_scoped3A = tpu.sem_alloc : memref<!tpu.dma_semaphore, #tpu.memory_space<semaphore_mem>>
      %dma_start3A_103 = arith.constant 0 : i32
      %dma_start3A_104 = tpu.memref_slice %arg7[%mul3A_0, %dma_start3A_103] : memref<10240x128xf32, #tpu.memory_space<vmem_shared>> -> memref<640x128xf32, #tpu.memory_space<vmem_shared>>
      tpu.enqueue_dma source(%arg5 : memref<640x128xf32, #tpu.memory_space<hbm>>) target(%dma_start3A_104 : memref<640x128xf32, #tpu.memory_space<vmem_shared>>) target_semaphore(%run_scoped3A : memref<!tpu.dma_semaphore, #tpu.memory_space<semaphore_mem>>)
      %dma_wait3A_105 = arith.constant 0 : i32
      %dma_wait3A_106 = tpu.memref_slice %arg7[%mul3A_0, %dma_wait3A_105] : memref<10240x128xf32, #tpu.memory_space<vmem_shared>> -> memref<640x128xf32, #tpu.memory_space<vmem_shared>>
      tpu.wait_dma2 semaphore(%run_scoped3A : memref<!tpu.dma_semaphore, #tpu.memory_space<semaphore_mem>>) src(%arg5 : memref<640x128xf32, #tpu.memory_space<hbm>>) dst(%dma_wait3A_106 : memref<640x128xf32, #tpu.memory_space<vmem_shared>>)
      tpu.yield
    }) : () -> ()
    %barrier3A = arith.constant 0 : index
    tpu.barrier barrier_id(%barrier3A)
    %mul3A_1 = arith.constant 16 : i32
    %mul3A_2 = arith.muli %arg0, %mul3A_1 : i32
    %add3A = arith.addi %mul3A_2, %arg1 : i32
    %mul3A_3 = arith.constant 2 : i32
    %mul3A_4 = arith.muli %add3A, %mul3A_3 : i32
    %add3A_5 = arith.constant 0 : i32
    %add3A_6 = arith.addi %mul3A_4, %add3A_5 : i32
    %mul3A_7 = arith.constant 40 : i32
    %mul3A_8 = arith.muli %add3A_6, %mul3A_7 : i32
    "tpu.region"() ({
      %run_scoped3A = tpu.sem_alloc : memref<!tpu.dma_semaphore, #tpu.memory_space<semaphore_mem>>
      %dma_start3A_103 = arith.constant 0 : i32
      %dma_start3A_104 = tpu.memref_slice %arg3[%mul3A_8, %dma_start3A_103] : memref<2560x128xi32, #tpu.memory_space<hbm>> -> memref<40x128xi32, #tpu.memory_space<hbm>>
      %dma_start3A_105 = arith.constant 0 : i32
      %dma_start3A_106 = tpu.memref_slice %arg3[%mul3A_8, %dma_start3A_105] : memref<2560x128xi32, #tpu.memory_space<hbm>> -> memref<40x128xi32, #tpu.memory_space<hbm>>
      tpu.enqueue_dma source(%dma_start3A_106 : memref<40x128xi32, #tpu.memory_space<hbm>>) target(%arg8 : memref<40x128xi32, #tpu.memory_space<vmem>>) target_semaphore(%run_scoped3A : memref<!tpu.dma_semaphore, #tpu.memory_space<semaphore_mem>>)
      %dma_wait3A_107 = arith.constant 0 : i32
      %dma_wait3A_108 = tpu.memref_slice %arg3[%mul3A_8, %dma_wait3A_107] : memref<2560x128xi32, #tpu.memory_space<hbm>> -> memref<40x128xi32, #tpu.memory_space<hbm>>
      %dma_wait3A_109 = arith.constant 0 : i32
      %dma_wait3A_110 = tpu.memref_slice %arg3[%mul3A_8, %dma_wait3A_109] : memref<2560x128xi32, #tpu.memory_space<hbm>> -> memref<40x128xi32, #tpu.memory_space<hbm>>
      tpu.wait_dma2 semaphore(%run_scoped3A : memref<!tpu.dma_semaphore, #tpu.memory_space<semaphore_mem>>) src(%dma_wait3A_110 : memref<40x128xi32, #tpu.memory_space<hbm>>) dst(%arg8 : memref<40x128xi32, #tpu.memory_space<vmem>>)
      tpu.yield
    }) : () -> ()
    %mul3A_9 = arith.constant 2 : i32
    %mul3A_10 = arith.muli %arg1, %mul3A_9 : i32
    %add3A_11 = arith.constant 0 : i32
    %add3A_12 = arith.addi %mul3A_10, %add3A_11 : i32
    %mul3A_13 = arith.constant 40 : i32
    %mul3A_14 = arith.muli %add3A_12, %mul3A_13 : i32
    "tpu.region"() ({
      %run_scoped3A = tpu.sem_alloc : memref<!tpu.dma_semaphore, #tpu.memory_space<semaphore_mem>>
      %dma_start3A_103 = arith.constant 0 : i32
      %dma_start3A_104 = tpu.memref_slice %arg4[%mul3A_14, %dma_start3A_103] : memref<1280x128xi32, #tpu.memory_space<hbm>> -> memref<40x128xi32, #tpu.memory_space<hbm>>
      %dma_start3A_105 = arith.constant 0 : i32
      %dma_start3A_106 = tpu.memref_slice %arg4[%mul3A_14, %dma_start3A_105] : memref<1280x128xi32, #tpu.memory_space<hbm>> -> memref<40x128xi32, #tpu.memory_space<hbm>>
      tpu.enqueue_dma source(%dma_start3A_106 : memref<40x128xi32, #tpu.memory_space<hbm>>) target(%arg9 : memref<40x128xi32, #tpu.memory_space<vmem>>) target_semaphore(%run_scoped3A : memref<!tpu.dma_semaphore, #tpu.memory_space<semaphore_mem>>)
      %dma_wait3A_107 = arith.constant 0 : i32
      %dma_wait3A_108 = tpu.memref_slice %arg4[%mul3A_14, %dma_wait3A_107] : memref<1280x128xi32, #tpu.memory_space<hbm>> -> memref<40x128xi32, #tpu.memory_space<hbm>>
      %dma_wait3A_109 = arith.constant 0 : i32
      %dma_wait3A_110 = tpu.memref_slice %arg4[%mul3A_14, %dma_wait3A_109] : memref<1280x128xi32, #tpu.memory_space<hbm>> -> memref<40x128xi32, #tpu.memory_space<hbm>>
      tpu.wait_dma2 semaphore(%run_scoped3A : memref<!tpu.dma_semaphore, #tpu.memory_space<semaphore_mem>>) src(%dma_wait3A_110 : memref<40x128xi32, #tpu.memory_space<hbm>>) dst(%arg9 : memref<40x128xi32, #tpu.memory_space<vmem>>)
      tpu.yield
    }) : () -> ()
    %dma_start3A = arith.constant 0 : i32
    %dma_start3A_15 = arith.constant 0 : i32
    %dma_start3A_16 = tpu.memref_slice %arg8[%dma_start3A, %dma_start3A_15] : memref<40x128xi32, #tpu.memory_space<vmem>> -> memref<1x128xi32, #tpu.memory_space<vmem>>
    %dma_start3A_17 = tpu.memref_squeeze %dma_start3A_16 : memref<1x128xi32, #tpu.memory_space<vmem>> -> memref<128xi32, #tpu.memory_space<vmem>>
    %dma_start3A_18 = arith.constant 0 : i32
    %dma_start3A_19 = arith.constant 0 : i32
    %dma_start3A_20 = tpu.memref_slice %arg2[%dma_start3A_18, %dma_start3A_19] : memref<20000x128xf32, #tpu.memory_space<hbm>> -> memref<20000x128xf32, #tpu.memory_space<hbm>>
    tpu.enqueue_indirect_dma source(%dma_start3A_20 : memref<20000x128xf32, #tpu.memory_space<hbm>>) target(%arg10 : memref<128x128xf32, #tpu.memory_space<vmem>>) offsets(%dma_start3A_17 : memref<128xi32, #tpu.memory_space<vmem>>) semaphore(%arg12 : memref<!tpu.dma_semaphore, #tpu.memory_space<semaphore_mem>>)
    %dma_start3A_21 = arith.constant 1 : i32
    %dma_start3A_22 = arith.constant 0 : i32
    %dma_start3A_23 = tpu.memref_slice %arg8[%dma_start3A_21, %dma_start3A_22] : memref<40x128xi32, #tpu.memory_space<vmem>> -> memref<1x128xi32, #tpu.memory_space<vmem>>
    %dma_start3A_24 = tpu.memref_squeeze %dma_start3A_23 : memref<1x128xi32, #tpu.memory_space<vmem>> -> memref<128xi32, #tpu.memory_space<vmem>>
    %dma_start3A_25 = arith.constant 0 : i32
    %dma_start3A_26 = arith.constant 0 : i32
    %dma_start3A_27 = tpu.memref_slice %arg2[%dma_start3A_25, %dma_start3A_26] : memref<20000x128xf32, #tpu.memory_space<hbm>> -> memref<20000x128xf32, #tpu.memory_space<hbm>>
    tpu.enqueue_indirect_dma source(%dma_start3A_27 : memref<20000x128xf32, #tpu.memory_space<hbm>>) target(%arg11 : memref<128x128xf32, #tpu.memory_space<vmem>>) offsets(%dma_start3A_24 : memref<128xi32, #tpu.memory_space<vmem>>) semaphore(%arg12 : memref<!tpu.dma_semaphore, #tpu.memory_space<semaphore_mem>>)
    %scan3A = arith.constant 0 : i32
    %scan3A_28 = arith.constant 0 : i32
    %scan3A_29 = arith.constant 20 : i32
    %scan3A_30 = arith.addi %scan3A_28, %scan3A_29 : i32
    %scan3A_31 = arith.constant 1 : i32
    scf.for %scan3A_103 = %scan3A_28 to %scan3A_30 step %scan3A_31  : i32 {
      %mul3A_104 = arith.constant 2 : i32
      %mul3A_105 = arith.muli %mul3A_104, %scan3A_103 : i32
      %dma_wait3A_106 = arith.constant 0 : i32
      %dma_wait3A_107 = arith.constant 0 : i32
      %dma_wait3A_108 = tpu.memref_slice %arg8[%dma_wait3A_106, %dma_wait3A_107] : memref<40x128xi32, #tpu.memory_space<vmem>> -> memref<1x128xi32, #tpu.memory_space<vmem>>
      %dma_wait3A_109 = tpu.memref_squeeze %dma_wait3A_108 : memref<1x128xi32, #tpu.memory_space<vmem>> -> memref<128xi32, #tpu.memory_space<vmem>>
      %dma_wait3A_110 = arith.constant 0 : i32
      %dma_wait3A_111 = arith.constant 0 : i32
      %dma_wait3A_112 = tpu.memref_slice %arg2[%dma_wait3A_110, %dma_wait3A_111] : memref<20000x128xf32, #tpu.memory_space<hbm>> -> memref<20000x128xf32, #tpu.memory_space<hbm>>
      tpu.wait_indirect_dma semaphore(%arg12 : memref<!tpu.dma_semaphore, #tpu.memory_space<semaphore_mem>>) src(%dma_wait3A_112 : memref<20000x128xf32, #tpu.memory_space<hbm>>) dst(%arg10 : memref<128x128xf32, #tpu.memory_space<vmem>>)
      %dma_start3A_113 = arith.constant 0 : i32
      %dma_start3A_114 = tpu.memref_slice %arg9[%mul3A_105, %dma_start3A_113] : memref<40x128xi32, #tpu.memory_space<vmem>> -> memref<1x128xi32, #tpu.memory_space<vmem>>
      %dma_start3A_115 = tpu.memref_squeeze %dma_start3A_114 : memref<1x128xi32, #tpu.memory_space<vmem>> -> memref<128xi32, #tpu.memory_space<vmem>>
      %dma_start3A_116 = arith.constant 0 : i32
      %dma_start3A_117 = arith.constant 0 : i32
      %dma_start3A_118 = tpu.memref_slice %arg7[%dma_start3A_116, %dma_start3A_117] : memref<10240x128xf32, #tpu.memory_space<vmem_shared>> -> memref<10240x128xf32, #tpu.memory_space<vmem_shared>>
      tpu.enqueue_indirect_dma source(%arg10 : memref<128x128xf32, #tpu.memory_space<vmem>>) target(%dma_start3A_118 : memref<10240x128xf32, #tpu.memory_space<vmem_shared>>) offsets(%dma_start3A_115 : memref<128xi32, #tpu.memory_space<vmem>>) semaphore(%arg13 : memref<!tpu.dma_semaphore, #tpu.memory_space<semaphore_mem>>) {add = true}
      %dma_wait3A_119 = arith.constant 0 : i32
      %dma_wait3A_120 = arith.constant 0 : i32
      %dma_wait3A_121 = tpu.memref_slice %arg8[%dma_wait3A_119, %dma_wait3A_120] : memref<40x128xi32, #tpu.memory_space<vmem>> -> memref<1x128xi32, #tpu.memory_space<vmem>>
      %dma_wait3A_122 = tpu.memref_squeeze %dma_wait3A_121 : memref<1x128xi32, #tpu.memory_space<vmem>> -> memref<128xi32, #tpu.memory_space<vmem>>
      %dma_wait3A_123 = arith.constant 0 : i32
      %dma_wait3A_124 = arith.constant 0 : i32
      %dma_wait3A_125 = tpu.memref_slice %arg2[%dma_wait3A_123, %dma_wait3A_124] : memref<20000x128xf32, #tpu.memory_space<hbm>> -> memref<20000x128xf32, #tpu.memory_space<hbm>>
      tpu.wait_indirect_dma semaphore(%arg12 : memref<!tpu.dma_semaphore, #tpu.memory_space<semaphore_mem>>) src(%dma_wait3A_125 : memref<20000x128xf32, #tpu.memory_space<hbm>>) dst(%arg11 : memref<128x128xf32, #tpu.memory_space<vmem>>)
      %add3A_126 = arith.constant 1 : i32
      %add3A_127 = arith.addi %mul3A_105, %add3A_126 : i32
      %dma_start3A_128 = arith.constant 0 : i32
      %dma_start3A_129 = tpu.memref_slice %arg9[%add3A_127, %dma_start3A_128] : memref<40x128xi32, #tpu.memory_space<vmem>> -> memref<1x128xi32, #tpu.memory_space<vmem>>
      %dma_start3A_130 = tpu.memref_squeeze %dma_start3A_129 : memref<1x128xi32, #tpu.memory_space<vmem>> -> memref<128xi32, #tpu.memory_space<vmem>>
      %dma_start3A_131 = arith.constant 0 : i32
      %dma_start3A_132 = arith.constant 0 : i32
      %dma_start3A_133 = tpu.memref_slice %arg7[%dma_start3A_131, %dma_start3A_132] : memref<10240x128xf32, #tpu.memory_space<vmem_shared>> -> memref<10240x128xf32, #tpu.memory_space<vmem_shared>>
      tpu.enqueue_indirect_dma source(%arg11 : memref<128x128xf32, #tpu.memory_space<vmem>>) target(%dma_start3A_133 : memref<10240x128xf32, #tpu.memory_space<vmem_shared>>) offsets(%dma_start3A_130 : memref<128xi32, #tpu.memory_space<vmem>>) semaphore(%arg13 : memref<!tpu.dma_semaphore, #tpu.memory_space<semaphore_mem>>) {add = true}
      %add3A_134 = arith.constant 2 : i32
      %add3A_135 = arith.addi %mul3A_105, %add3A_134 : i32
      %lt3A = arith.constant 40 : i32
      %lt3A_136 = arith.cmpi slt, %add3A_135, %lt3A : i32
      %convert_element_type3A = arith.extui %lt3A_136 : i1 to i32
      %cond3A = arith.constant 0 : i32
      %cond3A_137 = arith.cmpi ne, %convert_element_type3A, %cond3A : i32
      scf.if %cond3A_137 {
        %dma_wait3A_145 = arith.constant 0 : i32
        %dma_wait3A_146 = arith.constant 0 : i32
        %dma_wait3A_147 = tpu.memref_slice %arg8[%dma_wait3A_145, %dma_wait3A_146] : memref<40x128xi32, #tpu.memory_space<vmem>> -> memref<1x128xi32, #tpu.memory_space<vmem>>
        %dma_wait3A_148 = tpu.memref_squeeze %dma_wait3A_147 : memref<1x128xi32, #tpu.memory_space<vmem>> -> memref<128xi32, #tpu.memory_space<vmem>>
        %dma_wait3A_149 = arith.constant 0 : i32
        %dma_wait3A_150 = arith.constant 0 : i32
        %dma_wait3A_151 = tpu.memref_slice %arg7[%dma_wait3A_149, %dma_wait3A_150] : memref<10240x128xf32, #tpu.memory_space<vmem_shared>> -> memref<10240x128xf32, #tpu.memory_space<vmem_shared>>
        tpu.wait_indirect_dma semaphore(%arg13 : memref<!tpu.dma_semaphore, #tpu.memory_space<semaphore_mem>>) src(%arg10 : memref<128x128xf32, #tpu.memory_space<vmem>>) dst(%dma_wait3A_151 : memref<10240x128xf32, #tpu.memory_space<vmem_shared>>)
        %add3A_152 = arith.constant 2 : i32
        %add3A_153 = arith.addi %mul3A_105, %add3A_152 : i32
        %dma_start3A_154 = arith.constant 0 : i32
        %dma_start3A_155 = tpu.memref_slice %arg8[%add3A_153, %dma_start3A_154] : memref<40x128xi32, #tpu.memory_space<vmem>> -> memref<1x128xi32, #tpu.memory_space<vmem>>
        %dma_start3A_156 = tpu.memref_squeeze %dma_start3A_155 : memref<1x128xi32, #tpu.memory_space<vmem>> -> memref<128xi32, #tpu.memory_space<vmem>>
        %dma_start3A_157 = arith.constant 0 : i32
        %dma_start3A_158 = arith.constant 0 : i32
        %dma_start3A_159 = tpu.memref_slice %arg2[%dma_start3A_157, %dma_start3A_158] : memref<20000x128xf32, #tpu.memory_space<hbm>> -> memref<20000x128xf32, #tpu.memory_space<hbm>>
        tpu.enqueue_indirect_dma source(%dma_start3A_159 : memref<20000x128xf32, #tpu.memory_space<hbm>>) target(%arg10 : memref<128x128xf32, #tpu.memory_space<vmem>>) offsets(%dma_start3A_156 : memref<128xi32, #tpu.memory_space<vmem>>) semaphore(%arg12 : memref<!tpu.dma_semaphore, #tpu.memory_space<semaphore_mem>>)
      } else {
      }
      %add3A_138 = arith.constant 3 : i32
      %add3A_139 = arith.addi %mul3A_105, %add3A_138 : i32
      %lt3A_140 = arith.constant 40 : i32
      %lt3A_141 = arith.cmpi slt, %add3A_139, %lt3A_140 : i32
      %convert_element_type3A_142 = arith.extui %lt3A_141 : i1 to i32
      %cond3A_143 = arith.constant 0 : i32
      %cond3A_144 = arith.cmpi ne, %convert_element_type3A_142, %cond3A_143 : i32
      scf.if %cond3A_144 {
        %dma_wait3A_145 = arith.constant 0 : i32
        %dma_wait3A_146 = arith.constant 0 : i32
        %dma_wait3A_147 = tpu.memref_slice %arg8[%dma_wait3A_145, %dma_wait3A_146] : memref<40x128xi32, #tpu.memory_space<vmem>> -> memref<1x128xi32, #tpu.memory_space<vmem>>
        %dma_wait3A_148 = tpu.memref_squeeze %dma_wait3A_147 : memref<1x128xi32, #tpu.memory_space<vmem>> -> memref<128xi32, #tpu.memory_space<vmem>>
        %dma_wait3A_149 = arith.constant 0 : i32
        %dma_wait3A_150 = arith.constant 0 : i32
        %dma_wait3A_151 = tpu.memref_slice %arg7[%dma_wait3A_149, %dma_wait3A_150] : memref<10240x128xf32, #tpu.memory_space<vmem_shared>> -> memref<10240x128xf32, #tpu.memory_space<vmem_shared>>
        tpu.wait_indirect_dma semaphore(%arg13 : memref<!tpu.dma_semaphore, #tpu.memory_space<semaphore_mem>>) src(%arg11 : memref<128x128xf32, #tpu.memory_space<vmem>>) dst(%dma_wait3A_151 : memref<10240x128xf32, #tpu.memory_space<vmem_shared>>)
        %add3A_152 = arith.constant 3 : i32
        %add3A_153 = arith.addi %mul3A_105, %add3A_152 : i32
        %dma_start3A_154 = arith.constant 0 : i32
        %dma_start3A_155 = tpu.memref_slice %arg8[%add3A_153, %dma_start3A_154] : memref<40x128xi32, #tpu.memory_space<vmem>> -> memref<1x128xi32, #tpu.memory_space<vmem>>
        %dma_start3A_156 = tpu.memref_squeeze %dma_start3A_155 : memref<1x128xi32, #tpu.memory_space<vmem>> -> memref<128xi32, #tpu.memory_space<vmem>>
        %dma_start3A_157 = arith.constant 0 : i32
        %dma_start3A_158 = arith.constant 0 : i32
        %dma_start3A_159 = tpu.memref_slice %arg2[%dma_start3A_157, %dma_start3A_158] : memref<20000x128xf32, #tpu.memory_space<hbm>> -> memref<20000x128xf32, #tpu.memory_space<hbm>>
        tpu.enqueue_indirect_dma source(%dma_start3A_159 : memref<20000x128xf32, #tpu.memory_space<hbm>>) target(%arg11 : memref<128x128xf32, #tpu.memory_space<vmem>>) offsets(%dma_start3A_156 : memref<128xi32, #tpu.memory_space<vmem>>) semaphore(%arg12 : memref<!tpu.dma_semaphore, #tpu.memory_space<semaphore_mem>>)
      } else {
      }
    }
    %scan3A_32 = arith.constant 20 : i32
    %dma_wait3A = arith.constant 0 : i32
    %dma_wait3A_33 = arith.constant 0 : i32
    %dma_wait3A_34 = tpu.memref_slice %arg8[%dma_wait3A, %dma_wait3A_33] : memref<40x128xi32, #tpu.memory_space<vmem>> -> memref<1x128xi32, #tpu.memory_space<vmem>>
    %dma_wait3A_35 = tpu.memref_squeeze %dma_wait3A_34 : memref<1x128xi32, #tpu.memory_space<vmem>> -> memref<128xi32, #tpu.memory_space<vmem>>
    %dma_wait3A_36 = arith.constant 0 : i32
    %dma_wait3A_37 = arith.constant 0 : i32
    %dma_wait3A_38 = tpu.memref_slice %arg7[%dma_wait3A_36, %dma_wait3A_37] : memref<10240x128xf32, #tpu.memory_space<vmem_shared>> -> memref<10240x128xf32, #tpu.memory_space<vmem_shared>>
    tpu.wait_indirect_dma semaphore(%arg13 : memref<!tpu.dma_semaphore, #tpu.memory_space<semaphore_mem>>) src(%arg10 : memref<128x128xf32, #tpu.memory_space<vmem>>) dst(%dma_wait3A_38 : memref<10240x128xf32, #tpu.memory_space<vmem_shared>>)
    %dma_wait3A_39 = arith.constant 0 : i32
    %dma_wait3A_40 = arith.constant 0 : i32
    %dma_wait3A_41 = tpu.memref_slice %arg8[%dma_wait3A_39, %dma_wait3A_40] : memref<40x128xi32, #tpu.memory_space<vmem>> -> memref<1x128xi32, #tpu.memory_space<vmem>>
    %dma_wait3A_42 = tpu.memref_squeeze %dma_wait3A_41 : memref<1x128xi32, #tpu.memory_space<vmem>> -> memref<128xi32, #tpu.memory_space<vmem>>
    %dma_wait3A_43 = arith.constant 0 : i32
    %dma_wait3A_44 = arith.constant 0 : i32
    %dma_wait3A_45 = tpu.memref_slice %arg7[%dma_wait3A_43, %dma_wait3A_44] : memref<10240x128xf32, #tpu.memory_space<vmem_shared>> -> memref<10240x128xf32, #tpu.memory_space<vmem_shared>>
    tpu.wait_indirect_dma semaphore(%arg13 : memref<!tpu.dma_semaphore, #tpu.memory_space<semaphore_mem>>) src(%arg11 : memref<128x128xf32, #tpu.memory_space<vmem>>) dst(%dma_wait3A_45 : memref<10240x128xf32, #tpu.memory_space<vmem_shared>>)
    %mul3A_46 = arith.constant 16 : i32
    %mul3A_47 = arith.muli %arg0, %mul3A_46 : i32
    %add3A_48 = arith.addi %mul3A_47, %arg1 : i32
    %mul3A_49 = arith.constant 2 : i32
    %mul3A_50 = arith.muli %add3A_48, %mul3A_49 : i32
    %add3A_51 = arith.constant 1 : i32
    %add3A_52 = arith.addi %mul3A_50, %add3A_51 : i32
    %mul3A_53 = arith.constant 40 : i32
    %mul3A_54 = arith.muli %add3A_52, %mul3A_53 : i32
    "tpu.region"() ({
      %run_scoped3A = tpu.sem_alloc : memref<!tpu.dma_semaphore, #tpu.memory_space<semaphore_mem>>
      %dma_start3A_103 = arith.constant 0 : i32
      %dma_start3A_104 = tpu.memref_slice %arg3[%mul3A_54, %dma_start3A_103] : memref<2560x128xi32, #tpu.memory_space<hbm>> -> memref<40x128xi32, #tpu.memory_space<hbm>>
      %dma_start3A_105 = arith.constant 0 : i32
      %dma_start3A_106 = tpu.memref_slice %arg3[%mul3A_54, %dma_start3A_105] : memref<2560x128xi32, #tpu.memory_space<hbm>> -> memref<40x128xi32, #tpu.memory_space<hbm>>
      tpu.enqueue_dma source(%dma_start3A_106 : memref<40x128xi32, #tpu.memory_space<hbm>>) target(%arg8 : memref<40x128xi32, #tpu.memory_space<vmem>>) target_semaphore(%run_scoped3A : memref<!tpu.dma_semaphore, #tpu.memory_space<semaphore_mem>>)
      %dma_wait3A_107 = arith.constant 0 : i32
      %dma_wait3A_108 = tpu.memref_slice %arg3[%mul3A_54, %dma_wait3A_107] : memref<2560x128xi32, #tpu.memory_space<hbm>> -> memref<40x128xi32, #tpu.memory_space<hbm>>
      %dma_wait3A_109 = arith.constant 0 : i32
      %dma_wait3A_110 = tpu.memref_slice %arg3[%mul3A_54, %dma_wait3A_109] : memref<2560x128xi32, #tpu.memory_space<hbm>> -> memref<40x128xi32, #tpu.memory_space<hbm>>
      tpu.wait_dma2 semaphore(%run_scoped3A : memref<!tpu.dma_semaphore, #tpu.memory_space<semaphore_mem>>) src(%dma_wait3A_110 : memref<40x128xi32, #tpu.memory_space<hbm>>) dst(%arg8 : memref<40x128xi32, #tpu.memory_space<vmem>>)
      tpu.yield
    }) : () -> ()
    %mul3A_55 = arith.constant 2 : i32
    %mul3A_56 = arith.muli %arg1, %mul3A_55 : i32
    %add3A_57 = arith.constant 1 : i32
    %add3A_58 = arith.addi %mul3A_56, %add3A_57 : i32
    %mul3A_59 = arith.constant 40 : i32
    %mul3A_60 = arith.muli %add3A_58, %mul3A_59 : i32
    "tpu.region"() ({
      %run_scoped3A = tpu.sem_alloc : memref<!tpu.dma_semaphore, #tpu.memory_space<semaphore_mem>>
      %dma_start3A_103 = arith.constant 0 : i32
      %dma_start3A_104 = tpu.memref_slice %arg4[%mul3A_60, %dma_start3A_103] : memref<1280x128xi32, #tpu.memory_space<hbm>> -> memref<40x128xi32, #tpu.memory_space<hbm>>
      %dma_start3A_105 = arith.constant 0 : i32
      %dma_start3A_106 = tpu.memref_slice %arg4[%mul3A_60, %dma_start3A_105] : memref<1280x128xi32, #tpu.memory_space<hbm>> -> memref<40x128xi32, #tpu.memory_space<hbm>>
      tpu.enqueue_dma source(%dma_start3A_106 : memref<40x128xi32, #tpu.memory_space<hbm>>) target(%arg9 : memref<40x128xi32, #tpu.memory_space<vmem>>) target_semaphore(%run_scoped3A : memref<!tpu.dma_semaphore, #tpu.memory_space<semaphore_mem>>)
      %dma_wait3A_107 = arith.constant 0 : i32
      %dma_wait3A_108 = tpu.memref_slice %arg4[%mul3A_60, %dma_wait3A_107] : memref<1280x128xi32, #tpu.memory_space<hbm>> -> memref<40x128xi32, #tpu.memory_space<hbm>>
      %dma_wait3A_109 = arith.constant 0 : i32
      %dma_wait3A_110 = tpu.memref_slice %arg4[%mul3A_60, %dma_wait3A_109] : memref<1280x128xi32, #tpu.memory_space<hbm>> -> memref<40x128xi32, #tpu.memory_space<hbm>>
      tpu.wait_dma2 semaphore(%run_scoped3A : memref<!tpu.dma_semaphore, #tpu.memory_space<semaphore_mem>>) src(%dma_wait3A_110 : memref<40x128xi32, #tpu.memory_space<hbm>>) dst(%arg9 : memref<40x128xi32, #tpu.memory_space<vmem>>)
      tpu.yield
    }) : () -> ()
    %dma_start3A_61 = arith.constant 0 : i32
    %dma_start3A_62 = arith.constant 0 : i32
    %dma_start3A_63 = tpu.memref_slice %arg8[%dma_start3A_61, %dma_start3A_62] : memref<40x128xi32, #tpu.memory_space<vmem>> -> memref<1x128xi32, #tpu.memory_space<vmem>>
    %dma_start3A_64 = tpu.memref_squeeze %dma_start3A_63 : memref<1x128xi32, #tpu.memory_space<vmem>> -> memref<128xi32, #tpu.memory_space<vmem>>
    %dma_start3A_65 = arith.constant 0 : i32
    %dma_start3A_66 = arith.constant 0 : i32
    %dma_start3A_67 = tpu.memref_slice %arg2[%dma_start3A_65, %dma_start3A_66] : memref<20000x128xf32, #tpu.memory_space<hbm>> -> memref<20000x128xf32, #tpu.memory_space<hbm>>
    tpu.enqueue_indirect_dma source(%dma_start3A_67 : memref<20000x128xf32, #tpu.memory_space<hbm>>) target(%arg10 : memref<128x128xf32, #tpu.memory_space<vmem>>) offsets(%dma_start3A_64 : memref<128xi32, #tpu.memory_space<vmem>>) semaphore(%arg12 : memref<!tpu.dma_semaphore, #tpu.memory_space<semaphore_mem>>)
    %dma_start3A_68 = arith.constant 1 : i32
    %dma_start3A_69 = arith.constant 0 : i32
    %dma_start3A_70 = tpu.memref_slice %arg8[%dma_start3A_68, %dma_start3A_69] : memref<40x128xi32, #tpu.memory_space<vmem>> -> memref<1x128xi32, #tpu.memory_space<vmem>>
    %dma_start3A_71 = tpu.memref_squeeze %dma_start3A_70 : memref<1x128xi32, #tpu.memory_space<vmem>> -> memref<128xi32, #tpu.memory_space<vmem>>
    %dma_start3A_72 = arith.constant 0 : i32
    %dma_start3A_73 = arith.constant 0 : i32
    %dma_start3A_74 = tpu.memref_slice %arg2[%dma_start3A_72, %dma_start3A_73] : memref<20000x128xf32, #tpu.memory_space<hbm>> -> memref<20000x128xf32, #tpu.memory_space<hbm>>
    tpu.enqueue_indirect_dma source(%dma_start3A_74 : memref<20000x128xf32, #tpu.memory_space<hbm>>) target(%arg11 : memref<128x128xf32, #tpu.memory_space<vmem>>) offsets(%dma_start3A_71 : memref<128xi32, #tpu.memory_space<vmem>>) semaphore(%arg12 : memref<!tpu.dma_semaphore, #tpu.memory_space<semaphore_mem>>)
    %scan3A_75 = arith.constant 0 : i32
    %scan3A_76 = arith.constant 0 : i32
    %scan3A_77 = arith.constant 20 : i32
    %scan3A_78 = arith.addi %scan3A_76, %scan3A_77 : i32
    %scan3A_79 = arith.constant 1 : i32
    scf.for %scan3A_103 = %scan3A_76 to %scan3A_78 step %scan3A_79  : i32 {
      %mul3A_104 = arith.constant 2 : i32
      %mul3A_105 = arith.muli %mul3A_104, %scan3A_103 : i32
      %dma_wait3A_106 = arith.constant 0 : i32
      %dma_wait3A_107 = arith.constant 0 : i32
      %dma_wait3A_108 = tpu.memref_slice %arg8[%dma_wait3A_106, %dma_wait3A_107] : memref<40x128xi32, #tpu.memory_space<vmem>> -> memref<1x128xi32, #tpu.memory_space<vmem>>
      %dma_wait3A_109 = tpu.memref_squeeze %dma_wait3A_108 : memref<1x128xi32, #tpu.memory_space<vmem>> -> memref<128xi32, #tpu.memory_space<vmem>>
      %dma_wait3A_110 = arith.constant 0 : i32
      %dma_wait3A_111 = arith.constant 0 : i32
      %dma_wait3A_112 = tpu.memref_slice %arg2[%dma_wait3A_110, %dma_wait3A_111] : memref<20000x128xf32, #tpu.memory_space<hbm>> -> memref<20000x128xf32, #tpu.memory_space<hbm>>
      tpu.wait_indirect_dma semaphore(%arg12 : memref<!tpu.dma_semaphore, #tpu.memory_space<semaphore_mem>>) src(%dma_wait3A_112 : memref<20000x128xf32, #tpu.memory_space<hbm>>) dst(%arg10 : memref<128x128xf32, #tpu.memory_space<vmem>>)
      %dma_start3A_113 = arith.constant 0 : i32
      %dma_start3A_114 = tpu.memref_slice %arg9[%mul3A_105, %dma_start3A_113] : memref<40x128xi32, #tpu.memory_space<vmem>> -> memref<1x128xi32, #tpu.memory_space<vmem>>
      %dma_start3A_115 = tpu.memref_squeeze %dma_start3A_114 : memref<1x128xi32, #tpu.memory_space<vmem>> -> memref<128xi32, #tpu.memory_space<vmem>>
      %dma_start3A_116 = arith.constant 0 : i32
      %dma_start3A_117 = arith.constant 0 : i32
      %dma_start3A_118 = tpu.memref_slice %arg7[%dma_start3A_116, %dma_start3A_117] : memref<10240x128xf32, #tpu.memory_space<vmem_shared>> -> memref<10240x128xf32, #tpu.memory_space<vmem_shared>>
      tpu.enqueue_indirect_dma source(%arg10 : memref<128x128xf32, #tpu.memory_space<vmem>>) target(%dma_start3A_118 : memref<10240x128xf32, #tpu.memory_space<vmem_shared>>) offsets(%dma_start3A_115 : memref<128xi32, #tpu.memory_space<vmem>>) semaphore(%arg13 : memref<!tpu.dma_semaphore, #tpu.memory_space<semaphore_mem>>) {add = true}
      %dma_wait3A_119 = arith.constant 0 : i32
      %dma_wait3A_120 = arith.constant 0 : i32
      %dma_wait3A_121 = tpu.memref_slice %arg8[%dma_wait3A_119, %dma_wait3A_120] : memref<40x128xi32, #tpu.memory_space<vmem>> -> memref<1x128xi32, #tpu.memory_space<vmem>>
      %dma_wait3A_122 = tpu.memref_squeeze %dma_wait3A_121 : memref<1x128xi32, #tpu.memory_space<vmem>> -> memref<128xi32, #tpu.memory_space<vmem>>
      %dma_wait3A_123 = arith.constant 0 : i32
      %dma_wait3A_124 = arith.constant 0 : i32
      %dma_wait3A_125 = tpu.memref_slice %arg2[%dma_wait3A_123, %dma_wait3A_124] : memref<20000x128xf32, #tpu.memory_space<hbm>> -> memref<20000x128xf32, #tpu.memory_space<hbm>>
      tpu.wait_indirect_dma semaphore(%arg12 : memref<!tpu.dma_semaphore, #tpu.memory_space<semaphore_mem>>) src(%dma_wait3A_125 : memref<20000x128xf32, #tpu.memory_space<hbm>>) dst(%arg11 : memref<128x128xf32, #tpu.memory_space<vmem>>)
      %add3A_126 = arith.constant 1 : i32
      %add3A_127 = arith.addi %mul3A_105, %add3A_126 : i32
      %dma_start3A_128 = arith.constant 0 : i32
      %dma_start3A_129 = tpu.memref_slice %arg9[%add3A_127, %dma_start3A_128] : memref<40x128xi32, #tpu.memory_space<vmem>> -> memref<1x128xi32, #tpu.memory_space<vmem>>
      %dma_start3A_130 = tpu.memref_squeeze %dma_start3A_129 : memref<1x128xi32, #tpu.memory_space<vmem>> -> memref<128xi32, #tpu.memory_space<vmem>>
      %dma_start3A_131 = arith.constant 0 : i32
      %dma_start3A_132 = arith.constant 0 : i32
      %dma_start3A_133 = tpu.memref_slice %arg7[%dma_start3A_131, %dma_start3A_132] : memref<10240x128xf32, #tpu.memory_space<vmem_shared>> -> memref<10240x128xf32, #tpu.memory_space<vmem_shared>>
      tpu.enqueue_indirect_dma source(%arg11 : memref<128x128xf32, #tpu.memory_space<vmem>>) target(%dma_start3A_133 : memref<10240x128xf32, #tpu.memory_space<vmem_shared>>) offsets(%dma_start3A_130 : memref<128xi32, #tpu.memory_space<vmem>>) semaphore(%arg13 : memref<!tpu.dma_semaphore, #tpu.memory_space<semaphore_mem>>) {add = true}
      %add3A_134 = arith.constant 2 : i32
      %add3A_135 = arith.addi %mul3A_105, %add3A_134 : i32
      %lt3A = arith.constant 40 : i32
      %lt3A_136 = arith.cmpi slt, %add3A_135, %lt3A : i32
      %convert_element_type3A = arith.extui %lt3A_136 : i1 to i32
      %cond3A = arith.constant 0 : i32
      %cond3A_137 = arith.cmpi ne, %convert_element_type3A, %cond3A : i32
      scf.if %cond3A_137 {
        %dma_wait3A_145 = arith.constant 0 : i32
        %dma_wait3A_146 = arith.constant 0 : i32
        %dma_wait3A_147 = tpu.memref_slice %arg8[%dma_wait3A_145, %dma_wait3A_146] : memref<40x128xi32, #tpu.memory_space<vmem>> -> memref<1x128xi32, #tpu.memory_space<vmem>>
        %dma_wait3A_148 = tpu.memref_squeeze %dma_wait3A_147 : memref<1x128xi32, #tpu.memory_space<vmem>> -> memref<128xi32, #tpu.memory_space<vmem>>
        %dma_wait3A_149 = arith.constant 0 : i32
        %dma_wait3A_150 = arith.constant 0 : i32
        %dma_wait3A_151 = tpu.memref_slice %arg7[%dma_wait3A_149, %dma_wait3A_150] : memref<10240x128xf32, #tpu.memory_space<vmem_shared>> -> memref<10240x128xf32, #tpu.memory_space<vmem_shared>>
        tpu.wait_indirect_dma semaphore(%arg13 : memref<!tpu.dma_semaphore, #tpu.memory_space<semaphore_mem>>) src(%arg10 : memref<128x128xf32, #tpu.memory_space<vmem>>) dst(%dma_wait3A_151 : memref<10240x128xf32, #tpu.memory_space<vmem_shared>>)
        %add3A_152 = arith.constant 2 : i32
        %add3A_153 = arith.addi %mul3A_105, %add3A_152 : i32
        %dma_start3A_154 = arith.constant 0 : i32
        %dma_start3A_155 = tpu.memref_slice %arg8[%add3A_153, %dma_start3A_154] : memref<40x128xi32, #tpu.memory_space<vmem>> -> memref<1x128xi32, #tpu.memory_space<vmem>>
        %dma_start3A_156 = tpu.memref_squeeze %dma_start3A_155 : memref<1x128xi32, #tpu.memory_space<vmem>> -> memref<128xi32, #tpu.memory_space<vmem>>
        %dma_start3A_157 = arith.constant 0 : i32
        %dma_start3A_158 = arith.constant 0 : i32
        %dma_start3A_159 = tpu.memref_slice %arg2[%dma_start3A_157, %dma_start3A_158] : memref<20000x128xf32, #tpu.memory_space<hbm>> -> memref<20000x128xf32, #tpu.memory_space<hbm>>
        tpu.enqueue_indirect_dma source(%dma_start3A_159 : memref<20000x128xf32, #tpu.memory_space<hbm>>) target(%arg10 : memref<128x128xf32, #tpu.memory_space<vmem>>) offsets(%dma_start3A_156 : memref<128xi32, #tpu.memory_space<vmem>>) semaphore(%arg12 : memref<!tpu.dma_semaphore, #tpu.memory_space<semaphore_mem>>)
      } else {
      }
      %add3A_138 = arith.constant 3 : i32
      %add3A_139 = arith.addi %mul3A_105, %add3A_138 : i32
      %lt3A_140 = arith.constant 40 : i32
      %lt3A_141 = arith.cmpi slt, %add3A_139, %lt3A_140 : i32
      %convert_element_type3A_142 = arith.extui %lt3A_141 : i1 to i32
      %cond3A_143 = arith.constant 0 : i32
      %cond3A_144 = arith.cmpi ne, %convert_element_type3A_142, %cond3A_143 : i32
      scf.if %cond3A_144 {
        %dma_wait3A_145 = arith.constant 0 : i32
        %dma_wait3A_146 = arith.constant 0 : i32
        %dma_wait3A_147 = tpu.memref_slice %arg8[%dma_wait3A_145, %dma_wait3A_146] : memref<40x128xi32, #tpu.memory_space<vmem>> -> memref<1x128xi32, #tpu.memory_space<vmem>>
        %dma_wait3A_148 = tpu.memref_squeeze %dma_wait3A_147 : memref<1x128xi32, #tpu.memory_space<vmem>> -> memref<128xi32, #tpu.memory_space<vmem>>
        %dma_wait3A_149 = arith.constant 0 : i32
        %dma_wait3A_150 = arith.constant 0 : i32
        %dma_wait3A_151 = tpu.memref_slice %arg7[%dma_wait3A_149, %dma_wait3A_150] : memref<10240x128xf32, #tpu.memory_space<vmem_shared>> -> memref<10240x128xf32, #tpu.memory_space<vmem_shared>>
        tpu.wait_indirect_dma semaphore(%arg13 : memref<!tpu.dma_semaphore, #tpu.memory_space<semaphore_mem>>) src(%arg11 : memref<128x128xf32, #tpu.memory_space<vmem>>) dst(%dma_wait3A_151 : memref<10240x128xf32, #tpu.memory_space<vmem_shared>>)
        %add3A_152 = arith.constant 3 : i32
        %add3A_153 = arith.addi %mul3A_105, %add3A_152 : i32
        %dma_start3A_154 = arith.constant 0 : i32
        %dma_start3A_155 = tpu.memref_slice %arg8[%add3A_153, %dma_start3A_154] : memref<40x128xi32, #tpu.memory_space<vmem>> -> memref<1x128xi32, #tpu.memory_space<vmem>>
        %dma_start3A_156 = tpu.memref_squeeze %dma_start3A_155 : memref<1x128xi32, #tpu.memory_space<vmem>> -> memref<128xi32, #tpu.memory_space<vmem>>
        %dma_start3A_157 = arith.constant 0 : i32
        %dma_start3A_158 = arith.constant 0 : i32
        %dma_start3A_159 = tpu.memref_slice %arg2[%dma_start3A_157, %dma_start3A_158] : memref<20000x128xf32, #tpu.memory_space<hbm>> -> memref<20000x128xf32, #tpu.memory_space<hbm>>
        tpu.enqueue_indirect_dma source(%dma_start3A_159 : memref<20000x128xf32, #tpu.memory_space<hbm>>) target(%arg11 : memref<128x128xf32, #tpu.memory_space<vmem>>) offsets(%dma_start3A_156 : memref<128xi32, #tpu.memory_space<vmem>>) semaphore(%arg12 : memref<!tpu.dma_semaphore, #tpu.memory_space<semaphore_mem>>)
      } else {
      }
    }
    %scan3A_80 = arith.constant 20 : i32
    %dma_wait3A_81 = arith.constant 0 : i32
    %dma_wait3A_82 = arith.constant 0 : i32
    %dma_wait3A_83 = tpu.memref_slice %arg8[%dma_wait3A_81, %dma_wait3A_82] : memref<40x128xi32, #tpu.memory_space<vmem>> -> memref<1x128xi32, #tpu.memory_space<vmem>>
    %dma_wait3A_84 = tpu.memref_squeeze %dma_wait3A_83 : memref<1x128xi32, #tpu.memory_space<vmem>> -> memref<128xi32, #tpu.memory_space<vmem>>
    %dma_wait3A_85 = arith.constant 0 : i32
    %dma_wait3A_86 = arith.constant 0 : i32
    %dma_wait3A_87 = tpu.memref_slice %arg7[%dma_wait3A_85, %dma_wait3A_86] : memref<10240x128xf32, #tpu.memory_space<vmem_shared>> -> memref<10240x128xf32, #tpu.memory_space<vmem_shared>>
    tpu.wait_indirect_dma semaphore(%arg13 : memref<!tpu.dma_semaphore, #tpu.memory_space<semaphore_mem>>) src(%arg10 : memref<128x128xf32, #tpu.memory_space<vmem>>) dst(%dma_wait3A_87 : memref<10240x128xf32, #tpu.memory_space<vmem_shared>>)
    %dma_wait3A_88 = arith.constant 0 : i32
    %dma_wait3A_89 = arith.constant 0 : i32
    %dma_wait3A_90 = tpu.memref_slice %arg8[%dma_wait3A_88, %dma_wait3A_89] : memref<40x128xi32, #tpu.memory_space<vmem>> -> memref<1x128xi32, #tpu.memory_space<vmem>>
    %dma_wait3A_91 = tpu.memref_squeeze %dma_wait3A_90 : memref<1x128xi32, #tpu.memory_space<vmem>> -> memref<128xi32, #tpu.memory_space<vmem>>
    %dma_wait3A_92 = arith.constant 0 : i32
    %dma_wait3A_93 = arith.constant 0 : i32
    %dma_wait3A_94 = tpu.memref_slice %arg7[%dma_wait3A_92, %dma_wait3A_93] : memref<10240x128xf32, #tpu.memory_space<vmem_shared>> -> memref<10240x128xf32, #tpu.memory_space<vmem_shared>>
    tpu.wait_indirect_dma semaphore(%arg13 : memref<!tpu.dma_semaphore, #tpu.memory_space<semaphore_mem>>) src(%arg11 : memref<128x128xf32, #tpu.memory_space<vmem>>) dst(%dma_wait3A_94 : memref<10240x128xf32, #tpu.memory_space<vmem_shared>>)
    %barrier3A_95 = arith.constant 0 : index
    tpu.barrier barrier_id(%barrier3A_95)
    %mul3A_96 = arith.constant 640 : i32
    %mul3A_97 = arith.muli %arg1, %mul3A_96 : i32
    %mul3A_98 = arith.constant 10240 : i32
    %mul3A_99 = arith.muli %arg0, %mul3A_98 : i32
    %mul3A_100 = arith.constant 640 : i32
    %mul3A_101 = arith.muli %arg1, %mul3A_100 : i32
    %add3A_102 = arith.addi %mul3A_99, %mul3A_101 : i32
    "tpu.region"() ({
      %run_scoped3A = tpu.sem_alloc : memref<!tpu.dma_semaphore, #tpu.memory_space<semaphore_mem>>
      %dma_start3A_103 = arith.constant 0 : i32
      %dma_start3A_104 = tpu.memref_slice %arg6[%add3A_102, %dma_start3A_103] : memref<20480x128xf32, #tpu.memory_space<hbm>> -> memref<640x128xf32, #tpu.memory_space<hbm>>
      %dma_start3A_105 = arith.constant 0 : i32
      %dma_start3A_106 = tpu.memref_slice %arg7[%mul3A_97, %dma_start3A_105] : memref<10240x128xf32, #tpu.memory_space<vmem_shared>> -> memref<640x128xf32, #tpu.memory_space<vmem_shared>>
      tpu.enqueue_dma source(%dma_start3A_106 : memref<640x128xf32, #tpu.memory_space<vmem_shared>>) target(%dma_start3A_104 : memref<640x128xf32, #tpu.memory_space<hbm>>) target_semaphore(%run_scoped3A : memref<!tpu.dma_semaphore, #tpu.memory_space<semaphore_mem>>)
      %dma_wait3A_107 = arith.constant 0 : i32
      %dma_wait3A_108 = tpu.memref_slice %arg6[%add3A_102, %dma_wait3A_107] : memref<20480x128xf32, #tpu.memory_space<hbm>> -> memref<640x128xf32, #tpu.memory_space<hbm>>
      %dma_wait3A_109 = arith.constant 0 : i32
      %dma_wait3A_110 = tpu.memref_slice %arg7[%mul3A_97, %dma_wait3A_109] : memref<10240x128xf32, #tpu.memory_space<vmem_shared>> -> memref<640x128xf32, #tpu.memory_space<vmem_shared>>
      tpu.wait_dma2 semaphore(%run_scoped3A : memref<!tpu.dma_semaphore, #tpu.memory_space<semaphore_mem>>) src(%dma_wait3A_110 : memref<640x128xf32, #tpu.memory_space<vmem_shared>>) dst(%dma_wait3A_108 : memref<640x128xf32, #tpu.memory_space<hbm>>)
      tpu.yield
    }) : () -> ()
    return
  }
}

#map = affine_map<(d0, d1) -> (0, 0)>
module attributes {stable_mosaic.version = 14 : i64} {
  func.func @cnt_kernel(%arg0: i32, %arg1: i32, %arg2: memref<1280x128xi32, #tpu.memory_space<hbm>>, %arg3: memref<640x128xf32, #tpu.memory_space<hbm>>, %arg4: memref<128x128xf32, #tpu.memory_space<hbm>>, %arg5: memref<20480x128xf32, #tpu.memory_space<hbm>>, %arg6: memref<10240x128xf32, #tpu.memory_space<vmem_shared>>, %arg7: memref<40x128xi32, #tpu.memory_space<vmem>>, %arg8: memref<128x128xf32, #tpu.memory_space<vmem>>) attributes {dimension_semantics = [#tpu.dimension_semantics<core_parallel>, #tpu.dimension_semantics<subcore_parallel>], iteration_bounds = array<i64: 2, 16>, scalar_prefetch = 0 : i64, scratch_operands = 3 : i64, tpu.core_type = #tpu.core_type<sc_vector_subcore>, window_params = [{transform_indices = #map}, {transform_indices = #map}, {transform_indices = #map}, {transform_indices = #map}]} {
    %mul3A = arith.constant 640 : i32
    %mul3A_0 = arith.muli %arg1, %mul3A : i32
    "tpu.region"() ({
      %run_scoped3A = tpu.sem_alloc : memref<!tpu.dma_semaphore, #tpu.memory_space<semaphore_mem>>
      %dma_start3A = arith.constant 0 : i32
      %dma_start3A_18 = tpu.memref_slice %arg6[%mul3A_0, %dma_start3A] : memref<10240x128xf32, #tpu.memory_space<vmem_shared>> -> memref<640x128xf32, #tpu.memory_space<vmem_shared>>
      tpu.enqueue_dma source(%arg3 : memref<640x128xf32, #tpu.memory_space<hbm>>) target(%dma_start3A_18 : memref<640x128xf32, #tpu.memory_space<vmem_shared>>) target_semaphore(%run_scoped3A : memref<!tpu.dma_semaphore, #tpu.memory_space<semaphore_mem>>)
      %dma_wait3A = arith.constant 0 : i32
      %dma_wait3A_19 = tpu.memref_slice %arg6[%mul3A_0, %dma_wait3A] : memref<10240x128xf32, #tpu.memory_space<vmem_shared>> -> memref<640x128xf32, #tpu.memory_space<vmem_shared>>
      tpu.wait_dma2 semaphore(%run_scoped3A : memref<!tpu.dma_semaphore, #tpu.memory_space<semaphore_mem>>) src(%arg3 : memref<640x128xf32, #tpu.memory_space<hbm>>) dst(%dma_wait3A_19 : memref<640x128xf32, #tpu.memory_space<vmem_shared>>)
      tpu.yield
    }) : () -> ()
    "tpu.region"() ({
      %run_scoped3A = tpu.sem_alloc : memref<!tpu.dma_semaphore, #tpu.memory_space<semaphore_mem>>
      tpu.enqueue_dma source(%arg4 : memref<128x128xf32, #tpu.memory_space<hbm>>) target(%arg8 : memref<128x128xf32, #tpu.memory_space<vmem>>) target_semaphore(%run_scoped3A : memref<!tpu.dma_semaphore, #tpu.memory_space<semaphore_mem>>)
      tpu.wait_dma2 semaphore(%run_scoped3A : memref<!tpu.dma_semaphore, #tpu.memory_space<semaphore_mem>>) src(%arg4 : memref<128x128xf32, #tpu.memory_space<hbm>>) dst(%arg8 : memref<128x128xf32, #tpu.memory_space<vmem>>)
      tpu.yield
    }) : () -> ()
    %mul3A_1 = arith.constant 16 : i32
    %mul3A_2 = arith.muli %arg0, %mul3A_1 : i32
    %add3A = arith.addi %mul3A_2, %arg1 : i32
    %mul3A_3 = arith.constant 40 : i32
    %mul3A_4 = arith.muli %add3A, %mul3A_3 : i32
    "tpu.region"() ({
      %run_scoped3A = tpu.sem_alloc : memref<!tpu.dma_semaphore, #tpu.memory_space<semaphore_mem>>
      %dma_start3A = arith.constant 0 : i32
      %dma_start3A_18 = tpu.memref_slice %arg2[%mul3A_4, %dma_start3A] : memref<1280x128xi32, #tpu.memory_space<hbm>> -> memref<40x128xi32, #tpu.memory_space<hbm>>
      %dma_start3A_19 = arith.constant 0 : i32
      %dma_start3A_20 = tpu.memref_slice %arg2[%mul3A_4, %dma_start3A_19] : memref<1280x128xi32, #tpu.memory_space<hbm>> -> memref<40x128xi32, #tpu.memory_space<hbm>>
      tpu.enqueue_dma source(%dma_start3A_20 : memref<40x128xi32, #tpu.memory_space<hbm>>) target(%arg7 : memref<40x128xi32, #tpu.memory_space<vmem>>) target_semaphore(%run_scoped3A : memref<!tpu.dma_semaphore, #tpu.memory_space<semaphore_mem>>)
      %dma_wait3A = arith.constant 0 : i32
      %dma_wait3A_21 = tpu.memref_slice %arg2[%mul3A_4, %dma_wait3A] : memref<1280x128xi32, #tpu.memory_space<hbm>> -> memref<40x128xi32, #tpu.memory_space<hbm>>
      %dma_wait3A_22 = arith.constant 0 : i32
      %dma_wait3A_23 = tpu.memref_slice %arg2[%mul3A_4, %dma_wait3A_22] : memref<1280x128xi32, #tpu.memory_space<hbm>> -> memref<40x128xi32, #tpu.memory_space<hbm>>
      tpu.wait_dma2 semaphore(%run_scoped3A : memref<!tpu.dma_semaphore, #tpu.memory_space<semaphore_mem>>) src(%dma_wait3A_23 : memref<40x128xi32, #tpu.memory_space<hbm>>) dst(%arg7 : memref<40x128xi32, #tpu.memory_space<vmem>>)
      tpu.yield
    }) : () -> ()
    %barrier3A = arith.constant 0 : index
    tpu.barrier barrier_id(%barrier3A)
    %scan3A = arith.constant 0 : i32
    %scan3A_5 = arith.constant 0 : i32
    %scan3A_6 = arith.constant 40 : i32
    %scan3A_7 = arith.addi %scan3A_5, %scan3A_6 : i32
    %scan3A_8 = arith.constant 1 : i32
    scf.for %scan3A_18 = %scan3A_5 to %scan3A_7 step %scan3A_8  : i32 {
      "tpu.region"() ({
        %run_scoped3A = tpu.sem_alloc : memref<!tpu.dma_semaphore, #tpu.memory_space<semaphore_mem>>
        %dma_start3A = arith.constant 0 : i32
        %dma_start3A_19 = tpu.memref_slice %arg7[%scan3A_18, %dma_start3A] : memref<40x128xi32, #tpu.memory_space<vmem>> -> memref<1x128xi32, #tpu.memory_space<vmem>>
        %dma_start3A_20 = tpu.memref_squeeze %dma_start3A_19 : memref<1x128xi32, #tpu.memory_space<vmem>> -> memref<128xi32, #tpu.memory_space<vmem>>
        %dma_start3A_21 = arith.constant 0 : i32
        %dma_start3A_22 = arith.constant 0 : i32
        %dma_start3A_23 = tpu.memref_slice %arg6[%dma_start3A_21, %dma_start3A_22] : memref<10240x128xf32, #tpu.memory_space<vmem_shared>> -> memref<10240x128xf32, #tpu.memory_space<vmem_shared>>
        tpu.enqueue_indirect_dma source(%arg8 : memref<128x128xf32, #tpu.memory_space<vmem>>) target(%dma_start3A_23 : memref<10240x128xf32, #tpu.memory_space<vmem_shared>>) offsets(%dma_start3A_20 : memref<128xi32, #tpu.memory_space<vmem>>) semaphore(%run_scoped3A : memref<!tpu.dma_semaphore, #tpu.memory_space<semaphore_mem>>) {add = true}
        %dma_wait3A = arith.constant 0 : i32
        %dma_wait3A_24 = tpu.memref_slice %arg7[%scan3A_18, %dma_wait3A] : memref<40x128xi32, #tpu.memory_space<vmem>> -> memref<1x128xi32, #tpu.memory_space<vmem>>
        %dma_wait3A_25 = tpu.memref_squeeze %dma_wait3A_24 : memref<1x128xi32, #tpu.memory_space<vmem>> -> memref<128xi32, #tpu.memory_space<vmem>>
        %dma_wait3A_26 = arith.constant 0 : i32
        %dma_wait3A_27 = arith.constant 0 : i32
        %dma_wait3A_28 = tpu.memref_slice %arg6[%dma_wait3A_26, %dma_wait3A_27] : memref<10240x128xf32, #tpu.memory_space<vmem_shared>> -> memref<10240x128xf32, #tpu.memory_space<vmem_shared>>
        tpu.wait_indirect_dma semaphore(%run_scoped3A : memref<!tpu.dma_semaphore, #tpu.memory_space<semaphore_mem>>) src(%arg8 : memref<128x128xf32, #tpu.memory_space<vmem>>) dst(%dma_wait3A_28 : memref<10240x128xf32, #tpu.memory_space<vmem_shared>>)
        tpu.yield
      }) : () -> ()
    }
    %scan3A_9 = arith.constant 40 : i32
    %barrier3A_10 = arith.constant 0 : index
    tpu.barrier barrier_id(%barrier3A_10)
    %mul3A_11 = arith.constant 640 : i32
    %mul3A_12 = arith.muli %arg1, %mul3A_11 : i32
    %mul3A_13 = arith.constant 10240 : i32
    %mul3A_14 = arith.muli %arg0, %mul3A_13 : i32
    %mul3A_15 = arith.constant 640 : i32
    %mul3A_16 = arith.muli %arg1, %mul3A_15 : i32
    %add3A_17 = arith.addi %mul3A_14, %mul3A_16 : i32
    "tpu.region"() ({
      %run_scoped3A = tpu.sem_alloc : memref<!tpu.dma_semaphore, #tpu.memory_space<semaphore_mem>>
      %dma_start3A = arith.constant 0 : i32
      %dma_start3A_18 = tpu.memref_slice %arg5[%add3A_17, %dma_start3A] : memref<20480x128xf32, #tpu.memory_space<hbm>> -> memref<640x128xf32, #tpu.memory_space<hbm>>
      %dma_start3A_19 = arith.constant 0 : i32
      %dma_start3A_20 = tpu.memref_slice %arg6[%mul3A_12, %dma_start3A_19] : memref<10240x128xf32, #tpu.memory_space<vmem_shared>> -> memref<640x128xf32, #tpu.memory_space<vmem_shared>>
      tpu.enqueue_dma source(%dma_start3A_20 : memref<640x128xf32, #tpu.memory_space<vmem_shared>>) target(%dma_start3A_18 : memref<640x128xf32, #tpu.memory_space<hbm>>) target_semaphore(%run_scoped3A : memref<!tpu.dma_semaphore, #tpu.memory_space<semaphore_mem>>)
      %dma_wait3A = arith.constant 0 : i32
      %dma_wait3A_21 = tpu.memref_slice %arg5[%add3A_17, %dma_wait3A] : memref<20480x128xf32, #tpu.memory_space<hbm>> -> memref<640x128xf32, #tpu.memory_space<hbm>>
      %dma_wait3A_22 = arith.constant 0 : i32
      %dma_wait3A_23 = tpu.memref_slice %arg6[%mul3A_12, %dma_wait3A_22] : memref<10240x128xf32, #tpu.memory_space<vmem_shared>> -> memref<640x128xf32, #tpu.memory_space<vmem_shared>>
      tpu.wait_dma2 semaphore(%run_scoped3A : memref<!tpu.dma_semaphore, #tpu.memory_space<semaphore_mem>>) src(%dma_wait3A_23 : memref<640x128xf32, #tpu.memory_space<vmem_shared>>) dst(%dma_wait3A_21 : memref<640x128xf32, #tpu.memory_space<hbm>>)
      tpu.yield
    }) : () -> ()
    return
  }
}

#map = affine_map<(d0, d1) -> (0, 0)>
module attributes {stable_mosaic.version = 14 : i64} {
  func.func @cnt_kernel(%arg0: i32, %arg1: i32, %arg2: memref<1280x128xi32, #tpu.memory_space<hbm>>, %arg3: memref<640x128xf32, #tpu.memory_space<hbm>>, %arg4: memref<128x128xf32, #tpu.memory_space<hbm>>, %arg5: memref<20480x128xf32, #tpu.memory_space<hbm>>, %arg6: memref<10240x128xf32, #tpu.memory_space<vmem_shared>>, %arg7: memref<40x128xi32, #tpu.memory_space<vmem>>, %arg8: memref<128x128xf32, #tpu.memory_space<vmem>>) attributes {dimension_semantics = [#tpu.dimension_semantics<core_parallel>, #tpu.dimension_semantics<subcore_parallel>], iteration_bounds = array<i64: 2, 16>, scalar_prefetch = 0 : i64, scratch_operands = 3 : i64, tpu.core_type = #tpu.core_type<sc_vector_subcore>, window_params = [{transform_indices = #map}, {transform_indices = #map}, {transform_indices = #map}, {transform_indices = #map}]} {
    %mul3A = arith.constant 640 : i32
    %mul3A_0 = arith.muli %arg1, %mul3A : i32
    "tpu.region"() ({
      %run_scoped3A = tpu.sem_alloc : memref<!tpu.dma_semaphore, #tpu.memory_space<semaphore_mem>>
      %dma_start3A = arith.constant 0 : i32
      %dma_start3A_18 = tpu.memref_slice %arg6[%mul3A_0, %dma_start3A] : memref<10240x128xf32, #tpu.memory_space<vmem_shared>> -> memref<640x128xf32, #tpu.memory_space<vmem_shared>>
      tpu.enqueue_dma source(%arg3 : memref<640x128xf32, #tpu.memory_space<hbm>>) target(%dma_start3A_18 : memref<640x128xf32, #tpu.memory_space<vmem_shared>>) target_semaphore(%run_scoped3A : memref<!tpu.dma_semaphore, #tpu.memory_space<semaphore_mem>>)
      %dma_wait3A = arith.constant 0 : i32
      %dma_wait3A_19 = tpu.memref_slice %arg6[%mul3A_0, %dma_wait3A] : memref<10240x128xf32, #tpu.memory_space<vmem_shared>> -> memref<640x128xf32, #tpu.memory_space<vmem_shared>>
      tpu.wait_dma2 semaphore(%run_scoped3A : memref<!tpu.dma_semaphore, #tpu.memory_space<semaphore_mem>>) src(%arg3 : memref<640x128xf32, #tpu.memory_space<hbm>>) dst(%dma_wait3A_19 : memref<640x128xf32, #tpu.memory_space<vmem_shared>>)
      tpu.yield
    }) : () -> ()
    "tpu.region"() ({
      %run_scoped3A = tpu.sem_alloc : memref<!tpu.dma_semaphore, #tpu.memory_space<semaphore_mem>>
      tpu.enqueue_dma source(%arg4 : memref<128x128xf32, #tpu.memory_space<hbm>>) target(%arg8 : memref<128x128xf32, #tpu.memory_space<vmem>>) target_semaphore(%run_scoped3A : memref<!tpu.dma_semaphore, #tpu.memory_space<semaphore_mem>>)
      tpu.wait_dma2 semaphore(%run_scoped3A : memref<!tpu.dma_semaphore, #tpu.memory_space<semaphore_mem>>) src(%arg4 : memref<128x128xf32, #tpu.memory_space<hbm>>) dst(%arg8 : memref<128x128xf32, #tpu.memory_space<vmem>>)
      tpu.yield
    }) : () -> ()
    %mul3A_1 = arith.constant 16 : i32
    %mul3A_2 = arith.muli %arg0, %mul3A_1 : i32
    %add3A = arith.addi %mul3A_2, %arg1 : i32
    %mul3A_3 = arith.constant 40 : i32
    %mul3A_4 = arith.muli %add3A, %mul3A_3 : i32
    "tpu.region"() ({
      %run_scoped3A = tpu.sem_alloc : memref<!tpu.dma_semaphore, #tpu.memory_space<semaphore_mem>>
      %dma_start3A = arith.constant 0 : i32
      %dma_start3A_18 = tpu.memref_slice %arg2[%mul3A_4, %dma_start3A] : memref<1280x128xi32, #tpu.memory_space<hbm>> -> memref<40x128xi32, #tpu.memory_space<hbm>>
      %dma_start3A_19 = arith.constant 0 : i32
      %dma_start3A_20 = tpu.memref_slice %arg2[%mul3A_4, %dma_start3A_19] : memref<1280x128xi32, #tpu.memory_space<hbm>> -> memref<40x128xi32, #tpu.memory_space<hbm>>
      tpu.enqueue_dma source(%dma_start3A_20 : memref<40x128xi32, #tpu.memory_space<hbm>>) target(%arg7 : memref<40x128xi32, #tpu.memory_space<vmem>>) target_semaphore(%run_scoped3A : memref<!tpu.dma_semaphore, #tpu.memory_space<semaphore_mem>>)
      %dma_wait3A = arith.constant 0 : i32
      %dma_wait3A_21 = tpu.memref_slice %arg2[%mul3A_4, %dma_wait3A] : memref<1280x128xi32, #tpu.memory_space<hbm>> -> memref<40x128xi32, #tpu.memory_space<hbm>>
      %dma_wait3A_22 = arith.constant 0 : i32
      %dma_wait3A_23 = tpu.memref_slice %arg2[%mul3A_4, %dma_wait3A_22] : memref<1280x128xi32, #tpu.memory_space<hbm>> -> memref<40x128xi32, #tpu.memory_space<hbm>>
      tpu.wait_dma2 semaphore(%run_scoped3A : memref<!tpu.dma_semaphore, #tpu.memory_space<semaphore_mem>>) src(%dma_wait3A_23 : memref<40x128xi32, #tpu.memory_space<hbm>>) dst(%arg7 : memref<40x128xi32, #tpu.memory_space<vmem>>)
      tpu.yield
    }) : () -> ()
    %barrier3A = arith.constant 0 : index
    tpu.barrier barrier_id(%barrier3A)
    %scan3A = arith.constant 0 : i32
    %scan3A_5 = arith.constant 0 : i32
    %scan3A_6 = arith.constant 40 : i32
    %scan3A_7 = arith.addi %scan3A_5, %scan3A_6 : i32
    %scan3A_8 = arith.constant 1 : i32
    scf.for %scan3A_18 = %scan3A_5 to %scan3A_7 step %scan3A_8  : i32 {
      "tpu.region"() ({
        %run_scoped3A = tpu.sem_alloc : memref<!tpu.dma_semaphore, #tpu.memory_space<semaphore_mem>>
        %dma_start3A = arith.constant 0 : i32
        %dma_start3A_19 = tpu.memref_slice %arg7[%scan3A_18, %dma_start3A] : memref<40x128xi32, #tpu.memory_space<vmem>> -> memref<1x128xi32, #tpu.memory_space<vmem>>
        %dma_start3A_20 = tpu.memref_squeeze %dma_start3A_19 : memref<1x128xi32, #tpu.memory_space<vmem>> -> memref<128xi32, #tpu.memory_space<vmem>>
        %dma_start3A_21 = arith.constant 0 : i32
        %dma_start3A_22 = arith.constant 0 : i32
        %dma_start3A_23 = tpu.memref_slice %arg6[%dma_start3A_21, %dma_start3A_22] : memref<10240x128xf32, #tpu.memory_space<vmem_shared>> -> memref<10240x128xf32, #tpu.memory_space<vmem_shared>>
        tpu.enqueue_indirect_dma source(%arg8 : memref<128x128xf32, #tpu.memory_space<vmem>>) target(%dma_start3A_23 : memref<10240x128xf32, #tpu.memory_space<vmem_shared>>) offsets(%dma_start3A_20 : memref<128xi32, #tpu.memory_space<vmem>>) semaphore(%run_scoped3A : memref<!tpu.dma_semaphore, #tpu.memory_space<semaphore_mem>>) {add = true}
        %dma_wait3A = arith.constant 0 : i32
        %dma_wait3A_24 = tpu.memref_slice %arg7[%scan3A_18, %dma_wait3A] : memref<40x128xi32, #tpu.memory_space<vmem>> -> memref<1x128xi32, #tpu.memory_space<vmem>>
        %dma_wait3A_25 = tpu.memref_squeeze %dma_wait3A_24 : memref<1x128xi32, #tpu.memory_space<vmem>> -> memref<128xi32, #tpu.memory_space<vmem>>
        %dma_wait3A_26 = arith.constant 0 : i32
        %dma_wait3A_27 = arith.constant 0 : i32
        %dma_wait3A_28 = tpu.memref_slice %arg6[%dma_wait3A_26, %dma_wait3A_27] : memref<10240x128xf32, #tpu.memory_space<vmem_shared>> -> memref<10240x128xf32, #tpu.memory_space<vmem_shared>>
        tpu.wait_indirect_dma semaphore(%run_scoped3A : memref<!tpu.dma_semaphore, #tpu.memory_space<semaphore_mem>>) src(%arg8 : memref<128x128xf32, #tpu.memory_space<vmem>>) dst(%dma_wait3A_28 : memref<10240x128xf32, #tpu.memory_space<vmem_shared>>)
        tpu.yield
      }) : () -> ()
    }
    %scan3A_9 = arith.constant 40 : i32
    %barrier3A_10 = arith.constant 0 : index
    tpu.barrier barrier_id(%barrier3A_10)
    %mul3A_11 = arith.constant 640 : i32
    %mul3A_12 = arith.muli %arg1, %mul3A_11 : i32
    %mul3A_13 = arith.constant 10240 : i32
    %mul3A_14 = arith.muli %arg0, %mul3A_13 : i32
    %mul3A_15 = arith.constant 640 : i32
    %mul3A_16 = arith.muli %arg1, %mul3A_15 : i32
    %add3A_17 = arith.addi %mul3A_14, %mul3A_16 : i32
    "tpu.region"() ({
      %run_scoped3A = tpu.sem_alloc : memref<!tpu.dma_semaphore, #tpu.memory_space<semaphore_mem>>
      %dma_start3A = arith.constant 0 : i32
      %dma_start3A_18 = tpu.memref_slice %arg5[%add3A_17, %dma_start3A] : memref<20480x128xf32, #tpu.memory_space<hbm>> -> memref<640x128xf32, #tpu.memory_space<hbm>>
      %dma_start3A_19 = arith.constant 0 : i32
      %dma_start3A_20 = tpu.memref_slice %arg6[%mul3A_12, %dma_start3A_19] : memref<10240x128xf32, #tpu.memory_space<vmem_shared>> -> memref<640x128xf32, #tpu.memory_space<vmem_shared>>
      tpu.enqueue_dma source(%dma_start3A_20 : memref<640x128xf32, #tpu.memory_space<vmem_shared>>) target(%dma_start3A_18 : memref<640x128xf32, #tpu.memory_space<hbm>>) target_semaphore(%run_scoped3A : memref<!tpu.dma_semaphore, #tpu.memory_space<semaphore_mem>>)
      %dma_wait3A = arith.constant 0 : i32
      %dma_wait3A_21 = tpu.memref_slice %arg5[%add3A_17, %dma_wait3A] : memref<20480x128xf32, #tpu.memory_space<hbm>> -> memref<640x128xf32, #tpu.memory_space<hbm>>
      %dma_wait3A_22 = arith.constant 0 : i32
      %dma_wait3A_23 = tpu.memref_slice %arg6[%mul3A_12, %dma_wait3A_22] : memref<10240x128xf32, #tpu.memory_space<vmem_shared>> -> memref<640x128xf32, #tpu.memory_space<vmem_shared>>
      tpu.wait_dma2 semaphore(%run_scoped3A : memref<!tpu.dma_semaphore, #tpu.memory_space<semaphore_mem>>) src(%dma_wait3A_23 : memref<640x128xf32, #tpu.memory_space<vmem_shared>>) dst(%dma_wait3A_21 : memref<640x128xf32, #tpu.memory_space<hbm>>)
      tpu.yield
    }) : () -> ()
    return
  }
}

#map = affine_map<(d0, d1) -> (0, 0)>
module attributes {stable_mosaic.version = 14 : i64} {
  func.func @seg_kernel(%arg0: i32, %arg1: i32, %arg2: memref<20000x128xf32, #tpu.memory_space<hbm>>, %arg3: memref<2560x128xi32, #tpu.memory_space<hbm>>, %arg4: memref<1280x128xi32, #tpu.memory_space<hbm>>, %arg5: memref<640x128xf32, #tpu.memory_space<hbm>>, %arg6: memref<20480x128xf32, #tpu.memory_space<hbm>>, %arg7: memref<10240x128xf32, #tpu.memory_space<vmem_shared>>, %arg8: memref<40x128xi32, #tpu.memory_space<vmem>>, %arg9: memref<40x128xi32, #tpu.memory_space<vmem>>, %arg10: memref<128x128xf32, #tpu.memory_space<vmem>>, %arg11: memref<128x128xf32, #tpu.memory_space<vmem>>, %arg12: memref<!tpu.dma_semaphore, #tpu.memory_space<semaphore_mem>>, %arg13: memref<!tpu.dma_semaphore, #tpu.memory_space<semaphore_mem>>) attributes {dimension_semantics = [#tpu.dimension_semantics<core_parallel>, #tpu.dimension_semantics<subcore_parallel>], iteration_bounds = array<i64: 2, 16>, scalar_prefetch = 0 : i64, scratch_operands = 7 : i64, tpu.core_type = #tpu.core_type<sc_vector_subcore>, window_params = [{transform_indices = #map}, {transform_indices = #map}, {transform_indices = #map}, {transform_indices = #map}, {transform_indices = #map}]} {
    %mul3A = arith.constant 640 : i32
    %mul3A_0 = arith.muli %arg1, %mul3A : i32
    "tpu.region"() ({
      %run_scoped3A = tpu.sem_alloc : memref<!tpu.dma_semaphore, #tpu.memory_space<semaphore_mem>>
      %dma_start3A_103 = arith.constant 0 : i32
      %dma_start3A_104 = tpu.memref_slice %arg7[%mul3A_0, %dma_start3A_103] : memref<10240x128xf32, #tpu.memory_space<vmem_shared>> -> memref<640x128xf32, #tpu.memory_space<vmem_shared>>
      tpu.enqueue_dma source(%arg5 : memref<640x128xf32, #tpu.memory_space<hbm>>) target(%dma_start3A_104 : memref<640x128xf32, #tpu.memory_space<vmem_shared>>) target_semaphore(%run_scoped3A : memref<!tpu.dma_semaphore, #tpu.memory_space<semaphore_mem>>)
      %dma_wait3A_105 = arith.constant 0 : i32
      %dma_wait3A_106 = tpu.memref_slice %arg7[%mul3A_0, %dma_wait3A_105] : memref<10240x128xf32, #tpu.memory_space<vmem_shared>> -> memref<640x128xf32, #tpu.memory_space<vmem_shared>>
      tpu.wait_dma2 semaphore(%run_scoped3A : memref<!tpu.dma_semaphore, #tpu.memory_space<semaphore_mem>>) src(%arg5 : memref<640x128xf32, #tpu.memory_space<hbm>>) dst(%dma_wait3A_106 : memref<640x128xf32, #tpu.memory_space<vmem_shared>>)
      tpu.yield
    }) : () -> ()
    %barrier3A = arith.constant 0 : index
    tpu.barrier barrier_id(%barrier3A)
    %mul3A_1 = arith.constant 16 : i32
    %mul3A_2 = arith.muli %arg0, %mul3A_1 : i32
    %add3A = arith.addi %mul3A_2, %arg1 : i32
    %mul3A_3 = arith.constant 2 : i32
    %mul3A_4 = arith.muli %add3A, %mul3A_3 : i32
    %add3A_5 = arith.constant 0 : i32
    %add3A_6 = arith.addi %mul3A_4, %add3A_5 : i32
    %mul3A_7 = arith.constant 40 : i32
    %mul3A_8 = arith.muli %add3A_6, %mul3A_7 : i32
    "tpu.region"() ({
      %run_scoped3A = tpu.sem_alloc : memref<!tpu.dma_semaphore, #tpu.memory_space<semaphore_mem>>
      %dma_start3A_103 = arith.constant 0 : i32
      %dma_start3A_104 = tpu.memref_slice %arg3[%mul3A_8, %dma_start3A_103] : memref<2560x128xi32, #tpu.memory_space<hbm>> -> memref<40x128xi32, #tpu.memory_space<hbm>>
      %dma_start3A_105 = arith.constant 0 : i32
      %dma_start3A_106 = tpu.memref_slice %arg3[%mul3A_8, %dma_start3A_105] : memref<2560x128xi32, #tpu.memory_space<hbm>> -> memref<40x128xi32, #tpu.memory_space<hbm>>
      tpu.enqueue_dma source(%dma_start3A_106 : memref<40x128xi32, #tpu.memory_space<hbm>>) target(%arg8 : memref<40x128xi32, #tpu.memory_space<vmem>>) target_semaphore(%run_scoped3A : memref<!tpu.dma_semaphore, #tpu.memory_space<semaphore_mem>>)
      %dma_wait3A_107 = arith.constant 0 : i32
      %dma_wait3A_108 = tpu.memref_slice %arg3[%mul3A_8, %dma_wait3A_107] : memref<2560x128xi32, #tpu.memory_space<hbm>> -> memref<40x128xi32, #tpu.memory_space<hbm>>
      %dma_wait3A_109 = arith.constant 0 : i32
      %dma_wait3A_110 = tpu.memref_slice %arg3[%mul3A_8, %dma_wait3A_109] : memref<2560x128xi32, #tpu.memory_space<hbm>> -> memref<40x128xi32, #tpu.memory_space<hbm>>
      tpu.wait_dma2 semaphore(%run_scoped3A : memref<!tpu.dma_semaphore, #tpu.memory_space<semaphore_mem>>) src(%dma_wait3A_110 : memref<40x128xi32, #tpu.memory_space<hbm>>) dst(%arg8 : memref<40x128xi32, #tpu.memory_space<vmem>>)
      tpu.yield
    }) : () -> ()
    %mul3A_9 = arith.constant 2 : i32
    %mul3A_10 = arith.muli %arg1, %mul3A_9 : i32
    %add3A_11 = arith.constant 0 : i32
    %add3A_12 = arith.addi %mul3A_10, %add3A_11 : i32
    %mul3A_13 = arith.constant 40 : i32
    %mul3A_14 = arith.muli %add3A_12, %mul3A_13 : i32
    "tpu.region"() ({
      %run_scoped3A = tpu.sem_alloc : memref<!tpu.dma_semaphore, #tpu.memory_space<semaphore_mem>>
      %dma_start3A_103 = arith.constant 0 : i32
      %dma_start3A_104 = tpu.memref_slice %arg4[%mul3A_14, %dma_start3A_103] : memref<1280x128xi32, #tpu.memory_space<hbm>> -> memref<40x128xi32, #tpu.memory_space<hbm>>
      %dma_start3A_105 = arith.constant 0 : i32
      %dma_start3A_106 = tpu.memref_slice %arg4[%mul3A_14, %dma_start3A_105] : memref<1280x128xi32, #tpu.memory_space<hbm>> -> memref<40x128xi32, #tpu.memory_space<hbm>>
      tpu.enqueue_dma source(%dma_start3A_106 : memref<40x128xi32, #tpu.memory_space<hbm>>) target(%arg9 : memref<40x128xi32, #tpu.memory_space<vmem>>) target_semaphore(%run_scoped3A : memref<!tpu.dma_semaphore, #tpu.memory_space<semaphore_mem>>)
      %dma_wait3A_107 = arith.constant 0 : i32
      %dma_wait3A_108 = tpu.memref_slice %arg4[%mul3A_14, %dma_wait3A_107] : memref<1280x128xi32, #tpu.memory_space<hbm>> -> memref<40x128xi32, #tpu.memory_space<hbm>>
      %dma_wait3A_109 = arith.constant 0 : i32
      %dma_wait3A_110 = tpu.memref_slice %arg4[%mul3A_14, %dma_wait3A_109] : memref<1280x128xi32, #tpu.memory_space<hbm>> -> memref<40x128xi32, #tpu.memory_space<hbm>>
      tpu.wait_dma2 semaphore(%run_scoped3A : memref<!tpu.dma_semaphore, #tpu.memory_space<semaphore_mem>>) src(%dma_wait3A_110 : memref<40x128xi32, #tpu.memory_space<hbm>>) dst(%arg9 : memref<40x128xi32, #tpu.memory_space<vmem>>)
      tpu.yield
    }) : () -> ()
    %dma_start3A = arith.constant 0 : i32
    %dma_start3A_15 = arith.constant 0 : i32
    %dma_start3A_16 = tpu.memref_slice %arg8[%dma_start3A, %dma_start3A_15] : memref<40x128xi32, #tpu.memory_space<vmem>> -> memref<1x128xi32, #tpu.memory_space<vmem>>
    %dma_start3A_17 = tpu.memref_squeeze %dma_start3A_16 : memref<1x128xi32, #tpu.memory_space<vmem>> -> memref<128xi32, #tpu.memory_space<vmem>>
    %dma_start3A_18 = arith.constant 0 : i32
    %dma_start3A_19 = arith.constant 0 : i32
    %dma_start3A_20 = tpu.memref_slice %arg2[%dma_start3A_18, %dma_start3A_19] : memref<20000x128xf32, #tpu.memory_space<hbm>> -> memref<20000x128xf32, #tpu.memory_space<hbm>>
    tpu.enqueue_indirect_dma source(%dma_start3A_20 : memref<20000x128xf32, #tpu.memory_space<hbm>>) target(%arg10 : memref<128x128xf32, #tpu.memory_space<vmem>>) offsets(%dma_start3A_17 : memref<128xi32, #tpu.memory_space<vmem>>) semaphore(%arg12 : memref<!tpu.dma_semaphore, #tpu.memory_space<semaphore_mem>>)
    %dma_start3A_21 = arith.constant 1 : i32
    %dma_start3A_22 = arith.constant 0 : i32
    %dma_start3A_23 = tpu.memref_slice %arg8[%dma_start3A_21, %dma_start3A_22] : memref<40x128xi32, #tpu.memory_space<vmem>> -> memref<1x128xi32, #tpu.memory_space<vmem>>
    %dma_start3A_24 = tpu.memref_squeeze %dma_start3A_23 : memref<1x128xi32, #tpu.memory_space<vmem>> -> memref<128xi32, #tpu.memory_space<vmem>>
    %dma_start3A_25 = arith.constant 0 : i32
    %dma_start3A_26 = arith.constant 0 : i32
    %dma_start3A_27 = tpu.memref_slice %arg2[%dma_start3A_25, %dma_start3A_26] : memref<20000x128xf32, #tpu.memory_space<hbm>> -> memref<20000x128xf32, #tpu.memory_space<hbm>>
    tpu.enqueue_indirect_dma source(%dma_start3A_27 : memref<20000x128xf32, #tpu.memory_space<hbm>>) target(%arg11 : memref<128x128xf32, #tpu.memory_space<vmem>>) offsets(%dma_start3A_24 : memref<128xi32, #tpu.memory_space<vmem>>) semaphore(%arg12 : memref<!tpu.dma_semaphore, #tpu.memory_space<semaphore_mem>>)
    %scan3A = arith.constant 0 : i32
    %scan3A_28 = arith.constant 0 : i32
    %scan3A_29 = arith.constant 20 : i32
    %scan3A_30 = arith.addi %scan3A_28, %scan3A_29 : i32
    %scan3A_31 = arith.constant 1 : i32
    scf.for %scan3A_103 = %scan3A_28 to %scan3A_30 step %scan3A_31  : i32 {
      %mul3A_104 = arith.constant 2 : i32
      %mul3A_105 = arith.muli %mul3A_104, %scan3A_103 : i32
      %dma_wait3A_106 = arith.constant 0 : i32
      %dma_wait3A_107 = arith.constant 0 : i32
      %dma_wait3A_108 = tpu.memref_slice %arg8[%dma_wait3A_106, %dma_wait3A_107] : memref<40x128xi32, #tpu.memory_space<vmem>> -> memref<1x128xi32, #tpu.memory_space<vmem>>
      %dma_wait3A_109 = tpu.memref_squeeze %dma_wait3A_108 : memref<1x128xi32, #tpu.memory_space<vmem>> -> memref<128xi32, #tpu.memory_space<vmem>>
      %dma_wait3A_110 = arith.constant 0 : i32
      %dma_wait3A_111 = arith.constant 0 : i32
      %dma_wait3A_112 = tpu.memref_slice %arg2[%dma_wait3A_110, %dma_wait3A_111] : memref<20000x128xf32, #tpu.memory_space<hbm>> -> memref<20000x128xf32, #tpu.memory_space<hbm>>
      tpu.wait_indirect_dma semaphore(%arg12 : memref<!tpu.dma_semaphore, #tpu.memory_space<semaphore_mem>>) src(%dma_wait3A_112 : memref<20000x128xf32, #tpu.memory_space<hbm>>) dst(%arg10 : memref<128x128xf32, #tpu.memory_space<vmem>>)
      %dma_start3A_113 = arith.constant 0 : i32
      %dma_start3A_114 = tpu.memref_slice %arg9[%mul3A_105, %dma_start3A_113] : memref<40x128xi32, #tpu.memory_space<vmem>> -> memref<1x128xi32, #tpu.memory_space<vmem>>
      %dma_start3A_115 = tpu.memref_squeeze %dma_start3A_114 : memref<1x128xi32, #tpu.memory_space<vmem>> -> memref<128xi32, #tpu.memory_space<vmem>>
      %dma_start3A_116 = arith.constant 0 : i32
      %dma_start3A_117 = arith.constant 0 : i32
      %dma_start3A_118 = tpu.memref_slice %arg7[%dma_start3A_116, %dma_start3A_117] : memref<10240x128xf32, #tpu.memory_space<vmem_shared>> -> memref<10240x128xf32, #tpu.memory_space<vmem_shared>>
      tpu.enqueue_indirect_dma source(%arg10 : memref<128x128xf32, #tpu.memory_space<vmem>>) target(%dma_start3A_118 : memref<10240x128xf32, #tpu.memory_space<vmem_shared>>) offsets(%dma_start3A_115 : memref<128xi32, #tpu.memory_space<vmem>>) semaphore(%arg13 : memref<!tpu.dma_semaphore, #tpu.memory_space<semaphore_mem>>) {add = true}
      %dma_wait3A_119 = arith.constant 0 : i32
      %dma_wait3A_120 = arith.constant 0 : i32
      %dma_wait3A_121 = tpu.memref_slice %arg8[%dma_wait3A_119, %dma_wait3A_120] : memref<40x128xi32, #tpu.memory_space<vmem>> -> memref<1x128xi32, #tpu.memory_space<vmem>>
      %dma_wait3A_122 = tpu.memref_squeeze %dma_wait3A_121 : memref<1x128xi32, #tpu.memory_space<vmem>> -> memref<128xi32, #tpu.memory_space<vmem>>
      %dma_wait3A_123 = arith.constant 0 : i32
      %dma_wait3A_124 = arith.constant 0 : i32
      %dma_wait3A_125 = tpu.memref_slice %arg2[%dma_wait3A_123, %dma_wait3A_124] : memref<20000x128xf32, #tpu.memory_space<hbm>> -> memref<20000x128xf32, #tpu.memory_space<hbm>>
      tpu.wait_indirect_dma semaphore(%arg12 : memref<!tpu.dma_semaphore, #tpu.memory_space<semaphore_mem>>) src(%dma_wait3A_125 : memref<20000x128xf32, #tpu.memory_space<hbm>>) dst(%arg11 : memref<128x128xf32, #tpu.memory_space<vmem>>)
      %add3A_126 = arith.constant 1 : i32
      %add3A_127 = arith.addi %mul3A_105, %add3A_126 : i32
      %dma_start3A_128 = arith.constant 0 : i32
      %dma_start3A_129 = tpu.memref_slice %arg9[%add3A_127, %dma_start3A_128] : memref<40x128xi32, #tpu.memory_space<vmem>> -> memref<1x128xi32, #tpu.memory_space<vmem>>
      %dma_start3A_130 = tpu.memref_squeeze %dma_start3A_129 : memref<1x128xi32, #tpu.memory_space<vmem>> -> memref<128xi32, #tpu.memory_space<vmem>>
      %dma_start3A_131 = arith.constant 0 : i32
      %dma_start3A_132 = arith.constant 0 : i32
      %dma_start3A_133 = tpu.memref_slice %arg7[%dma_start3A_131, %dma_start3A_132] : memref<10240x128xf32, #tpu.memory_space<vmem_shared>> -> memref<10240x128xf32, #tpu.memory_space<vmem_shared>>
      tpu.enqueue_indirect_dma source(%arg11 : memref<128x128xf32, #tpu.memory_space<vmem>>) target(%dma_start3A_133 : memref<10240x128xf32, #tpu.memory_space<vmem_shared>>) offsets(%dma_start3A_130 : memref<128xi32, #tpu.memory_space<vmem>>) semaphore(%arg13 : memref<!tpu.dma_semaphore, #tpu.memory_space<semaphore_mem>>) {add = true}
      %add3A_134 = arith.constant 2 : i32
      %add3A_135 = arith.addi %mul3A_105, %add3A_134 : i32
      %lt3A = arith.constant 40 : i32
      %lt3A_136 = arith.cmpi slt, %add3A_135, %lt3A : i32
      %convert_element_type3A = arith.extui %lt3A_136 : i1 to i32
      %cond3A = arith.constant 0 : i32
      %cond3A_137 = arith.cmpi ne, %convert_element_type3A, %cond3A : i32
      scf.if %cond3A_137 {
        %dma_wait3A_145 = arith.constant 0 : i32
        %dma_wait3A_146 = arith.constant 0 : i32
        %dma_wait3A_147 = tpu.memref_slice %arg8[%dma_wait3A_145, %dma_wait3A_146] : memref<40x128xi32, #tpu.memory_space<vmem>> -> memref<1x128xi32, #tpu.memory_space<vmem>>
        %dma_wait3A_148 = tpu.memref_squeeze %dma_wait3A_147 : memref<1x128xi32, #tpu.memory_space<vmem>> -> memref<128xi32, #tpu.memory_space<vmem>>
        %dma_wait3A_149 = arith.constant 0 : i32
        %dma_wait3A_150 = arith.constant 0 : i32
        %dma_wait3A_151 = tpu.memref_slice %arg7[%dma_wait3A_149, %dma_wait3A_150] : memref<10240x128xf32, #tpu.memory_space<vmem_shared>> -> memref<10240x128xf32, #tpu.memory_space<vmem_shared>>
        tpu.wait_indirect_dma semaphore(%arg13 : memref<!tpu.dma_semaphore, #tpu.memory_space<semaphore_mem>>) src(%arg10 : memref<128x128xf32, #tpu.memory_space<vmem>>) dst(%dma_wait3A_151 : memref<10240x128xf32, #tpu.memory_space<vmem_shared>>)
        %add3A_152 = arith.constant 2 : i32
        %add3A_153 = arith.addi %mul3A_105, %add3A_152 : i32
        %dma_start3A_154 = arith.constant 0 : i32
        %dma_start3A_155 = tpu.memref_slice %arg8[%add3A_153, %dma_start3A_154] : memref<40x128xi32, #tpu.memory_space<vmem>> -> memref<1x128xi32, #tpu.memory_space<vmem>>
        %dma_start3A_156 = tpu.memref_squeeze %dma_start3A_155 : memref<1x128xi32, #tpu.memory_space<vmem>> -> memref<128xi32, #tpu.memory_space<vmem>>
        %dma_start3A_157 = arith.constant 0 : i32
        %dma_start3A_158 = arith.constant 0 : i32
        %dma_start3A_159 = tpu.memref_slice %arg2[%dma_start3A_157, %dma_start3A_158] : memref<20000x128xf32, #tpu.memory_space<hbm>> -> memref<20000x128xf32, #tpu.memory_space<hbm>>
        tpu.enqueue_indirect_dma source(%dma_start3A_159 : memref<20000x128xf32, #tpu.memory_space<hbm>>) target(%arg10 : memref<128x128xf32, #tpu.memory_space<vmem>>) offsets(%dma_start3A_156 : memref<128xi32, #tpu.memory_space<vmem>>) semaphore(%arg12 : memref<!tpu.dma_semaphore, #tpu.memory_space<semaphore_mem>>)
      } else {
      }
      %add3A_138 = arith.constant 3 : i32
      %add3A_139 = arith.addi %mul3A_105, %add3A_138 : i32
      %lt3A_140 = arith.constant 40 : i32
      %lt3A_141 = arith.cmpi slt, %add3A_139, %lt3A_140 : i32
      %convert_element_type3A_142 = arith.extui %lt3A_141 : i1 to i32
      %cond3A_143 = arith.constant 0 : i32
      %cond3A_144 = arith.cmpi ne, %convert_element_type3A_142, %cond3A_143 : i32
      scf.if %cond3A_144 {
        %dma_wait3A_145 = arith.constant 0 : i32
        %dma_wait3A_146 = arith.constant 0 : i32
        %dma_wait3A_147 = tpu.memref_slice %arg8[%dma_wait3A_145, %dma_wait3A_146] : memref<40x128xi32, #tpu.memory_space<vmem>> -> memref<1x128xi32, #tpu.memory_space<vmem>>
        %dma_wait3A_148 = tpu.memref_squeeze %dma_wait3A_147 : memref<1x128xi32, #tpu.memory_space<vmem>> -> memref<128xi32, #tpu.memory_space<vmem>>
        %dma_wait3A_149 = arith.constant 0 : i32
        %dma_wait3A_150 = arith.constant 0 : i32
        %dma_wait3A_151 = tpu.memref_slice %arg7[%dma_wait3A_149, %dma_wait3A_150] : memref<10240x128xf32, #tpu.memory_space<vmem_shared>> -> memref<10240x128xf32, #tpu.memory_space<vmem_shared>>
        tpu.wait_indirect_dma semaphore(%arg13 : memref<!tpu.dma_semaphore, #tpu.memory_space<semaphore_mem>>) src(%arg11 : memref<128x128xf32, #tpu.memory_space<vmem>>) dst(%dma_wait3A_151 : memref<10240x128xf32, #tpu.memory_space<vmem_shared>>)
        %add3A_152 = arith.constant 3 : i32
        %add3A_153 = arith.addi %mul3A_105, %add3A_152 : i32
        %dma_start3A_154 = arith.constant 0 : i32
        %dma_start3A_155 = tpu.memref_slice %arg8[%add3A_153, %dma_start3A_154] : memref<40x128xi32, #tpu.memory_space<vmem>> -> memref<1x128xi32, #tpu.memory_space<vmem>>
        %dma_start3A_156 = tpu.memref_squeeze %dma_start3A_155 : memref<1x128xi32, #tpu.memory_space<vmem>> -> memref<128xi32, #tpu.memory_space<vmem>>
        %dma_start3A_157 = arith.constant 0 : i32
        %dma_start3A_158 = arith.constant 0 : i32
        %dma_start3A_159 = tpu.memref_slice %arg2[%dma_start3A_157, %dma_start3A_158] : memref<20000x128xf32, #tpu.memory_space<hbm>> -> memref<20000x128xf32, #tpu.memory_space<hbm>>
        tpu.enqueue_indirect_dma source(%dma_start3A_159 : memref<20000x128xf32, #tpu.memory_space<hbm>>) target(%arg11 : memref<128x128xf32, #tpu.memory_space<vmem>>) offsets(%dma_start3A_156 : memref<128xi32, #tpu.memory_space<vmem>>) semaphore(%arg12 : memref<!tpu.dma_semaphore, #tpu.memory_space<semaphore_mem>>)
      } else {
      }
    }
    %scan3A_32 = arith.constant 20 : i32
    %dma_wait3A = arith.constant 0 : i32
    %dma_wait3A_33 = arith.constant 0 : i32
    %dma_wait3A_34 = tpu.memref_slice %arg8[%dma_wait3A, %dma_wait3A_33] : memref<40x128xi32, #tpu.memory_space<vmem>> -> memref<1x128xi32, #tpu.memory_space<vmem>>
    %dma_wait3A_35 = tpu.memref_squeeze %dma_wait3A_34 : memref<1x128xi32, #tpu.memory_space<vmem>> -> memref<128xi32, #tpu.memory_space<vmem>>
    %dma_wait3A_36 = arith.constant 0 : i32
    %dma_wait3A_37 = arith.constant 0 : i32
    %dma_wait3A_38 = tpu.memref_slice %arg7[%dma_wait3A_36, %dma_wait3A_37] : memref<10240x128xf32, #tpu.memory_space<vmem_shared>> -> memref<10240x128xf32, #tpu.memory_space<vmem_shared>>
    tpu.wait_indirect_dma semaphore(%arg13 : memref<!tpu.dma_semaphore, #tpu.memory_space<semaphore_mem>>) src(%arg10 : memref<128x128xf32, #tpu.memory_space<vmem>>) dst(%dma_wait3A_38 : memref<10240x128xf32, #tpu.memory_space<vmem_shared>>)
    %dma_wait3A_39 = arith.constant 0 : i32
    %dma_wait3A_40 = arith.constant 0 : i32
    %dma_wait3A_41 = tpu.memref_slice %arg8[%dma_wait3A_39, %dma_wait3A_40] : memref<40x128xi32, #tpu.memory_space<vmem>> -> memref<1x128xi32, #tpu.memory_space<vmem>>
    %dma_wait3A_42 = tpu.memref_squeeze %dma_wait3A_41 : memref<1x128xi32, #tpu.memory_space<vmem>> -> memref<128xi32, #tpu.memory_space<vmem>>
    %dma_wait3A_43 = arith.constant 0 : i32
    %dma_wait3A_44 = arith.constant 0 : i32
    %dma_wait3A_45 = tpu.memref_slice %arg7[%dma_wait3A_43, %dma_wait3A_44] : memref<10240x128xf32, #tpu.memory_space<vmem_shared>> -> memref<10240x128xf32, #tpu.memory_space<vmem_shared>>
    tpu.wait_indirect_dma semaphore(%arg13 : memref<!tpu.dma_semaphore, #tpu.memory_space<semaphore_mem>>) src(%arg11 : memref<128x128xf32, #tpu.memory_space<vmem>>) dst(%dma_wait3A_45 : memref<10240x128xf32, #tpu.memory_space<vmem_shared>>)
    %mul3A_46 = arith.constant 16 : i32
    %mul3A_47 = arith.muli %arg0, %mul3A_46 : i32
    %add3A_48 = arith.addi %mul3A_47, %arg1 : i32
    %mul3A_49 = arith.constant 2 : i32
    %mul3A_50 = arith.muli %add3A_48, %mul3A_49 : i32
    %add3A_51 = arith.constant 1 : i32
    %add3A_52 = arith.addi %mul3A_50, %add3A_51 : i32
    %mul3A_53 = arith.constant 40 : i32
    %mul3A_54 = arith.muli %add3A_52, %mul3A_53 : i32
    "tpu.region"() ({
      %run_scoped3A = tpu.sem_alloc : memref<!tpu.dma_semaphore, #tpu.memory_space<semaphore_mem>>
      %dma_start3A_103 = arith.constant 0 : i32
      %dma_start3A_104 = tpu.memref_slice %arg3[%mul3A_54, %dma_start3A_103] : memref<2560x128xi32, #tpu.memory_space<hbm>> -> memref<40x128xi32, #tpu.memory_space<hbm>>
      %dma_start3A_105 = arith.constant 0 : i32
      %dma_start3A_106 = tpu.memref_slice %arg3[%mul3A_54, %dma_start3A_105] : memref<2560x128xi32, #tpu.memory_space<hbm>> -> memref<40x128xi32, #tpu.memory_space<hbm>>
      tpu.enqueue_dma source(%dma_start3A_106 : memref<40x128xi32, #tpu.memory_space<hbm>>) target(%arg8 : memref<40x128xi32, #tpu.memory_space<vmem>>) target_semaphore(%run_scoped3A : memref<!tpu.dma_semaphore, #tpu.memory_space<semaphore_mem>>)
      %dma_wait3A_107 = arith.constant 0 : i32
      %dma_wait3A_108 = tpu.memref_slice %arg3[%mul3A_54, %dma_wait3A_107] : memref<2560x128xi32, #tpu.memory_space<hbm>> -> memref<40x128xi32, #tpu.memory_space<hbm>>
      %dma_wait3A_109 = arith.constant 0 : i32
      %dma_wait3A_110 = tpu.memref_slice %arg3[%mul3A_54, %dma_wait3A_109] : memref<2560x128xi32, #tpu.memory_space<hbm>> -> memref<40x128xi32, #tpu.memory_space<hbm>>
      tpu.wait_dma2 semaphore(%run_scoped3A : memref<!tpu.dma_semaphore, #tpu.memory_space<semaphore_mem>>) src(%dma_wait3A_110 : memref<40x128xi32, #tpu.memory_space<hbm>>) dst(%arg8 : memref<40x128xi32, #tpu.memory_space<vmem>>)
      tpu.yield
    }) : () -> ()
    %mul3A_55 = arith.constant 2 : i32
    %mul3A_56 = arith.muli %arg1, %mul3A_55 : i32
    %add3A_57 = arith.constant 1 : i32
    %add3A_58 = arith.addi %mul3A_56, %add3A_57 : i32
    %mul3A_59 = arith.constant 40 : i32
    %mul3A_60 = arith.muli %add3A_58, %mul3A_59 : i32
    "tpu.region"() ({
      %run_scoped3A = tpu.sem_alloc : memref<!tpu.dma_semaphore, #tpu.memory_space<semaphore_mem>>
      %dma_start3A_103 = arith.constant 0 : i32
      %dma_start3A_104 = tpu.memref_slice %arg4[%mul3A_60, %dma_start3A_103] : memref<1280x128xi32, #tpu.memory_space<hbm>> -> memref<40x128xi32, #tpu.memory_space<hbm>>
      %dma_start3A_105 = arith.constant 0 : i32
      %dma_start3A_106 = tpu.memref_slice %arg4[%mul3A_60, %dma_start3A_105] : memref<1280x128xi32, #tpu.memory_space<hbm>> -> memref<40x128xi32, #tpu.memory_space<hbm>>
      tpu.enqueue_dma source(%dma_start3A_106 : memref<40x128xi32, #tpu.memory_space<hbm>>) target(%arg9 : memref<40x128xi32, #tpu.memory_space<vmem>>) target_semaphore(%run_scoped3A : memref<!tpu.dma_semaphore, #tpu.memory_space<semaphore_mem>>)
      %dma_wait3A_107 = arith.constant 0 : i32
      %dma_wait3A_108 = tpu.memref_slice %arg4[%mul3A_60, %dma_wait3A_107] : memref<1280x128xi32, #tpu.memory_space<hbm>> -> memref<40x128xi32, #tpu.memory_space<hbm>>
      %dma_wait3A_109 = arith.constant 0 : i32
      %dma_wait3A_110 = tpu.memref_slice %arg4[%mul3A_60, %dma_wait3A_109] : memref<1280x128xi32, #tpu.memory_space<hbm>> -> memref<40x128xi32, #tpu.memory_space<hbm>>
      tpu.wait_dma2 semaphore(%run_scoped3A : memref<!tpu.dma_semaphore, #tpu.memory_space<semaphore_mem>>) src(%dma_wait3A_110 : memref<40x128xi32, #tpu.memory_space<hbm>>) dst(%arg9 : memref<40x128xi32, #tpu.memory_space<vmem>>)
      tpu.yield
    }) : () -> ()
    %dma_start3A_61 = arith.constant 0 : i32
    %dma_start3A_62 = arith.constant 0 : i32
    %dma_start3A_63 = tpu.memref_slice %arg8[%dma_start3A_61, %dma_start3A_62] : memref<40x128xi32, #tpu.memory_space<vmem>> -> memref<1x128xi32, #tpu.memory_space<vmem>>
    %dma_start3A_64 = tpu.memref_squeeze %dma_start3A_63 : memref<1x128xi32, #tpu.memory_space<vmem>> -> memref<128xi32, #tpu.memory_space<vmem>>
    %dma_start3A_65 = arith.constant 0 : i32
    %dma_start3A_66 = arith.constant 0 : i32
    %dma_start3A_67 = tpu.memref_slice %arg2[%dma_start3A_65, %dma_start3A_66] : memref<20000x128xf32, #tpu.memory_space<hbm>> -> memref<20000x128xf32, #tpu.memory_space<hbm>>
    tpu.enqueue_indirect_dma source(%dma_start3A_67 : memref<20000x128xf32, #tpu.memory_space<hbm>>) target(%arg10 : memref<128x128xf32, #tpu.memory_space<vmem>>) offsets(%dma_start3A_64 : memref<128xi32, #tpu.memory_space<vmem>>) semaphore(%arg12 : memref<!tpu.dma_semaphore, #tpu.memory_space<semaphore_mem>>)
    %dma_start3A_68 = arith.constant 1 : i32
    %dma_start3A_69 = arith.constant 0 : i32
    %dma_start3A_70 = tpu.memref_slice %arg8[%dma_start3A_68, %dma_start3A_69] : memref<40x128xi32, #tpu.memory_space<vmem>> -> memref<1x128xi32, #tpu.memory_space<vmem>>
    %dma_start3A_71 = tpu.memref_squeeze %dma_start3A_70 : memref<1x128xi32, #tpu.memory_space<vmem>> -> memref<128xi32, #tpu.memory_space<vmem>>
    %dma_start3A_72 = arith.constant 0 : i32
    %dma_start3A_73 = arith.constant 0 : i32
    %dma_start3A_74 = tpu.memref_slice %arg2[%dma_start3A_72, %dma_start3A_73] : memref<20000x128xf32, #tpu.memory_space<hbm>> -> memref<20000x128xf32, #tpu.memory_space<hbm>>
    tpu.enqueue_indirect_dma source(%dma_start3A_74 : memref<20000x128xf32, #tpu.memory_space<hbm>>) target(%arg11 : memref<128x128xf32, #tpu.memory_space<vmem>>) offsets(%dma_start3A_71 : memref<128xi32, #tpu.memory_space<vmem>>) semaphore(%arg12 : memref<!tpu.dma_semaphore, #tpu.memory_space<semaphore_mem>>)
    %scan3A_75 = arith.constant 0 : i32
    %scan3A_76 = arith.constant 0 : i32
    %scan3A_77 = arith.constant 20 : i32
    %scan3A_78 = arith.addi %scan3A_76, %scan3A_77 : i32
    %scan3A_79 = arith.constant 1 : i32
    scf.for %scan3A_103 = %scan3A_76 to %scan3A_78 step %scan3A_79  : i32 {
      %mul3A_104 = arith.constant 2 : i32
      %mul3A_105 = arith.muli %mul3A_104, %scan3A_103 : i32
      %dma_wait3A_106 = arith.constant 0 : i32
      %dma_wait3A_107 = arith.constant 0 : i32
      %dma_wait3A_108 = tpu.memref_slice %arg8[%dma_wait3A_106, %dma_wait3A_107] : memref<40x128xi32, #tpu.memory_space<vmem>> -> memref<1x128xi32, #tpu.memory_space<vmem>>
      %dma_wait3A_109 = tpu.memref_squeeze %dma_wait3A_108 : memref<1x128xi32, #tpu.memory_space<vmem>> -> memref<128xi32, #tpu.memory_space<vmem>>
      %dma_wait3A_110 = arith.constant 0 : i32
      %dma_wait3A_111 = arith.constant 0 : i32
      %dma_wait3A_112 = tpu.memref_slice %arg2[%dma_wait3A_110, %dma_wait3A_111] : memref<20000x128xf32, #tpu.memory_space<hbm>> -> memref<20000x128xf32, #tpu.memory_space<hbm>>
      tpu.wait_indirect_dma semaphore(%arg12 : memref<!tpu.dma_semaphore, #tpu.memory_space<semaphore_mem>>) src(%dma_wait3A_112 : memref<20000x128xf32, #tpu.memory_space<hbm>>) dst(%arg10 : memref<128x128xf32, #tpu.memory_space<vmem>>)
      %dma_start3A_113 = arith.constant 0 : i32
      %dma_start3A_114 = tpu.memref_slice %arg9[%mul3A_105, %dma_start3A_113] : memref<40x128xi32, #tpu.memory_space<vmem>> -> memref<1x128xi32, #tpu.memory_space<vmem>>
      %dma_start3A_115 = tpu.memref_squeeze %dma_start3A_114 : memref<1x128xi32, #tpu.memory_space<vmem>> -> memref<128xi32, #tpu.memory_space<vmem>>
      %dma_start3A_116 = arith.constant 0 : i32
      %dma_start3A_117 = arith.constant 0 : i32
      %dma_start3A_118 = tpu.memref_slice %arg7[%dma_start3A_116, %dma_start3A_117] : memref<10240x128xf32, #tpu.memory_space<vmem_shared>> -> memref<10240x128xf32, #tpu.memory_space<vmem_shared>>
      tpu.enqueue_indirect_dma source(%arg10 : memref<128x128xf32, #tpu.memory_space<vmem>>) target(%dma_start3A_118 : memref<10240x128xf32, #tpu.memory_space<vmem_shared>>) offsets(%dma_start3A_115 : memref<128xi32, #tpu.memory_space<vmem>>) semaphore(%arg13 : memref<!tpu.dma_semaphore, #tpu.memory_space<semaphore_mem>>) {add = true}
      %dma_wait3A_119 = arith.constant 0 : i32
      %dma_wait3A_120 = arith.constant 0 : i32
      %dma_wait3A_121 = tpu.memref_slice %arg8[%dma_wait3A_119, %dma_wait3A_120] : memref<40x128xi32, #tpu.memory_space<vmem>> -> memref<1x128xi32, #tpu.memory_space<vmem>>
      %dma_wait3A_122 = tpu.memref_squeeze %dma_wait3A_121 : memref<1x128xi32, #tpu.memory_space<vmem>> -> memref<128xi32, #tpu.memory_space<vmem>>
      %dma_wait3A_123 = arith.constant 0 : i32
      %dma_wait3A_124 = arith.constant 0 : i32
      %dma_wait3A_125 = tpu.memref_slice %arg2[%dma_wait3A_123, %dma_wait3A_124] : memref<20000x128xf32, #tpu.memory_space<hbm>> -> memref<20000x128xf32, #tpu.memory_space<hbm>>
      tpu.wait_indirect_dma semaphore(%arg12 : memref<!tpu.dma_semaphore, #tpu.memory_space<semaphore_mem>>) src(%dma_wait3A_125 : memref<20000x128xf32, #tpu.memory_space<hbm>>) dst(%arg11 : memref<128x128xf32, #tpu.memory_space<vmem>>)
      %add3A_126 = arith.constant 1 : i32
      %add3A_127 = arith.addi %mul3A_105, %add3A_126 : i32
      %dma_start3A_128 = arith.constant 0 : i32
      %dma_start3A_129 = tpu.memref_slice %arg9[%add3A_127, %dma_start3A_128] : memref<40x128xi32, #tpu.memory_space<vmem>> -> memref<1x128xi32, #tpu.memory_space<vmem>>
      %dma_start3A_130 = tpu.memref_squeeze %dma_start3A_129 : memref<1x128xi32, #tpu.memory_space<vmem>> -> memref<128xi32, #tpu.memory_space<vmem>>
      %dma_start3A_131 = arith.constant 0 : i32
      %dma_start3A_132 = arith.constant 0 : i32
      %dma_start3A_133 = tpu.memref_slice %arg7[%dma_start3A_131, %dma_start3A_132] : memref<10240x128xf32, #tpu.memory_space<vmem_shared>> -> memref<10240x128xf32, #tpu.memory_space<vmem_shared>>
      tpu.enqueue_indirect_dma source(%arg11 : memref<128x128xf32, #tpu.memory_space<vmem>>) target(%dma_start3A_133 : memref<10240x128xf32, #tpu.memory_space<vmem_shared>>) offsets(%dma_start3A_130 : memref<128xi32, #tpu.memory_space<vmem>>) semaphore(%arg13 : memref<!tpu.dma_semaphore, #tpu.memory_space<semaphore_mem>>) {add = true}
      %add3A_134 = arith.constant 2 : i32
      %add3A_135 = arith.addi %mul3A_105, %add3A_134 : i32
      %lt3A = arith.constant 40 : i32
      %lt3A_136 = arith.cmpi slt, %add3A_135, %lt3A : i32
      %convert_element_type3A = arith.extui %lt3A_136 : i1 to i32
      %cond3A = arith.constant 0 : i32
      %cond3A_137 = arith.cmpi ne, %convert_element_type3A, %cond3A : i32
      scf.if %cond3A_137 {
        %dma_wait3A_145 = arith.constant 0 : i32
        %dma_wait3A_146 = arith.constant 0 : i32
        %dma_wait3A_147 = tpu.memref_slice %arg8[%dma_wait3A_145, %dma_wait3A_146] : memref<40x128xi32, #tpu.memory_space<vmem>> -> memref<1x128xi32, #tpu.memory_space<vmem>>
        %dma_wait3A_148 = tpu.memref_squeeze %dma_wait3A_147 : memref<1x128xi32, #tpu.memory_space<vmem>> -> memref<128xi32, #tpu.memory_space<vmem>>
        %dma_wait3A_149 = arith.constant 0 : i32
        %dma_wait3A_150 = arith.constant 0 : i32
        %dma_wait3A_151 = tpu.memref_slice %arg7[%dma_wait3A_149, %dma_wait3A_150] : memref<10240x128xf32, #tpu.memory_space<vmem_shared>> -> memref<10240x128xf32, #tpu.memory_space<vmem_shared>>
        tpu.wait_indirect_dma semaphore(%arg13 : memref<!tpu.dma_semaphore, #tpu.memory_space<semaphore_mem>>) src(%arg10 : memref<128x128xf32, #tpu.memory_space<vmem>>) dst(%dma_wait3A_151 : memref<10240x128xf32, #tpu.memory_space<vmem_shared>>)
        %add3A_152 = arith.constant 2 : i32
        %add3A_153 = arith.addi %mul3A_105, %add3A_152 : i32
        %dma_start3A_154 = arith.constant 0 : i32
        %dma_start3A_155 = tpu.memref_slice %arg8[%add3A_153, %dma_start3A_154] : memref<40x128xi32, #tpu.memory_space<vmem>> -> memref<1x128xi32, #tpu.memory_space<vmem>>
        %dma_start3A_156 = tpu.memref_squeeze %dma_start3A_155 : memref<1x128xi32, #tpu.memory_space<vmem>> -> memref<128xi32, #tpu.memory_space<vmem>>
        %dma_start3A_157 = arith.constant 0 : i32
        %dma_start3A_158 = arith.constant 0 : i32
        %dma_start3A_159 = tpu.memref_slice %arg2[%dma_start3A_157, %dma_start3A_158] : memref<20000x128xf32, #tpu.memory_space<hbm>> -> memref<20000x128xf32, #tpu.memory_space<hbm>>
        tpu.enqueue_indirect_dma source(%dma_start3A_159 : memref<20000x128xf32, #tpu.memory_space<hbm>>) target(%arg10 : memref<128x128xf32, #tpu.memory_space<vmem>>) offsets(%dma_start3A_156 : memref<128xi32, #tpu.memory_space<vmem>>) semaphore(%arg12 : memref<!tpu.dma_semaphore, #tpu.memory_space<semaphore_mem>>)
      } else {
      }
      %add3A_138 = arith.constant 3 : i32
      %add3A_139 = arith.addi %mul3A_105, %add3A_138 : i32
      %lt3A_140 = arith.constant 40 : i32
      %lt3A_141 = arith.cmpi slt, %add3A_139, %lt3A_140 : i32
      %convert_element_type3A_142 = arith.extui %lt3A_141 : i1 to i32
      %cond3A_143 = arith.constant 0 : i32
      %cond3A_144 = arith.cmpi ne, %convert_element_type3A_142, %cond3A_143 : i32
      scf.if %cond3A_144 {
        %dma_wait3A_145 = arith.constant 0 : i32
        %dma_wait3A_146 = arith.constant 0 : i32
        %dma_wait3A_147 = tpu.memref_slice %arg8[%dma_wait3A_145, %dma_wait3A_146] : memref<40x128xi32, #tpu.memory_space<vmem>> -> memref<1x128xi32, #tpu.memory_space<vmem>>
        %dma_wait3A_148 = tpu.memref_squeeze %dma_wait3A_147 : memref<1x128xi32, #tpu.memory_space<vmem>> -> memref<128xi32, #tpu.memory_space<vmem>>
        %dma_wait3A_149 = arith.constant 0 : i32
        %dma_wait3A_150 = arith.constant 0 : i32
        %dma_wait3A_151 = tpu.memref_slice %arg7[%dma_wait3A_149, %dma_wait3A_150] : memref<10240x128xf32, #tpu.memory_space<vmem_shared>> -> memref<10240x128xf32, #tpu.memory_space<vmem_shared>>
        tpu.wait_indirect_dma semaphore(%arg13 : memref<!tpu.dma_semaphore, #tpu.memory_space<semaphore_mem>>) src(%arg11 : memref<128x128xf32, #tpu.memory_space<vmem>>) dst(%dma_wait3A_151 : memref<10240x128xf32, #tpu.memory_space<vmem_shared>>)
        %add3A_152 = arith.constant 3 : i32
        %add3A_153 = arith.addi %mul3A_105, %add3A_152 : i32
        %dma_start3A_154 = arith.constant 0 : i32
        %dma_start3A_155 = tpu.memref_slice %arg8[%add3A_153, %dma_start3A_154] : memref<40x128xi32, #tpu.memory_space<vmem>> -> memref<1x128xi32, #tpu.memory_space<vmem>>
        %dma_start3A_156 = tpu.memref_squeeze %dma_start3A_155 : memref<1x128xi32, #tpu.memory_space<vmem>> -> memref<128xi32, #tpu.memory_space<vmem>>
        %dma_start3A_157 = arith.constant 0 : i32
        %dma_start3A_158 = arith.constant 0 : i32
        %dma_start3A_159 = tpu.memref_slice %arg2[%dma_start3A_157, %dma_start3A_158] : memref<20000x128xf32, #tpu.memory_space<hbm>> -> memref<20000x128xf32, #tpu.memory_space<hbm>>
        tpu.enqueue_indirect_dma source(%dma_start3A_159 : memref<20000x128xf32, #tpu.memory_space<hbm>>) target(%arg11 : memref<128x128xf32, #tpu.memory_space<vmem>>) offsets(%dma_start3A_156 : memref<128xi32, #tpu.memory_space<vmem>>) semaphore(%arg12 : memref<!tpu.dma_semaphore, #tpu.memory_space<semaphore_mem>>)
      } else {
      }
    }
    %scan3A_80 = arith.constant 20 : i32
    %dma_wait3A_81 = arith.constant 0 : i32
    %dma_wait3A_82 = arith.constant 0 : i32
    %dma_wait3A_83 = tpu.memref_slice %arg8[%dma_wait3A_81, %dma_wait3A_82] : memref<40x128xi32, #tpu.memory_space<vmem>> -> memref<1x128xi32, #tpu.memory_space<vmem>>
    %dma_wait3A_84 = tpu.memref_squeeze %dma_wait3A_83 : memref<1x128xi32, #tpu.memory_space<vmem>> -> memref<128xi32, #tpu.memory_space<vmem>>
    %dma_wait3A_85 = arith.constant 0 : i32
    %dma_wait3A_86 = arith.constant 0 : i32
    %dma_wait3A_87 = tpu.memref_slice %arg7[%dma_wait3A_85, %dma_wait3A_86] : memref<10240x128xf32, #tpu.memory_space<vmem_shared>> -> memref<10240x128xf32, #tpu.memory_space<vmem_shared>>
    tpu.wait_indirect_dma semaphore(%arg13 : memref<!tpu.dma_semaphore, #tpu.memory_space<semaphore_mem>>) src(%arg10 : memref<128x128xf32, #tpu.memory_space<vmem>>) dst(%dma_wait3A_87 : memref<10240x128xf32, #tpu.memory_space<vmem_shared>>)
    %dma_wait3A_88 = arith.constant 0 : i32
    %dma_wait3A_89 = arith.constant 0 : i32
    %dma_wait3A_90 = tpu.memref_slice %arg8[%dma_wait3A_88, %dma_wait3A_89] : memref<40x128xi32, #tpu.memory_space<vmem>> -> memref<1x128xi32, #tpu.memory_space<vmem>>
    %dma_wait3A_91 = tpu.memref_squeeze %dma_wait3A_90 : memref<1x128xi32, #tpu.memory_space<vmem>> -> memref<128xi32, #tpu.memory_space<vmem>>
    %dma_wait3A_92 = arith.constant 0 : i32
    %dma_wait3A_93 = arith.constant 0 : i32
    %dma_wait3A_94 = tpu.memref_slice %arg7[%dma_wait3A_92, %dma_wait3A_93] : memref<10240x128xf32, #tpu.memory_space<vmem_shared>> -> memref<10240x128xf32, #tpu.memory_space<vmem_shared>>
    tpu.wait_indirect_dma semaphore(%arg13 : memref<!tpu.dma_semaphore, #tpu.memory_space<semaphore_mem>>) src(%arg11 : memref<128x128xf32, #tpu.memory_space<vmem>>) dst(%dma_wait3A_94 : memref<10240x128xf32, #tpu.memory_space<vmem_shared>>)
    %barrier3A_95 = arith.constant 0 : index
    tpu.barrier barrier_id(%barrier3A_95)
    %mul3A_96 = arith.constant 640 : i32
    %mul3A_97 = arith.muli %arg1, %mul3A_96 : i32
    %mul3A_98 = arith.constant 10240 : i32
    %mul3A_99 = arith.muli %arg0, %mul3A_98 : i32
    %mul3A_100 = arith.constant 640 : i32
    %mul3A_101 = arith.muli %arg1, %mul3A_100 : i32
    %add3A_102 = arith.addi %mul3A_99, %mul3A_101 : i32
    "tpu.region"() ({
      %run_scoped3A = tpu.sem_alloc : memref<!tpu.dma_semaphore, #tpu.memory_space<semaphore_mem>>
      %dma_start3A_103 = arith.constant 0 : i32
      %dma_start3A_104 = tpu.memref_slice %arg6[%add3A_102, %dma_start3A_103] : memref<20480x128xf32, #tpu.memory_space<hbm>> -> memref<640x128xf32, #tpu.memory_space<hbm>>
      %dma_start3A_105 = arith.constant 0 : i32
      %dma_start3A_106 = tpu.memref_slice %arg7[%mul3A_97, %dma_start3A_105] : memref<10240x128xf32, #tpu.memory_space<vmem_shared>> -> memref<640x128xf32, #tpu.memory_space<vmem_shared>>
      tpu.enqueue_dma source(%dma_start3A_106 : memref<640x128xf32, #tpu.memory_space<vmem_shared>>) target(%dma_start3A_104 : memref<640x128xf32, #tpu.memory_space<hbm>>) target_semaphore(%run_scoped3A : memref<!tpu.dma_semaphore, #tpu.memory_space<semaphore_mem>>)
      %dma_wait3A_107 = arith.constant 0 : i32
      %dma_wait3A_108 = tpu.memref_slice %arg6[%add3A_102, %dma_wait3A_107] : memref<20480x128xf32, #tpu.memory_space<hbm>> -> memref<640x128xf32, #tpu.memory_space<hbm>>
      %dma_wait3A_109 = arith.constant 0 : i32
      %dma_wait3A_110 = tpu.memref_slice %arg7[%mul3A_97, %dma_wait3A_109] : memref<10240x128xf32, #tpu.memory_space<vmem_shared>> -> memref<640x128xf32, #tpu.memory_space<vmem_shared>>
      tpu.wait_dma2 semaphore(%run_scoped3A : memref<!tpu.dma_semaphore, #tpu.memory_space<semaphore_mem>>) src(%dma_wait3A_110 : memref<640x128xf32, #tpu.memory_space<vmem_shared>>) dst(%dma_wait3A_108 : memref<640x128xf32, #tpu.memory_space<hbm>>)
      tpu.yield
    }) : () -> ()
    return
  }
}

#map = affine_map<(d0, d1) -> (0, 0)>
module attributes {stable_mosaic.version = 14 : i64} {
  func.func @seg_kernel(%arg0: i32, %arg1: i32, %arg2: memref<20000x128xf32, #tpu.memory_space<hbm>>, %arg3: memref<2560x128xi32, #tpu.memory_space<hbm>>, %arg4: memref<1280x128xi32, #tpu.memory_space<hbm>>, %arg5: memref<640x128xf32, #tpu.memory_space<hbm>>, %arg6: memref<20480x128xf32, #tpu.memory_space<hbm>>, %arg7: memref<10240x128xf32, #tpu.memory_space<vmem_shared>>, %arg8: memref<40x128xi32, #tpu.memory_space<vmem>>, %arg9: memref<40x128xi32, #tpu.memory_space<vmem>>, %arg10: memref<128x128xf32, #tpu.memory_space<vmem>>, %arg11: memref<128x128xf32, #tpu.memory_space<vmem>>, %arg12: memref<!tpu.dma_semaphore, #tpu.memory_space<semaphore_mem>>, %arg13: memref<!tpu.dma_semaphore, #tpu.memory_space<semaphore_mem>>) attributes {dimension_semantics = [#tpu.dimension_semantics<core_parallel>, #tpu.dimension_semantics<subcore_parallel>], iteration_bounds = array<i64: 2, 16>, scalar_prefetch = 0 : i64, scratch_operands = 7 : i64, tpu.core_type = #tpu.core_type<sc_vector_subcore>, window_params = [{transform_indices = #map}, {transform_indices = #map}, {transform_indices = #map}, {transform_indices = #map}, {transform_indices = #map}]} {
    %mul3A = arith.constant 640 : i32
    %mul3A_0 = arith.muli %arg1, %mul3A : i32
    "tpu.region"() ({
      %run_scoped3A = tpu.sem_alloc : memref<!tpu.dma_semaphore, #tpu.memory_space<semaphore_mem>>
      %dma_start3A_103 = arith.constant 0 : i32
      %dma_start3A_104 = tpu.memref_slice %arg7[%mul3A_0, %dma_start3A_103] : memref<10240x128xf32, #tpu.memory_space<vmem_shared>> -> memref<640x128xf32, #tpu.memory_space<vmem_shared>>
      tpu.enqueue_dma source(%arg5 : memref<640x128xf32, #tpu.memory_space<hbm>>) target(%dma_start3A_104 : memref<640x128xf32, #tpu.memory_space<vmem_shared>>) target_semaphore(%run_scoped3A : memref<!tpu.dma_semaphore, #tpu.memory_space<semaphore_mem>>)
      %dma_wait3A_105 = arith.constant 0 : i32
      %dma_wait3A_106 = tpu.memref_slice %arg7[%mul3A_0, %dma_wait3A_105] : memref<10240x128xf32, #tpu.memory_space<vmem_shared>> -> memref<640x128xf32, #tpu.memory_space<vmem_shared>>
      tpu.wait_dma2 semaphore(%run_scoped3A : memref<!tpu.dma_semaphore, #tpu.memory_space<semaphore_mem>>) src(%arg5 : memref<640x128xf32, #tpu.memory_space<hbm>>) dst(%dma_wait3A_106 : memref<640x128xf32, #tpu.memory_space<vmem_shared>>)
      tpu.yield
    }) : () -> ()
    %barrier3A = arith.constant 0 : index
    tpu.barrier barrier_id(%barrier3A)
    %mul3A_1 = arith.constant 16 : i32
    %mul3A_2 = arith.muli %arg0, %mul3A_1 : i32
    %add3A = arith.addi %mul3A_2, %arg1 : i32
    %mul3A_3 = arith.constant 2 : i32
    %mul3A_4 = arith.muli %add3A, %mul3A_3 : i32
    %add3A_5 = arith.constant 0 : i32
    %add3A_6 = arith.addi %mul3A_4, %add3A_5 : i32
    %mul3A_7 = arith.constant 40 : i32
    %mul3A_8 = arith.muli %add3A_6, %mul3A_7 : i32
    "tpu.region"() ({
      %run_scoped3A = tpu.sem_alloc : memref<!tpu.dma_semaphore, #tpu.memory_space<semaphore_mem>>
      %dma_start3A_103 = arith.constant 0 : i32
      %dma_start3A_104 = tpu.memref_slice %arg3[%mul3A_8, %dma_start3A_103] : memref<2560x128xi32, #tpu.memory_space<hbm>> -> memref<40x128xi32, #tpu.memory_space<hbm>>
      %dma_start3A_105 = arith.constant 0 : i32
      %dma_start3A_106 = tpu.memref_slice %arg3[%mul3A_8, %dma_start3A_105] : memref<2560x128xi32, #tpu.memory_space<hbm>> -> memref<40x128xi32, #tpu.memory_space<hbm>>
      tpu.enqueue_dma source(%dma_start3A_106 : memref<40x128xi32, #tpu.memory_space<hbm>>) target(%arg8 : memref<40x128xi32, #tpu.memory_space<vmem>>) target_semaphore(%run_scoped3A : memref<!tpu.dma_semaphore, #tpu.memory_space<semaphore_mem>>)
      %dma_wait3A_107 = arith.constant 0 : i32
      %dma_wait3A_108 = tpu.memref_slice %arg3[%mul3A_8, %dma_wait3A_107] : memref<2560x128xi32, #tpu.memory_space<hbm>> -> memref<40x128xi32, #tpu.memory_space<hbm>>
      %dma_wait3A_109 = arith.constant 0 : i32
      %dma_wait3A_110 = tpu.memref_slice %arg3[%mul3A_8, %dma_wait3A_109] : memref<2560x128xi32, #tpu.memory_space<hbm>> -> memref<40x128xi32, #tpu.memory_space<hbm>>
      tpu.wait_dma2 semaphore(%run_scoped3A : memref<!tpu.dma_semaphore, #tpu.memory_space<semaphore_mem>>) src(%dma_wait3A_110 : memref<40x128xi32, #tpu.memory_space<hbm>>) dst(%arg8 : memref<40x128xi32, #tpu.memory_space<vmem>>)
      tpu.yield
    }) : () -> ()
    %mul3A_9 = arith.constant 2 : i32
    %mul3A_10 = arith.muli %arg1, %mul3A_9 : i32
    %add3A_11 = arith.constant 0 : i32
    %add3A_12 = arith.addi %mul3A_10, %add3A_11 : i32
    %mul3A_13 = arith.constant 40 : i32
    %mul3A_14 = arith.muli %add3A_12, %mul3A_13 : i32
    "tpu.region"() ({
      %run_scoped3A = tpu.sem_alloc : memref<!tpu.dma_semaphore, #tpu.memory_space<semaphore_mem>>
      %dma_start3A_103 = arith.constant 0 : i32
      %dma_start3A_104 = tpu.memref_slice %arg4[%mul3A_14, %dma_start3A_103] : memref<1280x128xi32, #tpu.memory_space<hbm>> -> memref<40x128xi32, #tpu.memory_space<hbm>>
      %dma_start3A_105 = arith.constant 0 : i32
      %dma_start3A_106 = tpu.memref_slice %arg4[%mul3A_14, %dma_start3A_105] : memref<1280x128xi32, #tpu.memory_space<hbm>> -> memref<40x128xi32, #tpu.memory_space<hbm>>
      tpu.enqueue_dma source(%dma_start3A_106 : memref<40x128xi32, #tpu.memory_space<hbm>>) target(%arg9 : memref<40x128xi32, #tpu.memory_space<vmem>>) target_semaphore(%run_scoped3A : memref<!tpu.dma_semaphore, #tpu.memory_space<semaphore_mem>>)
      %dma_wait3A_107 = arith.constant 0 : i32
      %dma_wait3A_108 = tpu.memref_slice %arg4[%mul3A_14, %dma_wait3A_107] : memref<1280x128xi32, #tpu.memory_space<hbm>> -> memref<40x128xi32, #tpu.memory_space<hbm>>
      %dma_wait3A_109 = arith.constant 0 : i32
      %dma_wait3A_110 = tpu.memref_slice %arg4[%mul3A_14, %dma_wait3A_109] : memref<1280x128xi32, #tpu.memory_space<hbm>> -> memref<40x128xi32, #tpu.memory_space<hbm>>
      tpu.wait_dma2 semaphore(%run_scoped3A : memref<!tpu.dma_semaphore, #tpu.memory_space<semaphore_mem>>) src(%dma_wait3A_110 : memref<40x128xi32, #tpu.memory_space<hbm>>) dst(%arg9 : memref<40x128xi32, #tpu.memory_space<vmem>>)
      tpu.yield
    }) : () -> ()
    %dma_start3A = arith.constant 0 : i32
    %dma_start3A_15 = arith.constant 0 : i32
    %dma_start3A_16 = tpu.memref_slice %arg8[%dma_start3A, %dma_start3A_15] : memref<40x128xi32, #tpu.memory_space<vmem>> -> memref<1x128xi32, #tpu.memory_space<vmem>>
    %dma_start3A_17 = tpu.memref_squeeze %dma_start3A_16 : memref<1x128xi32, #tpu.memory_space<vmem>> -> memref<128xi32, #tpu.memory_space<vmem>>
    %dma_start3A_18 = arith.constant 0 : i32
    %dma_start3A_19 = arith.constant 0 : i32
    %dma_start3A_20 = tpu.memref_slice %arg2[%dma_start3A_18, %dma_start3A_19] : memref<20000x128xf32, #tpu.memory_space<hbm>> -> memref<20000x128xf32, #tpu.memory_space<hbm>>
    tpu.enqueue_indirect_dma source(%dma_start3A_20 : memref<20000x128xf32, #tpu.memory_space<hbm>>) target(%arg10 : memref<128x128xf32, #tpu.memory_space<vmem>>) offsets(%dma_start3A_17 : memref<128xi32, #tpu.memory_space<vmem>>) semaphore(%arg12 : memref<!tpu.dma_semaphore, #tpu.memory_space<semaphore_mem>>)
    %dma_start3A_21 = arith.constant 1 : i32
    %dma_start3A_22 = arith.constant 0 : i32
    %dma_start3A_23 = tpu.memref_slice %arg8[%dma_start3A_21, %dma_start3A_22] : memref<40x128xi32, #tpu.memory_space<vmem>> -> memref<1x128xi32, #tpu.memory_space<vmem>>
    %dma_start3A_24 = tpu.memref_squeeze %dma_start3A_23 : memref<1x128xi32, #tpu.memory_space<vmem>> -> memref<128xi32, #tpu.memory_space<vmem>>
    %dma_start3A_25 = arith.constant 0 : i32
    %dma_start3A_26 = arith.constant 0 : i32
    %dma_start3A_27 = tpu.memref_slice %arg2[%dma_start3A_25, %dma_start3A_26] : memref<20000x128xf32, #tpu.memory_space<hbm>> -> memref<20000x128xf32, #tpu.memory_space<hbm>>
    tpu.enqueue_indirect_dma source(%dma_start3A_27 : memref<20000x128xf32, #tpu.memory_space<hbm>>) target(%arg11 : memref<128x128xf32, #tpu.memory_space<vmem>>) offsets(%dma_start3A_24 : memref<128xi32, #tpu.memory_space<vmem>>) semaphore(%arg12 : memref<!tpu.dma_semaphore, #tpu.memory_space<semaphore_mem>>)
    %scan3A = arith.constant 0 : i32
    %scan3A_28 = arith.constant 0 : i32
    %scan3A_29 = arith.constant 20 : i32
    %scan3A_30 = arith.addi %scan3A_28, %scan3A_29 : i32
    %scan3A_31 = arith.constant 1 : i32
    scf.for %scan3A_103 = %scan3A_28 to %scan3A_30 step %scan3A_31  : i32 {
      %mul3A_104 = arith.constant 2 : i32
      %mul3A_105 = arith.muli %mul3A_104, %scan3A_103 : i32
      %dma_wait3A_106 = arith.constant 0 : i32
      %dma_wait3A_107 = arith.constant 0 : i32
      %dma_wait3A_108 = tpu.memref_slice %arg8[%dma_wait3A_106, %dma_wait3A_107] : memref<40x128xi32, #tpu.memory_space<vmem>> -> memref<1x128xi32, #tpu.memory_space<vmem>>
      %dma_wait3A_109 = tpu.memref_squeeze %dma_wait3A_108 : memref<1x128xi32, #tpu.memory_space<vmem>> -> memref<128xi32, #tpu.memory_space<vmem>>
      %dma_wait3A_110 = arith.constant 0 : i32
      %dma_wait3A_111 = arith.constant 0 : i32
      %dma_wait3A_112 = tpu.memref_slice %arg2[%dma_wait3A_110, %dma_wait3A_111] : memref<20000x128xf32, #tpu.memory_space<hbm>> -> memref<20000x128xf32, #tpu.memory_space<hbm>>
      tpu.wait_indirect_dma semaphore(%arg12 : memref<!tpu.dma_semaphore, #tpu.memory_space<semaphore_mem>>) src(%dma_wait3A_112 : memref<20000x128xf32, #tpu.memory_space<hbm>>) dst(%arg10 : memref<128x128xf32, #tpu.memory_space<vmem>>)
      %dma_start3A_113 = arith.constant 0 : i32
      %dma_start3A_114 = tpu.memref_slice %arg9[%mul3A_105, %dma_start3A_113] : memref<40x128xi32, #tpu.memory_space<vmem>> -> memref<1x128xi32, #tpu.memory_space<vmem>>
      %dma_start3A_115 = tpu.memref_squeeze %dma_start3A_114 : memref<1x128xi32, #tpu.memory_space<vmem>> -> memref<128xi32, #tpu.memory_space<vmem>>
      %dma_start3A_116 = arith.constant 0 : i32
      %dma_start3A_117 = arith.constant 0 : i32
      %dma_start3A_118 = tpu.memref_slice %arg7[%dma_start3A_116, %dma_start3A_117] : memref<10240x128xf32, #tpu.memory_space<vmem_shared>> -> memref<10240x128xf32, #tpu.memory_space<vmem_shared>>
      tpu.enqueue_indirect_dma source(%arg10 : memref<128x128xf32, #tpu.memory_space<vmem>>) target(%dma_start3A_118 : memref<10240x128xf32, #tpu.memory_space<vmem_shared>>) offsets(%dma_start3A_115 : memref<128xi32, #tpu.memory_space<vmem>>) semaphore(%arg13 : memref<!tpu.dma_semaphore, #tpu.memory_space<semaphore_mem>>) {add = true}
      %dma_wait3A_119 = arith.constant 0 : i32
      %dma_wait3A_120 = arith.constant 0 : i32
      %dma_wait3A_121 = tpu.memref_slice %arg8[%dma_wait3A_119, %dma_wait3A_120] : memref<40x128xi32, #tpu.memory_space<vmem>> -> memref<1x128xi32, #tpu.memory_space<vmem>>
      %dma_wait3A_122 = tpu.memref_squeeze %dma_wait3A_121 : memref<1x128xi32, #tpu.memory_space<vmem>> -> memref<128xi32, #tpu.memory_space<vmem>>
      %dma_wait3A_123 = arith.constant 0 : i32
      %dma_wait3A_124 = arith.constant 0 : i32
      %dma_wait3A_125 = tpu.memref_slice %arg2[%dma_wait3A_123, %dma_wait3A_124] : memref<20000x128xf32, #tpu.memory_space<hbm>> -> memref<20000x128xf32, #tpu.memory_space<hbm>>
      tpu.wait_indirect_dma semaphore(%arg12 : memref<!tpu.dma_semaphore, #tpu.memory_space<semaphore_mem>>) src(%dma_wait3A_125 : memref<20000x128xf32, #tpu.memory_space<hbm>>) dst(%arg11 : memref<128x128xf32, #tpu.memory_space<vmem>>)
      %add3A_126 = arith.constant 1 : i32
      %add3A_127 = arith.addi %mul3A_105, %add3A_126 : i32
      %dma_start3A_128 = arith.constant 0 : i32
      %dma_start3A_129 = tpu.memref_slice %arg9[%add3A_127, %dma_start3A_128] : memref<40x128xi32, #tpu.memory_space<vmem>> -> memref<1x128xi32, #tpu.memory_space<vmem>>
      %dma_start3A_130 = tpu.memref_squeeze %dma_start3A_129 : memref<1x128xi32, #tpu.memory_space<vmem>> -> memref<128xi32, #tpu.memory_space<vmem>>
      %dma_start3A_131 = arith.constant 0 : i32
      %dma_start3A_132 = arith.constant 0 : i32
      %dma_start3A_133 = tpu.memref_slice %arg7[%dma_start3A_131, %dma_start3A_132] : memref<10240x128xf32, #tpu.memory_space<vmem_shared>> -> memref<10240x128xf32, #tpu.memory_space<vmem_shared>>
      tpu.enqueue_indirect_dma source(%arg11 : memref<128x128xf32, #tpu.memory_space<vmem>>) target(%dma_start3A_133 : memref<10240x128xf32, #tpu.memory_space<vmem_shared>>) offsets(%dma_start3A_130 : memref<128xi32, #tpu.memory_space<vmem>>) semaphore(%arg13 : memref<!tpu.dma_semaphore, #tpu.memory_space<semaphore_mem>>) {add = true}
      %add3A_134 = arith.constant 2 : i32
      %add3A_135 = arith.addi %mul3A_105, %add3A_134 : i32
      %lt3A = arith.constant 40 : i32
      %lt3A_136 = arith.cmpi slt, %add3A_135, %lt3A : i32
      %convert_element_type3A = arith.extui %lt3A_136 : i1 to i32
      %cond3A = arith.constant 0 : i32
      %cond3A_137 = arith.cmpi ne, %convert_element_type3A, %cond3A : i32
      scf.if %cond3A_137 {
        %dma_wait3A_145 = arith.constant 0 : i32
        %dma_wait3A_146 = arith.constant 0 : i32
        %dma_wait3A_147 = tpu.memref_slice %arg8[%dma_wait3A_145, %dma_wait3A_146] : memref<40x128xi32, #tpu.memory_space<vmem>> -> memref<1x128xi32, #tpu.memory_space<vmem>>
        %dma_wait3A_148 = tpu.memref_squeeze %dma_wait3A_147 : memref<1x128xi32, #tpu.memory_space<vmem>> -> memref<128xi32, #tpu.memory_space<vmem>>
        %dma_wait3A_149 = arith.constant 0 : i32
        %dma_wait3A_150 = arith.constant 0 : i32
        %dma_wait3A_151 = tpu.memref_slice %arg7[%dma_wait3A_149, %dma_wait3A_150] : memref<10240x128xf32, #tpu.memory_space<vmem_shared>> -> memref<10240x128xf32, #tpu.memory_space<vmem_shared>>
        tpu.wait_indirect_dma semaphore(%arg13 : memref<!tpu.dma_semaphore, #tpu.memory_space<semaphore_mem>>) src(%arg10 : memref<128x128xf32, #tpu.memory_space<vmem>>) dst(%dma_wait3A_151 : memref<10240x128xf32, #tpu.memory_space<vmem_shared>>)
        %add3A_152 = arith.constant 2 : i32
        %add3A_153 = arith.addi %mul3A_105, %add3A_152 : i32
        %dma_start3A_154 = arith.constant 0 : i32
        %dma_start3A_155 = tpu.memref_slice %arg8[%add3A_153, %dma_start3A_154] : memref<40x128xi32, #tpu.memory_space<vmem>> -> memref<1x128xi32, #tpu.memory_space<vmem>>
        %dma_start3A_156 = tpu.memref_squeeze %dma_start3A_155 : memref<1x128xi32, #tpu.memory_space<vmem>> -> memref<128xi32, #tpu.memory_space<vmem>>
        %dma_start3A_157 = arith.constant 0 : i32
        %dma_start3A_158 = arith.constant 0 : i32
        %dma_start3A_159 = tpu.memref_slice %arg2[%dma_start3A_157, %dma_start3A_158] : memref<20000x128xf32, #tpu.memory_space<hbm>> -> memref<20000x128xf32, #tpu.memory_space<hbm>>
        tpu.enqueue_indirect_dma source(%dma_start3A_159 : memref<20000x128xf32, #tpu.memory_space<hbm>>) target(%arg10 : memref<128x128xf32, #tpu.memory_space<vmem>>) offsets(%dma_start3A_156 : memref<128xi32, #tpu.memory_space<vmem>>) semaphore(%arg12 : memref<!tpu.dma_semaphore, #tpu.memory_space<semaphore_mem>>)
      } else {
      }
      %add3A_138 = arith.constant 3 : i32
      %add3A_139 = arith.addi %mul3A_105, %add3A_138 : i32
      %lt3A_140 = arith.constant 40 : i32
      %lt3A_141 = arith.cmpi slt, %add3A_139, %lt3A_140 : i32
      %convert_element_type3A_142 = arith.extui %lt3A_141 : i1 to i32
      %cond3A_143 = arith.constant 0 : i32
      %cond3A_144 = arith.cmpi ne, %convert_element_type3A_142, %cond3A_143 : i32
      scf.if %cond3A_144 {
        %dma_wait3A_145 = arith.constant 0 : i32
        %dma_wait3A_146 = arith.constant 0 : i32
        %dma_wait3A_147 = tpu.memref_slice %arg8[%dma_wait3A_145, %dma_wait3A_146] : memref<40x128xi32, #tpu.memory_space<vmem>> -> memref<1x128xi32, #tpu.memory_space<vmem>>
        %dma_wait3A_148 = tpu.memref_squeeze %dma_wait3A_147 : memref<1x128xi32, #tpu.memory_space<vmem>> -> memref<128xi32, #tpu.memory_space<vmem>>
        %dma_wait3A_149 = arith.constant 0 : i32
        %dma_wait3A_150 = arith.constant 0 : i32
        %dma_wait3A_151 = tpu.memref_slice %arg7[%dma_wait3A_149, %dma_wait3A_150] : memref<10240x128xf32, #tpu.memory_space<vmem_shared>> -> memref<10240x128xf32, #tpu.memory_space<vmem_shared>>
        tpu.wait_indirect_dma semaphore(%arg13 : memref<!tpu.dma_semaphore, #tpu.memory_space<semaphore_mem>>) src(%arg11 : memref<128x128xf32, #tpu.memory_space<vmem>>) dst(%dma_wait3A_151 : memref<10240x128xf32, #tpu.memory_space<vmem_shared>>)
        %add3A_152 = arith.constant 3 : i32
        %add3A_153 = arith.addi %mul3A_105, %add3A_152 : i32
        %dma_start3A_154 = arith.constant 0 : i32
        %dma_start3A_155 = tpu.memref_slice %arg8[%add3A_153, %dma_start3A_154] : memref<40x128xi32, #tpu.memory_space<vmem>> -> memref<1x128xi32, #tpu.memory_space<vmem>>
        %dma_start3A_156 = tpu.memref_squeeze %dma_start3A_155 : memref<1x128xi32, #tpu.memory_space<vmem>> -> memref<128xi32, #tpu.memory_space<vmem>>
        %dma_start3A_157 = arith.constant 0 : i32
        %dma_start3A_158 = arith.constant 0 : i32
        %dma_start3A_159 = tpu.memref_slice %arg2[%dma_start3A_157, %dma_start3A_158] : memref<20000x128xf32, #tpu.memory_space<hbm>> -> memref<20000x128xf32, #tpu.memory_space<hbm>>
        tpu.enqueue_indirect_dma source(%dma_start3A_159 : memref<20000x128xf32, #tpu.memory_space<hbm>>) target(%arg11 : memref<128x128xf32, #tpu.memory_space<vmem>>) offsets(%dma_start3A_156 : memref<128xi32, #tpu.memory_space<vmem>>) semaphore(%arg12 : memref<!tpu.dma_semaphore, #tpu.memory_space<semaphore_mem>>)
      } else {
      }
    }
    %scan3A_32 = arith.constant 20 : i32
    %dma_wait3A = arith.constant 0 : i32
    %dma_wait3A_33 = arith.constant 0 : i32
    %dma_wait3A_34 = tpu.memref_slice %arg8[%dma_wait3A, %dma_wait3A_33] : memref<40x128xi32, #tpu.memory_space<vmem>> -> memref<1x128xi32, #tpu.memory_space<vmem>>
    %dma_wait3A_35 = tpu.memref_squeeze %dma_wait3A_34 : memref<1x128xi32, #tpu.memory_space<vmem>> -> memref<128xi32, #tpu.memory_space<vmem>>
    %dma_wait3A_36 = arith.constant 0 : i32
    %dma_wait3A_37 = arith.constant 0 : i32
    %dma_wait3A_38 = tpu.memref_slice %arg7[%dma_wait3A_36, %dma_wait3A_37] : memref<10240x128xf32, #tpu.memory_space<vmem_shared>> -> memref<10240x128xf32, #tpu.memory_space<vmem_shared>>
    tpu.wait_indirect_dma semaphore(%arg13 : memref<!tpu.dma_semaphore, #tpu.memory_space<semaphore_mem>>) src(%arg10 : memref<128x128xf32, #tpu.memory_space<vmem>>) dst(%dma_wait3A_38 : memref<10240x128xf32, #tpu.memory_space<vmem_shared>>)
    %dma_wait3A_39 = arith.constant 0 : i32
    %dma_wait3A_40 = arith.constant 0 : i32
    %dma_wait3A_41 = tpu.memref_slice %arg8[%dma_wait3A_39, %dma_wait3A_40] : memref<40x128xi32, #tpu.memory_space<vmem>> -> memref<1x128xi32, #tpu.memory_space<vmem>>
    %dma_wait3A_42 = tpu.memref_squeeze %dma_wait3A_41 : memref<1x128xi32, #tpu.memory_space<vmem>> -> memref<128xi32, #tpu.memory_space<vmem>>
    %dma_wait3A_43 = arith.constant 0 : i32
    %dma_wait3A_44 = arith.constant 0 : i32
    %dma_wait3A_45 = tpu.memref_slice %arg7[%dma_wait3A_43, %dma_wait3A_44] : memref<10240x128xf32, #tpu.memory_space<vmem_shared>> -> memref<10240x128xf32, #tpu.memory_space<vmem_shared>>
    tpu.wait_indirect_dma semaphore(%arg13 : memref<!tpu.dma_semaphore, #tpu.memory_space<semaphore_mem>>) src(%arg11 : memref<128x128xf32, #tpu.memory_space<vmem>>) dst(%dma_wait3A_45 : memref<10240x128xf32, #tpu.memory_space<vmem_shared>>)
    %mul3A_46 = arith.constant 16 : i32
    %mul3A_47 = arith.muli %arg0, %mul3A_46 : i32
    %add3A_48 = arith.addi %mul3A_47, %arg1 : i32
    %mul3A_49 = arith.constant 2 : i32
    %mul3A_50 = arith.muli %add3A_48, %mul3A_49 : i32
    %add3A_51 = arith.constant 1 : i32
    %add3A_52 = arith.addi %mul3A_50, %add3A_51 : i32
    %mul3A_53 = arith.constant 40 : i32
    %mul3A_54 = arith.muli %add3A_52, %mul3A_53 : i32
    "tpu.region"() ({
      %run_scoped3A = tpu.sem_alloc : memref<!tpu.dma_semaphore, #tpu.memory_space<semaphore_mem>>
      %dma_start3A_103 = arith.constant 0 : i32
      %dma_start3A_104 = tpu.memref_slice %arg3[%mul3A_54, %dma_start3A_103] : memref<2560x128xi32, #tpu.memory_space<hbm>> -> memref<40x128xi32, #tpu.memory_space<hbm>>
      %dma_start3A_105 = arith.constant 0 : i32
      %dma_start3A_106 = tpu.memref_slice %arg3[%mul3A_54, %dma_start3A_105] : memref<2560x128xi32, #tpu.memory_space<hbm>> -> memref<40x128xi32, #tpu.memory_space<hbm>>
      tpu.enqueue_dma source(%dma_start3A_106 : memref<40x128xi32, #tpu.memory_space<hbm>>) target(%arg8 : memref<40x128xi32, #tpu.memory_space<vmem>>) target_semaphore(%run_scoped3A : memref<!tpu.dma_semaphore, #tpu.memory_space<semaphore_mem>>)
      %dma_wait3A_107 = arith.constant 0 : i32
      %dma_wait3A_108 = tpu.memref_slice %arg3[%mul3A_54, %dma_wait3A_107] : memref<2560x128xi32, #tpu.memory_space<hbm>> -> memref<40x128xi32, #tpu.memory_space<hbm>>
      %dma_wait3A_109 = arith.constant 0 : i32
      %dma_wait3A_110 = tpu.memref_slice %arg3[%mul3A_54, %dma_wait3A_109] : memref<2560x128xi32, #tpu.memory_space<hbm>> -> memref<40x128xi32, #tpu.memory_space<hbm>>
      tpu.wait_dma2 semaphore(%run_scoped3A : memref<!tpu.dma_semaphore, #tpu.memory_space<semaphore_mem>>) src(%dma_wait3A_110 : memref<40x128xi32, #tpu.memory_space<hbm>>) dst(%arg8 : memref<40x128xi32, #tpu.memory_space<vmem>>)
      tpu.yield
    }) : () -> ()
    %mul3A_55 = arith.constant 2 : i32
    %mul3A_56 = arith.muli %arg1, %mul3A_55 : i32
    %add3A_57 = arith.constant 1 : i32
    %add3A_58 = arith.addi %mul3A_56, %add3A_57 : i32
    %mul3A_59 = arith.constant 40 : i32
    %mul3A_60 = arith.muli %add3A_58, %mul3A_59 : i32
    "tpu.region"() ({
      %run_scoped3A = tpu.sem_alloc : memref<!tpu.dma_semaphore, #tpu.memory_space<semaphore_mem>>
      %dma_start3A_103 = arith.constant 0 : i32
      %dma_start3A_104 = tpu.memref_slice %arg4[%mul3A_60, %dma_start3A_103] : memref<1280x128xi32, #tpu.memory_space<hbm>> -> memref<40x128xi32, #tpu.memory_space<hbm>>
      %dma_start3A_105 = arith.constant 0 : i32
      %dma_start3A_106 = tpu.memref_slice %arg4[%mul3A_60, %dma_start3A_105] : memref<1280x128xi32, #tpu.memory_space<hbm>> -> memref<40x128xi32, #tpu.memory_space<hbm>>
      tpu.enqueue_dma source(%dma_start3A_106 : memref<40x128xi32, #tpu.memory_space<hbm>>) target(%arg9 : memref<40x128xi32, #tpu.memory_space<vmem>>) target_semaphore(%run_scoped3A : memref<!tpu.dma_semaphore, #tpu.memory_space<semaphore_mem>>)
      %dma_wait3A_107 = arith.constant 0 : i32
      %dma_wait3A_108 = tpu.memref_slice %arg4[%mul3A_60, %dma_wait3A_107] : memref<1280x128xi32, #tpu.memory_space<hbm>> -> memref<40x128xi32, #tpu.memory_space<hbm>>
      %dma_wait3A_109 = arith.constant 0 : i32
      %dma_wait3A_110 = tpu.memref_slice %arg4[%mul3A_60, %dma_wait3A_109] : memref<1280x128xi32, #tpu.memory_space<hbm>> -> memref<40x128xi32, #tpu.memory_space<hbm>>
      tpu.wait_dma2 semaphore(%run_scoped3A : memref<!tpu.dma_semaphore, #tpu.memory_space<semaphore_mem>>) src(%dma_wait3A_110 : memref<40x128xi32, #tpu.memory_space<hbm>>) dst(%arg9 : memref<40x128xi32, #tpu.memory_space<vmem>>)
      tpu.yield
    }) : () -> ()
    %dma_start3A_61 = arith.constant 0 : i32
    %dma_start3A_62 = arith.constant 0 : i32
    %dma_start3A_63 = tpu.memref_slice %arg8[%dma_start3A_61, %dma_start3A_62] : memref<40x128xi32, #tpu.memory_space<vmem>> -> memref<1x128xi32, #tpu.memory_space<vmem>>
    %dma_start3A_64 = tpu.memref_squeeze %dma_start3A_63 : memref<1x128xi32, #tpu.memory_space<vmem>> -> memref<128xi32, #tpu.memory_space<vmem>>
    %dma_start3A_65 = arith.constant 0 : i32
    %dma_start3A_66 = arith.constant 0 : i32
    %dma_start3A_67 = tpu.memref_slice %arg2[%dma_start3A_65, %dma_start3A_66] : memref<20000x128xf32, #tpu.memory_space<hbm>> -> memref<20000x128xf32, #tpu.memory_space<hbm>>
    tpu.enqueue_indirect_dma source(%dma_start3A_67 : memref<20000x128xf32, #tpu.memory_space<hbm>>) target(%arg10 : memref<128x128xf32, #tpu.memory_space<vmem>>) offsets(%dma_start3A_64 : memref<128xi32, #tpu.memory_space<vmem>>) semaphore(%arg12 : memref<!tpu.dma_semaphore, #tpu.memory_space<semaphore_mem>>)
    %dma_start3A_68 = arith.constant 1 : i32
    %dma_start3A_69 = arith.constant 0 : i32
    %dma_start3A_70 = tpu.memref_slice %arg8[%dma_start3A_68, %dma_start3A_69] : memref<40x128xi32, #tpu.memory_space<vmem>> -> memref<1x128xi32, #tpu.memory_space<vmem>>
    %dma_start3A_71 = tpu.memref_squeeze %dma_start3A_70 : memref<1x128xi32, #tpu.memory_space<vmem>> -> memref<128xi32, #tpu.memory_space<vmem>>
    %dma_start3A_72 = arith.constant 0 : i32
    %dma_start3A_73 = arith.constant 0 : i32
    %dma_start3A_74 = tpu.memref_slice %arg2[%dma_start3A_72, %dma_start3A_73] : memref<20000x128xf32, #tpu.memory_space<hbm>> -> memref<20000x128xf32, #tpu.memory_space<hbm>>
    tpu.enqueue_indirect_dma source(%dma_start3A_74 : memref<20000x128xf32, #tpu.memory_space<hbm>>) target(%arg11 : memref<128x128xf32, #tpu.memory_space<vmem>>) offsets(%dma_start3A_71 : memref<128xi32, #tpu.memory_space<vmem>>) semaphore(%arg12 : memref<!tpu.dma_semaphore, #tpu.memory_space<semaphore_mem>>)
    %scan3A_75 = arith.constant 0 : i32
    %scan3A_76 = arith.constant 0 : i32
    %scan3A_77 = arith.constant 20 : i32
    %scan3A_78 = arith.addi %scan3A_76, %scan3A_77 : i32
    %scan3A_79 = arith.constant 1 : i32
    scf.for %scan3A_103 = %scan3A_76 to %scan3A_78 step %scan3A_79  : i32 {
      %mul3A_104 = arith.constant 2 : i32
      %mul3A_105 = arith.muli %mul3A_104, %scan3A_103 : i32
      %dma_wait3A_106 = arith.constant 0 : i32
      %dma_wait3A_107 = arith.constant 0 : i32
      %dma_wait3A_108 = tpu.memref_slice %arg8[%dma_wait3A_106, %dma_wait3A_107] : memref<40x128xi32, #tpu.memory_space<vmem>> -> memref<1x128xi32, #tpu.memory_space<vmem>>
      %dma_wait3A_109 = tpu.memref_squeeze %dma_wait3A_108 : memref<1x128xi32, #tpu.memory_space<vmem>> -> memref<128xi32, #tpu.memory_space<vmem>>
      %dma_wait3A_110 = arith.constant 0 : i32
      %dma_wait3A_111 = arith.constant 0 : i32
      %dma_wait3A_112 = tpu.memref_slice %arg2[%dma_wait3A_110, %dma_wait3A_111] : memref<20000x128xf32, #tpu.memory_space<hbm>> -> memref<20000x128xf32, #tpu.memory_space<hbm>>
      tpu.wait_indirect_dma semaphore(%arg12 : memref<!tpu.dma_semaphore, #tpu.memory_space<semaphore_mem>>) src(%dma_wait3A_112 : memref<20000x128xf32, #tpu.memory_space<hbm>>) dst(%arg10 : memref<128x128xf32, #tpu.memory_space<vmem>>)
      %dma_start3A_113 = arith.constant 0 : i32
      %dma_start3A_114 = tpu.memref_slice %arg9[%mul3A_105, %dma_start3A_113] : memref<40x128xi32, #tpu.memory_space<vmem>> -> memref<1x128xi32, #tpu.memory_space<vmem>>
      %dma_start3A_115 = tpu.memref_squeeze %dma_start3A_114 : memref<1x128xi32, #tpu.memory_space<vmem>> -> memref<128xi32, #tpu.memory_space<vmem>>
      %dma_start3A_116 = arith.constant 0 : i32
      %dma_start3A_117 = arith.constant 0 : i32
      %dma_start3A_118 = tpu.memref_slice %arg7[%dma_start3A_116, %dma_start3A_117] : memref<10240x128xf32, #tpu.memory_space<vmem_shared>> -> memref<10240x128xf32, #tpu.memory_space<vmem_shared>>
      tpu.enqueue_indirect_dma source(%arg10 : memref<128x128xf32, #tpu.memory_space<vmem>>) target(%dma_start3A_118 : memref<10240x128xf32, #tpu.memory_space<vmem_shared>>) offsets(%dma_start3A_115 : memref<128xi32, #tpu.memory_space<vmem>>) semaphore(%arg13 : memref<!tpu.dma_semaphore, #tpu.memory_space<semaphore_mem>>) {add = true}
      %dma_wait3A_119 = arith.constant 0 : i32
      %dma_wait3A_120 = arith.constant 0 : i32
      %dma_wait3A_121 = tpu.memref_slice %arg8[%dma_wait3A_119, %dma_wait3A_120] : memref<40x128xi32, #tpu.memory_space<vmem>> -> memref<1x128xi32, #tpu.memory_space<vmem>>
      %dma_wait3A_122 = tpu.memref_squeeze %dma_wait3A_121 : memref<1x128xi32, #tpu.memory_space<vmem>> -> memref<128xi32, #tpu.memory_space<vmem>>
      %dma_wait3A_123 = arith.constant 0 : i32
      %dma_wait3A_124 = arith.constant 0 : i32
      %dma_wait3A_125 = tpu.memref_slice %arg2[%dma_wait3A_123, %dma_wait3A_124] : memref<20000x128xf32, #tpu.memory_space<hbm>> -> memref<20000x128xf32, #tpu.memory_space<hbm>>
      tpu.wait_indirect_dma semaphore(%arg12 : memref<!tpu.dma_semaphore, #tpu.memory_space<semaphore_mem>>) src(%dma_wait3A_125 : memref<20000x128xf32, #tpu.memory_space<hbm>>) dst(%arg11 : memref<128x128xf32, #tpu.memory_space<vmem>>)
      %add3A_126 = arith.constant 1 : i32
      %add3A_127 = arith.addi %mul3A_105, %add3A_126 : i32
      %dma_start3A_128 = arith.constant 0 : i32
      %dma_start3A_129 = tpu.memref_slice %arg9[%add3A_127, %dma_start3A_128] : memref<40x128xi32, #tpu.memory_space<vmem>> -> memref<1x128xi32, #tpu.memory_space<vmem>>
      %dma_start3A_130 = tpu.memref_squeeze %dma_start3A_129 : memref<1x128xi32, #tpu.memory_space<vmem>> -> memref<128xi32, #tpu.memory_space<vmem>>
      %dma_start3A_131 = arith.constant 0 : i32
      %dma_start3A_132 = arith.constant 0 : i32
      %dma_start3A_133 = tpu.memref_slice %arg7[%dma_start3A_131, %dma_start3A_132] : memref<10240x128xf32, #tpu.memory_space<vmem_shared>> -> memref<10240x128xf32, #tpu.memory_space<vmem_shared>>
      tpu.enqueue_indirect_dma source(%arg11 : memref<128x128xf32, #tpu.memory_space<vmem>>) target(%dma_start3A_133 : memref<10240x128xf32, #tpu.memory_space<vmem_shared>>) offsets(%dma_start3A_130 : memref<128xi32, #tpu.memory_space<vmem>>) semaphore(%arg13 : memref<!tpu.dma_semaphore, #tpu.memory_space<semaphore_mem>>) {add = true}
      %add3A_134 = arith.constant 2 : i32
      %add3A_135 = arith.addi %mul3A_105, %add3A_134 : i32
      %lt3A = arith.constant 40 : i32
      %lt3A_136 = arith.cmpi slt, %add3A_135, %lt3A : i32
      %convert_element_type3A = arith.extui %lt3A_136 : i1 to i32
      %cond3A = arith.constant 0 : i32
      %cond3A_137 = arith.cmpi ne, %convert_element_type3A, %cond3A : i32
      scf.if %cond3A_137 {
        %dma_wait3A_145 = arith.constant 0 : i32
        %dma_wait3A_146 = arith.constant 0 : i32
        %dma_wait3A_147 = tpu.memref_slice %arg8[%dma_wait3A_145, %dma_wait3A_146] : memref<40x128xi32, #tpu.memory_space<vmem>> -> memref<1x128xi32, #tpu.memory_space<vmem>>
        %dma_wait3A_148 = tpu.memref_squeeze %dma_wait3A_147 : memref<1x128xi32, #tpu.memory_space<vmem>> -> memref<128xi32, #tpu.memory_space<vmem>>
        %dma_wait3A_149 = arith.constant 0 : i32
        %dma_wait3A_150 = arith.constant 0 : i32
        %dma_wait3A_151 = tpu.memref_slice %arg7[%dma_wait3A_149, %dma_wait3A_150] : memref<10240x128xf32, #tpu.memory_space<vmem_shared>> -> memref<10240x128xf32, #tpu.memory_space<vmem_shared>>
        tpu.wait_indirect_dma semaphore(%arg13 : memref<!tpu.dma_semaphore, #tpu.memory_space<semaphore_mem>>) src(%arg10 : memref<128x128xf32, #tpu.memory_space<vmem>>) dst(%dma_wait3A_151 : memref<10240x128xf32, #tpu.memory_space<vmem_shared>>)
        %add3A_152 = arith.constant 2 : i32
        %add3A_153 = arith.addi %mul3A_105, %add3A_152 : i32
        %dma_start3A_154 = arith.constant 0 : i32
        %dma_start3A_155 = tpu.memref_slice %arg8[%add3A_153, %dma_start3A_154] : memref<40x128xi32, #tpu.memory_space<vmem>> -> memref<1x128xi32, #tpu.memory_space<vmem>>
        %dma_start3A_156 = tpu.memref_squeeze %dma_start3A_155 : memref<1x128xi32, #tpu.memory_space<vmem>> -> memref<128xi32, #tpu.memory_space<vmem>>
        %dma_start3A_157 = arith.constant 0 : i32
        %dma_start3A_158 = arith.constant 0 : i32
        %dma_start3A_159 = tpu.memref_slice %arg2[%dma_start3A_157, %dma_start3A_158] : memref<20000x128xf32, #tpu.memory_space<hbm>> -> memref<20000x128xf32, #tpu.memory_space<hbm>>
        tpu.enqueue_indirect_dma source(%dma_start3A_159 : memref<20000x128xf32, #tpu.memory_space<hbm>>) target(%arg10 : memref<128x128xf32, #tpu.memory_space<vmem>>) offsets(%dma_start3A_156 : memref<128xi32, #tpu.memory_space<vmem>>) semaphore(%arg12 : memref<!tpu.dma_semaphore, #tpu.memory_space<semaphore_mem>>)
      } else {
      }
      %add3A_138 = arith.constant 3 : i32
      %add3A_139 = arith.addi %mul3A_105, %add3A_138 : i32
      %lt3A_140 = arith.constant 40 : i32
      %lt3A_141 = arith.cmpi slt, %add3A_139, %lt3A_140 : i32
      %convert_element_type3A_142 = arith.extui %lt3A_141 : i1 to i32
      %cond3A_143 = arith.constant 0 : i32
      %cond3A_144 = arith.cmpi ne, %convert_element_type3A_142, %cond3A_143 : i32
      scf.if %cond3A_144 {
        %dma_wait3A_145 = arith.constant 0 : i32
        %dma_wait3A_146 = arith.constant 0 : i32
        %dma_wait3A_147 = tpu.memref_slice %arg8[%dma_wait3A_145, %dma_wait3A_146] : memref<40x128xi32, #tpu.memory_space<vmem>> -> memref<1x128xi32, #tpu.memory_space<vmem>>
        %dma_wait3A_148 = tpu.memref_squeeze %dma_wait3A_147 : memref<1x128xi32, #tpu.memory_space<vmem>> -> memref<128xi32, #tpu.memory_space<vmem>>
        %dma_wait3A_149 = arith.constant 0 : i32
        %dma_wait3A_150 = arith.constant 0 : i32
        %dma_wait3A_151 = tpu.memref_slice %arg7[%dma_wait3A_149, %dma_wait3A_150] : memref<10240x128xf32, #tpu.memory_space<vmem_shared>> -> memref<10240x128xf32, #tpu.memory_space<vmem_shared>>
        tpu.wait_indirect_dma semaphore(%arg13 : memref<!tpu.dma_semaphore, #tpu.memory_space<semaphore_mem>>) src(%arg11 : memref<128x128xf32, #tpu.memory_space<vmem>>) dst(%dma_wait3A_151 : memref<10240x128xf32, #tpu.memory_space<vmem_shared>>)
        %add3A_152 = arith.constant 3 : i32
        %add3A_153 = arith.addi %mul3A_105, %add3A_152 : i32
        %dma_start3A_154 = arith.constant 0 : i32
        %dma_start3A_155 = tpu.memref_slice %arg8[%add3A_153, %dma_start3A_154] : memref<40x128xi32, #tpu.memory_space<vmem>> -> memref<1x128xi32, #tpu.memory_space<vmem>>
        %dma_start3A_156 = tpu.memref_squeeze %dma_start3A_155 : memref<1x128xi32, #tpu.memory_space<vmem>> -> memref<128xi32, #tpu.memory_space<vmem>>
        %dma_start3A_157 = arith.constant 0 : i32
        %dma_start3A_158 = arith.constant 0 : i32
        %dma_start3A_159 = tpu.memref_slice %arg2[%dma_start3A_157, %dma_start3A_158] : memref<20000x128xf32, #tpu.memory_space<hbm>> -> memref<20000x128xf32, #tpu.memory_space<hbm>>
        tpu.enqueue_indirect_dma source(%dma_start3A_159 : memref<20000x128xf32, #tpu.memory_space<hbm>>) target(%arg11 : memref<128x128xf32, #tpu.memory_space<vmem>>) offsets(%dma_start3A_156 : memref<128xi32, #tpu.memory_space<vmem>>) semaphore(%arg12 : memref<!tpu.dma_semaphore, #tpu.memory_space<semaphore_mem>>)
      } else {
      }
    }
    %scan3A_80 = arith.constant 20 : i32
    %dma_wait3A_81 = arith.constant 0 : i32
    %dma_wait3A_82 = arith.constant 0 : i32
    %dma_wait3A_83 = tpu.memref_slice %arg8[%dma_wait3A_81, %dma_wait3A_82] : memref<40x128xi32, #tpu.memory_space<vmem>> -> memref<1x128xi32, #tpu.memory_space<vmem>>
    %dma_wait3A_84 = tpu.memref_squeeze %dma_wait3A_83 : memref<1x128xi32, #tpu.memory_space<vmem>> -> memref<128xi32, #tpu.memory_space<vmem>>
    %dma_wait3A_85 = arith.constant 0 : i32
    %dma_wait3A_86 = arith.constant 0 : i32
    %dma_wait3A_87 = tpu.memref_slice %arg7[%dma_wait3A_85, %dma_wait3A_86] : memref<10240x128xf32, #tpu.memory_space<vmem_shared>> -> memref<10240x128xf32, #tpu.memory_space<vmem_shared>>
    tpu.wait_indirect_dma semaphore(%arg13 : memref<!tpu.dma_semaphore, #tpu.memory_space<semaphore_mem>>) src(%arg10 : memref<128x128xf32, #tpu.memory_space<vmem>>) dst(%dma_wait3A_87 : memref<10240x128xf32, #tpu.memory_space<vmem_shared>>)
    %dma_wait3A_88 = arith.constant 0 : i32
    %dma_wait3A_89 = arith.constant 0 : i32
    %dma_wait3A_90 = tpu.memref_slice %arg8[%dma_wait3A_88, %dma_wait3A_89] : memref<40x128xi32, #tpu.memory_space<vmem>> -> memref<1x128xi32, #tpu.memory_space<vmem>>
    %dma_wait3A_91 = tpu.memref_squeeze %dma_wait3A_90 : memref<1x128xi32, #tpu.memory_space<vmem>> -> memref<128xi32, #tpu.memory_space<vmem>>
    %dma_wait3A_92 = arith.constant 0 : i32
    %dma_wait3A_93 = arith.constant 0 : i32
    %dma_wait3A_94 = tpu.memref_slice %arg7[%dma_wait3A_92, %dma_wait3A_93] : memref<10240x128xf32, #tpu.memory_space<vmem_shared>> -> memref<10240x128xf32, #tpu.memory_space<vmem_shared>>
    tpu.wait_indirect_dma semaphore(%arg13 : memref<!tpu.dma_semaphore, #tpu.memory_space<semaphore_mem>>) src(%arg11 : memref<128x128xf32, #tpu.memory_space<vmem>>) dst(%dma_wait3A_94 : memref<10240x128xf32, #tpu.memory_space<vmem_shared>>)
    %barrier3A_95 = arith.constant 0 : index
    tpu.barrier barrier_id(%barrier3A_95)
    %mul3A_96 = arith.constant 640 : i32
    %mul3A_97 = arith.muli %arg1, %mul3A_96 : i32
    %mul3A_98 = arith.constant 10240 : i32
    %mul3A_99 = arith.muli %arg0, %mul3A_98 : i32
    %mul3A_100 = arith.constant 640 : i32
    %mul3A_101 = arith.muli %arg1, %mul3A_100 : i32
    %add3A_102 = arith.addi %mul3A_99, %mul3A_101 : i32
    "tpu.region"() ({
      %run_scoped3A = tpu.sem_alloc : memref<!tpu.dma_semaphore, #tpu.memory_space<semaphore_mem>>
      %dma_start3A_103 = arith.constant 0 : i32
      %dma_start3A_104 = tpu.memref_slice %arg6[%add3A_102, %dma_start3A_103] : memref<20480x128xf32, #tpu.memory_space<hbm>> -> memref<640x128xf32, #tpu.memory_space<hbm>>
      %dma_start3A_105 = arith.constant 0 : i32
      %dma_start3A_106 = tpu.memref_slice %arg7[%mul3A_97, %dma_start3A_105] : memref<10240x128xf32, #tpu.memory_space<vmem_shared>> -> memref<640x128xf32, #tpu.memory_space<vmem_shared>>
      tpu.enqueue_dma source(%dma_start3A_106 : memref<640x128xf32, #tpu.memory_space<vmem_shared>>) target(%dma_start3A_104 : memref<640x128xf32, #tpu.memory_space<hbm>>) target_semaphore(%run_scoped3A : memref<!tpu.dma_semaphore, #tpu.memory_space<semaphore_mem>>)
      %dma_wait3A_107 = arith.constant 0 : i32
      %dma_wait3A_108 = tpu.memref_slice %arg6[%add3A_102, %dma_wait3A_107] : memref<20480x128xf32, #tpu.memory_space<hbm>> -> memref<640x128xf32, #tpu.memory_space<hbm>>
      %dma_wait3A_109 = arith.constant 0 : i32
      %dma_wait3A_110 = tpu.memref_slice %arg7[%mul3A_97, %dma_wait3A_109] : memref<10240x128xf32, #tpu.memory_space<vmem_shared>> -> memref<640x128xf32, #tpu.memory_space<vmem_shared>>
      tpu.wait_dma2 semaphore(%run_scoped3A : memref<!tpu.dma_semaphore, #tpu.memory_space<semaphore_mem>>) src(%dma_wait3A_110 : memref<640x128xf32, #tpu.memory_space<vmem_shared>>) dst(%dma_wait3A_108 : memref<640x128xf32, #tpu.memory_space<hbm>>)
      tpu.yield
    }) : () -> ()
    return
  }
}

#map = affine_map<(d0, d1) -> (0, 0)>
module attributes {stable_mosaic.version = 14 : i64} {
  func.func @seg_kernel(%arg0: i32, %arg1: i32, %arg2: memref<20000x128xf32, #tpu.memory_space<hbm>>, %arg3: memref<2560x128xi32, #tpu.memory_space<hbm>>, %arg4: memref<1280x128xi32, #tpu.memory_space<hbm>>, %arg5: memref<640x128xf32, #tpu.memory_space<hbm>>, %arg6: memref<20480x128xf32, #tpu.memory_space<hbm>>, %arg7: memref<10240x128xf32, #tpu.memory_space<vmem_shared>>, %arg8: memref<40x128xi32, #tpu.memory_space<vmem>>, %arg9: memref<40x128xi32, #tpu.memory_space<vmem>>, %arg10: memref<128x128xf32, #tpu.memory_space<vmem>>, %arg11: memref<128x128xf32, #tpu.memory_space<vmem>>, %arg12: memref<!tpu.dma_semaphore, #tpu.memory_space<semaphore_mem>>, %arg13: memref<!tpu.dma_semaphore, #tpu.memory_space<semaphore_mem>>) attributes {dimension_semantics = [#tpu.dimension_semantics<core_parallel>, #tpu.dimension_semantics<subcore_parallel>], iteration_bounds = array<i64: 2, 16>, scalar_prefetch = 0 : i64, scratch_operands = 7 : i64, tpu.core_type = #tpu.core_type<sc_vector_subcore>, window_params = [{transform_indices = #map}, {transform_indices = #map}, {transform_indices = #map}, {transform_indices = #map}, {transform_indices = #map}]} {
    %mul3A = arith.constant 640 : i32
    %mul3A_0 = arith.muli %arg1, %mul3A : i32
    "tpu.region"() ({
      %run_scoped3A = tpu.sem_alloc : memref<!tpu.dma_semaphore, #tpu.memory_space<semaphore_mem>>
      %dma_start3A_103 = arith.constant 0 : i32
      %dma_start3A_104 = tpu.memref_slice %arg7[%mul3A_0, %dma_start3A_103] : memref<10240x128xf32, #tpu.memory_space<vmem_shared>> -> memref<640x128xf32, #tpu.memory_space<vmem_shared>>
      tpu.enqueue_dma source(%arg5 : memref<640x128xf32, #tpu.memory_space<hbm>>) target(%dma_start3A_104 : memref<640x128xf32, #tpu.memory_space<vmem_shared>>) target_semaphore(%run_scoped3A : memref<!tpu.dma_semaphore, #tpu.memory_space<semaphore_mem>>)
      %dma_wait3A_105 = arith.constant 0 : i32
      %dma_wait3A_106 = tpu.memref_slice %arg7[%mul3A_0, %dma_wait3A_105] : memref<10240x128xf32, #tpu.memory_space<vmem_shared>> -> memref<640x128xf32, #tpu.memory_space<vmem_shared>>
      tpu.wait_dma2 semaphore(%run_scoped3A : memref<!tpu.dma_semaphore, #tpu.memory_space<semaphore_mem>>) src(%arg5 : memref<640x128xf32, #tpu.memory_space<hbm>>) dst(%dma_wait3A_106 : memref<640x128xf32, #tpu.memory_space<vmem_shared>>)
      tpu.yield
    }) : () -> ()
    %barrier3A = arith.constant 0 : index
    tpu.barrier barrier_id(%barrier3A)
    %mul3A_1 = arith.constant 16 : i32
    %mul3A_2 = arith.muli %arg0, %mul3A_1 : i32
    %add3A = arith.addi %mul3A_2, %arg1 : i32
    %mul3A_3 = arith.constant 2 : i32
    %mul3A_4 = arith.muli %add3A, %mul3A_3 : i32
    %add3A_5 = arith.constant 0 : i32
    %add3A_6 = arith.addi %mul3A_4, %add3A_5 : i32
    %mul3A_7 = arith.constant 40 : i32
    %mul3A_8 = arith.muli %add3A_6, %mul3A_7 : i32
    "tpu.region"() ({
      %run_scoped3A = tpu.sem_alloc : memref<!tpu.dma_semaphore, #tpu.memory_space<semaphore_mem>>
      %dma_start3A_103 = arith.constant 0 : i32
      %dma_start3A_104 = tpu.memref_slice %arg3[%mul3A_8, %dma_start3A_103] : memref<2560x128xi32, #tpu.memory_space<hbm>> -> memref<40x128xi32, #tpu.memory_space<hbm>>
      %dma_start3A_105 = arith.constant 0 : i32
      %dma_start3A_106 = tpu.memref_slice %arg3[%mul3A_8, %dma_start3A_105] : memref<2560x128xi32, #tpu.memory_space<hbm>> -> memref<40x128xi32, #tpu.memory_space<hbm>>
      tpu.enqueue_dma source(%dma_start3A_106 : memref<40x128xi32, #tpu.memory_space<hbm>>) target(%arg8 : memref<40x128xi32, #tpu.memory_space<vmem>>) target_semaphore(%run_scoped3A : memref<!tpu.dma_semaphore, #tpu.memory_space<semaphore_mem>>)
      %dma_wait3A_107 = arith.constant 0 : i32
      %dma_wait3A_108 = tpu.memref_slice %arg3[%mul3A_8, %dma_wait3A_107] : memref<2560x128xi32, #tpu.memory_space<hbm>> -> memref<40x128xi32, #tpu.memory_space<hbm>>
      %dma_wait3A_109 = arith.constant 0 : i32
      %dma_wait3A_110 = tpu.memref_slice %arg3[%mul3A_8, %dma_wait3A_109] : memref<2560x128xi32, #tpu.memory_space<hbm>> -> memref<40x128xi32, #tpu.memory_space<hbm>>
      tpu.wait_dma2 semaphore(%run_scoped3A : memref<!tpu.dma_semaphore, #tpu.memory_space<semaphore_mem>>) src(%dma_wait3A_110 : memref<40x128xi32, #tpu.memory_space<hbm>>) dst(%arg8 : memref<40x128xi32, #tpu.memory_space<vmem>>)
      tpu.yield
    }) : () -> ()
    %mul3A_9 = arith.constant 2 : i32
    %mul3A_10 = arith.muli %arg1, %mul3A_9 : i32
    %add3A_11 = arith.constant 0 : i32
    %add3A_12 = arith.addi %mul3A_10, %add3A_11 : i32
    %mul3A_13 = arith.constant 40 : i32
    %mul3A_14 = arith.muli %add3A_12, %mul3A_13 : i32
    "tpu.region"() ({
      %run_scoped3A = tpu.sem_alloc : memref<!tpu.dma_semaphore, #tpu.memory_space<semaphore_mem>>
      %dma_start3A_103 = arith.constant 0 : i32
      %dma_start3A_104 = tpu.memref_slice %arg4[%mul3A_14, %dma_start3A_103] : memref<1280x128xi32, #tpu.memory_space<hbm>> -> memref<40x128xi32, #tpu.memory_space<hbm>>
      %dma_start3A_105 = arith.constant 0 : i32
      %dma_start3A_106 = tpu.memref_slice %arg4[%mul3A_14, %dma_start3A_105] : memref<1280x128xi32, #tpu.memory_space<hbm>> -> memref<40x128xi32, #tpu.memory_space<hbm>>
      tpu.enqueue_dma source(%dma_start3A_106 : memref<40x128xi32, #tpu.memory_space<hbm>>) target(%arg9 : memref<40x128xi32, #tpu.memory_space<vmem>>) target_semaphore(%run_scoped3A : memref<!tpu.dma_semaphore, #tpu.memory_space<semaphore_mem>>)
      %dma_wait3A_107 = arith.constant 0 : i32
      %dma_wait3A_108 = tpu.memref_slice %arg4[%mul3A_14, %dma_wait3A_107] : memref<1280x128xi32, #tpu.memory_space<hbm>> -> memref<40x128xi32, #tpu.memory_space<hbm>>
      %dma_wait3A_109 = arith.constant 0 : i32
      %dma_wait3A_110 = tpu.memref_slice %arg4[%mul3A_14, %dma_wait3A_109] : memref<1280x128xi32, #tpu.memory_space<hbm>> -> memref<40x128xi32, #tpu.memory_space<hbm>>
      tpu.wait_dma2 semaphore(%run_scoped3A : memref<!tpu.dma_semaphore, #tpu.memory_space<semaphore_mem>>) src(%dma_wait3A_110 : memref<40x128xi32, #tpu.memory_space<hbm>>) dst(%arg9 : memref<40x128xi32, #tpu.memory_space<vmem>>)
      tpu.yield
    }) : () -> ()
    %dma_start3A = arith.constant 0 : i32
    %dma_start3A_15 = arith.constant 0 : i32
    %dma_start3A_16 = tpu.memref_slice %arg8[%dma_start3A, %dma_start3A_15] : memref<40x128xi32, #tpu.memory_space<vmem>> -> memref<1x128xi32, #tpu.memory_space<vmem>>
    %dma_start3A_17 = tpu.memref_squeeze %dma_start3A_16 : memref<1x128xi32, #tpu.memory_space<vmem>> -> memref<128xi32, #tpu.memory_space<vmem>>
    %dma_start3A_18 = arith.constant 0 : i32
    %dma_start3A_19 = arith.constant 0 : i32
    %dma_start3A_20 = tpu.memref_slice %arg2[%dma_start3A_18, %dma_start3A_19] : memref<20000x128xf32, #tpu.memory_space<hbm>> -> memref<20000x128xf32, #tpu.memory_space<hbm>>
    tpu.enqueue_indirect_dma source(%dma_start3A_20 : memref<20000x128xf32, #tpu.memory_space<hbm>>) target(%arg10 : memref<128x128xf32, #tpu.memory_space<vmem>>) offsets(%dma_start3A_17 : memref<128xi32, #tpu.memory_space<vmem>>) semaphore(%arg12 : memref<!tpu.dma_semaphore, #tpu.memory_space<semaphore_mem>>)
    %dma_start3A_21 = arith.constant 1 : i32
    %dma_start3A_22 = arith.constant 0 : i32
    %dma_start3A_23 = tpu.memref_slice %arg8[%dma_start3A_21, %dma_start3A_22] : memref<40x128xi32, #tpu.memory_space<vmem>> -> memref<1x128xi32, #tpu.memory_space<vmem>>
    %dma_start3A_24 = tpu.memref_squeeze %dma_start3A_23 : memref<1x128xi32, #tpu.memory_space<vmem>> -> memref<128xi32, #tpu.memory_space<vmem>>
    %dma_start3A_25 = arith.constant 0 : i32
    %dma_start3A_26 = arith.constant 0 : i32
    %dma_start3A_27 = tpu.memref_slice %arg2[%dma_start3A_25, %dma_start3A_26] : memref<20000x128xf32, #tpu.memory_space<hbm>> -> memref<20000x128xf32, #tpu.memory_space<hbm>>
    tpu.enqueue_indirect_dma source(%dma_start3A_27 : memref<20000x128xf32, #tpu.memory_space<hbm>>) target(%arg11 : memref<128x128xf32, #tpu.memory_space<vmem>>) offsets(%dma_start3A_24 : memref<128xi32, #tpu.memory_space<vmem>>) semaphore(%arg12 : memref<!tpu.dma_semaphore, #tpu.memory_space<semaphore_mem>>)
    %scan3A = arith.constant 0 : i32
    %scan3A_28 = arith.constant 0 : i32
    %scan3A_29 = arith.constant 20 : i32
    %scan3A_30 = arith.addi %scan3A_28, %scan3A_29 : i32
    %scan3A_31 = arith.constant 1 : i32
    scf.for %scan3A_103 = %scan3A_28 to %scan3A_30 step %scan3A_31  : i32 {
      %mul3A_104 = arith.constant 2 : i32
      %mul3A_105 = arith.muli %mul3A_104, %scan3A_103 : i32
      %dma_wait3A_106 = arith.constant 0 : i32
      %dma_wait3A_107 = arith.constant 0 : i32
      %dma_wait3A_108 = tpu.memref_slice %arg8[%dma_wait3A_106, %dma_wait3A_107] : memref<40x128xi32, #tpu.memory_space<vmem>> -> memref<1x128xi32, #tpu.memory_space<vmem>>
      %dma_wait3A_109 = tpu.memref_squeeze %dma_wait3A_108 : memref<1x128xi32, #tpu.memory_space<vmem>> -> memref<128xi32, #tpu.memory_space<vmem>>
      %dma_wait3A_110 = arith.constant 0 : i32
      %dma_wait3A_111 = arith.constant 0 : i32
      %dma_wait3A_112 = tpu.memref_slice %arg2[%dma_wait3A_110, %dma_wait3A_111] : memref<20000x128xf32, #tpu.memory_space<hbm>> -> memref<20000x128xf32, #tpu.memory_space<hbm>>
      tpu.wait_indirect_dma semaphore(%arg12 : memref<!tpu.dma_semaphore, #tpu.memory_space<semaphore_mem>>) src(%dma_wait3A_112 : memref<20000x128xf32, #tpu.memory_space<hbm>>) dst(%arg10 : memref<128x128xf32, #tpu.memory_space<vmem>>)
      %dma_start3A_113 = arith.constant 0 : i32
      %dma_start3A_114 = tpu.memref_slice %arg9[%mul3A_105, %dma_start3A_113] : memref<40x128xi32, #tpu.memory_space<vmem>> -> memref<1x128xi32, #tpu.memory_space<vmem>>
      %dma_start3A_115 = tpu.memref_squeeze %dma_start3A_114 : memref<1x128xi32, #tpu.memory_space<vmem>> -> memref<128xi32, #tpu.memory_space<vmem>>
      %dma_start3A_116 = arith.constant 0 : i32
      %dma_start3A_117 = arith.constant 0 : i32
      %dma_start3A_118 = tpu.memref_slice %arg7[%dma_start3A_116, %dma_start3A_117] : memref<10240x128xf32, #tpu.memory_space<vmem_shared>> -> memref<10240x128xf32, #tpu.memory_space<vmem_shared>>
      tpu.enqueue_indirect_dma source(%arg10 : memref<128x128xf32, #tpu.memory_space<vmem>>) target(%dma_start3A_118 : memref<10240x128xf32, #tpu.memory_space<vmem_shared>>) offsets(%dma_start3A_115 : memref<128xi32, #tpu.memory_space<vmem>>) semaphore(%arg13 : memref<!tpu.dma_semaphore, #tpu.memory_space<semaphore_mem>>) {add = true}
      %dma_wait3A_119 = arith.constant 0 : i32
      %dma_wait3A_120 = arith.constant 0 : i32
      %dma_wait3A_121 = tpu.memref_slice %arg8[%dma_wait3A_119, %dma_wait3A_120] : memref<40x128xi32, #tpu.memory_space<vmem>> -> memref<1x128xi32, #tpu.memory_space<vmem>>
      %dma_wait3A_122 = tpu.memref_squeeze %dma_wait3A_121 : memref<1x128xi32, #tpu.memory_space<vmem>> -> memref<128xi32, #tpu.memory_space<vmem>>
      %dma_wait3A_123 = arith.constant 0 : i32
      %dma_wait3A_124 = arith.constant 0 : i32
      %dma_wait3A_125 = tpu.memref_slice %arg2[%dma_wait3A_123, %dma_wait3A_124] : memref<20000x128xf32, #tpu.memory_space<hbm>> -> memref<20000x128xf32, #tpu.memory_space<hbm>>
      tpu.wait_indirect_dma semaphore(%arg12 : memref<!tpu.dma_semaphore, #tpu.memory_space<semaphore_mem>>) src(%dma_wait3A_125 : memref<20000x128xf32, #tpu.memory_space<hbm>>) dst(%arg11 : memref<128x128xf32, #tpu.memory_space<vmem>>)
      %add3A_126 = arith.constant 1 : i32
      %add3A_127 = arith.addi %mul3A_105, %add3A_126 : i32
      %dma_start3A_128 = arith.constant 0 : i32
      %dma_start3A_129 = tpu.memref_slice %arg9[%add3A_127, %dma_start3A_128] : memref<40x128xi32, #tpu.memory_space<vmem>> -> memref<1x128xi32, #tpu.memory_space<vmem>>
      %dma_start3A_130 = tpu.memref_squeeze %dma_start3A_129 : memref<1x128xi32, #tpu.memory_space<vmem>> -> memref<128xi32, #tpu.memory_space<vmem>>
      %dma_start3A_131 = arith.constant 0 : i32
      %dma_start3A_132 = arith.constant 0 : i32
      %dma_start3A_133 = tpu.memref_slice %arg7[%dma_start3A_131, %dma_start3A_132] : memref<10240x128xf32, #tpu.memory_space<vmem_shared>> -> memref<10240x128xf32, #tpu.memory_space<vmem_shared>>
      tpu.enqueue_indirect_dma source(%arg11 : memref<128x128xf32, #tpu.memory_space<vmem>>) target(%dma_start3A_133 : memref<10240x128xf32, #tpu.memory_space<vmem_shared>>) offsets(%dma_start3A_130 : memref<128xi32, #tpu.memory_space<vmem>>) semaphore(%arg13 : memref<!tpu.dma_semaphore, #tpu.memory_space<semaphore_mem>>) {add = true}
      %add3A_134 = arith.constant 2 : i32
      %add3A_135 = arith.addi %mul3A_105, %add3A_134 : i32
      %lt3A = arith.constant 40 : i32
      %lt3A_136 = arith.cmpi slt, %add3A_135, %lt3A : i32
      %convert_element_type3A = arith.extui %lt3A_136 : i1 to i32
      %cond3A = arith.constant 0 : i32
      %cond3A_137 = arith.cmpi ne, %convert_element_type3A, %cond3A : i32
      scf.if %cond3A_137 {
        %dma_wait3A_145 = arith.constant 0 : i32
        %dma_wait3A_146 = arith.constant 0 : i32
        %dma_wait3A_147 = tpu.memref_slice %arg8[%dma_wait3A_145, %dma_wait3A_146] : memref<40x128xi32, #tpu.memory_space<vmem>> -> memref<1x128xi32, #tpu.memory_space<vmem>>
        %dma_wait3A_148 = tpu.memref_squeeze %dma_wait3A_147 : memref<1x128xi32, #tpu.memory_space<vmem>> -> memref<128xi32, #tpu.memory_space<vmem>>
        %dma_wait3A_149 = arith.constant 0 : i32
        %dma_wait3A_150 = arith.constant 0 : i32
        %dma_wait3A_151 = tpu.memref_slice %arg7[%dma_wait3A_149, %dma_wait3A_150] : memref<10240x128xf32, #tpu.memory_space<vmem_shared>> -> memref<10240x128xf32, #tpu.memory_space<vmem_shared>>
        tpu.wait_indirect_dma semaphore(%arg13 : memref<!tpu.dma_semaphore, #tpu.memory_space<semaphore_mem>>) src(%arg10 : memref<128x128xf32, #tpu.memory_space<vmem>>) dst(%dma_wait3A_151 : memref<10240x128xf32, #tpu.memory_space<vmem_shared>>)
        %add3A_152 = arith.constant 2 : i32
        %add3A_153 = arith.addi %mul3A_105, %add3A_152 : i32
        %dma_start3A_154 = arith.constant 0 : i32
        %dma_start3A_155 = tpu.memref_slice %arg8[%add3A_153, %dma_start3A_154] : memref<40x128xi32, #tpu.memory_space<vmem>> -> memref<1x128xi32, #tpu.memory_space<vmem>>
        %dma_start3A_156 = tpu.memref_squeeze %dma_start3A_155 : memref<1x128xi32, #tpu.memory_space<vmem>> -> memref<128xi32, #tpu.memory_space<vmem>>
        %dma_start3A_157 = arith.constant 0 : i32
        %dma_start3A_158 = arith.constant 0 : i32
        %dma_start3A_159 = tpu.memref_slice %arg2[%dma_start3A_157, %dma_start3A_158] : memref<20000x128xf32, #tpu.memory_space<hbm>> -> memref<20000x128xf32, #tpu.memory_space<hbm>>
        tpu.enqueue_indirect_dma source(%dma_start3A_159 : memref<20000x128xf32, #tpu.memory_space<hbm>>) target(%arg10 : memref<128x128xf32, #tpu.memory_space<vmem>>) offsets(%dma_start3A_156 : memref<128xi32, #tpu.memory_space<vmem>>) semaphore(%arg12 : memref<!tpu.dma_semaphore, #tpu.memory_space<semaphore_mem>>)
      } else {
      }
      %add3A_138 = arith.constant 3 : i32
      %add3A_139 = arith.addi %mul3A_105, %add3A_138 : i32
      %lt3A_140 = arith.constant 40 : i32
      %lt3A_141 = arith.cmpi slt, %add3A_139, %lt3A_140 : i32
      %convert_element_type3A_142 = arith.extui %lt3A_141 : i1 to i32
      %cond3A_143 = arith.constant 0 : i32
      %cond3A_144 = arith.cmpi ne, %convert_element_type3A_142, %cond3A_143 : i32
      scf.if %cond3A_144 {
        %dma_wait3A_145 = arith.constant 0 : i32
        %dma_wait3A_146 = arith.constant 0 : i32
        %dma_wait3A_147 = tpu.memref_slice %arg8[%dma_wait3A_145, %dma_wait3A_146] : memref<40x128xi32, #tpu.memory_space<vmem>> -> memref<1x128xi32, #tpu.memory_space<vmem>>
        %dma_wait3A_148 = tpu.memref_squeeze %dma_wait3A_147 : memref<1x128xi32, #tpu.memory_space<vmem>> -> memref<128xi32, #tpu.memory_space<vmem>>
        %dma_wait3A_149 = arith.constant 0 : i32
        %dma_wait3A_150 = arith.constant 0 : i32
        %dma_wait3A_151 = tpu.memref_slice %arg7[%dma_wait3A_149, %dma_wait3A_150] : memref<10240x128xf32, #tpu.memory_space<vmem_shared>> -> memref<10240x128xf32, #tpu.memory_space<vmem_shared>>
        tpu.wait_indirect_dma semaphore(%arg13 : memref<!tpu.dma_semaphore, #tpu.memory_space<semaphore_mem>>) src(%arg11 : memref<128x128xf32, #tpu.memory_space<vmem>>) dst(%dma_wait3A_151 : memref<10240x128xf32, #tpu.memory_space<vmem_shared>>)
        %add3A_152 = arith.constant 3 : i32
        %add3A_153 = arith.addi %mul3A_105, %add3A_152 : i32
        %dma_start3A_154 = arith.constant 0 : i32
        %dma_start3A_155 = tpu.memref_slice %arg8[%add3A_153, %dma_start3A_154] : memref<40x128xi32, #tpu.memory_space<vmem>> -> memref<1x128xi32, #tpu.memory_space<vmem>>
        %dma_start3A_156 = tpu.memref_squeeze %dma_start3A_155 : memref<1x128xi32, #tpu.memory_space<vmem>> -> memref<128xi32, #tpu.memory_space<vmem>>
        %dma_start3A_157 = arith.constant 0 : i32
        %dma_start3A_158 = arith.constant 0 : i32
        %dma_start3A_159 = tpu.memref_slice %arg2[%dma_start3A_157, %dma_start3A_158] : memref<20000x128xf32, #tpu.memory_space<hbm>> -> memref<20000x128xf32, #tpu.memory_space<hbm>>
        tpu.enqueue_indirect_dma source(%dma_start3A_159 : memref<20000x128xf32, #tpu.memory_space<hbm>>) target(%arg11 : memref<128x128xf32, #tpu.memory_space<vmem>>) offsets(%dma_start3A_156 : memref<128xi32, #tpu.memory_space<vmem>>) semaphore(%arg12 : memref<!tpu.dma_semaphore, #tpu.memory_space<semaphore_mem>>)
      } else {
      }
    }
    %scan3A_32 = arith.constant 20 : i32
    %dma_wait3A = arith.constant 0 : i32
    %dma_wait3A_33 = arith.constant 0 : i32
    %dma_wait3A_34 = tpu.memref_slice %arg8[%dma_wait3A, %dma_wait3A_33] : memref<40x128xi32, #tpu.memory_space<vmem>> -> memref<1x128xi32, #tpu.memory_space<vmem>>
    %dma_wait3A_35 = tpu.memref_squeeze %dma_wait3A_34 : memref<1x128xi32, #tpu.memory_space<vmem>> -> memref<128xi32, #tpu.memory_space<vmem>>
    %dma_wait3A_36 = arith.constant 0 : i32
    %dma_wait3A_37 = arith.constant 0 : i32
    %dma_wait3A_38 = tpu.memref_slice %arg7[%dma_wait3A_36, %dma_wait3A_37] : memref<10240x128xf32, #tpu.memory_space<vmem_shared>> -> memref<10240x128xf32, #tpu.memory_space<vmem_shared>>
    tpu.wait_indirect_dma semaphore(%arg13 : memref<!tpu.dma_semaphore, #tpu.memory_space<semaphore_mem>>) src(%arg10 : memref<128x128xf32, #tpu.memory_space<vmem>>) dst(%dma_wait3A_38 : memref<10240x128xf32, #tpu.memory_space<vmem_shared>>)
    %dma_wait3A_39 = arith.constant 0 : i32
    %dma_wait3A_40 = arith.constant 0 : i32
    %dma_wait3A_41 = tpu.memref_slice %arg8[%dma_wait3A_39, %dma_wait3A_40] : memref<40x128xi32, #tpu.memory_space<vmem>> -> memref<1x128xi32, #tpu.memory_space<vmem>>
    %dma_wait3A_42 = tpu.memref_squeeze %dma_wait3A_41 : memref<1x128xi32, #tpu.memory_space<vmem>> -> memref<128xi32, #tpu.memory_space<vmem>>
    %dma_wait3A_43 = arith.constant 0 : i32
    %dma_wait3A_44 = arith.constant 0 : i32
    %dma_wait3A_45 = tpu.memref_slice %arg7[%dma_wait3A_43, %dma_wait3A_44] : memref<10240x128xf32, #tpu.memory_space<vmem_shared>> -> memref<10240x128xf32, #tpu.memory_space<vmem_shared>>
    tpu.wait_indirect_dma semaphore(%arg13 : memref<!tpu.dma_semaphore, #tpu.memory_space<semaphore_mem>>) src(%arg11 : memref<128x128xf32, #tpu.memory_space<vmem>>) dst(%dma_wait3A_45 : memref<10240x128xf32, #tpu.memory_space<vmem_shared>>)
    %mul3A_46 = arith.constant 16 : i32
    %mul3A_47 = arith.muli %arg0, %mul3A_46 : i32
    %add3A_48 = arith.addi %mul3A_47, %arg1 : i32
    %mul3A_49 = arith.constant 2 : i32
    %mul3A_50 = arith.muli %add3A_48, %mul3A_49 : i32
    %add3A_51 = arith.constant 1 : i32
    %add3A_52 = arith.addi %mul3A_50, %add3A_51 : i32
    %mul3A_53 = arith.constant 40 : i32
    %mul3A_54 = arith.muli %add3A_52, %mul3A_53 : i32
    "tpu.region"() ({
      %run_scoped3A = tpu.sem_alloc : memref<!tpu.dma_semaphore, #tpu.memory_space<semaphore_mem>>
      %dma_start3A_103 = arith.constant 0 : i32
      %dma_start3A_104 = tpu.memref_slice %arg3[%mul3A_54, %dma_start3A_103] : memref<2560x128xi32, #tpu.memory_space<hbm>> -> memref<40x128xi32, #tpu.memory_space<hbm>>
      %dma_start3A_105 = arith.constant 0 : i32
      %dma_start3A_106 = tpu.memref_slice %arg3[%mul3A_54, %dma_start3A_105] : memref<2560x128xi32, #tpu.memory_space<hbm>> -> memref<40x128xi32, #tpu.memory_space<hbm>>
      tpu.enqueue_dma source(%dma_start3A_106 : memref<40x128xi32, #tpu.memory_space<hbm>>) target(%arg8 : memref<40x128xi32, #tpu.memory_space<vmem>>) target_semaphore(%run_scoped3A : memref<!tpu.dma_semaphore, #tpu.memory_space<semaphore_mem>>)
      %dma_wait3A_107 = arith.constant 0 : i32
      %dma_wait3A_108 = tpu.memref_slice %arg3[%mul3A_54, %dma_wait3A_107] : memref<2560x128xi32, #tpu.memory_space<hbm>> -> memref<40x128xi32, #tpu.memory_space<hbm>>
      %dma_wait3A_109 = arith.constant 0 : i32
      %dma_wait3A_110 = tpu.memref_slice %arg3[%mul3A_54, %dma_wait3A_109] : memref<2560x128xi32, #tpu.memory_space<hbm>> -> memref<40x128xi32, #tpu.memory_space<hbm>>
      tpu.wait_dma2 semaphore(%run_scoped3A : memref<!tpu.dma_semaphore, #tpu.memory_space<semaphore_mem>>) src(%dma_wait3A_110 : memref<40x128xi32, #tpu.memory_space<hbm>>) dst(%arg8 : memref<40x128xi32, #tpu.memory_space<vmem>>)
      tpu.yield
    }) : () -> ()
    %mul3A_55 = arith.constant 2 : i32
    %mul3A_56 = arith.muli %arg1, %mul3A_55 : i32
    %add3A_57 = arith.constant 1 : i32
    %add3A_58 = arith.addi %mul3A_56, %add3A_57 : i32
    %mul3A_59 = arith.constant 40 : i32
    %mul3A_60 = arith.muli %add3A_58, %mul3A_59 : i32
    "tpu.region"() ({
      %run_scoped3A = tpu.sem_alloc : memref<!tpu.dma_semaphore, #tpu.memory_space<semaphore_mem>>
      %dma_start3A_103 = arith.constant 0 : i32
      %dma_start3A_104 = tpu.memref_slice %arg4[%mul3A_60, %dma_start3A_103] : memref<1280x128xi32, #tpu.memory_space<hbm>> -> memref<40x128xi32, #tpu.memory_space<hbm>>
      %dma_start3A_105 = arith.constant 0 : i32
      %dma_start3A_106 = tpu.memref_slice %arg4[%mul3A_60, %dma_start3A_105] : memref<1280x128xi32, #tpu.memory_space<hbm>> -> memref<40x128xi32, #tpu.memory_space<hbm>>
      tpu.enqueue_dma source(%dma_start3A_106 : memref<40x128xi32, #tpu.memory_space<hbm>>) target(%arg9 : memref<40x128xi32, #tpu.memory_space<vmem>>) target_semaphore(%run_scoped3A : memref<!tpu.dma_semaphore, #tpu.memory_space<semaphore_mem>>)
      %dma_wait3A_107 = arith.constant 0 : i32
      %dma_wait3A_108 = tpu.memref_slice %arg4[%mul3A_60, %dma_wait3A_107] : memref<1280x128xi32, #tpu.memory_space<hbm>> -> memref<40x128xi32, #tpu.memory_space<hbm>>
      %dma_wait3A_109 = arith.constant 0 : i32
      %dma_wait3A_110 = tpu.memref_slice %arg4[%mul3A_60, %dma_wait3A_109] : memref<1280x128xi32, #tpu.memory_space<hbm>> -> memref<40x128xi32, #tpu.memory_space<hbm>>
      tpu.wait_dma2 semaphore(%run_scoped3A : memref<!tpu.dma_semaphore, #tpu.memory_space<semaphore_mem>>) src(%dma_wait3A_110 : memref<40x128xi32, #tpu.memory_space<hbm>>) dst(%arg9 : memref<40x128xi32, #tpu.memory_space<vmem>>)
      tpu.yield
    }) : () -> ()
    %dma_start3A_61 = arith.constant 0 : i32
    %dma_start3A_62 = arith.constant 0 : i32
    %dma_start3A_63 = tpu.memref_slice %arg8[%dma_start3A_61, %dma_start3A_62] : memref<40x128xi32, #tpu.memory_space<vmem>> -> memref<1x128xi32, #tpu.memory_space<vmem>>
    %dma_start3A_64 = tpu.memref_squeeze %dma_start3A_63 : memref<1x128xi32, #tpu.memory_space<vmem>> -> memref<128xi32, #tpu.memory_space<vmem>>
    %dma_start3A_65 = arith.constant 0 : i32
    %dma_start3A_66 = arith.constant 0 : i32
    %dma_start3A_67 = tpu.memref_slice %arg2[%dma_start3A_65, %dma_start3A_66] : memref<20000x128xf32, #tpu.memory_space<hbm>> -> memref<20000x128xf32, #tpu.memory_space<hbm>>
    tpu.enqueue_indirect_dma source(%dma_start3A_67 : memref<20000x128xf32, #tpu.memory_space<hbm>>) target(%arg10 : memref<128x128xf32, #tpu.memory_space<vmem>>) offsets(%dma_start3A_64 : memref<128xi32, #tpu.memory_space<vmem>>) semaphore(%arg12 : memref<!tpu.dma_semaphore, #tpu.memory_space<semaphore_mem>>)
    %dma_start3A_68 = arith.constant 1 : i32
    %dma_start3A_69 = arith.constant 0 : i32
    %dma_start3A_70 = tpu.memref_slice %arg8[%dma_start3A_68, %dma_start3A_69] : memref<40x128xi32, #tpu.memory_space<vmem>> -> memref<1x128xi32, #tpu.memory_space<vmem>>
    %dma_start3A_71 = tpu.memref_squeeze %dma_start3A_70 : memref<1x128xi32, #tpu.memory_space<vmem>> -> memref<128xi32, #tpu.memory_space<vmem>>
    %dma_start3A_72 = arith.constant 0 : i32
    %dma_start3A_73 = arith.constant 0 : i32
    %dma_start3A_74 = tpu.memref_slice %arg2[%dma_start3A_72, %dma_start3A_73] : memref<20000x128xf32, #tpu.memory_space<hbm>> -> memref<20000x128xf32, #tpu.memory_space<hbm>>
    tpu.enqueue_indirect_dma source(%dma_start3A_74 : memref<20000x128xf32, #tpu.memory_space<hbm>>) target(%arg11 : memref<128x128xf32, #tpu.memory_space<vmem>>) offsets(%dma_start3A_71 : memref<128xi32, #tpu.memory_space<vmem>>) semaphore(%arg12 : memref<!tpu.dma_semaphore, #tpu.memory_space<semaphore_mem>>)
    %scan3A_75 = arith.constant 0 : i32
    %scan3A_76 = arith.constant 0 : i32
    %scan3A_77 = arith.constant 20 : i32
    %scan3A_78 = arith.addi %scan3A_76, %scan3A_77 : i32
    %scan3A_79 = arith.constant 1 : i32
    scf.for %scan3A_103 = %scan3A_76 to %scan3A_78 step %scan3A_79  : i32 {
      %mul3A_104 = arith.constant 2 : i32
      %mul3A_105 = arith.muli %mul3A_104, %scan3A_103 : i32
      %dma_wait3A_106 = arith.constant 0 : i32
      %dma_wait3A_107 = arith.constant 0 : i32
      %dma_wait3A_108 = tpu.memref_slice %arg8[%dma_wait3A_106, %dma_wait3A_107] : memref<40x128xi32, #tpu.memory_space<vmem>> -> memref<1x128xi32, #tpu.memory_space<vmem>>
      %dma_wait3A_109 = tpu.memref_squeeze %dma_wait3A_108 : memref<1x128xi32, #tpu.memory_space<vmem>> -> memref<128xi32, #tpu.memory_space<vmem>>
      %dma_wait3A_110 = arith.constant 0 : i32
      %dma_wait3A_111 = arith.constant 0 : i32
      %dma_wait3A_112 = tpu.memref_slice %arg2[%dma_wait3A_110, %dma_wait3A_111] : memref<20000x128xf32, #tpu.memory_space<hbm>> -> memref<20000x128xf32, #tpu.memory_space<hbm>>
      tpu.wait_indirect_dma semaphore(%arg12 : memref<!tpu.dma_semaphore, #tpu.memory_space<semaphore_mem>>) src(%dma_wait3A_112 : memref<20000x128xf32, #tpu.memory_space<hbm>>) dst(%arg10 : memref<128x128xf32, #tpu.memory_space<vmem>>)
      %dma_start3A_113 = arith.constant 0 : i32
      %dma_start3A_114 = tpu.memref_slice %arg9[%mul3A_105, %dma_start3A_113] : memref<40x128xi32, #tpu.memory_space<vmem>> -> memref<1x128xi32, #tpu.memory_space<vmem>>
      %dma_start3A_115 = tpu.memref_squeeze %dma_start3A_114 : memref<1x128xi32, #tpu.memory_space<vmem>> -> memref<128xi32, #tpu.memory_space<vmem>>
      %dma_start3A_116 = arith.constant 0 : i32
      %dma_start3A_117 = arith.constant 0 : i32
      %dma_start3A_118 = tpu.memref_slice %arg7[%dma_start3A_116, %dma_start3A_117] : memref<10240x128xf32, #tpu.memory_space<vmem_shared>> -> memref<10240x128xf32, #tpu.memory_space<vmem_shared>>
      tpu.enqueue_indirect_dma source(%arg10 : memref<128x128xf32, #tpu.memory_space<vmem>>) target(%dma_start3A_118 : memref<10240x128xf32, #tpu.memory_space<vmem_shared>>) offsets(%dma_start3A_115 : memref<128xi32, #tpu.memory_space<vmem>>) semaphore(%arg13 : memref<!tpu.dma_semaphore, #tpu.memory_space<semaphore_mem>>) {add = true}
      %dma_wait3A_119 = arith.constant 0 : i32
      %dma_wait3A_120 = arith.constant 0 : i32
      %dma_wait3A_121 = tpu.memref_slice %arg8[%dma_wait3A_119, %dma_wait3A_120] : memref<40x128xi32, #tpu.memory_space<vmem>> -> memref<1x128xi32, #tpu.memory_space<vmem>>
      %dma_wait3A_122 = tpu.memref_squeeze %dma_wait3A_121 : memref<1x128xi32, #tpu.memory_space<vmem>> -> memref<128xi32, #tpu.memory_space<vmem>>
      %dma_wait3A_123 = arith.constant 0 : i32
      %dma_wait3A_124 = arith.constant 0 : i32
      %dma_wait3A_125 = tpu.memref_slice %arg2[%dma_wait3A_123, %dma_wait3A_124] : memref<20000x128xf32, #tpu.memory_space<hbm>> -> memref<20000x128xf32, #tpu.memory_space<hbm>>
      tpu.wait_indirect_dma semaphore(%arg12 : memref<!tpu.dma_semaphore, #tpu.memory_space<semaphore_mem>>) src(%dma_wait3A_125 : memref<20000x128xf32, #tpu.memory_space<hbm>>) dst(%arg11 : memref<128x128xf32, #tpu.memory_space<vmem>>)
      %add3A_126 = arith.constant 1 : i32
      %add3A_127 = arith.addi %mul3A_105, %add3A_126 : i32
      %dma_start3A_128 = arith.constant 0 : i32
      %dma_start3A_129 = tpu.memref_slice %arg9[%add3A_127, %dma_start3A_128] : memref<40x128xi32, #tpu.memory_space<vmem>> -> memref<1x128xi32, #tpu.memory_space<vmem>>
      %dma_start3A_130 = tpu.memref_squeeze %dma_start3A_129 : memref<1x128xi32, #tpu.memory_space<vmem>> -> memref<128xi32, #tpu.memory_space<vmem>>
      %dma_start3A_131 = arith.constant 0 : i32
      %dma_start3A_132 = arith.constant 0 : i32
      %dma_start3A_133 = tpu.memref_slice %arg7[%dma_start3A_131, %dma_start3A_132] : memref<10240x128xf32, #tpu.memory_space<vmem_shared>> -> memref<10240x128xf32, #tpu.memory_space<vmem_shared>>
      tpu.enqueue_indirect_dma source(%arg11 : memref<128x128xf32, #tpu.memory_space<vmem>>) target(%dma_start3A_133 : memref<10240x128xf32, #tpu.memory_space<vmem_shared>>) offsets(%dma_start3A_130 : memref<128xi32, #tpu.memory_space<vmem>>) semaphore(%arg13 : memref<!tpu.dma_semaphore, #tpu.memory_space<semaphore_mem>>) {add = true}
      %add3A_134 = arith.constant 2 : i32
      %add3A_135 = arith.addi %mul3A_105, %add3A_134 : i32
      %lt3A = arith.constant 40 : i32
      %lt3A_136 = arith.cmpi slt, %add3A_135, %lt3A : i32
      %convert_element_type3A = arith.extui %lt3A_136 : i1 to i32
      %cond3A = arith.constant 0 : i32
      %cond3A_137 = arith.cmpi ne, %convert_element_type3A, %cond3A : i32
      scf.if %cond3A_137 {
        %dma_wait3A_145 = arith.constant 0 : i32
        %dma_wait3A_146 = arith.constant 0 : i32
        %dma_wait3A_147 = tpu.memref_slice %arg8[%dma_wait3A_145, %dma_wait3A_146] : memref<40x128xi32, #tpu.memory_space<vmem>> -> memref<1x128xi32, #tpu.memory_space<vmem>>
        %dma_wait3A_148 = tpu.memref_squeeze %dma_wait3A_147 : memref<1x128xi32, #tpu.memory_space<vmem>> -> memref<128xi32, #tpu.memory_space<vmem>>
        %dma_wait3A_149 = arith.constant 0 : i32
        %dma_wait3A_150 = arith.constant 0 : i32
        %dma_wait3A_151 = tpu.memref_slice %arg7[%dma_wait3A_149, %dma_wait3A_150] : memref<10240x128xf32, #tpu.memory_space<vmem_shared>> -> memref<10240x128xf32, #tpu.memory_space<vmem_shared>>
        tpu.wait_indirect_dma semaphore(%arg13 : memref<!tpu.dma_semaphore, #tpu.memory_space<semaphore_mem>>) src(%arg10 : memref<128x128xf32, #tpu.memory_space<vmem>>) dst(%dma_wait3A_151 : memref<10240x128xf32, #tpu.memory_space<vmem_shared>>)
        %add3A_152 = arith.constant 2 : i32
        %add3A_153 = arith.addi %mul3A_105, %add3A_152 : i32
        %dma_start3A_154 = arith.constant 0 : i32
        %dma_start3A_155 = tpu.memref_slice %arg8[%add3A_153, %dma_start3A_154] : memref<40x128xi32, #tpu.memory_space<vmem>> -> memref<1x128xi32, #tpu.memory_space<vmem>>
        %dma_start3A_156 = tpu.memref_squeeze %dma_start3A_155 : memref<1x128xi32, #tpu.memory_space<vmem>> -> memref<128xi32, #tpu.memory_space<vmem>>
        %dma_start3A_157 = arith.constant 0 : i32
        %dma_start3A_158 = arith.constant 0 : i32
        %dma_start3A_159 = tpu.memref_slice %arg2[%dma_start3A_157, %dma_start3A_158] : memref<20000x128xf32, #tpu.memory_space<hbm>> -> memref<20000x128xf32, #tpu.memory_space<hbm>>
        tpu.enqueue_indirect_dma source(%dma_start3A_159 : memref<20000x128xf32, #tpu.memory_space<hbm>>) target(%arg10 : memref<128x128xf32, #tpu.memory_space<vmem>>) offsets(%dma_start3A_156 : memref<128xi32, #tpu.memory_space<vmem>>) semaphore(%arg12 : memref<!tpu.dma_semaphore, #tpu.memory_space<semaphore_mem>>)
      } else {
      }
      %add3A_138 = arith.constant 3 : i32
      %add3A_139 = arith.addi %mul3A_105, %add3A_138 : i32
      %lt3A_140 = arith.constant 40 : i32
      %lt3A_141 = arith.cmpi slt, %add3A_139, %lt3A_140 : i32
      %convert_element_type3A_142 = arith.extui %lt3A_141 : i1 to i32
      %cond3A_143 = arith.constant 0 : i32
      %cond3A_144 = arith.cmpi ne, %convert_element_type3A_142, %cond3A_143 : i32
      scf.if %cond3A_144 {
        %dma_wait3A_145 = arith.constant 0 : i32
        %dma_wait3A_146 = arith.constant 0 : i32
        %dma_wait3A_147 = tpu.memref_slice %arg8[%dma_wait3A_145, %dma_wait3A_146] : memref<40x128xi32, #tpu.memory_space<vmem>> -> memref<1x128xi32, #tpu.memory_space<vmem>>
        %dma_wait3A_148 = tpu.memref_squeeze %dma_wait3A_147 : memref<1x128xi32, #tpu.memory_space<vmem>> -> memref<128xi32, #tpu.memory_space<vmem>>
        %dma_wait3A_149 = arith.constant 0 : i32
        %dma_wait3A_150 = arith.constant 0 : i32
        %dma_wait3A_151 = tpu.memref_slice %arg7[%dma_wait3A_149, %dma_wait3A_150] : memref<10240x128xf32, #tpu.memory_space<vmem_shared>> -> memref<10240x128xf32, #tpu.memory_space<vmem_shared>>
        tpu.wait_indirect_dma semaphore(%arg13 : memref<!tpu.dma_semaphore, #tpu.memory_space<semaphore_mem>>) src(%arg11 : memref<128x128xf32, #tpu.memory_space<vmem>>) dst(%dma_wait3A_151 : memref<10240x128xf32, #tpu.memory_space<vmem_shared>>)
        %add3A_152 = arith.constant 3 : i32
        %add3A_153 = arith.addi %mul3A_105, %add3A_152 : i32
        %dma_start3A_154 = arith.constant 0 : i32
        %dma_start3A_155 = tpu.memref_slice %arg8[%add3A_153, %dma_start3A_154] : memref<40x128xi32, #tpu.memory_space<vmem>> -> memref<1x128xi32, #tpu.memory_space<vmem>>
        %dma_start3A_156 = tpu.memref_squeeze %dma_start3A_155 : memref<1x128xi32, #tpu.memory_space<vmem>> -> memref<128xi32, #tpu.memory_space<vmem>>
        %dma_start3A_157 = arith.constant 0 : i32
        %dma_start3A_158 = arith.constant 0 : i32
        %dma_start3A_159 = tpu.memref_slice %arg2[%dma_start3A_157, %dma_start3A_158] : memref<20000x128xf32, #tpu.memory_space<hbm>> -> memref<20000x128xf32, #tpu.memory_space<hbm>>
        tpu.enqueue_indirect_dma source(%dma_start3A_159 : memref<20000x128xf32, #tpu.memory_space<hbm>>) target(%arg11 : memref<128x128xf32, #tpu.memory_space<vmem>>) offsets(%dma_start3A_156 : memref<128xi32, #tpu.memory_space<vmem>>) semaphore(%arg12 : memref<!tpu.dma_semaphore, #tpu.memory_space<semaphore_mem>>)
      } else {
      }
    }
    %scan3A_80 = arith.constant 20 : i32
    %dma_wait3A_81 = arith.constant 0 : i32
    %dma_wait3A_82 = arith.constant 0 : i32
    %dma_wait3A_83 = tpu.memref_slice %arg8[%dma_wait3A_81, %dma_wait3A_82] : memref<40x128xi32, #tpu.memory_space<vmem>> -> memref<1x128xi32, #tpu.memory_space<vmem>>
    %dma_wait3A_84 = tpu.memref_squeeze %dma_wait3A_83 : memref<1x128xi32, #tpu.memory_space<vmem>> -> memref<128xi32, #tpu.memory_space<vmem>>
    %dma_wait3A_85 = arith.constant 0 : i32
    %dma_wait3A_86 = arith.constant 0 : i32
    %dma_wait3A_87 = tpu.memref_slice %arg7[%dma_wait3A_85, %dma_wait3A_86] : memref<10240x128xf32, #tpu.memory_space<vmem_shared>> -> memref<10240x128xf32, #tpu.memory_space<vmem_shared>>
    tpu.wait_indirect_dma semaphore(%arg13 : memref<!tpu.dma_semaphore, #tpu.memory_space<semaphore_mem>>) src(%arg10 : memref<128x128xf32, #tpu.memory_space<vmem>>) dst(%dma_wait3A_87 : memref<10240x128xf32, #tpu.memory_space<vmem_shared>>)
    %dma_wait3A_88 = arith.constant 0 : i32
    %dma_wait3A_89 = arith.constant 0 : i32
    %dma_wait3A_90 = tpu.memref_slice %arg8[%dma_wait3A_88, %dma_wait3A_89] : memref<40x128xi32, #tpu.memory_space<vmem>> -> memref<1x128xi32, #tpu.memory_space<vmem>>
    %dma_wait3A_91 = tpu.memref_squeeze %dma_wait3A_90 : memref<1x128xi32, #tpu.memory_space<vmem>> -> memref<128xi32, #tpu.memory_space<vmem>>
    %dma_wait3A_92 = arith.constant 0 : i32
    %dma_wait3A_93 = arith.constant 0 : i32
    %dma_wait3A_94 = tpu.memref_slice %arg7[%dma_wait3A_92, %dma_wait3A_93] : memref<10240x128xf32, #tpu.memory_space<vmem_shared>> -> memref<10240x128xf32, #tpu.memory_space<vmem_shared>>
    tpu.wait_indirect_dma semaphore(%arg13 : memref<!tpu.dma_semaphore, #tpu.memory_space<semaphore_mem>>) src(%arg11 : memref<128x128xf32, #tpu.memory_space<vmem>>) dst(%dma_wait3A_94 : memref<10240x128xf32, #tpu.memory_space<vmem_shared>>)
    %barrier3A_95 = arith.constant 0 : index
    tpu.barrier barrier_id(%barrier3A_95)
    %mul3A_96 = arith.constant 640 : i32
    %mul3A_97 = arith.muli %arg1, %mul3A_96 : i32
    %mul3A_98 = arith.constant 10240 : i32
    %mul3A_99 = arith.muli %arg0, %mul3A_98 : i32
    %mul3A_100 = arith.constant 640 : i32
    %mul3A_101 = arith.muli %arg1, %mul3A_100 : i32
    %add3A_102 = arith.addi %mul3A_99, %mul3A_101 : i32
    "tpu.region"() ({
      %run_scoped3A = tpu.sem_alloc : memref<!tpu.dma_semaphore, #tpu.memory_space<semaphore_mem>>
      %dma_start3A_103 = arith.constant 0 : i32
      %dma_start3A_104 = tpu.memref_slice %arg6[%add3A_102, %dma_start3A_103] : memref<20480x128xf32, #tpu.memory_space<hbm>> -> memref<640x128xf32, #tpu.memory_space<hbm>>
      %dma_start3A_105 = arith.constant 0 : i32
      %dma_start3A_106 = tpu.memref_slice %arg7[%mul3A_97, %dma_start3A_105] : memref<10240x128xf32, #tpu.memory_space<vmem_shared>> -> memref<640x128xf32, #tpu.memory_space<vmem_shared>>
      tpu.enqueue_dma source(%dma_start3A_106 : memref<640x128xf32, #tpu.memory_space<vmem_shared>>) target(%dma_start3A_104 : memref<640x128xf32, #tpu.memory_space<hbm>>) target_semaphore(%run_scoped3A : memref<!tpu.dma_semaphore, #tpu.memory_space<semaphore_mem>>)
      %dma_wait3A_107 = arith.constant 0 : i32
      %dma_wait3A_108 = tpu.memref_slice %arg6[%add3A_102, %dma_wait3A_107] : memref<20480x128xf32, #tpu.memory_space<hbm>> -> memref<640x128xf32, #tpu.memory_space<hbm>>
      %dma_wait3A_109 = arith.constant 0 : i32
      %dma_wait3A_110 = tpu.memref_slice %arg7[%mul3A_97, %dma_wait3A_109] : memref<10240x128xf32, #tpu.memory_space<vmem_shared>> -> memref<640x128xf32, #tpu.memory_space<vmem_shared>>
      tpu.wait_dma2 semaphore(%run_scoped3A : memref<!tpu.dma_semaphore, #tpu.memory_space<semaphore_mem>>) src(%dma_wait3A_110 : memref<640x128xf32, #tpu.memory_space<vmem_shared>>) dst(%dma_wait3A_108 : memref<640x128xf32, #tpu.memory_space<hbm>>)
      tpu.yield
    }) : () -> ()
    return
  }
}

module attributes {stable_mosaic.version = 14 : i64} {
  func.func @_stage_a_body(%arg0: i32, %arg1: memref<512x256xf32, #tpu.memory_space<vmem>>, %arg2: memref<1x512x128xf32, #tpu.memory_space<vmem>>, %arg3: memref<1x512x128xf32, #tpu.memory_space<vmem>>, %arg4: memref<1x512x128xf32, #tpu.memory_space<vmem>>, %arg5: memref<1x512x128xf32, #tpu.memory_space<vmem>>, %arg6: memref<256x512xf32, #tpu.memory_space<vmem>>, %arg7: memref<128x512xf32, #tpu.memory_space<vmem>>, %arg8: memref<128x512xf32, #tpu.memory_space<vmem>>, %arg9: memref<1x512xf32, #tpu.memory_space<vmem>>, %arg10: memref<512x256xf32, #tpu.memory_space<vmem>>, %arg11: memref<512x512xf32, #tpu.memory_space<vmem>>, %arg12: memref<512x256xf32, #tpu.memory_space<vmem>>, %arg13: memref<512x16xf32, #tpu.memory_space<vmem>>) attributes {dimension_semantics = [#tpu.dimension_semantics<arbitrary>], iteration_bounds = array<i64: 20>, scalar_prefetch = 0 : i64, scratch_operands = 0 : i64, tpu.core_type = #tpu.core_type<tc>, window_params = [{transform_indices = @transform_0, window_bounds = array<i64: 512, 256>}, {transform_indices = @transform_1, window_bounds = array<i64: 1, 512, 128>}, {transform_indices = @transform_2, window_bounds = array<i64: 1, 512, 128>}, {transform_indices = @transform_3, window_bounds = array<i64: 1, 512, 128>}, {transform_indices = @transform_4, window_bounds = array<i64: 1, 512, 128>}, {pipeline_mode = #tpu.pipeline_mode<synchronous>, transform_indices = @transform_5, window_bounds = array<i64: 256, 512>}, {pipeline_mode = #tpu.pipeline_mode<synchronous>, transform_indices = @transform_6, window_bounds = array<i64: 128, 512>}, {pipeline_mode = #tpu.pipeline_mode<synchronous>, transform_indices = @transform_7, window_bounds = array<i64: 128, 512>}, {pipeline_mode = #tpu.pipeline_mode<synchronous>, transform_indices = @transform_8, window_bounds = array<i64: 1, 512>}, {pipeline_mode = #tpu.pipeline_mode<synchronous>, transform_indices = @transform_9, window_bounds = array<i64: 512, 256>}, {transform_indices = @transform_10, window_bounds = array<i64: 512, 512>}, {transform_indices = @transform_11, window_bounds = array<i64: 512, 256>}, {transform_indices = @transform_12, window_bounds = array<i64: 512, 16>}]} {
    %get3A = arith.constant 0 : index
    %get3A_0 = arith.constant 0 : index
    %get3A_1 = arith.constant 0 : index
    %get3A_2 = vector.load %arg4[%get3A, %get3A_0, %get3A_1] : memref<1x512x128xf32, #tpu.memory_space<vmem>>, vector<1x512x16xf32>
    %get3A_3 = vector.shape_cast %get3A_2 : vector<1x512x16xf32> to vector<512x16xf32>
    %get3A_4 = arith.constant 0 : index
    %get3A_5 = arith.constant 0 : index
    %get3A_6 = arith.constant 0 : index
    %get3A_7 = vector.load %arg5[%get3A_4, %get3A_5, %get3A_6] : memref<1x512x128xf32, #tpu.memory_space<vmem>>, vector<1x512x16xf32>
    %get3A_8 = vector.shape_cast %get3A_7 : vector<1x512x16xf32> to vector<512x16xf32>
    %add3A = arith.addf %get3A_3, %get3A_8 : vector<512x16xf32>
    %swap3A = arith.constant 0 : index
    %swap3A_9 = arith.constant 0 : index
    %swap3A_10 = vector.load %arg13[%swap3A, %swap3A_9] : memref<512x16xf32, #tpu.memory_space<vmem>>, vector<512x16xf32>
    tpu.vector_store %arg13[%swap3A, %swap3A_9], %add3A {strides = array<i32>} : memref<512x16xf32, #tpu.memory_space<vmem>>, vector<512x16xf32>,
    %slice3A = vector.extract_strided_slice %add3A {offsets = [0, 0], sizes = [512, 1], strides = [1, 1]} : vector<512x16xf32> to vector<512x1xf32>
    %add3A_11 = arith.constant 9.99999996E-13 : f32
    %add3A_12 = vector.broadcast %add3A_11 : f32 to vector<512x1xf32>
    %add3A_13 = arith.addf %slice3A, %add3A_12 : vector<512x1xf32>
    %div3A = arith.constant 1.000000e+00 : f32
    %div3A_14 = vector.broadcast %div3A : f32 to vector<512x1xf32>
    %div3A_15 = arith.divf %div3A_14, %add3A_13 : vector<512x1xf32>
    %get3A_16 = arith.constant 0 : index
    %get3A_17 = arith.constant 0 : index
    %get3A_18 = arith.constant 0 : index
    %get3A_19 = vector.load %arg2[%get3A_16, %get3A_17, %get3A_18] : memref<1x512x128xf32, #tpu.memory_space<vmem>>, vector<1x512x128xf32>
    %get3A_20 = vector.shape_cast %get3A_19 : vector<1x512x128xf32> to vector<512x128xf32>
    %mul3A = vector.broadcast %div3A_15 : vector<512x1xf32> to vector<512x128xf32>
    %mul3A_21 = arith.mulf %get3A_20, %mul3A : vector<512x128xf32>
    %get3A_22 = arith.constant 0 : index
    %get3A_23 = arith.constant 0 : index
    %get3A_24 = arith.constant 0 : index
    %get3A_25 = vector.load %arg3[%get3A_22, %get3A_23, %get3A_24] : memref<1x512x128xf32, #tpu.memory_space<vmem>>, vector<1x512x128xf32>
    %get3A_26 = vector.shape_cast %get3A_25 : vector<1x512x128xf32> to vector<512x128xf32>
    %mul3A_27 = vector.broadcast %div3A_15 : vector<512x1xf32> to vector<512x128xf32>
    %mul3A_28 = arith.mulf %get3A_26, %mul3A_27 : vector<512x128xf32>
    %get3A_29 = arith.constant 0 : index
    %get3A_30 = arith.constant 0 : index
    %get3A_31 = vector.load %arg1[%get3A_29, %get3A_30] : memref<512x256xf32, #tpu.memory_space<vmem>>, vector<512x256xf32>
    %get3A_32 = arith.constant 0 : index
    %get3A_33 = arith.constant 0 : index
    %get3A_34 = vector.load %arg6[%get3A_32, %get3A_33] : memref<256x512xf32, #tpu.memory_space<vmem>>, vector<256x512xf32>
    %dot_general3A = arith.constant dense<0.000000e+00> : vector<512x512xf32>
    %dot_general3A_35 = tpu.matmul %get3A_31, %get3A_34, %dot_general3A {dimension_numbers = #tpu.dot_dimension_numbers<[1], [0], [0], [1], [0, 0, 1, 1], [], []>, transpose_lhs_hint = false} : vector<512x256xf32>, vector<256x512xf32>, vector<512x512xf32> -> vector<512x512xf32>
    %get3A_36 = arith.constant 0 : index
    %get3A_37 = arith.constant 0 : index
    %get3A_38 = vector.load %arg7[%get3A_36, %get3A_37] : memref<128x512xf32, #tpu.memory_space<vmem>>, vector<128x512xf32>
    %dot_general3A_39 = arith.constant dense<0.000000e+00> : vector<512x512xf32>
    %dot_general3A_40 = tpu.matmul %mul3A_21, %get3A_38, %dot_general3A_39 {dimension_numbers = #tpu.dot_dimension_numbers<[1], [0], [0], [1], [0, 0, 1, 1], [], []>, transpose_lhs_hint = false} : vector<512x128xf32>, vector<128x512xf32>, vector<512x512xf32> -> vector<512x512xf32>
    %add3A_41 = arith.addf %dot_general3A_35, %dot_general3A_40 : vector<512x512xf32>
    %get3A_42 = arith.constant 0 : index
    %get3A_43 = arith.constant 0 : index
    %get3A_44 = vector.load %arg8[%get3A_42, %get3A_43] : memref<128x512xf32, #tpu.memory_space<vmem>>, vector<128x512xf32>
    %dot_general3A_45 = arith.constant dense<0.000000e+00> : vector<512x512xf32>
    %dot_general3A_46 = tpu.matmul %mul3A_28, %get3A_44, %dot_general3A_45 {dimension_numbers = #tpu.dot_dimension_numbers<[1], [0], [0], [1], [0, 0, 1, 1], [], []>, transpose_lhs_hint = false} : vector<512x128xf32>, vector<128x512xf32>, vector<512x512xf32> -> vector<512x512xf32>
    %add3A_47 = arith.addf %add3A_41, %dot_general3A_46 : vector<512x512xf32>
    %get3A_48 = arith.constant 0 : index
    %get3A_49 = arith.constant 0 : index
    %get3A_50 = vector.load %arg9[%get3A_48, %get3A_49] : memref<1x512xf32, #tpu.memory_space<vmem>>, vector<1x512xf32>
    %add3A_51 = vector.broadcast %get3A_50 : vector<1x512xf32> to vector<512x512xf32>
    %add3A_52 = arith.addf %add3A_47, %add3A_51 : vector<512x512xf32>
    %max3A = arith.constant 0.000000e+00 : f32
    %max3A_53 = vector.broadcast %max3A : f32 to vector<512x512xf32>
    %max3A_54 = arith.maximumf %add3A_52, %max3A_53 : vector<512x512xf32>
    %swap3A_55 = arith.constant 0 : index
    %swap3A_56 = arith.constant 0 : index
    %swap3A_57 = vector.load %arg11[%swap3A_55, %swap3A_56] : memref<512x512xf32, #tpu.memory_space<vmem>>, vector<512x512xf32>
    tpu.vector_store %arg11[%swap3A_55, %swap3A_56], %max3A_54 {strides = array<i32>} : memref<512x512xf32, #tpu.memory_space<vmem>>, vector<512x512xf32>,
    %get3A_58 = arith.constant 0 : index
    %get3A_59 = arith.constant 0 : index
    %get3A_60 = vector.load %arg10[%get3A_58, %get3A_59] : memref<512x256xf32, #tpu.memory_space<vmem>>, vector<512x256xf32>
    %dot_general3A_61 = arith.constant dense<0.000000e+00> : vector<512x256xf32>
    %dot_general3A_62 = tpu.matmul %max3A_54, %get3A_60, %dot_general3A_61 {dimension_numbers = #tpu.dot_dimension_numbers<[1], [0], [0], [1], [0, 0, 1, 1], [], []>, transpose_lhs_hint = false} : vector<512x512xf32>, vector<512x256xf32>, vector<512x256xf32> -> vector<512x256xf32>
    %swap3A_63 = arith.constant 0 : index
    %swap3A_64 = arith.constant 0 : index
    %swap3A_65 = vector.load %arg12[%swap3A_63, %swap3A_64] : memref<512x256xf32, #tpu.memory_space<vmem>>, vector<512x256xf32>
    tpu.vector_store %arg12[%swap3A_63, %swap3A_64], %dot_general3A_62 {strides = array<i32>} : memref<512x256xf32, #tpu.memory_space<vmem>>, vector<512x256xf32>,
    return
  }
  func.func @transform_0(%arg0: i32) -> (i32, i32) {
    %c0_i32 = arith.constant 0 : i32
    %c0_i32_0 = arith.constant 0 : i32
    return %arg0, %c0_i32 : i32, i32
  }
  func.func @transform_1(%arg0: i32) -> (i32, i32, i32) {
    %c0_i32 = arith.constant 0 : i32
    %c0_i32_0 = arith.constant 0 : i32
    %c0_i32_1 = arith.constant 0 : i32
    return %c0_i32, %arg0, %c0_i32_0 : i32, i32, i32
  }
  func.func @transform_2(%arg0: i32) -> (i32, i32, i32) {
    %c1_i32 = arith.constant 1 : i32
    %c0_i32 = arith.constant 0 : i32
    %c0_i32_0 = arith.constant 0 : i32
    return %c1_i32, %arg0, %c0_i32 : i32, i32, i32
  }
  func.func @transform_3(%arg0: i32) -> (i32, i32, i32) {
    %c0_i32 = arith.constant 0 : i32
    %c0_i32_0 = arith.constant 0 : i32
    %c0_i32_1 = arith.constant 0 : i32
    return %c0_i32, %arg0, %c0_i32_0 : i32, i32, i32
  }
  func.func @transform_4(%arg0: i32) -> (i32, i32, i32) {
    %c1_i32 = arith.constant 1 : i32
    %c0_i32 = arith.constant 0 : i32
    %c0_i32_0 = arith.constant 0 : i32
    return %c1_i32, %arg0, %c0_i32 : i32, i32, i32
  }
  func.func @transform_5(%arg0: i32) -> (i32, i32) {
    %c0_i32 = arith.constant 0 : i32
    %c0_i32_0 = arith.constant 0 : i32
    %c0_i32_1 = arith.constant 0 : i32
    return %c0_i32, %c0_i32_0 : i32, i32
  }
  func.func @transform_6(%arg0: i32) -> (i32, i32) {
    %c0_i32 = arith.constant 0 : i32
    %c0_i32_0 = arith.constant 0 : i32
    %c0_i32_1 = arith.constant 0 : i32
    return %c0_i32, %c0_i32_0 : i32, i32
  }
  func.func @transform_7(%arg0: i32) -> (i32, i32) {
    %c0_i32 = arith.constant 0 : i32
    %c0_i32_0 = arith.constant 0 : i32
    %c0_i32_1 = arith.constant 0 : i32
    return %c0_i32, %c0_i32_0 : i32, i32
  }
  func.func @transform_8(%arg0: i32) -> (i32, i32) {
    %c0_i32 = arith.constant 0 : i32
    %c0_i32_0 = arith.constant 0 : i32
    %c0_i32_1 = arith.constant 0 : i32
    return %c0_i32, %c0_i32_0 : i32, i32
  }
  func.func @transform_9(%arg0: i32) -> (i32, i32) {
    %c0_i32 = arith.constant 0 : i32
    %c0_i32_0 = arith.constant 0 : i32
    %c0_i32_1 = arith.constant 0 : i32
    return %c0_i32, %c0_i32_0 : i32, i32
  }
  func.func @transform_10(%arg0: i32) -> (i32, i32) {
    %c0_i32 = arith.constant 0 : i32
    %c0_i32_0 = arith.constant 0 : i32
    return %arg0, %c0_i32 : i32, i32
  }
  func.func @transform_11(%arg0: i32) -> (i32, i32) {
    %c0_i32 = arith.constant 0 : i32
    %c0_i32_0 = arith.constant 0 : i32
    return %arg0, %c0_i32 : i32, i32
  }
  func.func @transform_12(%arg0: i32) -> (i32, i32) {
    %c0_i32 = arith.constant 0 : i32
    %c0_i32_0 = arith.constant 0 : i32
    return %arg0, %c0_i32 : i32, i32
  }
}

module attributes {stable_mosaic.version = 14 : i64} {
  func.func @_stage_b_body(%arg0: i32, %arg1: memref<512x512xf32, #tpu.memory_space<vmem>>, %arg2: memref<1x512x128xf32, #tpu.memory_space<vmem>>, %arg3: memref<1x512x128xf32, #tpu.memory_space<vmem>>, %arg4: memref<512x16xf32, #tpu.memory_space<vmem>>, %arg5: memref<512x512xf32, #tpu.memory_space<vmem>>, %arg6: memref<1x512x128xf32, #tpu.memory_space<vmem>>, %arg7: memref<1x512x128xf32, #tpu.memory_space<vmem>>, %arg8: memref<512x16xf32, #tpu.memory_space<vmem>>, %arg9: memref<512x256xf32, #tpu.memory_space<vmem>>, %arg10: memref<1x256xf32, #tpu.memory_space<vmem>>, %arg11: memref<512x256xf32, #tpu.memory_space<vmem>>, %arg12: memref<1x256xf32, #tpu.memory_space<vmem>>, %arg13: memref<256x256xf32, #tpu.memory_space<vmem>>, %arg14: memref<256x256xf32, #tpu.memory_space<vmem>>, %arg15: memref<1x256xf32, #tpu.memory_space<vmem>>, %arg16: memref<1x256xf32, #tpu.memory_space<vmem>>, %arg17: memref<1x1xf32, #tpu.memory_space<vmem>>, %arg18: memref<512x256xf32, #tpu.memory_space<vmem>>) attributes {dimension_semantics = [#tpu.dimension_semantics<arbitrary>], iteration_bounds = array<i64: 20>, scalar_prefetch = 0 : i64, scratch_operands = 0 : i64, tpu.core_type = #tpu.core_type<tc>, window_params = [{transform_indices = @transform_0, window_bounds = array<i64: 512, 512>}, {transform_indices = @transform_1, window_bounds = array<i64: 1, 512, 128>}, {transform_indices = @transform_2, window_bounds = array<i64: 1, 512, 128>}, {transform_indices = @transform_3, window_bounds = array<i64: 512, 16>}, {transform_indices = @transform_4, window_bounds = array<i64: 512, 512>}, {transform_indices = @transform_5, window_bounds = array<i64: 1, 512, 128>}, {transform_indices = @transform_6, window_bounds = array<i64: 1, 512, 128>}, {transform_indices = @transform_7, window_bounds = array<i64: 512, 16>}, {pipeline_mode = #tpu.pipeline_mode<synchronous>, transform_indices = @transform_8, window_bounds = array<i64: 512, 256>}, {pipeline_mode = #tpu.pipeline_mode<synchronous>, transform_indices = @transform_9, window_bounds = array<i64: 1, 256>}, {pipeline_mode = #tpu.pipeline_mode<synchronous>, transform_indices = @transform_10, window_bounds = array<i64: 512, 256>}, {pipeline_mode = #tpu.pipeline_mode<synchronous>, transform_indices = @transform_11, window_bounds = array<i64: 1, 256>}, {pipeline_mode = #tpu.pipeline_mode<synchronous>, transform_indices = @transform_12, window_bounds = array<i64: 256, 256>}, {pipeline_mode = #tpu.pipeline_mode<synchronous>, transform_indices = @transform_13, window_bounds = array<i64: 256, 256>}, {pipeline_mode = #tpu.pipeline_mode<synchronous>, transform_indices = @transform_14, window_bounds = array<i64: 1, 256>}, {pipeline_mode = #tpu.pipeline_mode<synchronous>, transform_indices = @transform_15, window_bounds = array<i64: 1, 256>}, {pipeline_mode = #tpu.pipeline_mode<synchronous>, transform_indices = @transform_16, window_bounds = array<i64: 1, 1>}, {transform_indices = @transform_17, window_bounds = array<i64: 512, 256>}]} {
    %get3A = arith.constant 0 : index
    %get3A_0 = arith.constant 0 : index
    %get3A_1 = vector.load %arg4[%get3A, %get3A_0] : memref<512x16xf32, #tpu.memory_space<vmem>>, vector<512x1xf32>
    %add3A = arith.constant 9.99999996E-13 : f32
    %add3A_2 = vector.broadcast %add3A : f32 to vector<512x1xf32>
    %add3A_3 = arith.addf %get3A_1, %add3A_2 : vector<512x1xf32>
    %div3A = arith.constant 1.000000e+00 : f32
    %div3A_4 = vector.broadcast %div3A : f32 to vector<512x1xf32>
    %div3A_5 = arith.divf %div3A_4, %add3A_3 : vector<512x1xf32>
    %get3A_6 = arith.constant 0 : index
    %get3A_7 = arith.constant 0 : index
    %get3A_8 = vector.load %arg8[%get3A_6, %get3A_7] : memref<512x16xf32, #tpu.memory_space<vmem>>, vector<512x1xf32>
    %add3A_9 = arith.constant 9.99999996E-13 : f32
    %add3A_10 = vector.broadcast %add3A_9 : f32 to vector<512x1xf32>
    %add3A_11 = arith.addf %get3A_8, %add3A_10 : vector<512x1xf32>
    %div3A_12 = arith.constant 1.000000e+00 : f32
    %div3A_13 = vector.broadcast %div3A_12 : f32 to vector<512x1xf32>
    %div3A_14 = arith.divf %div3A_13, %add3A_11 : vector<512x1xf32>
    %get3A_15 = arith.constant 0 : index
    %get3A_16 = arith.constant 0 : index
    %get3A_17 = arith.constant 0 : index
    %get3A_18 = vector.load %arg2[%get3A_15, %get3A_16, %get3A_17] : memref<1x512x128xf32, #tpu.memory_space<vmem>>, vector<1x512x128xf32>
    %get3A_19 = vector.shape_cast %get3A_18 : vector<1x512x128xf32> to vector<512x128xf32>
    %get3A_20 = arith.constant 0 : index
    %get3A_21 = arith.constant 0 : index
    %get3A_22 = arith.constant 0 : index
    %get3A_23 = vector.load %arg3[%get3A_20, %get3A_21, %get3A_22] : memref<1x512x128xf32, #tpu.memory_space<vmem>>, vector<1x512x128xf32>
    %get3A_24 = vector.shape_cast %get3A_23 : vector<1x512x128xf32> to vector<512x128xf32>
    %concatenate3A = tpu.concatenate %get3A_19, %get3A_24 in 1 : vector<512x128xf32>, vector<512x128xf32> -> vector<512x256xf32>
    %mul3A = vector.broadcast %div3A_5 : vector<512x1xf32> to vector<512x256xf32>
    %mul3A_25 = arith.mulf %concatenate3A, %mul3A : vector<512x256xf32>
    %get3A_26 = arith.constant 0 : index
    %get3A_27 = arith.constant 0 : index
    %get3A_28 = arith.constant 0 : index
    %get3A_29 = vector.load %arg6[%get3A_26, %get3A_27, %get3A_28] : memref<1x512x128xf32, #tpu.memory_space<vmem>>, vector<1x512x128xf32>
    %get3A_30 = vector.shape_cast %get3A_29 : vector<1x512x128xf32> to vector<512x128xf32>
    %get3A_31 = arith.constant 0 : index
    %get3A_32 = arith.constant 0 : index
    %get3A_33 = arith.constant 0 : index
    %get3A_34 = vector.load %arg7[%get3A_31, %get3A_32, %get3A_33] : memref<1x512x128xf32, #tpu.memory_space<vmem>>, vector<1x512x128xf32>
    %get3A_35 = vector.shape_cast %get3A_34 : vector<1x512x128xf32> to vector<512x128xf32>
    %concatenate3A_36 = tpu.concatenate %get3A_30, %get3A_35 in 1 : vector<512x128xf32>, vector<512x128xf32> -> vector<512x256xf32>
    %mul3A_37 = vector.broadcast %div3A_14 : vector<512x1xf32> to vector<512x256xf32>
    %mul3A_38 = arith.mulf %concatenate3A_36, %mul3A_37 : vector<512x256xf32>
    %get3A_39 = arith.constant 0 : index
    %get3A_40 = arith.constant 0 : index
    %get3A_41 = vector.load %arg1[%get3A_39, %get3A_40] : memref<512x512xf32, #tpu.memory_space<vmem>>, vector<512x512xf32>
    %get3A_42 = arith.constant 0 : index
    %get3A_43 = arith.constant 0 : index
    %get3A_44 = vector.load %arg9[%get3A_42, %get3A_43] : memref<512x256xf32, #tpu.memory_space<vmem>>, vector<512x256xf32>
    %dot_general3A = arith.constant dense<0.000000e+00> : vector<512x256xf32>
    %dot_general3A_45 = tpu.matmul %get3A_41, %get3A_44, %dot_general3A {dimension_numbers = #tpu.dot_dimension_numbers<[1], [0], [0], [1], [0, 0, 1, 1], [], []>, transpose_lhs_hint = false} : vector<512x512xf32>, vector<512x256xf32>, vector<512x256xf32> -> vector<512x256xf32>
    %add3A_46 = arith.addf %dot_general3A_45, %mul3A_25 : vector<512x256xf32>
    %get3A_47 = arith.constant 0 : index
    %get3A_48 = arith.constant 0 : index
    %get3A_49 = vector.load %arg10[%get3A_47, %get3A_48] : memref<1x256xf32, #tpu.memory_space<vmem>>, vector<1x256xf32>
    %add3A_50 = vector.broadcast %get3A_49 : vector<1x256xf32> to vector<512x256xf32>
    %add3A_51 = arith.addf %add3A_46, %add3A_50 : vector<512x256xf32>
    %max3A = arith.constant 0.000000e+00 : f32
    %max3A_52 = vector.broadcast %max3A : f32 to vector<512x256xf32>
    %max3A_53 = arith.maximumf %add3A_51, %max3A_52 : vector<512x256xf32>
    %get3A_54 = arith.constant 0 : index
    %get3A_55 = arith.constant 0 : index
    %get3A_56 = vector.load %arg5[%get3A_54, %get3A_55] : memref<512x512xf32, #tpu.memory_space<vmem>>, vector<512x512xf32>
    %get3A_57 = arith.constant 0 : index
    %get3A_58 = arith.constant 0 : index
    %get3A_59 = vector.load %arg11[%get3A_57, %get3A_58] : memref<512x256xf32, #tpu.memory_space<vmem>>, vector<512x256xf32>
    %dot_general3A_60 = arith.constant dense<0.000000e+00> : vector<512x256xf32>
    %dot_general3A_61 = tpu.matmul %get3A_56, %get3A_59, %dot_general3A_60 {dimension_numbers = #tpu.dot_dimension_numbers<[1], [0], [0], [1], [0, 0, 1, 1], [], []>, transpose_lhs_hint = false} : vector<512x512xf32>, vector<512x256xf32>, vector<512x256xf32> -> vector<512x256xf32>
    %add3A_62 = arith.addf %dot_general3A_61, %mul3A_38 : vector<512x256xf32>
    %get3A_63 = arith.constant 0 : index
    %get3A_64 = arith.constant 0 : index
    %get3A_65 = vector.load %arg12[%get3A_63, %get3A_64] : memref<1x256xf32, #tpu.memory_space<vmem>>, vector<1x256xf32>
    %add3A_66 = vector.broadcast %get3A_65 : vector<1x256xf32> to vector<512x256xf32>
    %add3A_67 = arith.addf %add3A_62, %add3A_66 : vector<512x256xf32>
    %max3A_68 = arith.constant 0.000000e+00 : f32
    %max3A_69 = vector.broadcast %max3A_68 : f32 to vector<512x256xf32>
    %max3A_70 = arith.maximumf %add3A_67, %max3A_69 : vector<512x256xf32>
    %get3A_71 = arith.constant 0 : index
    %get3A_72 = arith.constant 0 : index
    %get3A_73 = vector.load %arg13[%get3A_71, %get3A_72] : memref<256x256xf32, #tpu.memory_space<vmem>>, vector<256x256xf32>
    %dot_general3A_74 = arith.constant dense<0.000000e+00> : vector<512x256xf32>
    %dot_general3A_75 = tpu.matmul %max3A_53, %get3A_73, %dot_general3A_74 {dimension_numbers = #tpu.dot_dimension_numbers<[1], [0], [0], [1], [0, 0, 1, 1], [], []>, transpose_lhs_hint = false} : vector<512x256xf32>, vector<256x256xf32>, vector<512x256xf32> -> vector<512x256xf32>
    %get3A_76 = arith.constant 0 : index
    %get3A_77 = arith.constant 0 : index
    %get3A_78 = vector.load %arg14[%get3A_76, %get3A_77] : memref<256x256xf32, #tpu.memory_space<vmem>>, vector<256x256xf32>
    %dot_general3A_79 = arith.constant dense<0.000000e+00> : vector<512x256xf32>
    %dot_general3A_80 = tpu.matmul %max3A_70, %get3A_78, %dot_general3A_79 {dimension_numbers = #tpu.dot_dimension_numbers<[1], [0], [0], [1], [0, 0, 1, 1], [], []>, transpose_lhs_hint = false} : vector<512x256xf32>, vector<256x256xf32>, vector<512x256xf32> -> vector<512x256xf32>
    %add3A_81 = arith.addf %dot_general3A_75, %dot_general3A_80 : vector<512x256xf32>
    %get3A_82 = arith.constant 0 : index
    %get3A_83 = arith.constant 0 : index
    %get3A_84 = vector.load %arg15[%get3A_82, %get3A_83] : memref<1x256xf32, #tpu.memory_space<vmem>>, vector<1x256xf32>
    %add3A_85 = vector.broadcast %get3A_84 : vector<1x256xf32> to vector<512x256xf32>
    %add3A_86 = arith.addf %add3A_81, %add3A_85 : vector<512x256xf32>
    %max3A_87 = arith.constant 0.000000e+00 : f32
    %max3A_88 = vector.broadcast %max3A_87 : f32 to vector<512x256xf32>
    %max3A_89 = arith.maximumf %add3A_86, %max3A_88 : vector<512x256xf32>
    %get3A_90 = arith.constant 0 : index
    %get3A_91 = arith.constant 0 : index
    %get3A_92 = vector.load %arg16[%get3A_90, %get3A_91] : memref<1x256xf32, #tpu.memory_space<vmem>>, vector<1x256xf32>
    %mul3A_93 = vector.broadcast %get3A_92 : vector<1x256xf32> to vector<512x256xf32>
    %mul3A_94 = arith.mulf %max3A_89, %mul3A_93 : vector<512x256xf32>
    %reduce_sum3A = arith.constant dense<0.000000e+00> : vector<512xf32>
    %reduce_sum3A_95 = vector.multi_reduction <add>, %mul3A_94, %reduce_sum3A [1] : vector<512x256xf32> to vector<512xf32>
    %broadcast_in_dim3A = vector.shape_cast %reduce_sum3A_95 : vector<512xf32> to vector<512x1xf32>
    %get3A_96 = arith.constant 0 : index
    %get3A_97 = arith.constant 0 : index
    %get3A_98 = vector.load %arg17[%get3A_96, %get3A_97] : memref<1x1xf32, #tpu.memory_space<vmem>>, vector<1x1xf32>
    %add3A_99 = vector.broadcast %get3A_98 : vector<1x1xf32> to vector<512x1xf32>
    %add3A_100 = arith.addf %broadcast_in_dim3A, %add3A_99 : vector<512x1xf32>
    %logistic3A = arith.negf %add3A_100 : vector<512x1xf32>
    %logistic3A_101 = math.exp %logistic3A : vector<512x1xf32>
    %logistic3A_102 = arith.constant 1.000000e+00 : f32
    %logistic3A_103 = vector.broadcast %logistic3A_102 : f32 to vector<512x1xf32>
    %logistic3A_104 = arith.addf %logistic3A_103, %logistic3A_101 : vector<512x1xf32>
    %logistic3A_105 = arith.divf %logistic3A_103, %logistic3A_104 : vector<512x1xf32>
    %mul3A_106 = vector.broadcast %logistic3A_105 : vector<512x1xf32> to vector<512x256xf32>
    %mul3A_107 = arith.mulf %mul3A_106, %max3A_53 : vector<512x256xf32>
    %sub3A = arith.constant 1.000000e+00 : f32
    %sub3A_108 = vector.broadcast %sub3A : f32 to vector<512x1xf32>
    %sub3A_109 = arith.subf %sub3A_108, %logistic3A_105 : vector<512x1xf32>
    %mul3A_110 = vector.broadcast %sub3A_109 : vector<512x1xf32> to vector<512x256xf32>
    %mul3A_111 = arith.mulf %mul3A_110, %max3A_70 : vector<512x256xf32>
    %add3A_112 = arith.addf %mul3A_107, %mul3A_111 : vector<512x256xf32>
    %swap3A = arith.constant 0 : index
    %swap3A_113 = arith.constant 0 : index
    %swap3A_114 = vector.load %arg18[%swap3A, %swap3A_113] : memref<512x256xf32, #tpu.memory_space<vmem>>, vector<512x256xf32>
    tpu.vector_store %arg18[%swap3A, %swap3A_113], %add3A_112 {strides = array<i32>} : memref<512x256xf32, #tpu.memory_space<vmem>>, vector<512x256xf32>,
    return
  }
  func.func @transform_0(%arg0: i32) -> (i32, i32) {
    %c0_i32 = arith.constant 0 : i32
    %c0_i32_0 = arith.constant 0 : i32
    return %arg0, %c0_i32 : i32, i32
  }
  func.func @transform_1(%arg0: i32) -> (i32, i32, i32) {
    %c0_i32 = arith.constant 0 : i32
    %c0_i32_0 = arith.constant 0 : i32
    %c0_i32_1 = arith.constant 0 : i32
    return %c0_i32, %arg0, %c0_i32_0 : i32, i32, i32
  }
  func.func @transform_2(%arg0: i32) -> (i32, i32, i32) {
    %c1_i32 = arith.constant 1 : i32
    %c0_i32 = arith.constant 0 : i32
    %c0_i32_0 = arith.constant 0 : i32
    return %c1_i32, %arg0, %c0_i32 : i32, i32, i32
  }
  func.func @transform_3(%arg0: i32) -> (i32, i32) {
    %c0_i32 = arith.constant 0 : i32
    %c0_i32_0 = arith.constant 0 : i32
    return %arg0, %c0_i32 : i32, i32
  }
  func.func @transform_4(%arg0: i32) -> (i32, i32) {
    %c0_i32 = arith.constant 0 : i32
    %c0_i32_0 = arith.constant 0 : i32
    return %arg0, %c0_i32 : i32, i32
  }
  func.func @transform_5(%arg0: i32) -> (i32, i32, i32) {
    %c0_i32 = arith.constant 0 : i32
    %c0_i32_0 = arith.constant 0 : i32
    %c0_i32_1 = arith.constant 0 : i32
    return %c0_i32, %arg0, %c0_i32_0 : i32, i32, i32
  }
  func.func @transform_6(%arg0: i32) -> (i32, i32, i32) {
    %c1_i32 = arith.constant 1 : i32
    %c0_i32 = arith.constant 0 : i32
    %c0_i32_0 = arith.constant 0 : i32
    return %c1_i32, %arg0, %c0_i32 : i32, i32, i32
  }
  func.func @transform_7(%arg0: i32) -> (i32, i32) {
    %c0_i32 = arith.constant 0 : i32
    %c0_i32_0 = arith.constant 0 : i32
    return %arg0, %c0_i32 : i32, i32
  }
  func.func @transform_8(%arg0: i32) -> (i32, i32) {
    %c0_i32 = arith.constant 0 : i32
    %c0_i32_0 = arith.constant 0 : i32
    %c0_i32_1 = arith.constant 0 : i32
    return %c0_i32, %c0_i32_0 : i32, i32
  }
  func.func @transform_9(%arg0: i32) -> (i32, i32) {
    %c0_i32 = arith.constant 0 : i32
    %c0_i32_0 = arith.constant 0 : i32
    %c0_i32_1 = arith.constant 0 : i32
    return %c0_i32, %c0_i32_0 : i32, i32
  }
  func.func @transform_10(%arg0: i32) -> (i32, i32) {
    %c0_i32 = arith.constant 0 : i32
    %c0_i32_0 = arith.constant 0 : i32
    %c0_i32_1 = arith.constant 0 : i32
    return %c0_i32, %c0_i32_0 : i32, i32
  }
  func.func @transform_11(%arg0: i32) -> (i32, i32) {
    %c0_i32 = arith.constant 0 : i32
    %c0_i32_0 = arith.constant 0 : i32
    %c0_i32_1 = arith.constant 0 : i32
    return %c0_i32, %c0_i32_0 : i32, i32
  }
  func.func @transform_12(%arg0: i32) -> (i32, i32) {
    %c0_i32 = arith.constant 0 : i32
    %c0_i32_0 = arith.constant 0 : i32
    %c0_i32_1 = arith.constant 0 : i32
    return %c0_i32, %c0_i32_0 : i32, i32
  }
  func.func @transform_13(%arg0: i32) -> (i32, i32) {
    %c0_i32 = arith.constant 0 : i32
    %c0_i32_0 = arith.constant 0 : i32
    %c0_i32_1 = arith.constant 0 : i32
    return %c0_i32, %c0_i32_0 : i32, i32
  }
  func.func @transform_14(%arg0: i32) -> (i32, i32) {
    %c0_i32 = arith.constant 0 : i32
    %c0_i32_0 = arith.constant 0 : i32
    %c0_i32_1 = arith.constant 0 : i32
    return %c0_i32, %c0_i32_0 : i32, i32
  }
  func.func @transform_15(%arg0: i32) -> (i32, i32) {
    %c0_i32 = arith.constant 0 : i32
    %c0_i32_0 = arith.constant 0 : i32
    %c0_i32_1 = arith.constant 0 : i32
    return %c0_i32, %c0_i32_0 : i32, i32
  }
  func.func @transform_16(%arg0: i32) -> (i32, i32) {
    %c0_i32 = arith.constant 0 : i32
    %c0_i32_0 = arith.constant 0 : i32
    %c0_i32_1 = arith.constant 0 : i32
    return %c0_i32, %c0_i32_0 : i32, i32
  }
  func.func @transform_17(%arg0: i32) -> (i32, i32) {
    %c0_i32 = arith.constant 0 : i32
    %c0_i32_0 = arith.constant 0 : i32
    return %arg0, %c0_i32 : i32, i32
  }
}

</mosaic_0001>

<sc_bundles>
// kernel: kernel.11.cloned.1.call-start
scs
__scs_entry_jumppad:
0x0: {  	(pc) =	sbr.rel $0x88, $3  }
0x1: {  	(tag) =	ssettag $0x0;
	lr =	simm.s32 $0x1  }
0x2: {  	[smem:$0x3F8A] =	sst lr;
	_ =	strace $0xD0000000  }
0x3: {  	_ = 	snop  }
0x4: {  	_ = 	snop  }
0x5: {  	_ = 	snop  }
0x6: {  	_ = 	snop  }
0x7: {  	_ = 	snop  }
__scs_overlays_trampoline_lowered:
0x8: {  	[smem:$0x3F99] =	sst s0  }
0x9: {  	[smem:$0x3F9A] =	sst s1  }
0xa: {  	[smem:$0x3F9B] =	sst s2  }
0xb: {  	[smem:$0x3F9C] =	sst s3  }
0xc: {  	[smem:$0x3F9D] =	sst s4  }
0xd: {  	[smem:$0x3F9E] =	sst s5  }
0xe: {  	[smem:$0x3F9F] =	sst s6  }
0xf: {  	[smem:$0x3FA0] =	sst s7  }
0x10: {  	[smem:$0x3FA1] =	sst s8  }
0x11: {  	[smem:$0x3FA2] =	sst s9;
	s0 =	simm.s32 @!p0 $0x0  }
0x12: {  	s1 =	sld [smem:$0x3F88];
	s0 =	simm.s32 @p0 $0x1  }
0x13: {  	[smem:$0x3FA3] =	sst s0;
	s0 =	simm.s32 @!p1 $0x0  }
0x14: {  	s2 =	sld [smem:$0x3F87];
	s0 =	simm.s32 @p1 $0x1  }
0x15: {  	[smem:$0x3FA4] =	sst s0;
	s0 =	simm.s32 @!p2 $0x0  }
0x16: {  	s3 =	sld [smem:$0x3FDB];
	s0 =	simm.s32 @p2 $0x1  }
0x17: {  	s4 =	simm.s32 $0x1BF5;
	[smem:$0x3FA6] =	sst s0  }
0x18: {  	s0 =	sld [smem:$0x3F89];
	_ =	swait.ge [sflag:s4], $0x0  }
0x19: {  	s7 =	sld [smem:$0x3F8A]  }
0x1a: {  	s8 =	sadd.s32 $0xFFFFE003, lr  }
0x1b: {  	s9 =	sadd.s32 $0xFFFFFEF7, lr;
	s5 =	simm.s32 $0xFFFFFFFF;
	p2 =	slt.u32 s8, $0xFFFFF086  }
0x1c: {  	p1 =	slt.u32 s9, $0xF7A;
	s5 =	simm.s32 @!p2 $0x0  }
0x1d: {  	s5 =	simm.s32 @p1 $0x1;
	p0 =	seq.s32 s7, s2  }
0x1e: {  	s7 =	smul.u32 @!p0 $0xF7A, s2;
	p2 =	seq.s32 @!p0 s5, $0x0  }
0x1f: {  	s9 =	smul.u32 $0xF7A, s1;
	s8 =	simm.s32 @!p0 $0x1BF5;
	p2 =	por !p2, p0  }
0x20: {  	[sflag:s8] =	ssyncset.s32 @!p0 $0xFFFFF086;
	s6 =	sadd.s32 @!p0 s3, s7;
	s7 =	simm.s32 @!p0 $0x108  }
0x21: {  	s3 =	sadd.s32 s3, s9;
	s6 =	sadd.s32 @!p0 $0x88, s6;
	s7 =	simm.s32 @p2 $0x1082  }
0x22: {  	[simem:s7], [sflag:s8] =	dma.local @!p0 [hbm:s6], $0xF7A  }
0x23: {  	s9 =	sor.u32 $0xD0000000, s2;
	s6 =	simm.s32 $0x108;
	_ =	swait.ge @!p0 [sflag:s8], $0x0  }
0x24: {  	s3 =	sadd.s32 $0x88, s3;
	s6 =	simm.s32 @!p1 $0x1082;
	[sflag:s4] =	ssyncset.s32 $0xFFFFF086  }
0x25: {  	[simem:s6], [sflag:s4] =	dma.local [hbm:s3], $0xF7A  }
0x26: {  	[smem:$0x3F8A] =	sst s1;
	(tag) =	ssettag s2;
	_ =	strace s9  }
0x27: {  	s1 =	sld [smem:$0x3F9A]  }
0x28: {  	s2 =	sld [smem:$0x3F9B]  }
0x29: {  	s4 =	sld [smem:$0x3F9D]  }
0x2a: {  	p0 =	seq.s32 s5, $0x0;
	s5 =	sld [smem:$0x3F9E]  }
0x2b: {  	s6 =	sld [smem:$0x3F9F]  }
0x2c: {  	s7 =	sld [smem:$0x3FA0]  }
0x2d: {  	s3 =	simm.s32 $0x108;
	s8 =	sld [smem:$0x3FA1]  }
0x2e: {  	s3 =	simm.s32 @!p0 $0x1082;
	s9 =	sld [smem:$0x3FA2]  }
0x2f: {  	lr =	sadd.s32 s0, s3;
	s0 =	sld [smem:$0x3F99]  }
0x30: {  	s3 =	sld [smem:$0x3F9C]  }
0x31: {  	[smem:$0x3FA5] =	sst s10  }
0x32: {  	s10 =	sld [smem:$0x3FA3];
	_ =	sdelay $0x3  }
0x33: {  	p0 =	seq.s32 s10, $0x1;
	s10 =	sld [smem:$0x3FA5];
	_ =	sdelay $0x3  }
0x34: {  	[smem:$0x3FA5] =	sst s10  }
0x35: {  	s10 =	sld [smem:$0x3FA4];
	_ =	sdelay $0x3  }
0x36: {  	p1 =	seq.s32 s10, $0x1;
	s10 =	sld [smem:$0x3FA5];
	_ =	sdelay $0x3  }
0x37: {  	[smem:$0x3FA5] =	sst s10  }
0x38: {  	s10 =	sld [smem:$0x3FA6]  }
0x39: {  	_ = 	snop;
	(pc) =	sbr.ind lr, $3  }
0x3a: {  	_ = 	snop  }
0x3b: {  	_ = 	snop  }
0x3c: {  	p2 =	seq.s32 s10, $0x1;
	s10 =	sld [smem:$0x3FA5]  }
0x3d: {  	_ =	shalt  }
0x3e: {  	_ =	shalt  }
0x3f: {  	_ =	shalt  }
0x40: {  	_ =	shalt  }
0x41: {  	_ =	shalt  }
0x42: {  	_ =	shalt  }
0x43: {  	_ =	shalt  }
0x44: {  	_ =	shalt  }
0x45: {  	_ =	shalt  }
0x46: {  	_ =	shalt  }
0x47: {  	_ =	shalt  }
0x48: {  	_ =	shalt  }
0x49: {  	_ =	shalt  }
0x4a: {  	_ =	shalt  }
0x4b: {  	_ =	shalt  }
0x4c: {  	_ =	shalt  }
0x4d: {  	_ =	shalt  }
0x4e: {  	_ =	shalt  }
0x4f: {  	_ =	shalt  }
0x50: {  	_ =	shalt  }
0x51: {  	_ =	shalt  }
0x52: {  	_ =	shalt  }
0x53: {  	_ =	shalt  }
0x54: {  	_ =	shalt  }
0x55: {  	_ =	shalt  }
0x56: {  	_ =	shalt  }
0x57: {  	_ =	shalt  }
0x58: {  	_ =	shalt  }
0x59: {  	_ =	shalt  }
0x5a: {  	_ =	shalt  }
0x5b: {  	_ =	shalt  }
0x5c: {  	_ =	shalt  }
0x5d: {  	_ =	shalt  }
0x5e: {  	_ =	shalt  }
0x5f: {  	_ =	shalt  }
0x60: {  	_ =	shalt  }
0x61: {  	_ =	shalt  }
0x62: {  	_ =	shalt  }
0x63: {  	_ =	shalt  }
0x64: {  	_ =	shalt  }
0x65: {  	_ =	shalt  }
0x66: {  	_ =	shalt  }
0x67: {  	_ =	shalt  }
0x68: {  	_ =	shalt  }
0x69: {  	_ =	shalt  }
0x6a: {  	_ =	shalt  }
0x6b: {  	_ =	shalt  }
0x6c: {  	_ =	shalt  }
0x6d: {  	_ =	shalt  }
0x6e: {  	_ =	shalt  }
0x6f: {  	_ =	shalt  }
0x70: {  	_ =	shalt  }
0x71: {  	_ =	shalt  }
0x72: {  	_ =	shalt  }
0x73: {  	_ =	shalt  }
0x74: {  	_ =	shalt  }
0x75: {  	_ =	shalt  }
0x76: {  	_ =	shalt  }
0x77: {  	_ =	shalt  }
0x78: {  	_ =	shalt  }
0x79: {  	_ =	shalt  }
0x7a: {  	_ =	shalt  }
0x7b: {  	_ =	shalt  }
0x7c: {  	_ =	shalt  }
0x7d: {  	_ =	shalt  }
0x7e: {  	_ =	shalt  }
0x7f: {  	_ =	shalt  }
0x80: {  	_ =	shalt  }
0x81: {  	_ =	shalt  }
0x82: {  	_ =	shalt  }
0x83: {  	_ =	shalt  }
0x84: {  	_ =	shalt  }
0x85: {  	_ =	shalt  }
0x86: {  	_ =	shalt  }
0x87: {  	_ =	shalt  }
.Lfunc_end0:
.L_simem_size_0:
called_computation_lowered:
.L_overlay_start_0:
0x88: {  	s2 =	sld [smem:$0x3FD9]  }
0x89: {  	s3 =	sld [smem:$0x3FFE];
	_ =	sdelay $0x1  }
0x8a: {  	s1 =	srdreg.scid  }
0x8b: {  	s0 =	sand.u32 $0x1, s1  }
0x8c: {  	s17 =	sshll.u32 s0, $0xA;
	s2 =	sadd.s32 s3, s2  }
0x8d: {  	s2 =	sadd.s32 s2, s17  }
0x8e: {  	[smem:$0x3FB1] =	sst s2  }
0x8f: {  	_ = 	snop  }
0x90: {  	(tm) =	ssettm $0x1  }
0x91: {  	s18 =	sld [smem:$0x3FFB];
	_ =	sdelay $0x3  }
0x92: {  	_ =	strace s18  }
0x93: {  	s2 =	sld [smem:$0x3FFC];
	_ =	sdelay $0x3  }
0x94: {  	_ =	strace s2  }
0x95: {  	s2 =	sld [smem:$0x3FFD];
	_ =	sdelay $0x3  }
0x96: {  	_ =	strace s2  }
0x97: {  	_ =	strace $0x8FFFFFFF  }
0x98: {  	s19 =	sld [smem:$0x3FDB];
	_ =	sdelay $0x1  }
0x99: {  	s20 =	simm.s32 $_scs_section_size  }
0x9a: {  	s4 =	simm.s32 $_size__tile_overlayer_lowered;
	s5 =	simm.s32 $_tile_overlayer_lowered  }
0x9b: {  	s6 =	simm.s32 $0x1BFF;
	s21 =	sshll.u32 s5, $0x1;
	s3 =	sadd.s32 s20, s19  }
0x9c: {  	s22 =	simm.s32 $0x0;
	s4 =	sshll.u32 s4, $0x1;
	s5 =	sadd.s32 s21, s3  }
0x9d: {  	[timem:s22], [sflag:s6] =	dma.local [hbm:s5], s4  }
0x9e: {  	_ =	swait.ge [sflag:s6], s4  }
0x9f: {  	s4 =	ssub.s32 $0x0, s4;
	[sflag:s6] =	ssyncset.done $0x0  }
0xa0: {  	[sflag:s6] =	ssyncadd.s32 s4;
	_ =	sdelay $0x1  }
0xa1: {  	s23 =	simm.s32 $0x1B8B  }
0xa2: {  	_ =	swait.ge [sflag:s23], $0x1  }
0xa3: {  	[sflag:s23] =	ssyncset.done $0x0  }
0xa4: {  	[sflag:s23] =	ssyncadd.s32 $0xFFFFFFFF  }
0xa5: {  	s4 =	sld [smem:$0x0]  }
0xa6: {  	s5 =	sand.u32 $0xFFFFFFFE, s1  }
0xa7: {  	p0 =	sne.s32 s1, s5  }
0xa8: {  	s5 =	sshll.u32 @p0 s5, $0xE  }
0xa9: {  	s5 =	sadd.s32 @p0 $0x11B8D, s5;
	s6 =	sshll.u32 @p0 s4, $0x11  }
0xaa: {  	s5 =	sor.u32 @p0 s6, s5  }
0xab: {  	[sflag:s5] =	ssyncadd.remote.s32 @p0 $0x1;
	_ =	sdelay $0x1  }
0xac: {  	s5 =	simm.s32 @p0 $0x1B8D  }
0xad: {  	_ =	swait.eq @p0 [sflag:s5], $0x1  }
0xae: {  	[sflag:s5] =	ssyncadd.s32 @p0 $0xFFFFFFFF  }
0xaf: {  	s6 =	sshll.u32 @!p0 s1, $0xE  }
0xb0: {  	s6 =	sor.u32 @!p0 $0x4000, s6;
	s5 =	simm.s32 @!p0 $0x1B8D  }
0xb1: {  	s4 =	sshll.u32 @!p0 s4, $0x11;
	s6 =	sadd.s32 @!p0 $0x11B8D, s6;
	_ =	swait.eq @!p0 [sflag:s5], $0x1  }
0xb2: {  	s4 =	sor.u32 @!p0 s4, s6;
	[sflag:s5] =	ssyncadd.s32 @!p0 $0xFFFFFFFF  }
0xb3: {  	s25 =	simm.s32 $0x1B8E;
	s24 =	sld [smem:$0x3FFE];
	[sflag:s4] =	ssyncadd.remote.s32 @!p0 $0x1  }
0xb4: {  	s26 =	simm.s32 $execute0_lowered;
	[smem:$0x3FD2] =	sst s25  }
0xb5: {  	s5 =	sshll.u32 s26, $0x1;
	_ =	strace $0x80000049;
	[dreg:$0x1] =	wrdreg $0xFFFFFFFF  }
0xb6: {  	s28 =	simm.s32 $_size_execute0_lowered;
	s3 =	sadd.s32 s3, s5;
	[dreg:$0x0] =	wrdreg $0x0  }
0xb7: {  	s5 =	sshll.u32 s28, $0x1;
	[dreg:$0x2] =	wrdreg s3  }
0xb8: {  	[dreg:$0x3] =	wrdreg s5  }
0xb9: {  	[dreg:$0x4] =	wrdreg $0xC0  }
0xba: {  	_ =	task [dreg:s22], $0x5FFFF  }
0xbb: {  	[dreg:$0x1] =	wrdreg $0xFFFFFFFF  }
0xbc: {  	[dreg:$0x0] =	wrdreg $0x60  }
0xbd: {  	[dreg:$0x2] =	wrdreg s24  }
0xbe: {  	[dreg:$0x3] =	wrdreg $0x0  }
0xbf: {  	[dreg:$0x4] =	wrdreg $0xB  }
0xc0: {  	_ =	task.clear_ibuf [dreg:s22], $0x5FFFF;
	_ =	strace $0x90000049  }
0xc1: {  	s29 =	simm.s32 $0xB;
	_ =	strace $0x8000004B  }
0xc2: {  	_ =	swait.ge [sflag:s29], $0x1  }
0xc3: {  	[sflag:s29] =	ssyncadd.s32 $0xFFFFFFFF  }
0xc4: {  	_ =	strace $0x9000004B  }
0xc5: {  	_ =	sfence  }
0xc6: {  	s30 =	sld [smem:$0x0];
	_ =	sdelay $0x2  }
0xc7: {  	s31 =	sshll.u32 s1, $0xD;
	s1 =	sshrl.u32 s1, $0x2  }
0xc8: {  	s4 =	sand.u32 $0x4000, s31;
	s1 =	sadd.s32 s1, s30  }
0xc9: {  	s0 =	sor.u32 s4, s0;
	s1 =	sshll.u32 s1, $0x11  }
0xca: {  	s0 =	sor.u32 s1, s0  }
0xcb: {  	s0 =	sadd.s32 $0x8F2B, s0  }
0xcc: {  	[sflag:s0] =	ssyncadd.remote.s32 $0x1  }
0xcd: {  	_ =	sfence.sel $0xFFFF  }
0xce: {  	[dreg:$0x0] =	wrdreg $0xFFFFFFFF;
	(pc) =	sbr.abs _section_cstart, $3  }
0xcf: {  	[dreg:$0x1] =	wrdreg $0xFFFFFFFF  }
0xd0: {  	_ =	task.clear_ibuf [dreg:s22], $0x2FFFF;
	_ =	strace $0x9FFFFFFF  }
0xd1: {  	(tm) =	ssettm $0x7FFFFFFF  }
tec
execute0_lowered:
.L_overlay_start_1:
0x0: {  	(tag) =	ssettag $0x1  }
0x1: {  	s7 =	rddreg [dreg:$0x0]  }
0x2: {  	s0 =	srdreg.scid;
	s2 =	rddreg [dreg:$0x1]  }
0x3: {  	s3 =	simm.s32 $0x0;
	s6 =	sand.u32 $0x1, s0;
	s0 =	stileid.u32  }
0x4: {  	s13 =	simm.s32 $0x14000;
	s14 =	simm.s32 $0x80;
	s5 =	smul.u32 $0x2800, s0  }
0x5: {  	s15 =	simm.s32 $0x0;
	[smem:$0x7FF] =	sst s3;
	s8 =	smul.u32 $0x28000, s6  }
0x6: {  	s1 =	sshll.u32 s6, $0x4;
	s10 =	smul.u32 $0x50000, s0;
	s6 =	ssub.s32 $0x2, s6  }
0x7: {  	s11 =	sshll.u32 s0, $0x6;
	s1 =	sor.u32 s0, s1;
	s31 =	sshrl.u32 s6, $0x1  }
0x8: {  	s4 =	smul.u32 $0x280, s1;
	s1 =	rddreg [dreg:$0x2];
	_ =	strace $0x8000004A  }
0x9: {  	s8 =	sadd.s32 s5, s8;
	s5 =	sadd.s32 $0x65800, s7;
	s10 =	sshrl.u32 s10, $0x2  }
0xa: {  	s12 =	ssub.s32 s6, s31;
	s6 =	sor.u32 $0x1C01, s11;
	s11 =	simm.s32 $0x1  }
0xb: {  	s8 =	sadd.s32 s8, s7;
	s10 =	sadd.s32 s10, s2;
	s9 =	sadd.s32 s4, s7  }
0xc: {  	s4 =	sadd.s32 $0x13000, s7;
	s8 =	sadd.s32 $0x66000, s8;
	s10 =	sshrl.u32 s10, $0x3  }
0xd: {  	s7 =	sadd.s32 $0xE000, s9;
	s9 =	smax.u32 s12, $0x1;
	s12 =	simm.s32 $0x15400  }
.LBB2_1:
0xe: {  	[spmem:s10], [sflag:s6] =	dma.local [hbm:s4], $0x2800  }
0xf: {  	_ =	swait.ge [sflag:s11], $0x2800  }
0x10: {  	[sflag:s11] =	ssyncset.done $0x0  }
0x11: {  	[sflag:s11] =	ssyncadd.s32 $0xFFFFD800  }
0x12: {  	[tilespmem:s12], [sflag:$0x1] =	stream.linear.gather [hbm4b:s5+s3], $0x4000, $0x38;
	[tilespmem:$0x19400] =	vst v63  }
0x13: {  	_ =	swait.ge [sflag:s11], $0x4000  }
0x14: {  	[sflag:s11] =	ssyncset.done $0x0  }
0x15: {  	[sflag:s11] =	ssyncadd.s32 $0xFFFFC000  }
0x16: {  	[tilespmem:s13], [sflag:$0x1] =	stream.linear.gather [hbm4b:s7+s3], $0x1400, $0x38;
	[tilespmem:$0x19400] =	vst v63  }
0x17: {  	_ =	swait.ge [sflag:s11], $0x1400  }
0x18: {  	[sflag:s11] =	ssyncset.done $0x0  }
0x19: {  	[sflag:s11] =	ssyncadd.s32 $0xFFFFEC00  }
0x1a: {  	s16 =	simm.s32 $0x14000;
	[bflag:$0x0] =	sbarrier.arrive $0xFFFF  }
0x1b: {  	[spmem:s2] =	stream.indirect.scatter.add.f32 [tilespmem:s12], [sflag:$0x1], $0x80, s16, s14, $0xb8;
	[tilespmem:$0x19400] =	vst v63  }
0x1c: {  	s16 =	simm.s32 $0x200;
	_ =	swait.ge [sflag:s11], $0x4000  }
.LBB2_2:
0x1d: {  	s17 =	sshra.s32 s16, $0x2;
	[sflag:s11] =	ssyncset.done $0x0;
	p0 =	sne.s32 s16, $0x4E00  }
.Ltmp0:
0x1e: {  	s17 =	sadd.s32 $0x14000, s17;
	[sflag:s11] =	ssyncadd.s32 $0xFFFFC000;
	(pc) =	sbr.rel @p0 .LBB2_2-.Ltmp0, $3  }
0x1f: {  	[spmem:s2] =	stream.indirect.scatter.add.f32 [tilespmem:s12], [sflag:$0x1], $0x80, s17, s14, $0xb8;
	[tilespmem:$0x19400] =	vst v63  }
0x20: {  	s16 =	sadd.s32 $0x200, s16;
	_ =	sdelay $0x1  }
0x21: {  	_ =	swait.ge [sflag:s11], $0x4000  }
0x22: {  	[sflag:s11] =	ssyncset.done $0x0;
	s15 =	sadd.s32 $0x1, s15  }
0x23: {  	[sflag:s11] =	ssyncadd.s32 $0xFFFFC000;
	p0 =	sne.s32 s15, s9  }
.Ltmp1:
0x24: {  	[bflag:$0x0] =	sbarrier.arrive $0xFFFF;
	(pc) =	sbr.rel @p0 .LBB2_1-.Ltmp1, $4  }
0x25: {  	[hbm:s8], [sflag:s6] =	dma.local [spmem:s10], $0x2800  }
0x26: {  	_ =	swait.ge [sflag:s11], $0x2800  }
0x27: {  	[sflag:s11] =	ssyncset.done $0x0  }
0x28: {  	[sflag:s11] =	ssyncadd.s32 $0xFFFFD800  }
0x29: {  	_ =	sfence.sel $0x180000  }
0x2a: {  	[bflag:$0x0] =	sbarrier.arrive $0xFFFF  }
0x2b: {  	p0 =	sne.s32 s0, $0x0;
	_ =	strace $0x9000004A  }
0x2c: {  	s0 =	sadd.s32 @!p0 $0x100000, s1;
	[bflag:$0x2] =	sbarrier.arrive $0xFFFF  }
0x2d: {  	[sflag:s0] =	ssyncadd.tile.s32 @!p0 $0x1;
	_ =	shalt  }
.Lfunc_end2:
_tile_overlayer_lowered:
.L_overlay_start_2:
0x2e: {  	(tag) =	ssettag $0x2  }
0x2f: {  	s0 =	rddreg [dreg:$0x0];
	s2 =	stileid.u32  }
0x30: {  	s1 =	rddreg [dreg:$0x1];
	p0 =	sne.s32 s2, $0x0  }
0x31: {  	s3 =	rddreg [dreg:$0x2];
	[bflag:$0x3] =	sbarrier.arrive $0xFFFF;
	s2 =	simm.s32 @!p0 $0x1C01  }
0x32: {  	[timem:s3], [sflag:s2] =	dma.local @!p0 [hbm:s0], s1  }
0x33: {  	s0 =	simm.s32 @!p0 $0x1  }
0x34: {  	_ =	swait.ge @!p0 [sflag:s0], s1  }
0x35: {  	s1 =	ssub.s32 @!p0 $0x0, s1;
	[sflag:s0] =	ssyncset.done @!p0 $0x0  }
0x36: {  	[sflag:s0] =	ssyncadd.s32 @!p0 s1  }
0x37: {  	[bflag:$0x3] =	sbarrier.arrive $0xFFFF  }
0x38: {  	_ =	shalt  }

// kernel: kernel.14.cloned.1.call-start
scs
__scs_entry_jumppad:
0x0: {  	(pc) =	sbr.rel $0x88, $3  }
0x1: {  	(tag) =	ssettag $0x0;
	lr =	simm.s32 $0x1  }
0x2: {  	[smem:$0x3F8A] =	sst lr;
	_ =	strace $0xD0000000  }
0x3: {  	_ = 	snop  }
0x4: {  	_ = 	snop  }
0x5: {  	_ = 	snop  }
0x6: {  	_ = 	snop  }
0x7: {  	_ = 	snop  }
__scs_overlays_trampoline_lowered:
0x8: {  	[smem:$0x3F99] =	sst s0  }
0x9: {  	[smem:$0x3F9A] =	sst s1  }
0xa: {  	[smem:$0x3F9B] =	sst s2  }
0xb: {  	[smem:$0x3F9C] =	sst s3  }
0xc: {  	[smem:$0x3F9D] =	sst s4  }
0xd: {  	[smem:$0x3F9E] =	sst s5  }
0xe: {  	[smem:$0x3F9F] =	sst s6  }
0xf: {  	[smem:$0x3FA0] =	sst s7  }
0x10: {  	[smem:$0x3FA1] =	sst s8  }
0x11: {  	[smem:$0x3FA2] =	sst s9;
	s0 =	simm.s32 @!p0 $0x0  }
0x12: {  	s1 =	sld [smem:$0x3F88];
	s0 =	simm.s32 @p0 $0x1  }
0x13: {  	[smem:$0x3FA3] =	sst s0;
	s0 =	simm.s32 @!p1 $0x0  }
0x14: {  	s2 =	sld [smem:$0x3F87];
	s0 =	simm.s32 @p1 $0x1  }
0x15: {  	[smem:$0x3FA4] =	sst s0;
	s0 =	simm.s32 @!p2 $0x0  }
0x16: {  	s3 =	sld [smem:$0x3FDB];
	s0 =	simm.s32 @p2 $0x1  }
0x17: {  	s4 =	simm.s32 $0x1BF5;
	[smem:$0x3FA6] =	sst s0  }
0x18: {  	s0 =	sld [smem:$0x3F89];
	_ =	swait.ge [sflag:s4], $0x0  }
0x19: {  	s7 =	sld [smem:$0x3F8A]  }
0x1a: {  	s8 =	sadd.s32 $0xFFFFE003, lr  }
0x1b: {  	s9 =	sadd.s32 $0xFFFFFEF7, lr;
	s5 =	simm.s32 $0xFFFFFFFF;
	p2 =	slt.u32 s8, $0xFFFFF086  }
0x1c: {  	p1 =	slt.u32 s9, $0xF7A;
	s5 =	simm.s32 @!p2 $0x0  }
0x1d: {  	s5 =	simm.s32 @p1 $0x1;
	p0 =	seq.s32 s7, s2  }
0x1e: {  	s7 =	smul.u32 @!p0 $0xF7A, s2;
	p2 =	seq.s32 @!p0 s5, $0x0  }
0x1f: {  	s9 =	smul.u32 $0xF7A, s1;
	s8 =	simm.s32 @!p0 $0x1BF5;
	p2 =	por !p2, p0  }
0x20: {  	[sflag:s8] =	ssyncset.s32 @!p0 $0xFFFFF086;
	s6 =	sadd.s32 @!p0 s3, s7;
	s7 =	simm.s32 @!p0 $0x108  }
0x21: {  	s3 =	sadd.s32 s3, s9;
	s6 =	sadd.s32 @!p0 $0x88, s6;
	s7 =	simm.s32 @p2 $0x1082  }
0x22: {  	[simem:s7], [sflag:s8] =	dma.local @!p0 [hbm:s6], $0xF7A  }
0x23: {  	s9 =	sor.u32 $0xD0000000, s2;
	s6 =	simm.s32 $0x108;
	_ =	swait.ge @!p0 [sflag:s8], $0x0  }
0x24: {  	s3 =	sadd.s32 $0x88, s3;
	s6 =	simm.s32 @!p1 $0x1082;
	[sflag:s4] =	ssyncset.s32 $0xFFFFF086  }
0x25: {  	[simem:s6], [sflag:s4] =	dma.local [hbm:s3], $0xF7A  }
0x26: {  	[smem:$0x3F8A] =	sst s1;
	(tag) =	ssettag s2;
	_ =	strace s9  }
0x27: {  	s1 =	sld [smem:$0x3F9A]  }
0x28: {  	s2 =	sld [smem:$0x3F9B]  }
0x29: {  	s4 =	sld [smem:$0x3F9D]  }
0x2a: {  	p0 =	seq.s32 s5, $0x0;
	s5 =	sld [smem:$0x3F9E]  }
0x2b: {  	s6 =	sld [smem:$0x3F9F]  }
0x2c: {  	s7 =	sld [smem:$0x3FA0]  }
0x2d: {  	s3 =	simm.s32 $0x108;
	s8 =	sld [smem:$0x3FA1]  }
0x2e: {  	s3 =	simm.s32 @!p0 $0x1082;
	s9 =	sld [smem:$0x3FA2]  }
0x2f: {  	lr =	sadd.s32 s0, s3;
	s0 =	sld [smem:$0x3F99]  }
0x30: {  	s3 =	sld [smem:$0x3F9C]  }
0x31: {  	[smem:$0x3FA5] =	sst s10  }
0x32: {  	s10 =	sld [smem:$0x3FA3];
	_ =	sdelay $0x3  }
0x33: {  	p0 =	seq.s32 s10, $0x1;
	s10 =	sld [smem:$0x3FA5];
	_ =	sdelay $0x3  }
0x34: {  	[smem:$0x3FA5] =	sst s10  }
0x35: {  	s10 =	sld [smem:$0x3FA4];
	_ =	sdelay $0x3  }
0x36: {  	p1 =	seq.s32 s10, $0x1;
	s10 =	sld [smem:$0x3FA5];
	_ =	sdelay $0x3  }
0x37: {  	[smem:$0x3FA5] =	sst s10  }
0x38: {  	s10 =	sld [smem:$0x3FA6]  }
0x39: {  	_ = 	snop;
	(pc) =	sbr.ind lr, $3  }
0x3a: {  	_ = 	snop  }
0x3b: {  	_ = 	snop  }
0x3c: {  	p2 =	seq.s32 s10, $0x1;
	s10 =	sld [smem:$0x3FA5]  }
0x3d: {  	_ =	shalt  }
0x3e: {  	_ =	shalt  }
0x3f: {  	_ =	shalt  }
0x40: {  	_ =	shalt  }
0x41: {  	_ =	shalt  }
0x42: {  	_ =	shalt  }
0x43: {  	_ =	shalt  }
0x44: {  	_ =	shalt  }
0x45: {  	_ =	shalt  }
0x46: {  	_ =	shalt  }
0x47: {  	_ =	shalt  }
0x48: {  	_ =	shalt  }
0x49: {  	_ =	shalt  }
0x4a: {  	_ =	shalt  }
0x4b: {  	_ =	shalt  }
0x4c: {  	_ =	shalt  }
0x4d: {  	_ =	shalt  }
0x4e: {  	_ =	shalt  }
0x4f: {  	_ =	shalt  }
0x50: {  	_ =	shalt  }
0x51: {  	_ =	shalt  }
0x52: {  	_ =	shalt  }
0x53: {  	_ =	shalt  }
0x54: {  	_ =	shalt  }
0x55: {  	_ =	shalt  }
0x56: {  	_ =	shalt  }
0x57: {  	_ =	shalt  }
0x58: {  	_ =	shalt  }
0x59: {  	_ =	shalt  }
0x5a: {  	_ =	shalt  }
0x5b: {  	_ =	shalt  }
0x5c: {  	_ =	shalt  }
0x5d: {  	_ =	shalt  }
0x5e: {  	_ =	shalt  }
0x5f: {  	_ =	shalt  }
0x60: {  	_ =	shalt  }
0x61: {  	_ =	shalt  }
0x62: {  	_ =	shalt  }
0x63: {  	_ =	shalt  }
0x64: {  	_ =	shalt  }
0x65: {  	_ =	shalt  }
0x66: {  	_ =	shalt  }
0x67: {  	_ =	shalt  }
0x68: {  	_ =	shalt  }
0x69: {  	_ =	shalt  }
0x6a: {  	_ =	shalt  }
0x6b: {  	_ =	shalt  }
0x6c: {  	_ =	shalt  }
0x6d: {  	_ =	shalt  }
0x6e: {  	_ =	shalt  }
0x6f: {  	_ =	shalt  }
0x70: {  	_ =	shalt  }
0x71: {  	_ =	shalt  }
0x72: {  	_ =	shalt  }
0x73: {  	_ =	shalt  }
0x74: {  	_ =	shalt  }
0x75: {  	_ =	shalt  }
0x76: {  	_ =	shalt  }
0x77: {  	_ =	shalt  }
0x78: {  	_ =	shalt  }
0x79: {  	_ =	shalt  }
0x7a: {  	_ =	shalt  }
0x7b: {  	_ =	shalt  }
0x7c: {  	_ =	shalt  }
0x7d: {  	_ =	shalt  }
0x7e: {  	_ =	shalt  }
0x7f: {  	_ =	shalt  }
0x80: {  	_ =	shalt  }
0x81: {  	_ =	shalt  }
0x82: {  	_ =	shalt  }
0x83: {  	_ =	shalt  }
0x84: {  	_ =	shalt  }
0x85: {  	_ =	shalt  }
0x86: {  	_ =	shalt  }
0x87: {  	_ =	shalt  }
.Lfunc_end0:
.L_simem_size_0:
called_computation.1_lowered:
.L_overlay_start_0:
0x88: {  	s2 =	sld [smem:$0x3FD9]  }
0x89: {  	s3 =	sld [smem:$0x3FFE];
	_ =	sdelay $0x1  }
0x8a: {  	s1 =	srdreg.scid  }
0x8b: {  	s0 =	sand.u32 $0x1, s1  }
0x8c: {  	s17 =	sshll.u32 s0, $0xA;
	s2 =	sadd.s32 s3, s2  }
0x8d: {  	s2 =	sadd.s32 s2, s17  }
0x8e: {  	[smem:$0x3FB1] =	sst s2  }
0x8f: {  	_ = 	snop  }
0x90: {  	(tm) =	ssettm $0x1  }
0x91: {  	s18 =	sld [smem:$0x3FFB];
	_ =	sdelay $0x3  }
0x92: {  	_ =	strace s18  }
0x93: {  	s2 =	sld [smem:$0x3FFC];
	_ =	sdelay $0x3  }
0x94: {  	_ =	strace s2  }
0x95: {  	s2 =	sld [smem:$0x3FFD];
	_ =	sdelay $0x3  }
0x96: {  	_ =	strace s2  }
0x97: {  	_ =	strace $0x8FFFFFFF  }
0x98: {  	s19 =	sld [smem:$0x3FDB];
	_ =	sdelay $0x1  }
0x99: {  	s20 =	simm.s32 $_scs_section_size  }
0x9a: {  	s4 =	simm.s32 $_size__tile_overlayer_lowered;
	s5 =	simm.s32 $_tile_overlayer_lowered  }
0x9b: {  	s6 =	simm.s32 $0x1BFF;
	s21 =	sshll.u32 s5, $0x1;
	s3 =	sadd.s32 s20, s19  }
0x9c: {  	s22 =	simm.s32 $0x0;
	s4 =	sshll.u32 s4, $0x1;
	s5 =	sadd.s32 s21, s3  }
0x9d: {  	[timem:s22], [sflag:s6] =	dma.local [hbm:s5], s4  }
0x9e: {  	_ =	swait.ge [sflag:s6], s4  }
0x9f: {  	s4 =	ssub.s32 $0x0, s4;
	[sflag:s6] =	ssyncset.done $0x0  }
0xa0: {  	[sflag:s6] =	ssyncadd.s32 s4;
	_ =	sdelay $0x1  }
0xa1: {  	s23 =	simm.s32 $0x1B8B  }
0xa2: {  	_ =	swait.ge [sflag:s23], $0x1  }
0xa3: {  	[sflag:s23] =	ssyncset.done $0x0  }
0xa4: {  	[sflag:s23] =	ssyncadd.s32 $0xFFFFFFFF  }
0xa5: {  	s4 =	sld [smem:$0x0]  }
0xa6: {  	s5 =	sand.u32 $0xFFFFFFFE, s1  }
0xa7: {  	p0 =	sne.s32 s1, s5  }
0xa8: {  	s5 =	sshll.u32 @p0 s5, $0xE  }
0xa9: {  	s5 =	sadd.s32 @p0 $0x11B8D, s5;
	s6 =	sshll.u32 @p0 s4, $0x11  }
0xaa: {  	s5 =	sor.u32 @p0 s6, s5  }
0xab: {  	[sflag:s5] =	ssyncadd.remote.s32 @p0 $0x1;
	_ =	sdelay $0x1  }
0xac: {  	s5 =	simm.s32 @p0 $0x1B8D  }
0xad: {  	_ =	swait.eq @p0 [sflag:s5], $0x1  }
0xae: {  	[sflag:s5] =	ssyncadd.s32 @p0 $0xFFFFFFFF  }
0xaf: {  	s6 =	sshll.u32 @!p0 s1, $0xE  }
0xb0: {  	s6 =	sor.u32 @!p0 $0x4000, s6;
	s5 =	simm.s32 @!p0 $0x1B8D  }
0xb1: {  	s4 =	sshll.u32 @!p0 s4, $0x11;
	s6 =	sadd.s32 @!p0 $0x11B8D, s6;
	_ =	swait.eq @!p0 [sflag:s5], $0x1  }
0xb2: {  	s4 =	sor.u32 @!p0 s4, s6;
	[sflag:s5] =	ssyncadd.s32 @!p0 $0xFFFFFFFF  }
0xb3: {  	s25 =	simm.s32 $0x1B8E;
	s24 =	sld [smem:$0x3FFE];
	[sflag:s4] =	ssyncadd.remote.s32 @!p0 $0x1  }
0xb4: {  	s26 =	simm.s32 $execute0_lowered;
	[smem:$0x3FD2] =	sst s25  }
0xb5: {  	s5 =	sshll.u32 s26, $0x1;
	_ =	strace $0x8000004F;
	[dreg:$0x1] =	wrdreg $0xFFFFFFFF  }
0xb6: {  	s28 =	simm.s32 $_size_execute0_lowered;
	s3 =	sadd.s32 s3, s5;
	[dreg:$0x0] =	wrdreg $0x0  }
0xb7: {  	s5 =	sshll.u32 s28, $0x1;
	[dreg:$0x2] =	wrdreg s3  }
0xb8: {  	[dreg:$0x3] =	wrdreg s5  }
0xb9: {  	[dreg:$0x4] =	wrdreg $0xC0  }
0xba: {  	_ =	task [dreg:s22], $0x5FFFF  }
0xbb: {  	[dreg:$0x1] =	wrdreg $0xFFFFFFFF  }
0xbc: {  	[dreg:$0x0] =	wrdreg $0x60  }
0xbd: {  	[dreg:$0x2] =	wrdreg s24  }
0xbe: {  	[dreg:$0x3] =	wrdreg $0x0  }
0xbf: {  	[dreg:$0x4] =	wrdreg $0x9  }
0xc0: {  	_ =	task.clear_ibuf [dreg:s22], $0x5FFFF;
	_ =	strace $0x9000004F  }
0xc1: {  	s29 =	simm.s32 $0x9;
	_ =	strace $0x80000051  }
0xc2: {  	_ =	swait.ge [sflag:s29], $0x1  }
0xc3: {  	[sflag:s29] =	ssyncadd.s32 $0xFFFFFFFF  }
0xc4: {  	_ =	strace $0x90000051  }
0xc5: {  	_ =	sfence  }
0xc6: {  	s30 =	sld [smem:$0x0];
	_ =	sdelay $0x2  }
0xc7: {  	s31 =	sshll.u32 s1, $0xD;
	s1 =	sshrl.u32 s1, $0x2  }
0xc8: {  	s4 =	sand.u32 $0x4000, s31;
	s1 =	sadd.s32 s1, s30  }
0xc9: {  	s0 =	sor.u32 s4, s0;
	s1 =	sshll.u32 s1, $0x11  }
0xca: {  	s0 =	sor.u32 s1, s0  }
0xcb: {  	s0 =	sadd.s32 $0x8F2B, s0  }
0xcc: {  	[sflag:s0] =	ssyncadd.remote.s32 $0x1  }
0xcd: {  	_ =	sfence.sel $0xFFFF  }
0xce: {  	[dreg:$0x0] =	wrdreg $0xFFFFFFFF;
	(pc) =	sbr.abs _section_cstart, $3  }
0xcf: {  	[dreg:$0x1] =	wrdreg $0xFFFFFFFF  }
0xd0: {  	_ =	task.clear_ibuf [dreg:s22], $0x2FFFF;
	_ =	strace $0x9FFFFFFF  }
0xd1: {  	(tm) =	ssettm $0x7FFFFFFF  }
tec
execute0_lowered:
.L_overlay_start_1:
0x0: {  	(tag) =	ssettag $0x1  }
0x1: {  	s7 =	rddreg [dreg:$0x0]  }
0x2: {  	s0 =	srdreg.scid;
	s2 =	rddreg [dreg:$0x1]  }
0x3: {  	s3 =	simm.s32 $0x0;
	s6 =	sand.u32 $0x1, s0;
	s0 =	stileid.u32  }
0x4: {  	s13 =	simm.s32 $0x14000;
	s14 =	simm.s32 $0x80;
	s5 =	smul.u32 $0x2800, s0  }
0x5: {  	s15 =	simm.s32 $0x0;
	[smem:$0x7FF] =	sst s3;
	s8 =	smul.u32 $0x28000, s6  }
0x6: {  	s1 =	sshll.u32 s6, $0x4;
	s10 =	smul.u32 $0x50000, s0;
	s6 =	ssub.s32 $0x2, s6  }
0x7: {  	s11 =	sshll.u32 s0, $0x6;
	s1 =	sor.u32 s0, s1;
	s31 =	sshrl.u32 s6, $0x1  }
0x8: {  	s4 =	smul.u32 $0x280, s1;
	s1 =	rddreg [dreg:$0x2];
	_ =	strace $0x80000050  }
0x9: {  	s8 =	sadd.s32 s5, s8;
	s5 =	sadd.s32 $0x65800, s7;
	s10 =	sshrl.u32 s10, $0x2  }
0xa: {  	s12 =	ssub.s32 s6, s31;
	s6 =	sor.u32 $0x1C01, s11;
	s11 =	simm.s32 $0x1  }
0xb: {  	s8 =	sadd.s32 s8, s7;
	s10 =	sadd.s32 s10, s2;
	s9 =	sadd.s32 s4, s7  }
0xc: {  	s4 =	sadd.s32 $0x13000, s7;
	s8 =	sadd.s32 $0x115000, s8;
	s10 =	sshrl.u32 s10, $0x3  }
0xd: {  	s7 =	sadd.s32 $0xC0000, s9;
	s9 =	smax.u32 s12, $0x1;
	s12 =	simm.s32 $0x15400  }
.LBB2_1:
0xe: {  	[spmem:s10], [sflag:s6] =	dma.local [hbm:s4], $0x2800  }
0xf: {  	_ =	swait.ge [sflag:s11], $0x2800  }
0x10: {  	[sflag:s11] =	ssyncset.done $0x0  }
0x11: {  	[sflag:s11] =	ssyncadd.s32 $0xFFFFD800  }
0x12: {  	[tilespmem:s12], [sflag:$0x1] =	stream.linear.gather [hbm4b:s5+s3], $0x4000, $0x38;
	[tilespmem:$0x19400] =	vst v63  }
0x13: {  	_ =	swait.ge [sflag:s11], $0x4000  }
0x14: {  	[sflag:s11] =	ssyncset.done $0x0  }
0x15: {  	[sflag:s11] =	ssyncadd.s32 $0xFFFFC000  }
0x16: {  	[tilespmem:s13], [sflag:$0x1] =	stream.linear.gather [hbm4b:s7+s3], $0x1400, $0x38;
	[tilespmem:$0x19400] =	vst v63  }
0x17: {  	_ =	swait.ge [sflag:s11], $0x1400  }
0x18: {  	[sflag:s11] =	ssyncset.done $0x0  }
0x19: {  	[sflag:s11] =	ssyncadd.s32 $0xFFFFEC00  }
0x1a: {  	s16 =	simm.s32 $0x14000;
	[bflag:$0x0] =	sbarrier.arrive $0xFFFF  }
0x1b: {  	[spmem:s2] =	stream.indirect.scatter.add.f32 [tilespmem:s12], [sflag:$0x1], $0x80, s16, s14, $0xb8;
	[tilespmem:$0x19400] =	vst v63  }
0x1c: {  	s16 =	simm.s32 $0x200;
	_ =	swait.ge [sflag:s11], $0x4000  }
.LBB2_2:
0x1d: {  	s17 =	sshra.s32 s16, $0x2;
	[sflag:s11] =	ssyncset.done $0x0;
	p0 =	sne.s32 s16, $0x4E00  }
.Ltmp0:
0x1e: {  	s17 =	sadd.s32 $0x14000, s17;
	[sflag:s11] =	ssyncadd.s32 $0xFFFFC000;
	(pc) =	sbr.rel @p0 .LBB2_2-.Ltmp0, $3  }
0x1f: {  	[spmem:s2] =	stream.indirect.scatter.add.f32 [tilespmem:s12], [sflag:$0x1], $0x80, s17, s14, $0xb8;
	[tilespmem:$0x19400] =	vst v63  }
0x20: {  	s16 =	sadd.s32 $0x200, s16;
	_ =	sdelay $0x1  }
0x21: {  	_ =	swait.ge [sflag:s11], $0x4000  }
0x22: {  	[sflag:s11] =	ssyncset.done $0x0;
	s15 =	sadd.s32 $0x1, s15  }
0x23: {  	[sflag:s11] =	ssyncadd.s32 $0xFFFFC000;
	p0 =	sne.s32 s15, s9  }
.Ltmp1:
0x24: {  	[bflag:$0x0] =	sbarrier.arrive $0xFFFF;
	(pc) =	sbr.rel @p0 .LBB2_1-.Ltmp1, $4  }
0x25: {  	[hbm:s8], [sflag:s6] =	dma.local [spmem:s10], $0x2800  }
0x26: {  	_ =	swait.ge [sflag:s11], $0x2800  }
0x27: {  	[sflag:s11] =	ssyncset.done $0x0  }
0x28: {  	[sflag:s11] =	ssyncadd.s32 $0xFFFFD800  }
0x29: {  	_ =	sfence.sel $0x180000  }
0x2a: {  	[bflag:$0x0] =	sbarrier.arrive $0xFFFF  }
0x2b: {  	p0 =	sne.s32 s0, $0x0;
	_ =	strace $0x90000050  }
0x2c: {  	s0 =	sadd.s32 @!p0 $0x100000, s1;
	[bflag:$0x2] =	sbarrier.arrive $0xFFFF  }
0x2d: {  	[sflag:s0] =	ssyncadd.tile.s32 @!p0 $0x1;
	_ =	shalt  }
.Lfunc_end2:
_tile_overlayer_lowered:
.L_overlay_start_2:
0x2e: {  	(tag) =	ssettag $0x2  }
0x2f: {  	s0 =	rddreg [dreg:$0x0];
	s2 =	stileid.u32  }
0x30: {  	s1 =	rddreg [dreg:$0x1];
	p0 =	sne.s32 s2, $0x0  }
0x31: {  	s3 =	rddreg [dreg:$0x2];
	[bflag:$0x3] =	sbarrier.arrive $0xFFFF;
	s2 =	simm.s32 @!p0 $0x1C01  }
0x32: {  	[timem:s3], [sflag:s2] =	dma.local @!p0 [hbm:s0], s1  }
0x33: {  	s0 =	simm.s32 @!p0 $0x1  }
0x34: {  	_ =	swait.ge @!p0 [sflag:s0], s1  }
0x35: {  	s1 =	ssub.s32 @!p0 $0x0, s1;
	[sflag:s0] =	ssyncset.done @!p0 $0x0  }
0x36: {  	[sflag:s0] =	ssyncadd.s32 @!p0 s1  }
0x37: {  	[bflag:$0x3] =	sbarrier.arrive $0xFFFF  }
0x38: {  	_ =	shalt  }

// kernel: kernel.17.cloned.1.call-start
scs
__scs_entry_jumppad:
0x0: {  	(pc) =	sbr.rel $0x88, $3  }
0x1: {  	(tag) =	ssettag $0x0;
	lr =	simm.s32 $0x1  }
0x2: {  	[smem:$0x3F8A] =	sst lr;
	_ =	strace $0xD0000000  }
0x3: {  	_ = 	snop  }
0x4: {  	_ = 	snop  }
0x5: {  	_ = 	snop  }
0x6: {  	_ = 	snop  }
0x7: {  	_ = 	snop  }
__scs_overlays_trampoline_lowered:
0x8: {  	[smem:$0x3F99] =	sst s0  }
0x9: {  	[smem:$0x3F9A] =	sst s1  }
0xa: {  	[smem:$0x3F9B] =	sst s2  }
0xb: {  	[smem:$0x3F9C] =	sst s3  }
0xc: {  	[smem:$0x3F9D] =	sst s4  }
0xd: {  	[smem:$0x3F9E] =	sst s5  }
0xe: {  	[smem:$0x3F9F] =	sst s6  }
0xf: {  	[smem:$0x3FA0] =	sst s7  }
0x10: {  	[smem:$0x3FA1] =	sst s8  }
0x11: {  	[smem:$0x3FA2] =	sst s9;
	s0 =	simm.s32 @!p0 $0x0  }
0x12: {  	s1 =	sld [smem:$0x3F88];
	s0 =	simm.s32 @p0 $0x1  }
0x13: {  	[smem:$0x3FA3] =	sst s0;
	s0 =	simm.s32 @!p1 $0x0  }
0x14: {  	s2 =	sld [smem:$0x3F87];
	s0 =	simm.s32 @p1 $0x1  }
0x15: {  	[smem:$0x3FA4] =	sst s0;
	s0 =	simm.s32 @!p2 $0x0  }
0x16: {  	s3 =	sld [smem:$0x3FDB];
	s0 =	simm.s32 @p2 $0x1  }
0x17: {  	s4 =	simm.s32 $0x1BF5;
	[smem:$0x3FA6] =	sst s0  }
0x18: {  	s0 =	sld [smem:$0x3F89];
	_ =	swait.ge [sflag:s4], $0x0  }
0x19: {  	s7 =	sld [smem:$0x3F8A]  }
0x1a: {  	s8 =	sadd.s32 $0xFFFFE003, lr  }
0x1b: {  	s9 =	sadd.s32 $0xFFFFFEF7, lr;
	s5 =	simm.s32 $0xFFFFFFFF;
	p2 =	slt.u32 s8, $0xFFFFF086  }
0x1c: {  	p1 =	slt.u32 s9, $0xF7A;
	s5 =	simm.s32 @!p2 $0x0  }
0x1d: {  	s5 =	simm.s32 @p1 $0x1;
	p0 =	seq.s32 s7, s2  }
0x1e: {  	s7 =	smul.u32 @!p0 $0xF7A, s2;
	p2 =	seq.s32 @!p0 s5, $0x0  }
0x1f: {  	s9 =	smul.u32 $0xF7A, s1;
	s8 =	simm.s32 @!p0 $0x1BF5;
	p2 =	por !p2, p0  }
0x20: {  	[sflag:s8] =	ssyncset.s32 @!p0 $0xFFFFF086;
	s6 =	sadd.s32 @!p0 s3, s7;
	s7 =	simm.s32 @!p0 $0x108  }
0x21: {  	s3 =	sadd.s32 s3, s9;
	s6 =	sadd.s32 @!p0 $0x88, s6;
	s7 =	simm.s32 @p2 $0x1082  }
0x22: {  	[simem:s7], [sflag:s8] =	dma.local @!p0 [hbm:s6], $0xF7A  }
0x23: {  	s9 =	sor.u32 $0xD0000000, s2;
	s6 =	simm.s32 $0x108;
	_ =	swait.ge @!p0 [sflag:s8], $0x0  }
0x24: {  	s3 =	sadd.s32 $0x88, s3;
	s6 =	simm.s32 @!p1 $0x1082;
	[sflag:s4] =	ssyncset.s32 $0xFFFFF086  }
0x25: {  	[simem:s6], [sflag:s4] =	dma.local [hbm:s3], $0xF7A  }
0x26: {  	[smem:$0x3F8A] =	sst s1;
	(tag) =	ssettag s2;
	_ =	strace s9  }
0x27: {  	s1 =	sld [smem:$0x3F9A]  }
0x28: {  	s2 =	sld [smem:$0x3F9B]  }
0x29: {  	s4 =	sld [smem:$0x3F9D]  }
0x2a: {  	p0 =	seq.s32 s5, $0x0;
	s5 =	sld [smem:$0x3F9E]  }
0x2b: {  	s6 =	sld [smem:$0x3F9F]  }
0x2c: {  	s7 =	sld [smem:$0x3FA0]  }
0x2d: {  	s3 =	simm.s32 $0x108;
	s8 =	sld [smem:$0x3FA1]  }
0x2e: {  	s3 =	simm.s32 @!p0 $0x1082;
	s9 =	sld [smem:$0x3FA2]  }
0x2f: {  	lr =	sadd.s32 s0, s3;
	s0 =	sld [smem:$0x3F99]  }
0x30: {  	s3 =	sld [smem:$0x3F9C]  }
0x31: {  	[smem:$0x3FA5] =	sst s10  }
0x32: {  	s10 =	sld [smem:$0x3FA3];
	_ =	sdelay $0x3  }
0x33: {  	p0 =	seq.s32 s10, $0x1;
	s10 =	sld [smem:$0x3FA5];
	_ =	sdelay $0x3  }
0x34: {  	[smem:$0x3FA5] =	sst s10  }
0x35: {  	s10 =	sld [smem:$0x3FA4];
	_ =	sdelay $0x3  }
0x36: {  	p1 =	seq.s32 s10, $0x1;
	s10 =	sld [smem:$0x3FA5];
	_ =	sdelay $0x3  }
0x37: {  	[smem:$0x3FA5] =	sst s10  }
0x38: {  	s10 =	sld [smem:$0x3FA6]  }
0x39: {  	_ = 	snop;
	(pc) =	sbr.ind lr, $3  }
0x3a: {  	_ = 	snop  }
0x3b: {  	_ = 	snop  }
0x3c: {  	p2 =	seq.s32 s10, $0x1;
	s10 =	sld [smem:$0x3FA5]  }
0x3d: {  	_ =	shalt  }
0x3e: {  	_ =	shalt  }
0x3f: {  	_ =	shalt  }
0x40: {  	_ =	shalt  }
0x41: {  	_ =	shalt  }
0x42: {  	_ =	shalt  }
0x43: {  	_ =	shalt  }
0x44: {  	_ =	shalt  }
0x45: {  	_ =	shalt  }
0x46: {  	_ =	shalt  }
0x47: {  	_ =	shalt  }
0x48: {  	_ =	shalt  }
0x49: {  	_ =	shalt  }
0x4a: {  	_ =	shalt  }
0x4b: {  	_ =	shalt  }
0x4c: {  	_ =	shalt  }
0x4d: {  	_ =	shalt  }
0x4e: {  	_ =	shalt  }
0x4f: {  	_ =	shalt  }
0x50: {  	_ =	shalt  }
0x51: {  	_ =	shalt  }
0x52: {  	_ =	shalt  }
0x53: {  	_ =	shalt  }
0x54: {  	_ =	shalt  }
0x55: {  	_ =	shalt  }
0x56: {  	_ =	shalt  }
0x57: {  	_ =	shalt  }
0x58: {  	_ =	shalt  }
0x59: {  	_ =	shalt  }
0x5a: {  	_ =	shalt  }
0x5b: {  	_ =	shalt  }
0x5c: {  	_ =	shalt  }
0x5d: {  	_ =	shalt  }
0x5e: {  	_ =	shalt  }
0x5f: {  	_ =	shalt  }
0x60: {  	_ =	shalt  }
0x61: {  	_ =	shalt  }
0x62: {  	_ =	shalt  }
0x63: {  	_ =	shalt  }
0x64: {  	_ =	shalt  }
0x65: {  	_ =	shalt  }
0x66: {  	_ =	shalt  }
0x67: {  	_ =	shalt  }
0x68: {  	_ =	shalt  }
0x69: {  	_ =	shalt  }
0x6a: {  	_ =	shalt  }
0x6b: {  	_ =	shalt  }
0x6c: {  	_ =	shalt  }
0x6d: {  	_ =	shalt  }
0x6e: {  	_ =	shalt  }
0x6f: {  	_ =	shalt  }
0x70: {  	_ =	shalt  }
0x71: {  	_ =	shalt  }
0x72: {  	_ =	shalt  }
0x73: {  	_ =	shalt  }
0x74: {  	_ =	shalt  }
0x75: {  	_ =	shalt  }
0x76: {  	_ =	shalt  }
0x77: {  	_ =	shalt  }
0x78: {  	_ =	shalt  }
0x79: {  	_ =	shalt  }
0x7a: {  	_ =	shalt  }
0x7b: {  	_ =	shalt  }
0x7c: {  	_ =	shalt  }
0x7d: {  	_ =	shalt  }
0x7e: {  	_ =	shalt  }
0x7f: {  	_ =	shalt  }
0x80: {  	_ =	shalt  }
0x81: {  	_ =	shalt  }
0x82: {  	_ =	shalt  }
0x83: {  	_ =	shalt  }
0x84: {  	_ =	shalt  }
0x85: {  	_ =	shalt  }
0x86: {  	_ =	shalt  }
0x87: {  	_ =	shalt  }
.Lfunc_end0:
.L_simem_size_0:
called_computation.2_lowered:
.L_overlay_start_0:
0x88: {  	s2 =	sld [smem:$0x3FD9]  }
0x89: {  	s3 =	sld [smem:$0x3FFE];
	_ =	sdelay $0x1  }
0x8a: {  	s1 =	srdreg.scid  }
0x8b: {  	s0 =	sand.u32 $0x1, s1  }
0x8c: {  	s17 =	sshll.u32 s0, $0xA;
	s2 =	sadd.s32 s3, s2  }
0x8d: {  	s2 =	sadd.s32 s2, s17  }
0x8e: {  	[smem:$0x3FB1] =	sst s2  }
0x8f: {  	_ = 	snop  }
0x90: {  	s2 =	sld [smem:$0x3FD0];
	(tm) =	ssettm $0x1  }
0x91: {  	s18 =	sld [smem:$0x3FFB];
	_ =	sdelay $0x3  }
0x92: {  	_ =	strace s18  }
0x93: {  	s3 =	sld [smem:$0x3FFC];
	_ =	sdelay $0x3  }
0x94: {  	_ =	strace s3  }
0x95: {  	s3 =	sld [smem:$0x3FFD];
	_ =	sdelay $0x3  }
0x96: {  	_ =	strace s3  }
0x97: {  	_ =	strace $0x8FFFFFFF  }
0x98: {  	s19 =	sld [smem:$0x3FDB];
	_ =	sdelay $0x1  }
0x99: {  	s4 =	simm.s32 $_scs_section_size  }
0x9a: {  	s5 =	simm.s32 $_size__tile_overlayer_lowered;
	s6 =	simm.s32 $_tile_overlayer_lowered  }
0x9b: {  	s22 =	simm.s32 $0x1BFF;
	s21 =	sshll.u32 s6, $0x1;
	s3 =	sadd.s32 s4, s19  }
0x9c: {  	s7 =	simm.s32 $0x0;
	s20 =	sshll.u32 s5, $0x1;
	s5 =	sadd.s32 s21, s3  }
0x9d: {  	[timem:s7], [sflag:s22] =	dma.local [hbm:s5], s20  }
0x9e: {  	_ =	swait.ge [sflag:s22], s20  }
0x9f: {  	s4 =	ssub.s32 $0x0, s20;
	[sflag:s22] =	ssyncset.done $0x0  }
0xa0: {  	[sflag:s22] =	ssyncadd.s32 s4;
	_ =	sdelay $0x1  }
0xa1: {  	s23 =	simm.s32 $0x1B8B  }
0xa2: {  	_ =	swait.ge [sflag:s23], $0x1  }
0xa3: {  	[sflag:s23] =	ssyncset.done $0x0  }
0xa4: {  	s25 =	simm.s32 $0x1B8E;
	s24 =	sld [smem:$0x3FFE];
	[sflag:s23] =	ssyncadd.s32 $0xFFFFFFFF  }
0xa5: {  	s26 =	simm.s32 $execute0_lowered;
	[smem:$0x3FD2] =	sst s25  }
0xa6: {  	s5 =	sshll.u32 s26, $0x1;
	_ =	strace $0x80000046;
	[dreg:$0x1] =	wrdreg $0xFFFFFFFF  }
0xa7: {  	s28 =	simm.s32 $_size_execute0_lowered;
	s3 =	sadd.s32 s3, s5;
	[dreg:$0x0] =	wrdreg $0x0  }
0xa8: {  	s5 =	sshll.u32 s28, $0x1;
	[dreg:$0x2] =	wrdreg s3  }
0xa9: {  	[dreg:$0x3] =	wrdreg s5  }
0xaa: {  	[dreg:$0x4] =	wrdreg $0xC0  }
0xab: {  	_ =	task [dreg:s7], $0x5FFFF  }
0xac: {  	[dreg:$0x1] =	wrdreg $0xFFFFFFFF  }
0xad: {  	[dreg:$0x0] =	wrdreg $0x60  }
0xae: {  	[dreg:$0x2] =	wrdreg s2  }
0xaf: {  	[dreg:$0x3] =	wrdreg s24  }
0xb0: {  	[dreg:$0x4] =	wrdreg $0x0  }
0xb1: {  	[dreg:$0x5] =	wrdreg $0xC  }
0xb2: {  	_ =	task.clear_ibuf [dreg:s7], $0x6FFFF;
	_ =	strace $0x90000046  }
0xb3: {  	s29 =	simm.s32 $0xC;
	_ =	strace $0x80000048  }
0xb4: {  	_ =	swait.ge [sflag:s29], $0x1  }
0xb5: {  	[sflag:s29] =	ssyncadd.s32 $0xFFFFFFFF  }
0xb6: {  	_ =	strace $0x90000048  }
0xb7: {  	_ =	sfence  }
0xb8: {  	s30 =	sld [smem:$0x0];
	_ =	sdelay $0x2  }
0xb9: {  	s31 =	sshll.u32 s1, $0xD;
	s1 =	sshrl.u32 s1, $0x2  }
0xba: {  	s3 =	sand.u32 $0x4000, s31;
	s1 =	sadd.s32 s1, s30  }
0xbb: {  	s0 =	sor.u32 s3, s0;
	s1 =	sshll.u32 s1, $0x11  }
0xbc: {  	s0 =	sor.u32 s1, s0  }
0xbd: {  	s0 =	sadd.s32 $0x8F2B, s0  }
0xbe: {  	[sflag:s0] =	ssyncadd.remote.s32 $0x1  }
0xbf: {  	_ =	sfence.sel $0xFFFF  }
0xc0: {  	[dreg:$0x0] =	wrdreg $0xFFFFFFFF;
	(pc) =	sbr.abs _section_cstart, $3  }
0xc1: {  	[dreg:$0x1] =	wrdreg $0xFFFFFFFF  }
0xc2: {  	_ =	task.clear_ibuf [dreg:s7], $0x2FFFF;
	_ =	strace $0x9FFFFFFF  }
0xc3: {  	(tm) =	ssettm $0x7FFFFFFF  }
tec
execute0_lowered:
.L_overlay_start_1:
0x0: {  	(tag) =	ssettag $0x1  }
0x1: {  	s1 =	rddreg [dreg:$0x0]  }
0x2: {  	s6 =	rddreg [dreg:$0x1]  }
0x3: {  	s3 =	rddreg [dreg:$0x2]  }
0x4: {  	s0 =	rddreg [dreg:$0x3];
	s5 =	srdreg.scid  }
0x5: {  	s2 =	stileid.u32;
	s4 =	simm.s32 $0x0;
	s16 =	simm.s32 $0x15400  }
0x6: {  	s17 =	simm.s32 $0x80;
	s18 =	simm.s32 $0x16800;
	s19 =	simm.s32 $0x14080  }
0x7: {  	s20 =	simm.s32 $0x1A800;
	s21 =	simm.s32 $0x1;
	s22 =	simm.s32 $0x2  }
0x8: {  	s23 =	simm.s32 $0x16700;
	s24 =	simm.s32 $0x16780;
	s25 =	simm.s32 $0x0  }
0x9: {  	s7 =	sand.u32 $0x1, s5;
	s8 =	smul.u32 $0x2800, s2;
	[smem:$0x7FF] =	sst s4  }
0xa: {  	s10 =	sadd.s32 $0x4000, s6;
	s11 =	sadd.s32 $0xE000, s6;
	s14 =	smul.u32 $0x50000, s2  }
0xb: {  	s5 =	sadd.s32 $0x13000, s6;
	s28 =	sshll.u32 s2, $0x6;
	s30 =	smul.u32 $0x500, s2  }
0xc: {  	s9 =	smul.u32 $0x28000, s7;
	s12 =	ssub.s32 $0x2, s7;
	s7 =	sshll.u32 s7, $0x4  }
0xd: {  	_ =	strace $0x80000047;
	s13 =	sshrl.u32 s12, $0x1;
	s7 =	sor.u32 s2, s7  }
0xe: {  	s26 =	sshrl.u32 s14, $0x2;
	s9 =	sadd.s32 s8, s9;
	s29 =	smul.u32 $0x2800, s7  }
0xf: {  	s12 =	ssub.s32 s12, s13;
	s14 =	sadd.s32 s26, s3;
	s7 =	smul.u32 $0x500, s7  }
0x10: {  	s8 =	sshrl.u32 s8, $0x3;
	s15 =	sadd.s32 s9, s6;
	s6 =	sor.u32 $0x1C03, s28  }
0x11: {  	s31 =	sadd.s32 s11, s8;
	s8 =	sadd.s32 s11, s30;
	s12 =	smax.u32 s12, $0x1  }
0x12: {  	s13 =	sshrl.u32 s29, $0x3;
	s7 =	sadd.s32 s10, s7;
	s11 =	sadd.s32 $0x15800, s15  }
0x13: {  	s15 =	simm.s32 $0x14000;
	s10 =	sadd.s32 s10, s13;
	s13 =	sshrl.u32 s14, $0x3  }
0x14: {  	s14 =	simm.s32 $0x3;
	s9 =	sadd.s32 $0x280, s10;
	s10 =	sadd.s32 $0x280, s31  }
.LBB2_1:
0x15: {  	[spmem:s13], [sflag:s6] =	dma.local [hbm:s5], $0x2800  }
0x16: {  	_ =	swait.ge [sflag:s14], $0x2800  }
0x17: {  	[sflag:s14] =	ssyncset.done $0x0  }
0x18: {  	[sflag:s14] =	ssyncadd.s32 $0xFFFFD800  }
0x19: {  	[bflag:$0x0] =	sbarrier.arrive $0xFFFF  }
0x1a: {  	[tilespmem:s15], [sflag:$0x3] =	stream.linear.gather [hbm4b:s7+s4], $0x1400, $0x38;
	[tilespmem:$0x1E800] =	vst v63  }
0x1b: {  	_ =	swait.ge [sflag:s14], $0x1400  }
0x1c: {  	[sflag:s14] =	ssyncset.done $0x0  }
0x1d: {  	[sflag:s14] =	ssyncadd.s32 $0xFFFFEC00  }
0x1e: {  	[tilespmem:s16], [sflag:$0x3] =	stream.linear.gather [hbm4b:s8+s4], $0x1400, $0x38;
	[tilespmem:$0x1E800] =	vst v63  }
0x1f: {  	_ =	swait.ge [sflag:s14], $0x1400  }
0x20: {  	[sflag:s14] =	ssyncset.done $0x0  }
0x21: {  	[sflag:s14] =	ssyncadd.s32 $0xFFFFEC00  }
0x22: {  	[tilespmem:s18], [sflag:$0x1] =	stream.indirect.gather [hbm4b:s1+s17], $0x80, s15, s17, $0xb8;
	[tilespmem:$0x1E800] =	vst v63  }
0x23: {  	_ = 	snop  }
0x24: {  	[tilespmem:s20], [sflag:$0x1] =	stream.indirect.gather [hbm4b:s1+s17], $0x80, s19, s17, $0xb8;
	[tilespmem:$0x1E800] =	vst v63  }
0x25: {  	_ =	swait.ge [sflag:s21], $0x4000  }
0x26: {  	[sflag:s21] =	ssyncset.done $0x0  }
0x27: {  	s26 =	simm.s32 $0x15400;
	[sflag:s21] =	ssyncadd.s32 $0xFFFFC000  }
0x28: {  	[spmem:s3] =	stream.indirect.scatter.add.f32 [tilespmem:s18], [sflag:$0x2], $0x80, s26, s17, $0xb8;
	[tilespmem:$0x1E800] =	vst v63  }
0x29: {  	_ =	swait.ge [sflag:s21], $0x4000  }
0x2a: {  	[sflag:s21] =	ssyncset.done $0x0  }
0x2b: {  	s30 =	simm.s32 $0x15480;
	[sflag:s21] =	ssyncadd.s32 $0xFFFFC000  }
0x2c: {  	[spmem:s3] =	stream.indirect.scatter.add.f32 [tilespmem:s20], [sflag:$0x2], $0x80, s30, s17, $0xb8;
	[tilespmem:$0x1E800] =	vst v63  }
0x2d: {  	_ =	swait.ge [sflag:s22], $0x4000  }
0x2e: {  	[sflag:s22] =	ssyncset.done $0x0  }
0x2f: {  	s31 =	simm.s32 $0x14100;
	[sflag:s22] =	ssyncadd.s32 $0xFFFFC000  }
0x30: {  	[tilespmem:s18], [sflag:$0x1] =	stream.indirect.gather [hbm4b:s1+s17], $0x80, s31, s17, $0xb8;
	[tilespmem:$0x1E800] =	vst v63  }
0x31: {  	_ =	swait.ge [sflag:s22], $0x4000  }
0x32: {  	[sflag:s22] =	ssyncset.done $0x0  }
0x33: {  	s28 =	simm.s32 $0x14180;
	s26 =	simm.s32 $0x400;
	[sflag:s22] =	ssyncadd.s32 $0xFFFFC000  }
.LBB2_2:
0x34: {  	[tilespmem:s20], [sflag:$0x1] =	stream.indirect.gather [hbm4b:s1+s17], $0x80, s28, s17, $0xb8;
	[tilespmem:$0x1E800] =	vst v63  }
0x35: {  	s28 =	smov.u32 s26  }
0x36: {  	p0 =	sne.s32 s26, $0x4800;
	s26 =	sadd.s32 $0x400, s26;
	_ =	swait.ge [sflag:s21], $0x4000  }
0x37: {  	s28 =	sshra.s32 s28, $0x2;
	[sflag:s21] =	ssyncset.done $0x0  }
0x38: {  	s29 =	sadd.s32 $0x15400, s28;
	[sflag:s21] =	ssyncadd.s32 $0xFFFFC000  }
0x39: {  	[spmem:s3] =	stream.indirect.scatter.add.f32 [tilespmem:s18], [sflag:$0x2], $0x80, s29, s17, $0xb8;
	[tilespmem:$0x1E800] =	vst v63  }
0x3a: {  	_ =	swait.ge [sflag:s21], $0x4000  }
0x3b: {  	[sflag:s21] =	ssyncset.done $0x0  }
0x3c: {  	s29 =	sadd.s32 $0x15480, s28;
	[sflag:s21] =	ssyncadd.s32 $0xFFFFC000  }
0x3d: {  	[spmem:s3] =	stream.indirect.scatter.add.f32 [tilespmem:s20], [sflag:$0x2], $0x80, s29, s17, $0xb8;
	[tilespmem:$0x1E800] =	vst v63  }
0x3e: {  	_ =	swait.ge [sflag:s22], $0x4000  }
0x3f: {  	[sflag:s22] =	ssyncset.done $0x0  }
.Ltmp0:
0x40: {  	s29 =	sadd.s32 $0x14100, s28;
	[sflag:s22] =	ssyncadd.s32 $0xFFFFC000;
	(pc) =	sbr.rel @p0 .LBB2_2-.Ltmp0, $4  }
0x41: {  	[tilespmem:s18], [sflag:$0x1] =	stream.indirect.gather [hbm4b:s1+s17], $0x80, s29, s17, $0xb8;
	[tilespmem:$0x1E800] =	vst v63  }
0x42: {  	_ =	swait.ge [sflag:s22], $0x4000  }
0x43: {  	[sflag:s22] =	ssyncset.done $0x0  }
0x44: {  	s28 =	sadd.s32 $0x14180, s28;
	[sflag:s22] =	ssyncadd.s32 $0xFFFFC000  }
0x45: {  	[tilespmem:s20], [sflag:$0x1] =	stream.indirect.gather [hbm4b:s1+s17], $0x80, s28, s17, $0xb8;
	[tilespmem:$0x1E800] =	vst v63  }
0x46: {  	_ =	swait.ge [sflag:s21], $0x4000  }
0x47: {  	[sflag:s21] =	ssyncset.done $0x0  }
0x48: {  	[sflag:s21] =	ssyncadd.s32 $0xFFFFC000  }
0x49: {  	[spmem:s3] =	stream.indirect.scatter.add.f32 [tilespmem:s18], [sflag:$0x2], $0x80, s23, s17, $0xb8;
	[tilespmem:$0x1E800] =	vst v63  }
0x4a: {  	_ =	swait.ge [sflag:s21], $0x4000  }
0x4b: {  	[sflag:s21] =	ssyncset.done $0x0  }
0x4c: {  	[sflag:s21] =	ssyncadd.s32 $0xFFFFC000  }
0x4d: {  	[spmem:s3] =	stream.indirect.scatter.add.f32 [tilespmem:s20], [sflag:$0x2], $0x80, s24, s17, $0xb8;
	[tilespmem:$0x1E800] =	vst v63  }
0x4e: {  	_ =	swait.ge [sflag:s22], $0x4000  }
0x4f: {  	[sflag:s22] =	ssyncset.done $0x0  }
0x50: {  	[sflag:s22] =	ssyncadd.s32 $0xFFFFC000  }
0x51: {  	_ =	swait.ge [sflag:s22], $0x4000  }
0x52: {  	[sflag:s22] =	ssyncset.done $0x0  }
0x53: {  	s26 =	simm.s32 $0x0;
	[sflag:s22] =	ssyncadd.s32 $0xFFFFC000  }
0x54: {  	[tilespmem:s15], [sflag:$0x3] =	stream.linear.gather [hbm4b:s9+s26], $0x1400, $0x38;
	[tilespmem:$0x1E800] =	vst v63  }
0x55: {  	_ =	swait.ge [sflag:s14], $0x1400  }
0x56: {  	[sflag:s14] =	ssyncset.done $0x0  }
0x57: {  	[sflag:s14] =	ssyncadd.s32 $0xFFFFEC00  }
0x58: {  	[tilespmem:s16], [sflag:$0x3] =	stream.linear.gather [hbm4b:s10+s26], $0x1400, $0x38;
	[tilespmem:$0x1E800] =	vst v63  }
0x59: {  	_ =	swait.ge [sflag:s14], $0x1400  }
0x5a: {  	[sflag:s14] =	ssyncset.done $0x0  }
0x5b: {  	[sflag:s14] =	ssyncadd.s32 $0xFFFFEC00  }
0x5c: {  	[tilespmem:s18], [sflag:$0x1] =	stream.indirect.gather [hbm4b:s1+s17], $0x80, s15, s17, $0xb8;
	[tilespmem:$0x1E800] =	vst v63  }
0x5d: {  	_ = 	snop  }
0x5e: {  	[tilespmem:s20], [sflag:$0x1] =	stream.indirect.gather [hbm4b:s1+s17], $0x80, s19, s17, $0xb8;
	[tilespmem:$0x1E800] =	vst v63  }
0x5f: {  	_ =	swait.ge [sflag:s21], $0x4000  }
0x60: {  	[sflag:s21] =	ssyncset.done $0x0  }
0x61: {  	s29 =	simm.s32 $0x15400;
	[sflag:s21] =	ssyncadd.s32 $0xFFFFC000  }
0x62: {  	[spmem:s3] =	stream.indirect.scatter.add.f32 [tilespmem:s18], [sflag:$0x2], $0x80, s29, s17, $0xb8;
	[tilespmem:$0x1E800] =	vst v63  }
0x63: {  	_ =	swait.ge [sflag:s21], $0x4000  }
0x64: {  	[sflag:s21] =	ssyncset.done $0x0  }
0x65: {  	s30 =	simm.s32 $0x15480;
	[sflag:s21] =	ssyncadd.s32 $0xFFFFC000  }
0x66: {  	[spmem:s3] =	stream.indirect.scatter.add.f32 [tilespmem:s20], [sflag:$0x2], $0x80, s30, s17, $0xb8;
	[tilespmem:$0x1E800] =	vst v63  }
0x67: {  	_ =	swait.ge [sflag:s22], $0x4000  }
0x68: {  	[sflag:s22] =	ssyncset.done $0x0  }
0x69: {  	s31 =	simm.s32 $0x14100;
	[sflag:s22] =	ssyncadd.s32 $0xFFFFC000  }
0x6a: {  	[tilespmem:s18], [sflag:$0x1] =	stream.indirect.gather [hbm4b:s1+s17], $0x80, s31, s17, $0xb8;
	[tilespmem:$0x1E800] =	vst v63  }
0x6b: {  	_ =	swait.ge [sflag:s22], $0x4000  }
0x6c: {  	[sflag:s22] =	ssyncset.done $0x0  }
0x6d: {  	s28 =	simm.s32 $0x14180;
	s26 =	simm.s32 $0x400;
	[sflag:s22] =	ssyncadd.s32 $0xFFFFC000  }
.LBB2_4:
0x6e: {  	[tilespmem:s20], [sflag:$0x1] =	stream.indirect.gather [hbm4b:s1+s17], $0x80, s28, s17, $0xb8;
	[tilespmem:$0x1E800] =	vst v63  }
0x6f: {  	s28 =	smov.u32 s26  }
0x70: {  	p0 =	sne.s32 s26, $0x4800;
	s26 =	sadd.s32 $0x400, s26;
	_ =	swait.ge [sflag:s21], $0x4000  }
0x71: {  	s28 =	sshra.s32 s28, $0x2;
	[sflag:s21] =	ssyncset.done $0x0  }
0x72: {  	s29 =	sadd.s32 $0x15400, s28;
	[sflag:s21] =	ssyncadd.s32 $0xFFFFC000  }
0x73: {  	[spmem:s3] =	stream.indirect.scatter.add.f32 [tilespmem:s18], [sflag:$0x2], $0x80, s29, s17, $0xb8;
	[tilespmem:$0x1E800] =	vst v63  }
0x74: {  	_ =	swait.ge [sflag:s21], $0x4000  }
0x75: {  	[sflag:s21] =	ssyncset.done $0x0  }
0x76: {  	s29 =	sadd.s32 $0x15480, s28;
	[sflag:s21] =	ssyncadd.s32 $0xFFFFC000  }
0x77: {  	[spmem:s3] =	stream.indirect.scatter.add.f32 [tilespmem:s20], [sflag:$0x2], $0x80, s29, s17, $0xb8;
	[tilespmem:$0x1E800] =	vst v63  }
0x78: {  	_ =	swait.ge [sflag:s22], $0x4000  }
0x79: {  	[sflag:s22] =	ssyncset.done $0x0  }
.Ltmp1:
0x7a: {  	s29 =	sadd.s32 $0x14100, s28;
	[sflag:s22] =	ssyncadd.s32 $0xFFFFC000;
	(pc) =	sbr.rel @p0 .LBB2_4-.Ltmp1, $4  }
0x7b: {  	[tilespmem:s18], [sflag:$0x1] =	stream.indirect.gather [hbm4b:s1+s17], $0x80, s29, s17, $0xb8;
	[tilespmem:$0x1E800] =	vst v63  }
0x7c: {  	_ =	swait.ge [sflag:s22], $0x4000  }
0x7d: {  	[sflag:s22] =	ssyncset.done $0x0  }
0x7e: {  	s28 =	sadd.s32 $0x14180, s28;
	[sflag:s22] =	ssyncadd.s32 $0xFFFFC000  }
0x7f: {  	[tilespmem:s20], [sflag:$0x1] =	stream.indirect.gather [hbm4b:s1+s17], $0x80, s28, s17, $0xb8;
	[tilespmem:$0x1E800] =	vst v63  }
0x80: {  	_ =	swait.ge [sflag:s21], $0x4000  }
0x81: {  	[sflag:s21] =	ssyncset.done $0x0  }
0x82: {  	[sflag:s21] =	ssyncadd.s32 $0xFFFFC000  }
0x83: {  	[spmem:s3] =	stream.indirect.scatter.add.f32 [tilespmem:s18], [sflag:$0x2], $0x80, s23, s17, $0xb8;
	[tilespmem:$0x1E800] =	vst v63  }
0x84: {  	_ =	swait.ge [sflag:s21], $0x4000  }
0x85: {  	[sflag:s21] =	ssyncset.done $0x0  }
0x86: {  	[sflag:s21] =	ssyncadd.s32 $0xFFFFC000  }
0x87: {  	[spmem:s3] =	stream.indirect.scatter.add.f32 [tilespmem:s20], [sflag:$0x2], $0x80, s24, s17, $0xb8;
	[tilespmem:$0x1E800] =	vst v63  }
0x88: {  	_ =	swait.ge [sflag:s22], $0x4000  }
0x89: {  	[sflag:s22] =	ssyncset.done $0x0  }
0x8a: {  	[sflag:s22] =	ssyncadd.s32 $0xFFFFC000  }
0x8b: {  	_ =	swait.ge [sflag:s22], $0x4000  }
0x8c: {  	s25 =	sadd.s32 $0x1, s25;
	[sflag:s22] =	ssyncset.done $0x0  }
0x8d: {  	p0 =	sne.s32 s25, s12;
	[sflag:s22] =	ssyncadd.s32 $0xFFFFC000  }
.Ltmp2:
0x8e: {  	[bflag:$0x0] =	sbarrier.arrive $0xFFFF;
	(pc) =	sbr.rel @p0 .LBB2_1-.Ltmp2, $4  }
0x8f: {  	[hbm:s11], [sflag:s6] =	dma.local [spmem:s13], $0x2800  }
0x90: {  	_ =	swait.ge [sflag:s14], $0x2800  }
0x91: {  	[sflag:s14] =	ssyncset.done $0x0  }
0x92: {  	[sflag:s14] =	ssyncadd.s32 $0xFFFFD800  }
0x93: {  	_ =	sfence.sel $0x180000  }
0x94: {  	[bflag:$0x0] =	sbarrier.arrive $0xFFFF  }
0x95: {  	p0 =	sne.s32 s2, $0x0;
	_ =	strace $0x90000047  }
0x96: {  	s0 =	sadd.s32 @!p0 $0x100000, s0;
	[bflag:$0x2] =	sbarrier.arrive $0xFFFF  }
0x97: {  	[sflag:s0] =	ssyncadd.tile.s32 @!p0 $0x1;
	_ =	shalt  }
.Lfunc_end2:
_tile_overlayer_lowered:
.L_overlay_start_2:
0x98: {  	(tag) =	ssettag $0x2  }
0x99: {  	s0 =	rddreg [dreg:$0x0];
	s2 =	stileid.u32  }
0x9a: {  	s1 =	rddreg [dreg:$0x1];
	p0 =	sne.s32 s2, $0x0  }
0x9b: {  	s3 =	rddreg [dreg:$0x2];
	[bflag:$0x3] =	sbarrier.arrive $0xFFFF;
	s2 =	simm.s32 @!p0 $0x1C03  }
0x9c: {  	[timem:s3], [sflag:s2] =	dma.local @!p0 [hbm:s0], s1  }
0x9d: {  	s0 =	simm.s32 @!p0 $0x3  }
0x9e: {  	_ =	swait.ge @!p0 [sflag:s0], s1  }
0x9f: {  	s1 =	ssub.s32 @!p0 $0x0, s1;
	[sflag:s0] =	ssyncset.done @!p0 $0x0  }
0xa0: {  	[sflag:s0] =	ssyncadd.s32 @!p0 s1  }
0xa1: {  	[bflag:$0x3] =	sbarrier.arrive $0xFFFF  }
0xa2: {  	_ =	shalt  }

// kernel: kernel.20.cloned.1.call-start
scs
__scs_entry_jumppad:
0x0: {  	(pc) =	sbr.rel $0x88, $3  }
0x1: {  	(tag) =	ssettag $0x0;
	lr =	simm.s32 $0x1  }
0x2: {  	[smem:$0x3F8A] =	sst lr;
	_ =	strace $0xD0000000  }
0x3: {  	_ = 	snop  }
0x4: {  	_ = 	snop  }
0x5: {  	_ = 	snop  }
0x6: {  	_ = 	snop  }
0x7: {  	_ = 	snop  }
__scs_overlays_trampoline_lowered:
0x8: {  	[smem:$0x3F99] =	sst s0  }
0x9: {  	[smem:$0x3F9A] =	sst s1  }
0xa: {  	[smem:$0x3F9B] =	sst s2  }
0xb: {  	[smem:$0x3F9C] =	sst s3  }
0xc: {  	[smem:$0x3F9D] =	sst s4  }
0xd: {  	[smem:$0x3F9E] =	sst s5  }
0xe: {  	[smem:$0x3F9F] =	sst s6  }
0xf: {  	[smem:$0x3FA0] =	sst s7  }
0x10: {  	[smem:$0x3FA1] =	sst s8  }
0x11: {  	[smem:$0x3FA2] =	sst s9;
	s0 =	simm.s32 @!p0 $0x0  }
0x12: {  	s1 =	sld [smem:$0x3F88];
	s0 =	simm.s32 @p0 $0x1  }
0x13: {  	[smem:$0x3FA3] =	sst s0;
	s0 =	simm.s32 @!p1 $0x0  }
0x14: {  	s2 =	sld [smem:$0x3F87];
	s0 =	simm.s32 @p1 $0x1  }
0x15: {  	[smem:$0x3FA4] =	sst s0;
	s0 =	simm.s32 @!p2 $0x0  }
0x16: {  	s3 =	sld [smem:$0x3FDB];
	s0 =	simm.s32 @p2 $0x1  }
0x17: {  	s4 =	simm.s32 $0x1BF5;
	[smem:$0x3FA6] =	sst s0  }
0x18: {  	s0 =	sld [smem:$0x3F89];
	_ =	swait.ge [sflag:s4], $0x0  }
0x19: {  	s7 =	sld [smem:$0x3F8A]  }
0x1a: {  	s8 =	sadd.s32 $0xFFFFE003, lr  }
0x1b: {  	s9 =	sadd.s32 $0xFFFFFEF7, lr;
	s5 =	simm.s32 $0xFFFFFFFF;
	p2 =	slt.u32 s8, $0xFFFFF086  }
0x1c: {  	p1 =	slt.u32 s9, $0xF7A;
	s5 =	simm.s32 @!p2 $0x0  }
0x1d: {  	s5 =	simm.s32 @p1 $0x1;
	p0 =	seq.s32 s7, s2  }
0x1e: {  	s7 =	smul.u32 @!p0 $0xF7A, s2;
	p2 =	seq.s32 @!p0 s5, $0x0  }
0x1f: {  	s9 =	smul.u32 $0xF7A, s1;
	s8 =	simm.s32 @!p0 $0x1BF5;
	p2 =	por !p2, p0  }
0x20: {  	[sflag:s8] =	ssyncset.s32 @!p0 $0xFFFFF086;
	s6 =	sadd.s32 @!p0 s3, s7;
	s7 =	simm.s32 @!p0 $0x108  }
0x21: {  	s3 =	sadd.s32 s3, s9;
	s6 =	sadd.s32 @!p0 $0x88, s6;
	s7 =	simm.s32 @p2 $0x1082  }
0x22: {  	[simem:s7], [sflag:s8] =	dma.local @!p0 [hbm:s6], $0xF7A  }
0x23: {  	s9 =	sor.u32 $0xD0000000, s2;
	s6 =	simm.s32 $0x108;
	_ =	swait.ge @!p0 [sflag:s8], $0x0  }
0x24: {  	s3 =	sadd.s32 $0x88, s3;
	s6 =	simm.s32 @!p1 $0x1082;
	[sflag:s4] =	ssyncset.s32 $0xFFFFF086  }
0x25: {  	[simem:s6], [sflag:s4] =	dma.local [hbm:s3], $0xF7A  }
0x26: {  	[smem:$0x3F8A] =	sst s1;
	(tag) =	ssettag s2;
	_ =	strace s9  }
0x27: {  	s1 =	sld [smem:$0x3F9A]  }
0x28: {  	s2 =	sld [smem:$0x3F9B]  }
0x29: {  	s4 =	sld [smem:$0x3F9D]  }
0x2a: {  	p0 =	seq.s32 s5, $0x0;
	s5 =	sld [smem:$0x3F9E]  }
0x2b: {  	s6 =	sld [smem:$0x3F9F]  }
0x2c: {  	s7 =	sld [smem:$0x3FA0]  }
0x2d: {  	s3 =	simm.s32 $0x108;
	s8 =	sld [smem:$0x3FA1]  }
0x2e: {  	s3 =	simm.s32 @!p0 $0x1082;
	s9 =	sld [smem:$0x3FA2]  }
0x2f: {  	lr =	sadd.s32 s0, s3;
	s0 =	sld [smem:$0x3F99]  }
0x30: {  	s3 =	sld [smem:$0x3F9C]  }
0x31: {  	[smem:$0x3FA5] =	sst s10  }
0x32: {  	s10 =	sld [smem:$0x3FA3];
	_ =	sdelay $0x3  }
0x33: {  	p0 =	seq.s32 s10, $0x1;
	s10 =	sld [smem:$0x3FA5];
	_ =	sdelay $0x3  }
0x34: {  	[smem:$0x3FA5] =	sst s10  }
0x35: {  	s10 =	sld [smem:$0x3FA4];
	_ =	sdelay $0x3  }
0x36: {  	p1 =	seq.s32 s10, $0x1;
	s10 =	sld [smem:$0x3FA5];
	_ =	sdelay $0x3  }
0x37: {  	[smem:$0x3FA5] =	sst s10  }
0x38: {  	s10 =	sld [smem:$0x3FA6]  }
0x39: {  	_ = 	snop;
	(pc) =	sbr.ind lr, $3  }
0x3a: {  	_ = 	snop  }
0x3b: {  	_ = 	snop  }
0x3c: {  	p2 =	seq.s32 s10, $0x1;
	s10 =	sld [smem:$0x3FA5]  }
0x3d: {  	_ =	shalt  }
0x3e: {  	_ =	shalt  }
0x3f: {  	_ =	shalt  }
0x40: {  	_ =	shalt  }
0x41: {  	_ =	shalt  }
0x42: {  	_ =	shalt  }
0x43: {  	_ =	shalt  }
0x44: {  	_ =	shalt  }
0x45: {  	_ =	shalt  }
0x46: {  	_ =	shalt  }
0x47: {  	_ =	shalt  }
0x48: {  	_ =	shalt  }
0x49: {  	_ =	shalt  }
0x4a: {  	_ =	shalt  }
0x4b: {  	_ =	shalt  }
0x4c: {  	_ =	shalt  }
0x4d: {  	_ =	shalt  }
0x4e: {  	_ =	shalt  }
0x4f: {  	_ =	shalt  }
0x50: {  	_ =	shalt  }
0x51: {  	_ =	shalt  }
0x52: {  	_ =	shalt  }
0x53: {  	_ =	shalt  }
0x54: {  	_ =	shalt  }
0x55: {  	_ =	shalt  }
0x56: {  	_ =	shalt  }
0x57: {  	_ =	shalt  }
0x58: {  	_ =	shalt  }
0x59: {  	_ =	shalt  }
0x5a: {  	_ =	shalt  }
0x5b: {  	_ =	shalt  }
0x5c: {  	_ =	shalt  }
0x5d: {  	_ =	shalt  }
0x5e: {  	_ =	shalt  }
0x5f: {  	_ =	shalt  }
0x60: {  	_ =	shalt  }
0x61: {  	_ =	shalt  }
0x62: {  	_ =	shalt  }
0x63: {  	_ =	shalt  }
0x64: {  	_ =	shalt  }
0x65: {  	_ =	shalt  }
0x66: {  	_ =	shalt  }
0x67: {  	_ =	shalt  }
0x68: {  	_ =	shalt  }
0x69: {  	_ =	shalt  }
0x6a: {  	_ =	shalt  }
0x6b: {  	_ =	shalt  }
0x6c: {  	_ =	shalt  }
0x6d: {  	_ =	shalt  }
0x6e: {  	_ =	shalt  }
0x6f: {  	_ =	shalt  }
0x70: {  	_ =	shalt  }
0x71: {  	_ =	shalt  }
0x72: {  	_ =	shalt  }
0x73: {  	_ =	shalt  }
0x74: {  	_ =	shalt  }
0x75: {  	_ =	shalt  }
0x76: {  	_ =	shalt  }
0x77: {  	_ =	shalt  }
0x78: {  	_ =	shalt  }
0x79: {  	_ =	shalt  }
0x7a: {  	_ =	shalt  }
0x7b: {  	_ =	shalt  }
0x7c: {  	_ =	shalt  }
0x7d: {  	_ =	shalt  }
0x7e: {  	_ =	shalt  }
0x7f: {  	_ =	shalt  }
0x80: {  	_ =	shalt  }
0x81: {  	_ =	shalt  }
0x82: {  	_ =	shalt  }
0x83: {  	_ =	shalt  }
0x84: {  	_ =	shalt  }
0x85: {  	_ =	shalt  }
0x86: {  	_ =	shalt  }
0x87: {  	_ =	shalt  }
.Lfunc_end0:
.L_simem_size_0:
called_computation.3_lowered:
.L_overlay_start_0:
0x88: {  	s2 =	sld [smem:$0x3FD9]  }
0x89: {  	s3 =	sld [smem:$0x3FFE];
	_ =	sdelay $0x1  }
0x8a: {  	s1 =	srdreg.scid  }
0x8b: {  	s0 =	sand.u32 $0x1, s1  }
0x8c: {  	s17 =	sshll.u32 s0, $0xA;
	s2 =	sadd.s32 s3, s2  }
0x8d: {  	s2 =	sadd.s32 s2, s17  }
0x8e: {  	[smem:$0x3FB1] =	sst s2  }
0x8f: {  	_ = 	snop  }
0x90: {  	s18 =	sld [smem:$0x3FD0];
	(tm) =	ssettm $0x1  }
0x91: {  	s19 =	sld [smem:$0x3FFB];
	_ =	sdelay $0x3  }
0x92: {  	_ =	strace s19  }
0x93: {  	s2 =	sld [smem:$0x3FFC];
	_ =	sdelay $0x3  }
0x94: {  	_ =	strace s2  }
0x95: {  	s2 =	sld [smem:$0x3FFD];
	_ =	sdelay $0x3  }
0x96: {  	_ =	strace s2  }
0x97: {  	_ =	strace $0x8FFFFFFF  }
0x98: {  	s20 =	sld [smem:$0x3FDB];
	_ =	sdelay $0x1  }
0x99: {  	s4 =	simm.s32 $_scs_section_size  }
0x9a: {  	s5 =	simm.s32 $_size__tile_overlayer_lowered;
	s6 =	simm.s32 $_tile_overlayer_lowered  }
0x9b: {  	s7 =	simm.s32 $0x1BFF;
	s21 =	sshll.u32 s6, $0x1;
	s4 =	sadd.s32 s4, s20  }
0x9c: {  	s22 =	simm.s32 $0x0;
	s5 =	sshll.u32 s5, $0x1;
	s6 =	sadd.s32 s21, s4  }
0x9d: {  	[timem:s22], [sflag:s7] =	dma.local [hbm:s6], s5  }
0x9e: {  	_ =	swait.ge [sflag:s7], s5  }
0x9f: {  	s5 =	ssub.s32 $0x0, s5;
	[sflag:s7] =	ssyncset.done $0x0  }
0xa0: {  	[sflag:s7] =	ssyncadd.s32 s5;
	_ =	sdelay $0x1  }
0xa1: {  	s23 =	simm.s32 $0x1B8B  }
0xa2: {  	_ =	swait.ge [sflag:s23], $0x1  }
0xa3: {  	[sflag:s23] =	ssyncset.done $0x0  }
0xa4: {  	[sflag:s23] =	ssyncadd.s32 $0xFFFFFFFF  }
0xa5: {  	s5 =	sld [smem:$0x0]  }
0xa6: {  	s6 =	sand.u32 $0xFFFFFFFE, s1  }
0xa7: {  	p0 =	sne.s32 s1, s6  }
0xa8: {  	s6 =	sshll.u32 @p0 s6, $0xE  }
0xa9: {  	s6 =	sadd.s32 @p0 $0x11B8D, s6;
	s7 =	sshll.u32 @p0 s5, $0x11  }
0xaa: {  	s6 =	sor.u32 @p0 s7, s6  }
0xab: {  	[sflag:s6] =	ssyncadd.remote.s32 @p0 $0x1;
	_ =	sdelay $0x1  }
0xac: {  	s6 =	simm.s32 @p0 $0x1B8D  }
0xad: {  	_ =	swait.eq @p0 [sflag:s6], $0x1  }
0xae: {  	[sflag:s6] =	ssyncadd.s32 @p0 $0xFFFFFFFF  }
0xaf: {  	s7 =	sshll.u32 @!p0 s1, $0xE  }
0xb0: {  	s7 =	sor.u32 @!p0 $0x4000, s7;
	s6 =	simm.s32 @!p0 $0x1B8D  }
0xb1: {  	s5 =	sshll.u32 @!p0 s5, $0x11;
	s7 =	sadd.s32 @!p0 $0x11B8D, s7;
	_ =	swait.eq @!p0 [sflag:s6], $0x1  }
0xb2: {  	s5 =	sor.u32 @!p0 s5, s7;
	[sflag:s6] =	ssyncadd.s32 @!p0 $0xFFFFFFFF  }
0xb3: {  	s25 =	simm.s32 $0x1B8E;
	s24 =	sld [smem:$0x3FFE];
	[sflag:s5] =	ssyncadd.remote.s32 @!p0 $0x1  }
0xb4: {  	s26 =	simm.s32 $execute0_lowered;
	[smem:$0x3FD2] =	sst s25  }
0xb5: {  	s6 =	sshll.u32 s26, $0x1;
	_ =	strace $0x8000004C;
	[dreg:$0x1] =	wrdreg $0xFFFFFFFF  }
0xb6: {  	s28 =	simm.s32 $_size_execute0_lowered;
	s4 =	sadd.s32 s4, s6;
	[dreg:$0x0] =	wrdreg $0x0  }
0xb7: {  	s6 =	sshll.u32 s28, $0x1;
	[dreg:$0x2] =	wrdreg s4  }
0xb8: {  	[dreg:$0x3] =	wrdreg s6  }
0xb9: {  	[dreg:$0x4] =	wrdreg $0xC0  }
0xba: {  	_ =	task [dreg:s22], $0x5FFFF  }
0xbb: {  	[dreg:$0x1] =	wrdreg $0xFFFFFFFF  }
0xbc: {  	[dreg:$0x0] =	wrdreg $0x60  }
0xbd: {  	[dreg:$0x2] =	wrdreg s18  }
0xbe: {  	[dreg:$0x3] =	wrdreg s24  }
0xbf: {  	[dreg:$0x4] =	wrdreg $0x0  }
0xc0: {  	[dreg:$0x5] =	wrdreg $0xA  }
0xc1: {  	_ =	task.clear_ibuf [dreg:s22], $0x6FFFF;
	_ =	strace $0x9000004C  }
0xc2: {  	s29 =	simm.s32 $0xA;
	_ =	strace $0x8000004E  }
0xc3: {  	_ =	swait.ge [sflag:s29], $0x1  }
0xc4: {  	[sflag:s29] =	ssyncadd.s32 $0xFFFFFFFF  }
0xc5: {  	_ =	strace $0x9000004E  }
0xc6: {  	_ =	sfence  }
0xc7: {  	s30 =	sld [smem:$0x0];
	_ =	sdelay $0x2  }
0xc8: {  	s31 =	sshll.u32 s1, $0xD;
	s1 =	sshrl.u32 s1, $0x2  }
0xc9: {  	s4 =	sand.u32 $0x4000, s31;
	s1 =	sadd.s32 s1, s30  }
0xca: {  	s0 =	sor.u32 s4, s0;
	s1 =	sshll.u32 s1, $0x11  }
0xcb: {  	s0 =	sor.u32 s1, s0  }
0xcc: {  	s0 =	sadd.s32 $0x8F2B, s0  }
0xcd: {  	[sflag:s0] =	ssyncadd.remote.s32 $0x1  }
0xce: {  	_ =	sfence.sel $0xFFFF  }
0xcf: {  	[dreg:$0x0] =	wrdreg $0xFFFFFFFF;
	(pc) =	sbr.abs _section_cstart, $3  }
0xd0: {  	[dreg:$0x1] =	wrdreg $0xFFFFFFFF  }
0xd1: {  	_ =	task.clear_ibuf [dreg:s22], $0x2FFFF;
	_ =	strace $0x9FFFFFFF  }
0xd2: {  	(tm) =	ssettm $0x7FFFFFFF  }
0xd3: {  	_ =	shalt  }
tec
execute0_lowered:
.L_overlay_start_1:
0x0: {  	(tag) =	ssettag $0x1  }
0x1: {  	s1 =	rddreg [dreg:$0x0]  }
0x2: {  	s6 =	rddreg [dreg:$0x1]  }
0x3: {  	s3 =	rddreg [dreg:$0x2]  }
0x4: {  	s0 =	rddreg [dreg:$0x3];
	s5 =	srdreg.scid  }
0x5: {  	s2 =	stileid.u32;
	s4 =	simm.s32 $0x0;
	s16 =	simm.s32 $0x15400  }
0x6: {  	s17 =	simm.s32 $0x80;
	s18 =	simm.s32 $0x16800;
	s19 =	simm.s32 $0x14080  }
0x7: {  	s20 =	simm.s32 $0x1A800;
	s21 =	simm.s32 $0x1;
	s22 =	simm.s32 $0x2  }
0x8: {  	s23 =	simm.s32 $0x16700;
	s24 =	simm.s32 $0x16780;
	s25 =	simm.s32 $0x0  }
0x9: {  	s7 =	sand.u32 $0x1, s5;
	s8 =	smul.u32 $0x2800, s2;
	[smem:$0x7FF] =	sst s4  }
0xa: {  	s10 =	sadd.s32 $0xB6000, s6;
	s11 =	sadd.s32 $0xC0000, s6;
	s14 =	smul.u32 $0x50000, s2  }
0xb: {  	s5 =	sadd.s32 $0x13000, s6;
	s28 =	sshll.u32 s2, $0x6;
	s30 =	smul.u32 $0x500, s2  }
0xc: {  	s9 =	smul.u32 $0x28000, s7;
	s12 =	ssub.s32 $0x2, s7;
	s7 =	sshll.u32 s7, $0x4  }
0xd: {  	_ =	strace $0x8000004D;
	s13 =	sshrl.u32 s12, $0x1;
	s7 =	sor.u32 s2, s7  }
0xe: {  	s26 =	sshrl.u32 s14, $0x2;
	s9 =	sadd.s32 s8, s9;
	s29 =	smul.u32 $0x2800, s7  }
0xf: {  	s12 =	ssub.s32 s12, s13;
	s14 =	sadd.s32 s26, s3;
	s7 =	smul.u32 $0x500, s7  }
0x10: {  	s8 =	sshrl.u32 s8, $0x3;
	s15 =	sadd.s32 s9, s6;
	s6 =	sor.u32 $0x1C03, s28  }
0x11: {  	s31 =	sadd.s32 s11, s8;
	s8 =	sadd.s32 s11, s30;
	s12 =	smax.u32 s12, $0x1  }
0x12: {  	s13 =	sshrl.u32 s29, $0x3;
	s7 =	sadd.s32 s10, s7;
	s11 =	sadd.s32 $0xC5000, s15  }
0x13: {  	s15 =	simm.s32 $0x14000;
	s10 =	sadd.s32 s10, s13;
	s13 =	sshrl.u32 s14, $0x3  }
0x14: {  	s14 =	simm.s32 $0x3;
	s9 =	sadd.s32 $0x280, s10;
	s10 =	sadd.s32 $0x280, s31  }
.LBB2_1:
0x15: {  	[spmem:s13], [sflag:s6] =	dma.local [hbm:s5], $0x2800  }
0x16: {  	_ =	swait.ge [sflag:s14], $0x2800  }
0x17: {  	[sflag:s14] =	ssyncset.done $0x0  }
0x18: {  	[sflag:s14] =	ssyncadd.s32 $0xFFFFD800  }
0x19: {  	[bflag:$0x0] =	sbarrier.arrive $0xFFFF  }
0x1a: {  	[tilespmem:s15], [sflag:$0x3] =	stream.linear.gather [hbm4b:s7+s4], $0x1400, $0x38;
	[tilespmem:$0x1E800] =	vst v63  }
0x1b: {  	_ =	swait.ge [sflag:s14], $0x1400  }
0x1c: {  	[sflag:s14] =	ssyncset.done $0x0  }
0x1d: {  	[sflag:s14] =	ssyncadd.s32 $0xFFFFEC00  }
0x1e: {  	[tilespmem:s16], [sflag:$0x3] =	stream.linear.gather [hbm4b:s8+s4], $0x1400, $0x38;
	[tilespmem:$0x1E800] =	vst v63  }
0x1f: {  	_ =	swait.ge [sflag:s14], $0x1400  }
0x20: {  	[sflag:s14] =	ssyncset.done $0x0  }
0x21: {  	[sflag:s14] =	ssyncadd.s32 $0xFFFFEC00  }
0x22: {  	[tilespmem:s18], [sflag:$0x1] =	stream.indirect.gather [hbm4b:s1+s17], $0x80, s15, s17, $0xb8;
	[tilespmem:$0x1E800] =	vst v63  }
0x23: {  	_ = 	snop  }
0x24: {  	[tilespmem:s20], [sflag:$0x1] =	stream.indirect.gather [hbm4b:s1+s17], $0x80, s19, s17, $0xb8;
	[tilespmem:$0x1E800] =	vst v63  }
0x25: {  	_ =	swait.ge [sflag:s21], $0x4000  }
0x26: {  	[sflag:s21] =	ssyncset.done $0x0  }
0x27: {  	s26 =	simm.s32 $0x15400;
	[sflag:s21] =	ssyncadd.s32 $0xFFFFC000  }
0x28: {  	[spmem:s3] =	stream.indirect.scatter.add.f32 [tilespmem:s18], [sflag:$0x2], $0x80, s26, s17, $0xb8;
	[tilespmem:$0x1E800] =	vst v63  }
0x29: {  	_ =	swait.ge [sflag:s21], $0x4000  }
0x2a: {  	[sflag:s21] =	ssyncset.done $0x0  }
0x2b: {  	s30 =	simm.s32 $0x15480;
	[sflag:s21] =	ssyncadd.s32 $0xFFFFC000  }
0x2c: {  	[spmem:s3] =	stream.indirect.scatter.add.f32 [tilespmem:s20], [sflag:$0x2], $0x80, s30, s17, $0xb8;
	[tilespmem:$0x1E800] =	vst v63  }
0x2d: {  	_ =	swait.ge [sflag:s22], $0x4000  }
0x2e: {  	[sflag:s22] =	ssyncset.done $0x0  }
0x2f: {  	s31 =	simm.s32 $0x14100;
	[sflag:s22] =	ssyncadd.s32 $0xFFFFC000  }
0x30: {  	[tilespmem:s18], [sflag:$0x1] =	stream.indirect.gather [hbm4b:s1+s17], $0x80, s31, s17, $0xb8;
	[tilespmem:$0x1E800] =	vst v63  }
0x31: {  	_ =	swait.ge [sflag:s22], $0x4000  }
0x32: {  	[sflag:s22] =	ssyncset.done $0x0  }
0x33: {  	s28 =	simm.s32 $0x14180;
	s26 =	simm.s32 $0x400;
	[sflag:s22] =	ssyncadd.s32 $0xFFFFC000  }
.LBB2_2:
0x34: {  	[tilespmem:s20], [sflag:$0x1] =	stream.indirect.gather [hbm4b:s1+s17], $0x80, s28, s17, $0xb8;
	[tilespmem:$0x1E800] =	vst v63  }
0x35: {  	s28 =	smov.u32 s26  }
0x36: {  	p0 =	sne.s32 s26, $0x4800;
	s26 =	sadd.s32 $0x400, s26;
	_ =	swait.ge [sflag:s21], $0x4000  }
0x37: {  	s28 =	sshra.s32 s28, $0x2;
	[sflag:s21] =	ssyncset.done $0x0  }
0x38: {  	s29 =	sadd.s32 $0x15400, s28;
	[sflag:s21] =	ssyncadd.s32 $0xFFFFC000  }
0x39: {  	[spmem:s3] =	stream.indirect.scatter.add.f32 [tilespmem:s18], [sflag:$0x2], $0x80, s29, s17, $0xb8;
	[tilespmem:$0x1E800] =	vst v63  }
0x3a: {  	_ =	swait.ge [sflag:s21], $0x4000  }
0x3b: {  	[sflag:s21] =	ssyncset.done $0x0  }
0x3c: {  	s29 =	sadd.s32 $0x15480, s28;
	[sflag:s21] =	ssyncadd.s32 $0xFFFFC000  }
0x3d: {  	[spmem:s3] =	stream.indirect.scatter.add.f32 [tilespmem:s20], [sflag:$0x2], $0x80, s29, s17, $0xb8;
	[tilespmem:$0x1E800] =	vst v63  }
0x3e: {  	_ =	swait.ge [sflag:s22], $0x4000  }
0x3f: {  	[sflag:s22] =	ssyncset.done $0x0  }
.Ltmp0:
0x40: {  	s29 =	sadd.s32 $0x14100, s28;
	[sflag:s22] =	ssyncadd.s32 $0xFFFFC000;
	(pc) =	sbr.rel @p0 .LBB2_2-.Ltmp0, $4  }
0x41: {  	[tilespmem:s18], [sflag:$0x1] =	stream.indirect.gather [hbm4b:s1+s17], $0x80, s29, s17, $0xb8;
	[tilespmem:$0x1E800] =	vst v63  }
0x42: {  	_ =	swait.ge [sflag:s22], $0x4000  }
0x43: {  	[sflag:s22] =	ssyncset.done $0x0  }
0x44: {  	s28 =	sadd.s32 $0x14180, s28;
	[sflag:s22] =	ssyncadd.s32 $0xFFFFC000  }
0x45: {  	[tilespmem:s20], [sflag:$0x1] =	stream.indirect.gather [hbm4b:s1+s17], $0x80, s28, s17, $0xb8;
	[tilespmem:$0x1E800] =	vst v63  }
0x46: {  	_ =	swait.ge [sflag:s21], $0x4000  }
0x47: {  	[sflag:s21] =	ssyncset.done $0x0  }
0x48: {  	[sflag:s21] =	ssyncadd.s32 $0xFFFFC000  }
0x49: {  	[spmem:s3] =	stream.indirect.scatter.add.f32 [tilespmem:s18], [sflag:$0x2], $0x80, s23, s17, $0xb8;
	[tilespmem:$0x1E800] =	vst v63  }
0x4a: {  	_ =	swait.ge [sflag:s21], $0x4000  }
0x4b: {  	[sflag:s21] =	ssyncset.done $0x0  }
0x4c: {  	[sflag:s21] =	ssyncadd.s32 $0xFFFFC000  }
0x4d: {  	[spmem:s3] =	stream.indirect.scatter.add.f32 [tilespmem:s20], [sflag:$0x2], $0x80, s24, s17, $0xb8;
	[tilespmem:$0x1E800] =	vst v63  }
0x4e: {  	_ =	swait.ge [sflag:s22], $0x4000  }
0x4f: {  	[sflag:s22] =	ssyncset.done $0x0  }
0x50: {  	[sflag:s22] =	ssyncadd.s32 $0xFFFFC000  }
0x51: {  	_ =	swait.ge [sflag:s22], $0x4000  }
0x52: {  	[sflag:s22] =	ssyncset.done $0x0  }
0x53: {  	s26 =	simm.s32 $0x0;
	[sflag:s22] =	ssyncadd.s32 $0xFFFFC000  }
0x54: {  	[tilespmem:s15], [sflag:$0x3] =	stream.linear.gather [hbm4b:s9+s26], $0x1400, $0x38;
	[tilespmem:$0x1E800] =	vst v63  }
0x55: {  	_ =	swait.ge [sflag:s14], $0x1400  }
0x56: {  	[sflag:s14] =	ssyncset.done $0x0  }
0x57: {  	[sflag:s14] =	ssyncadd.s32 $0xFFFFEC00  }
0x58: {  	[tilespmem:s16], [sflag:$0x3] =	stream.linear.gather [hbm4b:s10+s26], $0x1400, $0x38;
	[tilespmem:$0x1E800] =	vst v63  }
0x59: {  	_ =	swait.ge [sflag:s14], $0x1400  }
0x5a: {  	[sflag:s14] =	ssyncset.done $0x0  }
0x5b: {  	[sflag:s14] =	ssyncadd.s32 $0xFFFFEC00  }
0x5c: {  	[tilespmem:s18], [sflag:$0x1] =	stream.indirect.gather [hbm4b:s1+s17], $0x80, s15, s17, $0xb8;
	[tilespmem:$0x1E800] =	vst v63  }
0x5d: {  	_ = 	snop  }
0x5e: {  	[tilespmem:s20], [sflag:$0x1] =	stream.indirect.gather [hbm4b:s1+s17], $0x80, s19, s17, $0xb8;
	[tilespmem:$0x1E800] =	vst v63  }
0x5f: {  	_ =	swait.ge [sflag:s21], $0x4000  }
0x60: {  	[sflag:s21] =	ssyncset.done $0x0  }
0x61: {  	s29 =	simm.s32 $0x15400;
	[sflag:s21] =	ssyncadd.s32 $0xFFFFC000  }
0x62: {  	[spmem:s3] =	stream.indirect.scatter.add.f32 [tilespmem:s18], [sflag:$0x2], $0x80, s29, s17, $0xb8;
	[tilespmem:$0x1E800] =	vst v63  }
0x63: {  	_ =	swait.ge [sflag:s21], $0x4000  }
0x64: {  	[sflag:s21] =	ssyncset.done $0x0  }
0x65: {  	s30 =	simm.s32 $0x15480;
	[sflag:s21] =	ssyncadd.s32 $0xFFFFC000  }
0x66: {  	[spmem:s3] =	stream.indirect.scatter.add.f32 [tilespmem:s20], [sflag:$0x2], $0x80, s30, s17, $0xb8;
	[tilespmem:$0x1E800] =	vst v63  }
0x67: {  	_ =	swait.ge [sflag:s22], $0x4000  }
0x68: {  	[sflag:s22] =	ssyncset.done $0x0  }
0x69: {  	s31 =	simm.s32 $0x14100;
	[sflag:s22] =	ssyncadd.s32 $0xFFFFC000  }
0x6a: {  	[tilespmem:s18], [sflag:$0x1] =	stream.indirect.gather [hbm4b:s1+s17], $0x80, s31, s17, $0xb8;
	[tilespmem:$0x1E800] =	vst v63  }
0x6b: {  	_ =	swait.ge [sflag:s22], $0x4000  }
0x6c: {  	[sflag:s22] =	ssyncset.done $0x0  }
0x6d: {  	s28 =	simm.s32 $0x14180;
	s26 =	simm.s32 $0x400;
	[sflag:s22] =	ssyncadd.s32 $0xFFFFC000  }
.LBB2_4:
0x6e: {  	[tilespmem:s20], [sflag:$0x1] =	stream.indirect.gather [hbm4b:s1+s17], $0x80, s28, s17, $0xb8;
	[tilespmem:$0x1E800] =	vst v63  }
0x6f: {  	s28 =	smov.u32 s26  }
0x70: {  	p0 =	sne.s32 s26, $0x4800;
	s26 =	sadd.s32 $0x400, s26;
	_ =	swait.ge [sflag:s21], $0x4000  }
0x71: {  	s28 =	sshra.s32 s28, $0x2;
	[sflag:s21] =	ssyncset.done $0x0  }
0x72: {  	s29 =	sadd.s32 $0x15400, s28;
	[sflag:s21] =	ssyncadd.s32 $0xFFFFC000  }
0x73: {  	[spmem:s3] =	stream.indirect.scatter.add.f32 [tilespmem:s18], [sflag:$0x2], $0x80, s29, s17, $0xb8;
	[tilespmem:$0x1E800] =	vst v63  }
0x74: {  	_ =	swait.ge [sflag:s21], $0x4000  }
0x75: {  	[sflag:s21] =	ssyncset.done $0x0  }
0x76: {  	s29 =	sadd.s32 $0x15480, s28;
	[sflag:s21] =	ssyncadd.s32 $0xFFFFC000  }
0x77: {  	[spmem:s3] =	stream.indirect.scatter.add.f32 [tilespmem:s20], [sflag:$0x2], $0x80, s29, s17, $0xb8;
	[tilespmem:$0x1E800] =	vst v63  }
0x78: {  	_ =	swait.ge [sflag:s22], $0x4000  }
0x79: {  	[sflag:s22] =	ssyncset.done $0x0  }
.Ltmp1:
0x7a: {  	s29 =	sadd.s32 $0x14100, s28;
	[sflag:s22] =	ssyncadd.s32 $0xFFFFC000;
	(pc) =	sbr.rel @p0 .LBB2_4-.Ltmp1, $4  }
0x7b: {  	[tilespmem:s18], [sflag:$0x1] =	stream.indirect.gather [hbm4b:s1+s17], $0x80, s29, s17, $0xb8;
	[tilespmem:$0x1E800] =	vst v63  }
0x7c: {  	_ =	swait.ge [sflag:s22], $0x4000  }
0x7d: {  	[sflag:s22] =	ssyncset.done $0x0  }
0x7e: {  	s28 =	sadd.s32 $0x14180, s28;
	[sflag:s22] =	ssyncadd.s32 $0xFFFFC000  }
0x7f: {  	[tilespmem:s20], [sflag:$0x1] =	stream.indirect.gather [hbm4b:s1+s17], $0x80, s28, s17, $0xb8;
	[tilespmem:$0x1E800] =	vst v63  }
0x80: {  	_ =	swait.ge [sflag:s21], $0x4000  }
0x81: {  	[sflag:s21] =	ssyncset.done $0x0  }
0x82: {  	[sflag:s21] =	ssyncadd.s32 $0xFFFFC000  }
0x83: {  	[spmem:s3] =	stream.indirect.scatter.add.f32 [tilespmem:s18], [sflag:$0x2], $0x80, s23, s17, $0xb8;
	[tilespmem:$0x1E800] =	vst v63  }
0x84: {  	_ =	swait.ge [sflag:s21], $0x4000  }
0x85: {  	[sflag:s21] =	ssyncset.done $0x0  }
0x86: {  	[sflag:s21] =	ssyncadd.s32 $0xFFFFC000  }
0x87: {  	[spmem:s3] =	stream.indirect.scatter.add.f32 [tilespmem:s20], [sflag:$0x2], $0x80, s24, s17, $0xb8;
	[tilespmem:$0x1E800] =	vst v63  }
0x88: {  	_ =	swait.ge [sflag:s22], $0x4000  }
0x89: {  	[sflag:s22] =	ssyncset.done $0x0  }
0x8a: {  	[sflag:s22] =	ssyncadd.s32 $0xFFFFC000  }
0x8b: {  	_ =	swait.ge [sflag:s22], $0x4000  }
0x8c: {  	s25 =	sadd.s32 $0x1, s25;
	[sflag:s22] =	ssyncset.done $0x0  }
0x8d: {  	p0 =	sne.s32 s25, s12;
	[sflag:s22] =	ssyncadd.s32 $0xFFFFC000  }
.Ltmp2:
0x8e: {  	[bflag:$0x0] =	sbarrier.arrive $0xFFFF;
	(pc) =	sbr.rel @p0 .LBB2_1-.Ltmp2, $4  }
0x8f: {  	[hbm:s11], [sflag:s6] =	dma.local [spmem:s13], $0x2800  }
0x90: {  	_ =	swait.ge [sflag:s14], $0x2800  }
0x91: {  	[sflag:s14] =	ssyncset.done $0x0  }
0x92: {  	[sflag:s14] =	ssyncadd.s32 $0xFFFFD800  }
0x93: {  	_ =	sfence.sel $0x180000  }
0x94: {  	[bflag:$0x0] =	sbarrier.arrive $0xFFFF  }
0x95: {  	p0 =	sne.s32 s2, $0x0;
	_ =	strace $0x9000004D  }
0x96: {  	s0 =	sadd.s32 @!p0 $0x100000, s0;
	[bflag:$0x2] =	sbarrier.arrive $0xFFFF  }
0x97: {  	[sflag:s0] =	ssyncadd.tile.s32 @!p0 $0x1;
	_ =	shalt  }
.Lfunc_end2:
_tile_overlayer_lowered:
.L_overlay_start_2:
0x98: {  	(tag) =	ssettag $0x2  }
0x99: {  	s0 =	rddreg [dreg:$0x0];
	s2 =	stileid.u32  }
0x9a: {  	s1 =	rddreg [dreg:$0x1];
	p0 =	sne.s32 s2, $0x0  }
0x9b: {  	s3 =	rddreg [dreg:$0x2];
	[bflag:$0x3] =	sbarrier.arrive $0xFFFF;
	s2 =	simm.s32 @!p0 $0x1C03  }
0x9c: {  	[timem:s3], [sflag:s2] =	dma.local @!p0 [hbm:s0], s1  }
0x9d: {  	s0 =	simm.s32 @!p0 $0x3  }
0x9e: {  	_ =	swait.ge @!p0 [sflag:s0], s1  }
0x9f: {  	s1 =	ssub.s32 @!p0 $0x0, s1;
	[sflag:s0] =	ssyncset.done @!p0 $0x0  }
0xa0: {  	[sflag:s0] =	ssyncadd.s32 @!p0 s1  }
0xa1: {  	[bflag:$0x3] =	sbarrier.arrive $0xFFFF  }
0xa2: {  	_ =	shalt  }

// kernel: kernel.23.cloned.1.call-start
scs
__scs_entry_jumppad:
0x0: {  	(pc) =	sbr.rel $0x88, $3  }
0x1: {  	(tag) =	ssettag $0x0;
	lr =	simm.s32 $0x1  }
0x2: {  	[smem:$0x3F8A] =	sst lr;
	_ =	strace $0xD0000000  }
0x3: {  	_ = 	snop  }
0x4: {  	_ = 	snop  }
0x5: {  	_ = 	snop  }
0x6: {  	_ = 	snop  }
0x7: {  	_ = 	snop  }
__scs_overlays_trampoline_lowered:
0x8: {  	[smem:$0x3F99] =	sst s0  }
0x9: {  	[smem:$0x3F9A] =	sst s1  }
0xa: {  	[smem:$0x3F9B] =	sst s2  }
0xb: {  	[smem:$0x3F9C] =	sst s3  }
0xc: {  	[smem:$0x3F9D] =	sst s4  }
0xd: {  	[smem:$0x3F9E] =	sst s5  }
0xe: {  	[smem:$0x3F9F] =	sst s6  }
0xf: {  	[smem:$0x3FA0] =	sst s7  }
0x10: {  	[smem:$0x3FA1] =	sst s8  }
0x11: {  	[smem:$0x3FA2] =	sst s9;
	s0 =	simm.s32 @!p0 $0x0  }
0x12: {  	s1 =	sld [smem:$0x3F88];
	s0 =	simm.s32 @p0 $0x1  }
0x13: {  	[smem:$0x3FA3] =	sst s0;
	s0 =	simm.s32 @!p1 $0x0  }
0x14: {  	s2 =	sld [smem:$0x3F87];
	s0 =	simm.s32 @p1 $0x1  }
0x15: {  	[smem:$0x3FA4] =	sst s0;
	s0 =	simm.s32 @!p2 $0x0  }
0x16: {  	s3 =	sld [smem:$0x3FDB];
	s0 =	simm.s32 @p2 $0x1  }
0x17: {  	s4 =	simm.s32 $0x1BF5;
	[smem:$0x3FA6] =	sst s0  }
0x18: {  	s0 =	sld [smem:$0x3F89];
	_ =	swait.ge [sflag:s4], $0x0  }
0x19: {  	s7 =	sld [smem:$0x3F8A]  }
0x1a: {  	s8 =	sadd.s32 $0xFFFFE003, lr  }
0x1b: {  	s9 =	sadd.s32 $0xFFFFFEF7, lr;
	s5 =	simm.s32 $0xFFFFFFFF;
	p2 =	slt.u32 s8, $0xFFFFF086  }
0x1c: {  	p1 =	slt.u32 s9, $0xF7A;
	s5 =	simm.s32 @!p2 $0x0  }
0x1d: {  	s5 =	simm.s32 @p1 $0x1;
	p0 =	seq.s32 s7, s2  }
0x1e: {  	s7 =	smul.u32 @!p0 $0xF7A, s2;
	p2 =	seq.s32 @!p0 s5, $0x0  }
0x1f: {  	s9 =	smul.u32 $0xF7A, s1;
	s8 =	simm.s32 @!p0 $0x1BF5;
	p2 =	por !p2, p0  }
0x20: {  	[sflag:s8] =	ssyncset.s32 @!p0 $0xFFFFF086;
	s6 =	sadd.s32 @!p0 s3, s7;
	s7 =	simm.s32 @!p0 $0x108  }
0x21: {  	s3 =	sadd.s32 s3, s9;
	s6 =	sadd.s32 @!p0 $0x88, s6;
	s7 =	simm.s32 @p2 $0x1082  }
0x22: {  	[simem:s7], [sflag:s8] =	dma.local @!p0 [hbm:s6], $0xF7A  }
0x23: {  	s9 =	sor.u32 $0xD0000000, s2;
	s6 =	simm.s32 $0x108;
	_ =	swait.ge @!p0 [sflag:s8], $0x0  }
0x24: {  	s3 =	sadd.s32 $0x88, s3;
	s6 =	simm.s32 @!p1 $0x1082;
	[sflag:s4] =	ssyncset.s32 $0xFFFFF086  }
0x25: {  	[simem:s6], [sflag:s4] =	dma.local [hbm:s3], $0xF7A  }
0x26: {  	[smem:$0x3F8A] =	sst s1;
	(tag) =	ssettag s2;
	_ =	strace s9  }
0x27: {  	s1 =	sld [smem:$0x3F9A]  }
0x28: {  	s2 =	sld [smem:$0x3F9B]  }
0x29: {  	s4 =	sld [smem:$0x3F9D]  }
0x2a: {  	p0 =	seq.s32 s5, $0x0;
	s5 =	sld [smem:$0x3F9E]  }
0x2b: {  	s6 =	sld [smem:$0x3F9F]  }
0x2c: {  	s7 =	sld [smem:$0x3FA0]  }
0x2d: {  	s3 =	simm.s32 $0x108;
	s8 =	sld [smem:$0x3FA1]  }
0x2e: {  	s3 =	simm.s32 @!p0 $0x1082;
	s9 =	sld [smem:$0x3FA2]  }
0x2f: {  	lr =	sadd.s32 s0, s3;
	s0 =	sld [smem:$0x3F99]  }
0x30: {  	s3 =	sld [smem:$0x3F9C]  }
0x31: {  	[smem:$0x3FA5] =	sst s10  }
0x32: {  	s10 =	sld [smem:$0x3FA3];
	_ =	sdelay $0x3  }
0x33: {  	p0 =	seq.s32 s10, $0x1;
	s10 =	sld [smem:$0x3FA5];
	_ =	sdelay $0x3  }
0x34: {  	[smem:$0x3FA5] =	sst s10  }
0x35: {  	s10 =	sld [smem:$0x3FA4];
	_ =	sdelay $0x3  }
0x36: {  	p1 =	seq.s32 s10, $0x1;
	s10 =	sld [smem:$0x3FA5];
	_ =	sdelay $0x3  }
0x37: {  	[smem:$0x3FA5] =	sst s10  }
0x38: {  	s10 =	sld [smem:$0x3FA6]  }
0x39: {  	_ = 	snop;
	(pc) =	sbr.ind lr, $3  }
0x3a: {  	_ = 	snop  }
0x3b: {  	_ = 	snop  }
0x3c: {  	p2 =	seq.s32 s10, $0x1;
	s10 =	sld [smem:$0x3FA5]  }
0x3d: {  	_ =	shalt  }
0x3e: {  	_ =	shalt  }
0x3f: {  	_ =	shalt  }
0x40: {  	_ =	shalt  }
0x41: {  	_ =	shalt  }
0x42: {  	_ =	shalt  }
0x43: {  	_ =	shalt  }
0x44: {  	_ =	shalt  }
0x45: {  	_ =	shalt  }
0x46: {  	_ =	shalt  }
0x47: {  	_ =	shalt  }
0x48: {  	_ =	shalt  }
0x49: {  	_ =	shalt  }
0x4a: {  	_ =	shalt  }
0x4b: {  	_ =	shalt  }
0x4c: {  	_ =	shalt  }
0x4d: {  	_ =	shalt  }
0x4e: {  	_ =	shalt  }
0x4f: {  	_ =	shalt  }
0x50: {  	_ =	shalt  }
0x51: {  	_ =	shalt  }
0x52: {  	_ =	shalt  }
0x53: {  	_ =	shalt  }
0x54: {  	_ =	shalt  }
0x55: {  	_ =	shalt  }
0x56: {  	_ =	shalt  }
0x57: {  	_ =	shalt  }
0x58: {  	_ =	shalt  }
0x59: {  	_ =	shalt  }
0x5a: {  	_ =	shalt  }
0x5b: {  	_ =	shalt  }
0x5c: {  	_ =	shalt  }
0x5d: {  	_ =	shalt  }
0x5e: {  	_ =	shalt  }
0x5f: {  	_ =	shalt  }
0x60: {  	_ =	shalt  }
0x61: {  	_ =	shalt  }
0x62: {  	_ =	shalt  }
0x63: {  	_ =	shalt  }
0x64: {  	_ =	shalt  }
0x65: {  	_ =	shalt  }
0x66: {  	_ =	shalt  }
0x67: {  	_ =	shalt  }
0x68: {  	_ =	shalt  }
0x69: {  	_ =	shalt  }
0x6a: {  	_ =	shalt  }
0x6b: {  	_ =	shalt  }
0x6c: {  	_ =	shalt  }
0x6d: {  	_ =	shalt  }
0x6e: {  	_ =	shalt  }
0x6f: {  	_ =	shalt  }
0x70: {  	_ =	shalt  }
0x71: {  	_ =	shalt  }
0x72: {  	_ =	shalt  }
0x73: {  	_ =	shalt  }
0x74: {  	_ =	shalt  }
0x75: {  	_ =	shalt  }
0x76: {  	_ =	shalt  }
0x77: {  	_ =	shalt  }
0x78: {  	_ =	shalt  }
0x79: {  	_ =	shalt  }
0x7a: {  	_ =	shalt  }
0x7b: {  	_ =	shalt  }
0x7c: {  	_ =	shalt  }
0x7d: {  	_ =	shalt  }
0x7e: {  	_ =	shalt  }
0x7f: {  	_ =	shalt  }
0x80: {  	_ =	shalt  }
0x81: {  	_ =	shalt  }
0x82: {  	_ =	shalt  }
0x83: {  	_ =	shalt  }
0x84: {  	_ =	shalt  }
0x85: {  	_ =	shalt  }
0x86: {  	_ =	shalt  }
0x87: {  	_ =	shalt  }
.Lfunc_end0:
.L_simem_size_0:
called_computation.4_lowered:
.L_overlay_start_0:
0x88: {  	s2 =	sld [smem:$0x3FD9]  }
0x89: {  	s3 =	sld [smem:$0x3FFE];
	_ =	sdelay $0x1  }
0x8a: {  	s1 =	srdreg.scid  }
0x8b: {  	s0 =	sand.u32 $0x1, s1  }
0x8c: {  	s17 =	sshll.u32 s0, $0xA;
	s2 =	sadd.s32 s3, s2  }
0x8d: {  	s2 =	sadd.s32 s2, s17  }
0x8e: {  	[smem:$0x3FB1] =	sst s2  }
0x8f: {  	_ = 	snop  }
0x90: {  	(tm) =	ssettm $0x1  }
0x91: {  	s18 =	sld [smem:$0x3FFB];
	_ =	sdelay $0x3  }
0x92: {  	_ =	strace s18  }
0x93: {  	s2 =	sld [smem:$0x3FFC];
	_ =	sdelay $0x3  }
0x94: {  	_ =	strace s2  }
0x95: {  	s2 =	sld [smem:$0x3FFD];
	_ =	sdelay $0x3  }
0x96: {  	_ =	strace s2  }
0x97: {  	_ =	strace $0x8FFFFFFF  }
0x98: {  	s19 =	sld [smem:$0x3FDB];
	_ =	sdelay $0x1  }
0x99: {  	s20 =	simm.s32 $_scs_section_size  }
0x9a: {  	s4 =	simm.s32 $_size__tile_overlayer_lowered;
	s5 =	simm.s32 $_tile_overlayer_lowered  }
0x9b: {  	s6 =	simm.s32 $0x1BFF;
	s21 =	sshll.u32 s5, $0x1;
	s3 =	sadd.s32 s20, s19  }
0x9c: {  	s22 =	simm.s32 $0x0;
	s4 =	sshll.u32 s4, $0x1;
	s5 =	sadd.s32 s21, s3  }
0x9d: {  	[timem:s22], [sflag:s6] =	dma.local [hbm:s5], s4  }
0x9e: {  	_ =	swait.ge [sflag:s6], s4  }
0x9f: {  	s4 =	ssub.s32 $0x0, s4;
	[sflag:s6] =	ssyncset.done $0x0  }
0xa0: {  	[sflag:s6] =	ssyncadd.s32 s4;
	_ =	sdelay $0x1  }
0xa1: {  	s23 =	simm.s32 $0x1B8B  }
0xa2: {  	_ =	swait.ge [sflag:s23], $0x1  }
0xa3: {  	[sflag:s23] =	ssyncset.done $0x0  }
0xa4: {  	[sflag:s23] =	ssyncadd.s32 $0xFFFFFFFF  }
0xa5: {  	s4 =	sld [smem:$0x0]  }
0xa6: {  	s5 =	sand.u32 $0xFFFFFFFE, s1  }
0xa7: {  	p0 =	sne.s32 s1, s5  }
0xa8: {  	s5 =	sshll.u32 @p0 s5, $0xE  }
0xa9: {  	s5 =	sadd.s32 @p0 $0x11B8D, s5;
	s6 =	sshll.u32 @p0 s4, $0x11  }
0xaa: {  	s5 =	sor.u32 @p0 s6, s5  }
0xab: {  	[sflag:s5] =	ssyncadd.remote.s32 @p0 $0x1;
	_ =	sdelay $0x1  }
0xac: {  	s5 =	simm.s32 @p0 $0x1B8D  }
0xad: {  	_ =	swait.eq @p0 [sflag:s5], $0x1  }
0xae: {  	[sflag:s5] =	ssyncadd.s32 @p0 $0xFFFFFFFF  }
0xaf: {  	s6 =	sshll.u32 @!p0 s1, $0xE  }
0xb0: {  	s6 =	sor.u32 @!p0 $0x4000, s6;
	s5 =	simm.s32 @!p0 $0x1B8D  }
0xb1: {  	s4 =	sshll.u32 @!p0 s4, $0x11;
	s6 =	sadd.s32 @!p0 $0x11B8D, s6;
	_ =	swait.eq @!p0 [sflag:s5], $0x1  }
0xb2: {  	s4 =	sor.u32 @!p0 s4, s6;
	[sflag:s5] =	ssyncadd.s32 @!p0 $0xFFFFFFFF  }
0xb3: {  	s25 =	simm.s32 $0x1B8E;
	s24 =	sld [smem:$0x3FFE];
	[sflag:s4] =	ssyncadd.remote.s32 @!p0 $0x1  }
0xb4: {  	s26 =	simm.s32 $execute0_lowered;
	[smem:$0x3FD2] =	sst s25  }
0xb5: {  	s5 =	sshll.u32 s26, $0x1;
	_ =	strace $0x80000052;
	[dreg:$0x1] =	wrdreg $0xFFFFFFFF  }
0xb6: {  	s28 =	simm.s32 $_size_execute0_lowered;
	s3 =	sadd.s32 s3, s5;
	[dreg:$0x0] =	wrdreg $0x0  }
0xb7: {  	s5 =	sshll.u32 s28, $0x1;
	[dreg:$0x2] =	wrdreg s3  }
0xb8: {  	[dreg:$0x3] =	wrdreg s5  }
0xb9: {  	[dreg:$0x4] =	wrdreg $0xC0  }
0xba: {  	_ =	task [dreg:s22], $0x5FFFF  }
0xbb: {  	[dreg:$0x1] =	wrdreg $0xFFFFFFFF  }
0xbc: {  	[dreg:$0x0] =	wrdreg $0x60  }
0xbd: {  	[dreg:$0x2] =	wrdreg s24  }
0xbe: {  	[dreg:$0x3] =	wrdreg $0x0  }
0xbf: {  	[dreg:$0x4] =	wrdreg $0xB  }
0xc0: {  	_ =	task.clear_ibuf [dreg:s22], $0x5FFFF;
	_ =	strace $0x90000052  }
0xc1: {  	s29 =	simm.s32 $0xB;
	_ =	strace $0x80000054  }
0xc2: {  	_ =	swait.ge [sflag:s29], $0x1  }
0xc3: {  	[sflag:s29] =	ssyncadd.s32 $0xFFFFFFFF  }
0xc4: {  	_ =	strace $0x90000054  }
0xc5: {  	_ =	sfence  }
0xc6: {  	s30 =	sld [smem:$0x0];
	_ =	sdelay $0x2  }
0xc7: {  	s31 =	sshll.u32 s1, $0xD;
	s1 =	sshrl.u32 s1, $0x2  }
0xc8: {  	s4 =	sand.u32 $0x4000, s31;
	s1 =	sadd.s32 s1, s30  }
0xc9: {  	s0 =	sor.u32 s4, s0;
	s1 =	sshll.u32 s1, $0x11  }
0xca: {  	s0 =	sor.u32 s1, s0  }
0xcb: {  	s0 =	sadd.s32 $0x8F2B, s0  }
0xcc: {  	[sflag:s0] =	ssyncadd.remote.s32 $0x1  }
0xcd: {  	_ =	sfence.sel $0xFFFF  }
0xce: {  	[dreg:$0x0] =	wrdreg $0xFFFFFFFF;
	(pc) =	sbr.abs _section_cstart, $3  }
0xcf: {  	[dreg:$0x1] =	wrdreg $0xFFFFFFFF  }
0xd0: {  	_ =	task.clear_ibuf [dreg:s22], $0x2FFFF;
	_ =	strace $0x9FFFFFFF  }
0xd1: {  	(tm) =	ssettm $0x7FFFFFFF  }
tec
execute0_lowered:
.L_overlay_start_1:
0x0: {  	(tag) =	ssettag $0x1  }
0x1: {  	s6 =	rddreg [dreg:$0x0]  }
0x2: {  	s2 =	rddreg [dreg:$0x1]  }
0x3: {  	s0 =	rddreg [dreg:$0x2];
	s3 =	simm.s32 $0x0;
	s4 =	srdreg.scid  }
0x4: {  	s1 =	stileid.u32;
	s16 =	simm.s32 $0x15400;
	s17 =	simm.s32 $0x80  }
0x5: {  	s18 =	simm.s32 $0x16800;
	s19 =	simm.s32 $0x14080;
	s20 =	simm.s32 $0x1A800  }
0x6: {  	s21 =	simm.s32 $0x1;
	s22 =	simm.s32 $0x2;
	s23 =	simm.s32 $0x16700  }
0x7: {  	s24 =	simm.s32 $0x16780;
	s25 =	simm.s32 $0x0;
	[smem:$0x7FF] =	sst s3  }
0x8: {  	s7 =	sand.u32 $0x1, s4;
	s8 =	smul.u32 $0x2800, s1;
	s4 =	sadd.s32 $0x15800, s6  }
0x9: {  	s10 =	sadd.s32 $0x4000, s6;
	s11 =	sadd.s32 $0xE000, s6;
	s14 =	smul.u32 $0x50000, s1  }
0xa: {  	s5 =	sadd.s32 $0x13000, s6;
	s28 =	sshll.u32 s1, $0x6;
	s30 =	smul.u32 $0x500, s1  }
0xb: {  	s9 =	smul.u32 $0x28000, s7;
	s12 =	ssub.s32 $0x2, s7;
	s7 =	sshll.u32 s7, $0x4  }
0xc: {  	_ =	strace $0x80000053;
	s13 =	sshrl.u32 s12, $0x1;
	s7 =	sor.u32 s1, s7  }
0xd: {  	s26 =	sshrl.u32 s14, $0x2;
	s9 =	sadd.s32 s8, s9;
	s29 =	smul.u32 $0x2800, s7  }
0xe: {  	s12 =	ssub.s32 s12, s13;
	s14 =	sadd.s32 s26, s2;
	s7 =	smul.u32 $0x500, s7  }
0xf: {  	s8 =	sshrl.u32 s8, $0x3;
	s15 =	sadd.s32 s9, s6;
	s6 =	sor.u32 $0x1C03, s28  }
0x10: {  	s31 =	sadd.s32 s11, s8;
	s8 =	sadd.s32 s11, s30;
	s12 =	smax.u32 s12, $0x1  }
0x11: {  	s13 =	sshrl.u32 s29, $0x3;
	s7 =	sadd.s32 s10, s7;
	s11 =	sadd.s32 $0x66000, s15  }
0x12: {  	s15 =	simm.s32 $0x14000;
	s10 =	sadd.s32 s10, s13;
	s13 =	sshrl.u32 s14, $0x3  }
0x13: {  	s14 =	simm.s32 $0x3;
	s9 =	sadd.s32 $0x280, s10;
	s10 =	sadd.s32 $0x280, s31  }
.LBB2_1:
0x14: {  	[spmem:s13], [sflag:s6] =	dma.local [hbm:s5], $0x2800  }
0x15: {  	_ =	swait.ge [sflag:s14], $0x2800  }
0x16: {  	[sflag:s14] =	ssyncset.done $0x0  }
0x17: {  	[sflag:s14] =	ssyncadd.s32 $0xFFFFD800  }
0x18: {  	[bflag:$0x0] =	sbarrier.arrive $0xFFFF  }
0x19: {  	[tilespmem:s15], [sflag:$0x3] =	stream.linear.gather [hbm4b:s7+s3], $0x1400, $0x38;
	[tilespmem:$0x1E800] =	vst v63  }
0x1a: {  	_ =	swait.ge [sflag:s14], $0x1400  }
0x1b: {  	[sflag:s14] =	ssyncset.done $0x0  }
0x1c: {  	[sflag:s14] =	ssyncadd.s32 $0xFFFFEC00  }
0x1d: {  	[tilespmem:s16], [sflag:$0x3] =	stream.linear.gather [hbm4b:s8+s3], $0x1400, $0x38;
	[tilespmem:$0x1E800] =	vst v63  }
0x1e: {  	_ =	swait.ge [sflag:s14], $0x1400  }
0x1f: {  	[sflag:s14] =	ssyncset.done $0x0  }
0x20: {  	[sflag:s14] =	ssyncadd.s32 $0xFFFFEC00  }
0x21: {  	[tilespmem:s18], [sflag:$0x1] =	stream.indirect.gather [hbm4b:s4+s17], $0x80, s15, s17, $0xb8;
	[tilespmem:$0x1E800] =	vst v63  }
0x22: {  	_ = 	snop  }
0x23: {  	[tilespmem:s20], [sflag:$0x1] =	stream.indirect.gather [hbm4b:s4+s17], $0x80, s19, s17, $0xb8;
	[tilespmem:$0x1E800] =	vst v63  }
0x24: {  	_ =	swait.ge [sflag:s21], $0x4000  }
0x25: {  	[sflag:s21] =	ssyncset.done $0x0  }
0x26: {  	s26 =	simm.s32 $0x15400;
	[sflag:s21] =	ssyncadd.s32 $0xFFFFC000  }
0x27: {  	[spmem:s2] =	stream.indirect.scatter.add.f32 [tilespmem:s18], [sflag:$0x2], $0x80, s26, s17, $0xb8;
	[tilespmem:$0x1E800] =	vst v63  }
0x28: {  	_ =	swait.ge [sflag:s21], $0x4000  }
0x29: {  	[sflag:s21] =	ssyncset.done $0x0  }
0x2a: {  	s30 =	simm.s32 $0x15480;
	[sflag:s21] =	ssyncadd.s32 $0xFFFFC000  }
0x2b: {  	[spmem:s2] =	stream.indirect.scatter.add.f32 [tilespmem:s20], [sflag:$0x2], $0x80, s30, s17, $0xb8;
	[tilespmem:$0x1E800] =	vst v63  }
0x2c: {  	_ =	swait.ge [sflag:s22], $0x4000  }
0x2d: {  	[sflag:s22] =	ssyncset.done $0x0  }
0x2e: {  	s31 =	simm.s32 $0x14100;
	[sflag:s22] =	ssyncadd.s32 $0xFFFFC000  }
0x2f: {  	[tilespmem:s18], [sflag:$0x1] =	stream.indirect.gather [hbm4b:s4+s17], $0x80, s31, s17, $0xb8;
	[tilespmem:$0x1E800] =	vst v63  }
0x30: {  	_ =	swait.ge [sflag:s22], $0x4000  }
0x31: {  	[sflag:s22] =	ssyncset.done $0x0  }
0x32: {  	s28 =	simm.s32 $0x14180;
	s26 =	simm.s32 $0x400;
	[sflag:s22] =	ssyncadd.s32 $0xFFFFC000  }
.LBB2_2:
0x33: {  	[tilespmem:s20], [sflag:$0x1] =	stream.indirect.gather [hbm4b:s4+s17], $0x80, s28, s17, $0xb8;
	[tilespmem:$0x1E800] =	vst v63  }
0x34: {  	s28 =	smov.u32 s26  }
0x35: {  	p0 =	sne.s32 s26, $0x4800;
	s26 =	sadd.s32 $0x400, s26;
	_ =	swait.ge [sflag:s21], $0x4000  }
0x36: {  	s28 =	sshra.s32 s28, $0x2;
	[sflag:s21] =	ssyncset.done $0x0  }
0x37: {  	s29 =	sadd.s32 $0x15400, s28;
	[sflag:s21] =	ssyncadd.s32 $0xFFFFC000  }
0x38: {  	[spmem:s2] =	stream.indirect.scatter.add.f32 [tilespmem:s18], [sflag:$0x2], $0x80, s29, s17, $0xb8;
	[tilespmem:$0x1E800] =	vst v63  }
0x39: {  	_ =	swait.ge [sflag:s21], $0x4000  }
0x3a: {  	[sflag:s21] =	ssyncset.done $0x0  }
0x3b: {  	s29 =	sadd.s32 $0x15480, s28;
	[sflag:s21] =	ssyncadd.s32 $0xFFFFC000  }
0x3c: {  	[spmem:s2] =	stream.indirect.scatter.add.f32 [tilespmem:s20], [sflag:$0x2], $0x80, s29, s17, $0xb8;
	[tilespmem:$0x1E800] =	vst v63  }
0x3d: {  	_ =	swait.ge [sflag:s22], $0x4000  }
0x3e: {  	[sflag:s22] =	ssyncset.done $0x0  }
.Ltmp0:
0x3f: {  	s29 =	sadd.s32 $0x14100, s28;
	[sflag:s22] =	ssyncadd.s32 $0xFFFFC000;
	(pc) =	sbr.rel @p0 .LBB2_2-.Ltmp0, $4  }
0x40: {  	[tilespmem:s18], [sflag:$0x1] =	stream.indirect.gather [hbm4b:s4+s17], $0x80, s29, s17, $0xb8;
	[tilespmem:$0x1E800] =	vst v63  }
0x41: {  	_ =	swait.ge [sflag:s22], $0x4000  }
0x42: {  	[sflag:s22] =	ssyncset.done $0x0  }
0x43: {  	s28 =	sadd.s32 $0x14180, s28;
	[sflag:s22] =	ssyncadd.s32 $0xFFFFC000  }
0x44: {  	[tilespmem:s20], [sflag:$0x1] =	stream.indirect.gather [hbm4b:s4+s17], $0x80, s28, s17, $0xb8;
	[tilespmem:$0x1E800] =	vst v63  }
0x45: {  	_ =	swait.ge [sflag:s21], $0x4000  }
0x46: {  	[sflag:s21] =	ssyncset.done $0x0  }
0x47: {  	[sflag:s21] =	ssyncadd.s32 $0xFFFFC000  }
0x48: {  	[spmem:s2] =	stream.indirect.scatter.add.f32 [tilespmem:s18], [sflag:$0x2], $0x80, s23, s17, $0xb8;
	[tilespmem:$0x1E800] =	vst v63  }
0x49: {  	_ =	swait.ge [sflag:s21], $0x4000  }
0x4a: {  	[sflag:s21] =	ssyncset.done $0x0  }
0x4b: {  	[sflag:s21] =	ssyncadd.s32 $0xFFFFC000  }
0x4c: {  	[spmem:s2] =	stream.indirect.scatter.add.f32 [tilespmem:s20], [sflag:$0x2], $0x80, s24, s17, $0xb8;
	[tilespmem:$0x1E800] =	vst v63  }
0x4d: {  	_ =	swait.ge [sflag:s22], $0x4000  }
0x4e: {  	[sflag:s22] =	ssyncset.done $0x0  }
0x4f: {  	[sflag:s22] =	ssyncadd.s32 $0xFFFFC000  }
0x50: {  	_ =	swait.ge [sflag:s22], $0x4000  }
0x51: {  	[sflag:s22] =	ssyncset.done $0x0  }
0x52: {  	s26 =	simm.s32 $0x0;
	[sflag:s22] =	ssyncadd.s32 $0xFFFFC000  }
0x53: {  	[tilespmem:s15], [sflag:$0x3] =	stream.linear.gather [hbm4b:s9+s26], $0x1400, $0x38;
	[tilespmem:$0x1E800] =	vst v63  }
0x54: {  	_ =	swait.ge [sflag:s14], $0x1400  }
0x55: {  	[sflag:s14] =	ssyncset.done $0x0  }
0x56: {  	[sflag:s14] =	ssyncadd.s32 $0xFFFFEC00  }
0x57: {  	[tilespmem:s16], [sflag:$0x3] =	stream.linear.gather [hbm4b:s10+s26], $0x1400, $0x38;
	[tilespmem:$0x1E800] =	vst v63  }
0x58: {  	_ =	swait.ge [sflag:s14], $0x1400  }
0x59: {  	[sflag:s14] =	ssyncset.done $0x0  }
0x5a: {  	[sflag:s14] =	ssyncadd.s32 $0xFFFFEC00  }
0x5b: {  	[tilespmem:s18], [sflag:$0x1] =	stream.indirect.gather [hbm4b:s4+s17], $0x80, s15, s17, $0xb8;
	[tilespmem:$0x1E800] =	vst v63  }
0x5c: {  	_ = 	snop  }
0x5d: {  	[tilespmem:s20], [sflag:$0x1] =	stream.indirect.gather [hbm4b:s4+s17], $0x80, s19, s17, $0xb8;
	[tilespmem:$0x1E800] =	vst v63  }
0x5e: {  	_ =	swait.ge [sflag:s21], $0x4000  }
0x5f: {  	[sflag:s21] =	ssyncset.done $0x0  }
0x60: {  	s29 =	simm.s32 $0x15400;
	[sflag:s21] =	ssyncadd.s32 $0xFFFFC000  }
0x61: {  	[spmem:s2] =	stream.indirect.scatter.add.f32 [tilespmem:s18], [sflag:$0x2], $0x80, s29, s17, $0xb8;
	[tilespmem:$0x1E800] =	vst v63  }
0x62: {  	_ =	swait.ge [sflag:s21], $0x4000  }
0x63: {  	[sflag:s21] =	ssyncset.done $0x0  }
0x64: {  	s30 =	simm.s32 $0x15480;
	[sflag:s21] =	ssyncadd.s32 $0xFFFFC000  }
0x65: {  	[spmem:s2] =	stream.indirect.scatter.add.f32 [tilespmem:s20], [sflag:$0x2], $0x80, s30, s17, $0xb8;
	[tilespmem:$0x1E800] =	vst v63  }
0x66: {  	_ =	swait.ge [sflag:s22], $0x4000  }
0x67: {  	[sflag:s22] =	ssyncset.done $0x0  }
0x68: {  	s31 =	simm.s32 $0x14100;
	[sflag:s22] =	ssyncadd.s32 $0xFFFFC000  }
0x69: {  	[tilespmem:s18], [sflag:$0x1] =	stream.indirect.gather [hbm4b:s4+s17], $0x80, s31, s17, $0xb8;
	[tilespmem:$0x1E800] =	vst v63  }
0x6a: {  	_ =	swait.ge [sflag:s22], $0x4000  }
0x6b: {  	[sflag:s22] =	ssyncset.done $0x0  }
0x6c: {  	s28 =	simm.s32 $0x14180;
	s26 =	simm.s32 $0x400;
	[sflag:s22] =	ssyncadd.s32 $0xFFFFC000  }
.LBB2_4:
0x6d: {  	[tilespmem:s20], [sflag:$0x1] =	stream.indirect.gather [hbm4b:s4+s17], $0x80, s28, s17, $0xb8;
	[tilespmem:$0x1E800] =	vst v63  }
0x6e: {  	s28 =	smov.u32 s26  }
0x6f: {  	p0 =	sne.s32 s26, $0x4800;
	s26 =	sadd.s32 $0x400, s26;
	_ =	swait.ge [sflag:s21], $0x4000  }
0x70: {  	s28 =	sshra.s32 s28, $0x2;
	[sflag:s21] =	ssyncset.done $0x0  }
0x71: {  	s29 =	sadd.s32 $0x15400, s28;
	[sflag:s21] =	ssyncadd.s32 $0xFFFFC000  }
0x72: {  	[spmem:s2] =	stream.indirect.scatter.add.f32 [tilespmem:s18], [sflag:$0x2], $0x80, s29, s17, $0xb8;
	[tilespmem:$0x1E800] =	vst v63  }
0x73: {  	_ =	swait.ge [sflag:s21], $0x4000  }
0x74: {  	[sflag:s21] =	ssyncset.done $0x0  }
0x75: {  	s29 =	sadd.s32 $0x15480, s28;
	[sflag:s21] =	ssyncadd.s32 $0xFFFFC000  }
0x76: {  	[spmem:s2] =	stream.indirect.scatter.add.f32 [tilespmem:s20], [sflag:$0x2], $0x80, s29, s17, $0xb8;
	[tilespmem:$0x1E800] =	vst v63  }
0x77: {  	_ =	swait.ge [sflag:s22], $0x4000  }
0x78: {  	[sflag:s22] =	ssyncset.done $0x0  }
.Ltmp1:
0x79: {  	s29 =	sadd.s32 $0x14100, s28;
	[sflag:s22] =	ssyncadd.s32 $0xFFFFC000;
	(pc) =	sbr.rel @p0 .LBB2_4-.Ltmp1, $4  }
0x7a: {  	[tilespmem:s18], [sflag:$0x1] =	stream.indirect.gather [hbm4b:s4+s17], $0x80, s29, s17, $0xb8;
	[tilespmem:$0x1E800] =	vst v63  }
0x7b: {  	_ =	swait.ge [sflag:s22], $0x4000  }
0x7c: {  	[sflag:s22] =	ssyncset.done $0x0  }
0x7d: {  	s28 =	sadd.s32 $0x14180, s28;
	[sflag:s22] =	ssyncadd.s32 $0xFFFFC000  }
0x7e: {  	[tilespmem:s20], [sflag:$0x1] =	stream.indirect.gather [hbm4b:s4+s17], $0x80, s28, s17, $0xb8;
	[tilespmem:$0x1E800] =	vst v63  }
0x7f: {  	_ =	swait.ge [sflag:s21], $0x4000  }
0x80: {  	[sflag:s21] =	ssyncset.done $0x0  }
0x81: {  	[sflag:s21] =	ssyncadd.s32 $0xFFFFC000  }
0x82: {  	[spmem:s2] =	stream.indirect.scatter.add.f32 [tilespmem:s18], [sflag:$0x2], $0x80, s23, s17, $0xb8;
	[tilespmem:$0x1E800] =	vst v63  }
0x83: {  	_ =	swait.ge [sflag:s21], $0x4000  }
0x84: {  	[sflag:s21] =	ssyncset.done $0x0  }
0x85: {  	[sflag:s21] =	ssyncadd.s32 $0xFFFFC000  }
0x86: {  	[spmem:s2] =	stream.indirect.scatter.add.f32 [tilespmem:s20], [sflag:$0x2], $0x80, s24, s17, $0xb8;
	[tilespmem:$0x1E800] =	vst v63  }
0x87: {  	_ =	swait.ge [sflag:s22], $0x4000  }
0x88: {  	[sflag:s22] =	ssyncset.done $0x0  }
0x89: {  	[sflag:s22] =	ssyncadd.s32 $0xFFFFC000  }
0x8a: {  	_ =	swait.ge [sflag:s22], $0x4000  }
0x8b: {  	s25 =	sadd.s32 $0x1, s25;
	[sflag:s22] =	ssyncset.done $0x0  }
0x8c: {  	p0 =	sne.s32 s25, s12;
	[sflag:s22] =	ssyncadd.s32 $0xFFFFC000  }
.Ltmp2:
0x8d: {  	[bflag:$0x0] =	sbarrier.arrive $0xFFFF;
	(pc) =	sbr.rel @p0 .LBB2_1-.Ltmp2, $4  }
0x8e: {  	[hbm:s11], [sflag:s6] =	dma.local [spmem:s13], $0x2800  }
0x8f: {  	_ =	swait.ge [sflag:s14], $0x2800  }
0x90: {  	[sflag:s14] =	ssyncset.done $0x0  }
0x91: {  	[sflag:s14] =	ssyncadd.s32 $0xFFFFD800  }
0x92: {  	_ =	sfence.sel $0x180000  }
0x93: {  	[bflag:$0x0] =	sbarrier.arrive $0xFFFF  }
0x94: {  	p0 =	sne.s32 s1, $0x0;
	_ =	strace $0x90000053  }
0x95: {  	s0 =	sadd.s32 @!p0 $0x100000, s0;
	[bflag:$0x2] =	sbarrier.arrive $0xFFFF  }
0x96: {  	[sflag:s0] =	ssyncadd.tile.s32 @!p0 $0x1;
	_ =	shalt  }
.Lfunc_end2:
_tile_overlayer_lowered:
.L_overlay_start_2:
0x97: {  	(tag) =	ssettag $0x2  }
0x98: {  	s0 =	rddreg [dreg:$0x0];
	s2 =	stileid.u32  }
0x99: {  	s1 =	rddreg [dreg:$0x1];
	p0 =	sne.s32 s2, $0x0  }
0x9a: {  	s3 =	rddreg [dreg:$0x2];
	[bflag:$0x3] =	sbarrier.arrive $0xFFFF;
	s2 =	simm.s32 @!p0 $0x1C03  }
0x9b: {  	[timem:s3], [sflag:s2] =	dma.local @!p0 [hbm:s0], s1  }
0x9c: {  	s0 =	simm.s32 @!p0 $0x3  }
0x9d: {  	_ =	swait.ge @!p0 [sflag:s0], s1  }
0x9e: {  	s1 =	ssub.s32 @!p0 $0x0, s1;
	[sflag:s0] =	ssyncset.done @!p0 $0x0  }
0x9f: {  	[sflag:s0] =	ssyncadd.s32 @!p0 s1  }
0xa0: {  	[bflag:$0x3] =	sbarrier.arrive $0xFFFF  }
0xa1: {  	_ =	shalt  }

// kernel: kernel.26.cloned.1.call-start
scs
__scs_entry_jumppad:
0x0: {  	(pc) =	sbr.rel $0x88, $3  }
0x1: {  	(tag) =	ssettag $0x0;
	lr =	simm.s32 $0x1  }
0x2: {  	[smem:$0x3F8A] =	sst lr;
	_ =	strace $0xD0000000  }
0x3: {  	_ = 	snop  }
0x4: {  	_ = 	snop  }
0x5: {  	_ = 	snop  }
0x6: {  	_ = 	snop  }
0x7: {  	_ = 	snop  }
__scs_overlays_trampoline_lowered:
0x8: {  	[smem:$0x3F99] =	sst s0  }
0x9: {  	[smem:$0x3F9A] =	sst s1  }
0xa: {  	[smem:$0x3F9B] =	sst s2  }
0xb: {  	[smem:$0x3F9C] =	sst s3  }
0xc: {  	[smem:$0x3F9D] =	sst s4  }
0xd: {  	[smem:$0x3F9E] =	sst s5  }
0xe: {  	[smem:$0x3F9F] =	sst s6  }
0xf: {  	[smem:$0x3FA0] =	sst s7  }
0x10: {  	[smem:$0x3FA1] =	sst s8  }
0x11: {  	[smem:$0x3FA2] =	sst s9;
	s0 =	simm.s32 @!p0 $0x0  }
0x12: {  	s1 =	sld [smem:$0x3F88];
	s0 =	simm.s32 @p0 $0x1  }
0x13: {  	[smem:$0x3FA3] =	sst s0;
	s0 =	simm.s32 @!p1 $0x0  }
0x14: {  	s2 =	sld [smem:$0x3F87];
	s0 =	simm.s32 @p1 $0x1  }
0x15: {  	[smem:$0x3FA4] =	sst s0;
	s0 =	simm.s32 @!p2 $0x0  }
0x16: {  	s3 =	sld [smem:$0x3FDB];
	s0 =	simm.s32 @p2 $0x1  }
0x17: {  	s4 =	simm.s32 $0x1BF5;
	[smem:$0x3FA6] =	sst s0  }
0x18: {  	s0 =	sld [smem:$0x3F89];
	_ =	swait.ge [sflag:s4], $0x0  }
0x19: {  	s7 =	sld [smem:$0x3F8A]  }
0x1a: {  	s8 =	sadd.s32 $0xFFFFE003, lr  }
0x1b: {  	s9 =	sadd.s32 $0xFFFFFEF7, lr;
	s5 =	simm.s32 $0xFFFFFFFF;
	p2 =	slt.u32 s8, $0xFFFFF086  }
0x1c: {  	p1 =	slt.u32 s9, $0xF7A;
	s5 =	simm.s32 @!p2 $0x0  }
0x1d: {  	s5 =	simm.s32 @p1 $0x1;
	p0 =	seq.s32 s7, s2  }
0x1e: {  	s7 =	smul.u32 @!p0 $0xF7A, s2;
	p2 =	seq.s32 @!p0 s5, $0x0  }
0x1f: {  	s9 =	smul.u32 $0xF7A, s1;
	s8 =	simm.s32 @!p0 $0x1BF5;
	p2 =	por !p2, p0  }
0x20: {  	[sflag:s8] =	ssyncset.s32 @!p0 $0xFFFFF086;
	s6 =	sadd.s32 @!p0 s3, s7;
	s7 =	simm.s32 @!p0 $0x108  }
0x21: {  	s3 =	sadd.s32 s3, s9;
	s6 =	sadd.s32 @!p0 $0x88, s6;
	s7 =	simm.s32 @p2 $0x1082  }
0x22: {  	[simem:s7], [sflag:s8] =	dma.local @!p0 [hbm:s6], $0xF7A  }
0x23: {  	s9 =	sor.u32 $0xD0000000, s2;
	s6 =	simm.s32 $0x108;
	_ =	swait.ge @!p0 [sflag:s8], $0x0  }
0x24: {  	s3 =	sadd.s32 $0x88, s3;
	s6 =	simm.s32 @!p1 $0x1082;
	[sflag:s4] =	ssyncset.s32 $0xFFFFF086  }
0x25: {  	[simem:s6], [sflag:s4] =	dma.local [hbm:s3], $0xF7A  }
0x26: {  	[smem:$0x3F8A] =	sst s1;
	(tag) =	ssettag s2;
	_ =	strace s9  }
0x27: {  	s1 =	sld [smem:$0x3F9A]  }
0x28: {  	s2 =	sld [smem:$0x3F9B]  }
0x29: {  	s4 =	sld [smem:$0x3F9D]  }
0x2a: {  	p0 =	seq.s32 s5, $0x0;
	s5 =	sld [smem:$0x3F9E]  }
0x2b: {  	s6 =	sld [smem:$0x3F9F]  }
0x2c: {  	s7 =	sld [smem:$0x3FA0]  }
0x2d: {  	s3 =	simm.s32 $0x108;
	s8 =	sld [smem:$0x3FA1]  }
0x2e: {  	s3 =	simm.s32 @!p0 $0x1082;
	s9 =	sld [smem:$0x3FA2]  }
0x2f: {  	lr =	sadd.s32 s0, s3;
	s0 =	sld [smem:$0x3F99]  }
0x30: {  	s3 =	sld [smem:$0x3F9C]  }
0x31: {  	[smem:$0x3FA5] =	sst s10  }
0x32: {  	s10 =	sld [smem:$0x3FA3];
	_ =	sdelay $0x3  }
0x33: {  	p0 =	seq.s32 s10, $0x1;
	s10 =	sld [smem:$0x3FA5];
	_ =	sdelay $0x3  }
0x34: {  	[smem:$0x3FA5] =	sst s10  }
0x35: {  	s10 =	sld [smem:$0x3FA4];
	_ =	sdelay $0x3  }
0x36: {  	p1 =	seq.s32 s10, $0x1;
	s10 =	sld [smem:$0x3FA5];
	_ =	sdelay $0x3  }
0x37: {  	[smem:$0x3FA5] =	sst s10  }
0x38: {  	s10 =	sld [smem:$0x3FA6]  }
0x39: {  	_ = 	snop;
	(pc) =	sbr.ind lr, $3  }
0x3a: {  	_ = 	snop  }
0x3b: {  	_ = 	snop  }
0x3c: {  	p2 =	seq.s32 s10, $0x1;
	s10 =	sld [smem:$0x3FA5]  }
0x3d: {  	_ =	shalt  }
0x3e: {  	_ =	shalt  }
0x3f: {  	_ =	shalt  }
0x40: {  	_ =	shalt  }
0x41: {  	_ =	shalt  }
0x42: {  	_ =	shalt  }
0x43: {  	_ =	shalt  }
0x44: {  	_ =	shalt  }
0x45: {  	_ =	shalt  }
0x46: {  	_ =	shalt  }
0x47: {  	_ =	shalt  }
0x48: {  	_ =	shalt  }
0x49: {  	_ =	shalt  }
0x4a: {  	_ =	shalt  }
0x4b: {  	_ =	shalt  }
0x4c: {  	_ =	shalt  }
0x4d: {  	_ =	shalt  }
0x4e: {  	_ =	shalt  }
0x4f: {  	_ =	shalt  }
0x50: {  	_ =	shalt  }
0x51: {  	_ =	shalt  }
0x52: {  	_ =	shalt  }
0x53: {  	_ =	shalt  }
0x54: {  	_ =	shalt  }
0x55: {  	_ =	shalt  }
0x56: {  	_ =	shalt  }
0x57: {  	_ =	shalt  }
0x58: {  	_ =	shalt  }
0x59: {  	_ =	shalt  }
0x5a: {  	_ =	shalt  }
0x5b: {  	_ =	shalt  }
0x5c: {  	_ =	shalt  }
0x5d: {  	_ =	shalt  }
0x5e: {  	_ =	shalt  }
0x5f: {  	_ =	shalt  }
0x60: {  	_ =	shalt  }
0x61: {  	_ =	shalt  }
0x62: {  	_ =	shalt  }
0x63: {  	_ =	shalt  }
0x64: {  	_ =	shalt  }
0x65: {  	_ =	shalt  }
0x66: {  	_ =	shalt  }
0x67: {  	_ =	shalt  }
0x68: {  	_ =	shalt  }
0x69: {  	_ =	shalt  }
0x6a: {  	_ =	shalt  }
0x6b: {  	_ =	shalt  }
0x6c: {  	_ =	shalt  }
0x6d: {  	_ =	shalt  }
0x6e: {  	_ =	shalt  }
0x6f: {  	_ =	shalt  }
0x70: {  	_ =	shalt  }
0x71: {  	_ =	shalt  }
0x72: {  	_ =	shalt  }
0x73: {  	_ =	shalt  }
0x74: {  	_ =	shalt  }
0x75: {  	_ =	shalt  }
0x76: {  	_ =	shalt  }
0x77: {  	_ =	shalt  }
0x78: {  	_ =	shalt  }
0x79: {  	_ =	shalt  }
0x7a: {  	_ =	shalt  }
0x7b: {  	_ =	shalt  }
0x7c: {  	_ =	shalt  }
0x7d: {  	_ =	shalt  }
0x7e: {  	_ =	shalt  }
0x7f: {  	_ =	shalt  }
0x80: {  	_ =	shalt  }
0x81: {  	_ =	shalt  }
0x82: {  	_ =	shalt  }
0x83: {  	_ =	shalt  }
0x84: {  	_ =	shalt  }
0x85: {  	_ =	shalt  }
0x86: {  	_ =	shalt  }
0x87: {  	_ =	shalt  }
.Lfunc_end0:
.L_simem_size_0:
called_computation.5_lowered:
.L_overlay_start_0:
0x88: {  	s2 =	sld [smem:$0x3FD9]  }
0x89: {  	s3 =	sld [smem:$0x3FFE];
	_ =	sdelay $0x1  }
0x8a: {  	s1 =	srdreg.scid  }
0x8b: {  	s0 =	sand.u32 $0x1, s1  }
0x8c: {  	s17 =	sshll.u32 s0, $0xA;
	s2 =	sadd.s32 s3, s2  }
0x8d: {  	s2 =	sadd.s32 s2, s17  }
0x8e: {  	[smem:$0x3FB1] =	sst s2  }
0x8f: {  	_ = 	snop  }
0x90: {  	s18 =	sld [smem:$0x3FD0];
	(tm) =	ssettm $0x1  }
0x91: {  	s19 =	sld [smem:$0x3FFB];
	_ =	sdelay $0x3  }
0x92: {  	_ =	strace s19  }
0x93: {  	s2 =	sld [smem:$0x3FFC];
	_ =	sdelay $0x3  }
0x94: {  	_ =	strace s2  }
0x95: {  	s2 =	sld [smem:$0x3FFD];
	_ =	sdelay $0x3  }
0x96: {  	_ =	strace s2  }
0x97: {  	_ =	strace $0x8FFFFFFF  }
0x98: {  	s20 =	sld [smem:$0x3FDB];
	_ =	sdelay $0x1  }
0x99: {  	s4 =	simm.s32 $_scs_section_size  }
0x9a: {  	s5 =	simm.s32 $_size__tile_overlayer_lowered;
	s6 =	simm.s32 $_tile_overlayer_lowered  }
0x9b: {  	s7 =	simm.s32 $0x1BFF;
	s21 =	sshll.u32 s6, $0x1;
	s4 =	sadd.s32 s4, s20  }
0x9c: {  	s22 =	simm.s32 $0x0;
	s5 =	sshll.u32 s5, $0x1;
	s6 =	sadd.s32 s21, s4  }
0x9d: {  	[timem:s22], [sflag:s7] =	dma.local [hbm:s6], s5  }
0x9e: {  	_ =	swait.ge [sflag:s7], s5  }
0x9f: {  	s5 =	ssub.s32 $0x0, s5;
	[sflag:s7] =	ssyncset.done $0x0  }
0xa0: {  	[sflag:s7] =	ssyncadd.s32 s5;
	_ =	sdelay $0x1  }
0xa1: {  	s23 =	simm.s32 $0x1B8B  }
0xa2: {  	_ =	swait.ge [sflag:s23], $0x1  }
0xa3: {  	[sflag:s23] =	ssyncset.done $0x0  }
0xa4: {  	[sflag:s23] =	ssyncadd.s32 $0xFFFFFFFF  }
0xa5: {  	s5 =	sld [smem:$0x0]  }
0xa6: {  	s6 =	sand.u32 $0xFFFFFFFE, s1  }
0xa7: {  	p0 =	sne.s32 s1, s6  }
0xa8: {  	s6 =	sshll.u32 @p0 s6, $0xE  }
0xa9: {  	s6 =	sadd.s32 @p0 $0x11B8D, s6;
	s7 =	sshll.u32 @p0 s5, $0x11  }
0xaa: {  	s6 =	sor.u32 @p0 s7, s6  }
0xab: {  	[sflag:s6] =	ssyncadd.remote.s32 @p0 $0x1;
	_ =	sdelay $0x1  }
0xac: {  	s6 =	simm.s32 @p0 $0x1B8D  }
0xad: {  	_ =	swait.eq @p0 [sflag:s6], $0x1  }
0xae: {  	[sflag:s6] =	ssyncadd.s32 @p0 $0xFFFFFFFF  }
0xaf: {  	s7 =	sshll.u32 @!p0 s1, $0xE  }
0xb0: {  	s7 =	sor.u32 @!p0 $0x4000, s7;
	s6 =	simm.s32 @!p0 $0x1B8D  }
0xb1: {  	s5 =	sshll.u32 @!p0 s5, $0x11;
	s7 =	sadd.s32 @!p0 $0x11B8D, s7;
	_ =	swait.eq @!p0 [sflag:s6], $0x1  }
0xb2: {  	s5 =	sor.u32 @!p0 s5, s7;
	[sflag:s6] =	ssyncadd.s32 @!p0 $0xFFFFFFFF  }
0xb3: {  	s25 =	simm.s32 $0x1B8E;
	s24 =	sld [smem:$0x3FFE];
	[sflag:s5] =	ssyncadd.remote.s32 @!p0 $0x1  }
0xb4: {  	s26 =	simm.s32 $execute0_lowered;
	[smem:$0x3FD2] =	sst s25  }
0xb5: {  	s6 =	sshll.u32 s26, $0x1;
	_ =	strace $0x80000055;
	[dreg:$0x1] =	wrdreg $0xFFFFFFFF  }
0xb6: {  	s28 =	simm.s32 $_size_execute0_lowered;
	s4 =	sadd.s32 s4, s6;
	[dreg:$0x0] =	wrdreg $0x0  }
0xb7: {  	s6 =	sshll.u32 s28, $0x1;
	[dreg:$0x2] =	wrdreg s4  }
0xb8: {  	[dreg:$0x3] =	wrdreg s6  }
0xb9: {  	[dreg:$0x4] =	wrdreg $0xC0  }
0xba: {  	_ =	task [dreg:s22], $0x5FFFF  }
0xbb: {  	[dreg:$0x1] =	wrdreg $0xFFFFFFFF  }
0xbc: {  	[dreg:$0x0] =	wrdreg $0x60  }
0xbd: {  	[dreg:$0x2] =	wrdreg s18  }
0xbe: {  	[dreg:$0x3] =	wrdreg s24  }
0xbf: {  	[dreg:$0x4] =	wrdreg $0x0  }
0xc0: {  	[dreg:$0x5] =	wrdreg $0x9  }
0xc1: {  	_ =	task.clear_ibuf [dreg:s22], $0x6FFFF;
	_ =	strace $0x90000055  }
0xc2: {  	s29 =	simm.s32 $0x9;
	_ =	strace $0x80000057  }
0xc3: {  	_ =	swait.ge [sflag:s29], $0x1  }
0xc4: {  	[sflag:s29] =	ssyncadd.s32 $0xFFFFFFFF  }
0xc5: {  	_ =	strace $0x90000057  }
0xc6: {  	_ =	sfence  }
0xc7: {  	s30 =	sld [smem:$0x0];
	_ =	sdelay $0x2  }
0xc8: {  	s31 =	sshll.u32 s1, $0xD;
	s1 =	sshrl.u32 s1, $0x2  }
0xc9: {  	s4 =	sand.u32 $0x4000, s31;
	s1 =	sadd.s32 s1, s30  }
0xca: {  	s0 =	sor.u32 s4, s0;
	s1 =	sshll.u32 s1, $0x11  }
0xcb: {  	s0 =	sor.u32 s1, s0  }
0xcc: {  	s0 =	sadd.s32 $0x8F2B, s0  }
0xcd: {  	[sflag:s0] =	ssyncadd.remote.s32 $0x1  }
0xce: {  	_ =	sfence.sel $0xFFFF  }
0xcf: {  	[dreg:$0x0] =	wrdreg $0xFFFFFFFF;
	(pc) =	sbr.abs _section_cstart, $3  }
0xd0: {  	[dreg:$0x1] =	wrdreg $0xFFFFFFFF  }
0xd1: {  	_ =	task.clear_ibuf [dreg:s22], $0x2FFFF;
	_ =	strace $0x9FFFFFFF  }
0xd2: {  	(tm) =	ssettm $0x7FFFFFFF  }
0xd3: {  	_ =	shalt  }
tec
execute0_lowered:
.L_overlay_start_1:
0x0: {  	(tag) =	ssettag $0x1  }
0x1: {  	s1 =	rddreg [dreg:$0x0]  }
0x2: {  	s6 =	rddreg [dreg:$0x1]  }
0x3: {  	s3 =	rddreg [dreg:$0x2]  }
0x4: {  	s0 =	rddreg [dreg:$0x3];
	s5 =	srdreg.scid  }
0x5: {  	s2 =	stileid.u32;
	s4 =	simm.s32 $0x0;
	s16 =	simm.s32 $0x15400  }
0x6: {  	s17 =	simm.s32 $0x80;
	s18 =	simm.s32 $0x16800;
	s19 =	simm.s32 $0x14080  }
0x7: {  	s20 =	simm.s32 $0x1A800;
	s21 =	simm.s32 $0x1;
	s22 =	simm.s32 $0x2  }
0x8: {  	s23 =	simm.s32 $0x16700;
	s24 =	simm.s32 $0x16780;
	s25 =	simm.s32 $0x0  }
0x9: {  	s7 =	sand.u32 $0x1, s5;
	s8 =	smul.u32 $0x2800, s2;
	[smem:$0x7FF] =	sst s4  }
0xa: {  	s10 =	sadd.s32 $0xB6000, s6;
	s11 =	sadd.s32 $0xC0000, s6;
	s14 =	smul.u32 $0x50000, s2  }
0xb: {  	s5 =	sadd.s32 $0x13000, s6;
	s28 =	sshll.u32 s2, $0x6;
	s30 =	smul.u32 $0x500, s2  }
0xc: {  	s9 =	smul.u32 $0x28000, s7;
	s12 =	ssub.s32 $0x2, s7;
	s7 =	sshll.u32 s7, $0x4  }
0xd: {  	_ =	strace $0x80000056;
	s13 =	sshrl.u32 s12, $0x1;
	s7 =	sor.u32 s2, s7  }
0xe: {  	s26 =	sshrl.u32 s14, $0x2;
	s9 =	sadd.s32 s8, s9;
	s29 =	smul.u32 $0x2800, s7  }
0xf: {  	s12 =	ssub.s32 s12, s13;
	s14 =	sadd.s32 s26, s3;
	s7 =	smul.u32 $0x500, s7  }
0x10: {  	s8 =	sshrl.u32 s8, $0x3;
	s15 =	sadd.s32 s9, s6;
	s6 =	sor.u32 $0x1C03, s28  }
0x11: {  	s31 =	sadd.s32 s11, s8;
	s8 =	sadd.s32 s11, s30;
	s12 =	smax.u32 s12, $0x1  }
0x12: {  	s13 =	sshrl.u32 s29, $0x3;
	s7 =	sadd.s32 s10, s7;
	s11 =	sadd.s32 $0xC5000, s15  }
0x13: {  	s15 =	simm.s32 $0x14000;
	s10 =	sadd.s32 s10, s13;
	s13 =	sshrl.u32 s14, $0x3  }
0x14: {  	s14 =	simm.s32 $0x3;
	s9 =	sadd.s32 $0x280, s10;
	s10 =	sadd.s32 $0x280, s31  }
.LBB2_1:
0x15: {  	[spmem:s13], [sflag:s6] =	dma.local [hbm:s5], $0x2800  }
0x16: {  	_ =	swait.ge [sflag:s14], $0x2800  }
0x17: {  	[sflag:s14] =	ssyncset.done $0x0  }
0x18: {  	[sflag:s14] =	ssyncadd.s32 $0xFFFFD800  }
0x19: {  	[bflag:$0x0] =	sbarrier.arrive $0xFFFF  }
0x1a: {  	[tilespmem:s15], [sflag:$0x3] =	stream.linear.gather [hbm4b:s7+s4], $0x1400, $0x38;
	[tilespmem:$0x1E800] =	vst v63  }
0x1b: {  	_ =	swait.ge [sflag:s14], $0x1400  }
0x1c: {  	[sflag:s14] =	ssyncset.done $0x0  }
0x1d: {  	[sflag:s14] =	ssyncadd.s32 $0xFFFFEC00  }
0x1e: {  	[tilespmem:s16], [sflag:$0x3] =	stream.linear.gather [hbm4b:s8+s4], $0x1400, $0x38;
	[tilespmem:$0x1E800] =	vst v63  }
0x1f: {  	_ =	swait.ge [sflag:s14], $0x1400  }
0x20: {  	[sflag:s14] =	ssyncset.done $0x0  }
0x21: {  	[sflag:s14] =	ssyncadd.s32 $0xFFFFEC00  }
0x22: {  	[tilespmem:s18], [sflag:$0x1] =	stream.indirect.gather [hbm4b:s1+s17], $0x80, s15, s17, $0xb8;
	[tilespmem:$0x1E800] =	vst v63  }
0x23: {  	_ = 	snop  }
0x24: {  	[tilespmem:s20], [sflag:$0x1] =	stream.indirect.gather [hbm4b:s1+s17], $0x80, s19, s17, $0xb8;
	[tilespmem:$0x1E800] =	vst v63  }
0x25: {  	_ =	swait.ge [sflag:s21], $0x4000  }
0x26: {  	[sflag:s21] =	ssyncset.done $0x0  }
0x27: {  	s26 =	simm.s32 $0x15400;
	[sflag:s21] =	ssyncadd.s32 $0xFFFFC000  }
0x28: {  	[spmem:s3] =	stream.indirect.scatter.add.f32 [tilespmem:s18], [sflag:$0x2], $0x80, s26, s17, $0xb8;
	[tilespmem:$0x1E800] =	vst v63  }
0x29: {  	_ =	swait.ge [sflag:s21], $0x4000  }
0x2a: {  	[sflag:s21] =	ssyncset.done $0x0  }
0x2b: {  	s30 =	simm.s32 $0x15480;
	[sflag:s21] =	ssyncadd.s32 $0xFFFFC000  }
0x2c: {  	[spmem:s3] =	stream.indirect.scatter.add.f32 [tilespmem:s20], [sflag:$0x2], $0x80, s30, s17, $0xb8;
	[tilespmem:$0x1E800] =	vst v63  }
0x2d: {  	_ =	swait.ge [sflag:s22], $0x4000  }
0x2e: {  	[sflag:s22] =	ssyncset.done $0x0  }
0x2f: {  	s31 =	simm.s32 $0x14100;
	[sflag:s22] =	ssyncadd.s32 $0xFFFFC000  }
0x30: {  	[tilespmem:s18], [sflag:$0x1] =	stream.indirect.gather [hbm4b:s1+s17], $0x80, s31, s17, $0xb8;
	[tilespmem:$0x1E800] =	vst v63  }
0x31: {  	_ =	swait.ge [sflag:s22], $0x4000  }
0x32: {  	[sflag:s22] =	ssyncset.done $0x0  }
0x33: {  	s28 =	simm.s32 $0x14180;
	s26 =	simm.s32 $0x400;
	[sflag:s22] =	ssyncadd.s32 $0xFFFFC000  }
.LBB2_2:
0x34: {  	[tilespmem:s20], [sflag:$0x1] =	stream.indirect.gather [hbm4b:s1+s17], $0x80, s28, s17, $0xb8;
	[tilespmem:$0x1E800] =	vst v63  }
0x35: {  	s28 =	smov.u32 s26  }
0x36: {  	p0 =	sne.s32 s26, $0x4800;
	s26 =	sadd.s32 $0x400, s26;
	_ =	swait.ge [sflag:s21], $0x4000  }
0x37: {  	s28 =	sshra.s32 s28, $0x2;
	[sflag:s21] =	ssyncset.done $0x0  }
0x38: {  	s29 =	sadd.s32 $0x15400, s28;
	[sflag:s21] =	ssyncadd.s32 $0xFFFFC000  }
0x39: {  	[spmem:s3] =	stream.indirect.scatter.add.f32 [tilespmem:s18], [sflag:$0x2], $0x80, s29, s17, $0xb8;
	[tilespmem:$0x1E800] =	vst v63  }
0x3a: {  	_ =	swait.ge [sflag:s21], $0x4000  }
0x3b: {  	[sflag:s21] =	ssyncset.done $0x0  }
0x3c: {  	s29 =	sadd.s32 $0x15480, s28;
	[sflag:s21] =	ssyncadd.s32 $0xFFFFC000  }
0x3d: {  	[spmem:s3] =	stream.indirect.scatter.add.f32 [tilespmem:s20], [sflag:$0x2], $0x80, s29, s17, $0xb8;
	[tilespmem:$0x1E800] =	vst v63  }
0x3e: {  	_ =	swait.ge [sflag:s22], $0x4000  }
0x3f: {  	[sflag:s22] =	ssyncset.done $0x0  }
.Ltmp0:
0x40: {  	s29 =	sadd.s32 $0x14100, s28;
	[sflag:s22] =	ssyncadd.s32 $0xFFFFC000;
	(pc) =	sbr.rel @p0 .LBB2_2-.Ltmp0, $4  }
0x41: {  	[tilespmem:s18], [sflag:$0x1] =	stream.indirect.gather [hbm4b:s1+s17], $0x80, s29, s17, $0xb8;
	[tilespmem:$0x1E800] =	vst v63  }
0x42: {  	_ =	swait.ge [sflag:s22], $0x4000  }
0x43: {  	[sflag:s22] =	ssyncset.done $0x0  }
0x44: {  	s28 =	sadd.s32 $0x14180, s28;
	[sflag:s22] =	ssyncadd.s32 $0xFFFFC000  }
0x45: {  	[tilespmem:s20], [sflag:$0x1] =	stream.indirect.gather [hbm4b:s1+s17], $0x80, s28, s17, $0xb8;
	[tilespmem:$0x1E800] =	vst v63  }
0x46: {  	_ =	swait.ge [sflag:s21], $0x4000  }
0x47: {  	[sflag:s21] =	ssyncset.done $0x0  }
0x48: {  	[sflag:s21] =	ssyncadd.s32 $0xFFFFC000  }
0x49: {  	[spmem:s3] =	stream.indirect.scatter.add.f32 [tilespmem:s18], [sflag:$0x2], $0x80, s23, s17, $0xb8;
	[tilespmem:$0x1E800] =	vst v63  }
0x4a: {  	_ =	swait.ge [sflag:s21], $0x4000  }
0x4b: {  	[sflag:s21] =	ssyncset.done $0x0  }
0x4c: {  	[sflag:s21] =	ssyncadd.s32 $0xFFFFC000  }
0x4d: {  	[spmem:s3] =	stream.indirect.scatter.add.f32 [tilespmem:s20], [sflag:$0x2], $0x80, s24, s17, $0xb8;
	[tilespmem:$0x1E800] =	vst v63  }
0x4e: {  	_ =	swait.ge [sflag:s22], $0x4000  }
0x4f: {  	[sflag:s22] =	ssyncset.done $0x0  }
0x50: {  	[sflag:s22] =	ssyncadd.s32 $0xFFFFC000  }
0x51: {  	_ =	swait.ge [sflag:s22], $0x4000  }
0x52: {  	[sflag:s22] =	ssyncset.done $0x0  }
0x53: {  	s26 =	simm.s32 $0x0;
	[sflag:s22] =	ssyncadd.s32 $0xFFFFC000  }
0x54: {  	[tilespmem:s15], [sflag:$0x3] =	stream.linear.gather [hbm4b:s9+s26], $0x1400, $0x38;
	[tilespmem:$0x1E800] =	vst v63  }
0x55: {  	_ =	swait.ge [sflag:s14], $0x1400  }
0x56: {  	[sflag:s14] =	ssyncset.done $0x0  }
0x57: {  	[sflag:s14] =	ssyncadd.s32 $0xFFFFEC00  }
0x58: {  	[tilespmem:s16], [sflag:$0x3] =	stream.linear.gather [hbm4b:s10+s26], $0x1400, $0x38;
	[tilespmem:$0x1E800] =	vst v63  }
0x59: {  	_ =	swait.ge [sflag:s14], $0x1400  }
0x5a: {  	[sflag:s14] =	ssyncset.done $0x0  }
0x5b: {  	[sflag:s14] =	ssyncadd.s32 $0xFFFFEC00  }
0x5c: {  	[tilespmem:s18], [sflag:$0x1] =	stream.indirect.gather [hbm4b:s1+s17], $0x80, s15, s17, $0xb8;
	[tilespmem:$0x1E800] =	vst v63  }
0x5d: {  	_ = 	snop  }
0x5e: {  	[tilespmem:s20], [sflag:$0x1] =	stream.indirect.gather [hbm4b:s1+s17], $0x80, s19, s17, $0xb8;
	[tilespmem:$0x1E800] =	vst v63  }
0x5f: {  	_ =	swait.ge [sflag:s21], $0x4000  }
0x60: {  	[sflag:s21] =	ssyncset.done $0x0  }
0x61: {  	s29 =	simm.s32 $0x15400;
	[sflag:s21] =	ssyncadd.s32 $0xFFFFC000  }
0x62: {  	[spmem:s3] =	stream.indirect.scatter.add.f32 [tilespmem:s18], [sflag:$0x2], $0x80, s29, s17, $0xb8;
	[tilespmem:$0x1E800] =	vst v63  }
0x63: {  	_ =	swait.ge [sflag:s21], $0x4000  }
0x64: {  	[sflag:s21] =	ssyncset.done $0x0  }
0x65: {  	s30 =	simm.s32 $0x15480;
	[sflag:s21] =	ssyncadd.s32 $0xFFFFC000  }
0x66: {  	[spmem:s3] =	stream.indirect.scatter.add.f32 [tilespmem:s20], [sflag:$0x2], $0x80, s30, s17, $0xb8;
	[tilespmem:$0x1E800] =	vst v63  }
0x67: {  	_ =	swait.ge [sflag:s22], $0x4000  }
0x68: {  	[sflag:s22] =	ssyncset.done $0x0  }
0x69: {  	s31 =	simm.s32 $0x14100;
	[sflag:s22] =	ssyncadd.s32 $0xFFFFC000  }
0x6a: {  	[tilespmem:s18], [sflag:$0x1] =	stream.indirect.gather [hbm4b:s1+s17], $0x80, s31, s17, $0xb8;
	[tilespmem:$0x1E800] =	vst v63  }
0x6b: {  	_ =	swait.ge [sflag:s22], $0x4000  }
0x6c: {  	[sflag:s22] =	ssyncset.done $0x0  }
0x6d: {  	s28 =	simm.s32 $0x14180;
	s26 =	simm.s32 $0x400;
	[sflag:s22] =	ssyncadd.s32 $0xFFFFC000  }
.LBB2_4:
0x6e: {  	[tilespmem:s20], [sflag:$0x1] =	stream.indirect.gather [hbm4b:s1+s17], $0x80, s28, s17, $0xb8;
	[tilespmem:$0x1E800] =	vst v63  }
0x6f: {  	s28 =	smov.u32 s26  }
0x70: {  	p0 =	sne.s32 s26, $0x4800;
	s26 =	sadd.s32 $0x400, s26;
	_ =	swait.ge [sflag:s21], $0x4000  }
0x71: {  	s28 =	sshra.s32 s28, $0x2;
	[sflag:s21] =	ssyncset.done $0x0  }
0x72: {  	s29 =	sadd.s32 $0x15400, s28;
	[sflag:s21] =	ssyncadd.s32 $0xFFFFC000  }
0x73: {  	[spmem:s3] =	stream.indirect.scatter.add.f32 [tilespmem:s18], [sflag:$0x2], $0x80, s29, s17, $0xb8;
	[tilespmem:$0x1E800] =	vst v63  }
0x74: {  	_ =	swait.ge [sflag:s21], $0x4000  }
0x75: {  	[sflag:s21] =	ssyncset.done $0x0  }
0x76: {  	s29 =	sadd.s32 $0x15480, s28;
	[sflag:s21] =	ssyncadd.s32 $0xFFFFC000  }
0x77: {  	[spmem:s3] =	stream.indirect.scatter.add.f32 [tilespmem:s20], [sflag:$0x2], $0x80, s29, s17, $0xb8;
	[tilespmem:$0x1E800] =	vst v63  }
0x78: {  	_ =	swait.ge [sflag:s22], $0x4000  }
0x79: {  	[sflag:s22] =	ssyncset.done $0x0  }
.Ltmp1:
0x7a: {  	s29 =	sadd.s32 $0x14100, s28;
	[sflag:s22] =	ssyncadd.s32 $0xFFFFC000;
	(pc) =	sbr.rel @p0 .LBB2_4-.Ltmp1, $4  }
0x7b: {  	[tilespmem:s18], [sflag:$0x1] =	stream.indirect.gather [hbm4b:s1+s17], $0x80, s29, s17, $0xb8;
	[tilespmem:$0x1E800] =	vst v63  }
0x7c: {  	_ =	swait.ge [sflag:s22], $0x4000  }
0x7d: {  	[sflag:s22] =	ssyncset.done $0x0  }
0x7e: {  	s28 =	sadd.s32 $0x14180, s28;
	[sflag:s22] =	ssyncadd.s32 $0xFFFFC000  }
0x7f: {  	[tilespmem:s20], [sflag:$0x1] =	stream.indirect.gather [hbm4b:s1+s17], $0x80, s28, s17, $0xb8;
	[tilespmem:$0x1E800] =	vst v63  }
0x80: {  	_ =	swait.ge [sflag:s21], $0x4000  }
0x81: {  	[sflag:s21] =	ssyncset.done $0x0  }
0x82: {  	[sflag:s21] =	ssyncadd.s32 $0xFFFFC000  }
0x83: {  	[spmem:s3] =	stream.indirect.scatter.add.f32 [tilespmem:s18], [sflag:$0x2], $0x80, s23, s17, $0xb8;
	[tilespmem:$0x1E800] =	vst v63  }
0x84: {  	_ =	swait.ge [sflag:s21], $0x4000  }
0x85: {  	[sflag:s21] =	ssyncset.done $0x0  }
0x86: {  	[sflag:s21] =	ssyncadd.s32 $0xFFFFC000  }
0x87: {  	[spmem:s3] =	stream.indirect.scatter.add.f32 [tilespmem:s20], [sflag:$0x2], $0x80, s24, s17, $0xb8;
	[tilespmem:$0x1E800] =	vst v63  }
0x88: {  	_ =	swait.ge [sflag:s22], $0x4000  }
0x89: {  	[sflag:s22] =	ssyncset.done $0x0  }
0x8a: {  	[sflag:s22] =	ssyncadd.s32 $0xFFFFC000  }
0x8b: {  	_ =	swait.ge [sflag:s22], $0x4000  }
0x8c: {  	s25 =	sadd.s32 $0x1, s25;
	[sflag:s22] =	ssyncset.done $0x0  }
0x8d: {  	p0 =	sne.s32 s25, s12;
	[sflag:s22] =	ssyncadd.s32 $0xFFFFC000  }
.Ltmp2:
0x8e: {  	[bflag:$0x0] =	sbarrier.arrive $0xFFFF;
	(pc) =	sbr.rel @p0 .LBB2_1-.Ltmp2, $4  }
0x8f: {  	[hbm:s11], [sflag:s6] =	dma.local [spmem:s13], $0x2800  }
0x90: {  	_ =	swait.ge [sflag:s14], $0x2800  }
0x91: {  	[sflag:s14] =	ssyncset.done $0x0  }
0x92: {  	[sflag:s14] =	ssyncadd.s32 $0xFFFFD800  }
0x93: {  	_ =	sfence.sel $0x180000  }
0x94: {  	[bflag:$0x0] =	sbarrier.arrive $0xFFFF  }
0x95: {  	p0 =	sne.s32 s2, $0x0;
	_ =	strace $0x90000056  }
0x96: {  	s0 =	sadd.s32 @!p0 $0x100000, s0;
	[bflag:$0x2] =	sbarrier.arrive $0xFFFF  }
0x97: {  	[sflag:s0] =	ssyncadd.tile.s32 @!p0 $0x1;
	_ =	shalt  }
.Lfunc_end2:
_tile_overlayer_lowered:
.L_overlay_start_2:
0x98: {  	(tag) =	ssettag $0x2  }
0x99: {  	s0 =	rddreg [dreg:$0x0];
	s2 =	stileid.u32  }
0x9a: {  	s1 =	rddreg [dreg:$0x1];
	p0 =	sne.s32 s2, $0x0  }
0x9b: {  	s3 =	rddreg [dreg:$0x2];
	[bflag:$0x3] =	sbarrier.arrive $0xFFFF;
	s2 =	simm.s32 @!p0 $0x1C03  }
0x9c: {  	[timem:s3], [sflag:s2] =	dma.local @!p0 [hbm:s0], s1  }
0x9d: {  	s0 =	simm.s32 @!p0 $0x3  }
0x9e: {  	_ =	swait.ge @!p0 [sflag:s0], s1  }
0x9f: {  	s1 =	ssub.s32 @!p0 $0x0, s1;
	[sflag:s0] =	ssyncset.done @!p0 $0x0  }
0xa0: {  	[sflag:s0] =	ssyncadd.s32 @!p0 s1  }
0xa1: {  	[bflag:$0x3] =	sbarrier.arrive $0xFFFF  }
0xa2: {  	_ =	shalt  }

</sc_bundles>
